<compile_context>
chip_gen: v7x
topology: tpu7x:2x2x1
jax: 0.10.2.dev20260603
libtpu: 0.0.44.dev20260713+nightly
codegen_flags: <defaults>
</compile_context>

<pallas_src>
import functools

import jax
import jax.numpy as jnp
import numpy as np
from jax import lax
from jax.experimental import pallas as pl
from jax.experimental.pallas import tpu as pltpu
from jax.experimental.pallas import tpu_sc as plsc

N = 10000
DIN = 128
HID = 8
H1 = 8
NG = 64
NC = 10

NW = 32
C = 80
CH = 128
EPW = C * CH
EP = NW * EPW
NPAD = N + 128

_f32 = jnp.float32
_i32 = jnp.int32


def _dyngather(v, idx):
    dnums = lax.GatherDimensionNumbers(
        offset_dims=(), collapsed_slice_dims=(0,), start_index_map=(0,))
    return lax.gather(v, idx[:, None], dnums, (1,),
                      mode=lax.GatherScatterMode.PROMISE_IN_BOUNDS)


def _tc_pre1(x_ref, w1_ref, ms_ref, md_ref, h_ref, as_ref, ad_ref, ws_ref):
    h = jnp.dot(x_ref[...], w1_ref[...], preferred_element_type=_f32)
    h_ref[...] = h
    a_s = jnp.dot(h, ms_ref[...], preferred_element_type=_f32)
    a_d = jnp.dot(h, md_ref[...], preferred_element_type=_f32)
    as_ref[...] = a_s
    ad_ref[...] = a_d
    s = a_s + a_d
    s = jnp.maximum(s, 0.2 * s)
    ws_ref[...] = jnp.exp(s)


def _run_pre1(x, W1, Msrc, Mdst):
    B = 2000
    grid = (N // B,)
    return pl.pallas_call(
        _tc_pre1,
        grid=grid,
        in_specs=[
            pl.BlockSpec((B, DIN), lambda i: (i, 0)),
            pl.BlockSpec((DIN, H1 * HID), lambda i: (0, 0)),
            pl.BlockSpec((H1 * HID, H1), lambda i: (0, 0)),
            pl.BlockSpec((H1 * HID, H1), lambda i: (0, 0)),
        ],
        out_specs=[
            pl.BlockSpec((B, H1 * HID), lambda i: (i, 0)),
            pl.BlockSpec((B, H1), lambda i: (i, 0)),
            pl.BlockSpec((B, H1), lambda i: (i, 0)),
            pl.BlockSpec((B, H1), lambda i: (i, 0)),
        ],
        out_shape=[
            jax.ShapeDtypeStruct((N, H1 * HID), _f32),
            jax.ShapeDtypeStruct((N, H1), _f32),
            jax.ShapeDtypeStruct((N, H1), _f32),
            jax.ShapeDtypeStruct((N, H1), _f32),
        ],
    )(x, W1, Msrc, Mdst)


def _sc1_body(h_hbm, as_hbm, ad_hbm, src_hbm, dst_hbm, zz_hbm, acc_hbm,
              h_sp, as_sp, ad_sp, acc_sp,
              src_t, dst_t, as_g, ad_g, h_g, buf, sem_i, sem_g, sem_s):
    cid = lax.axis_index("c")
    sid = lax.axis_index("s")
    wid = cid * 16 + sid

    s6 = jnp.minimum(sid * 632, N - 632)
    s3 = jnp.minimum(sid * 640, NPAD - 640)
    pltpu.sync_copy(h_hbm.at[pl.ds(s6, 632)], h_sp.at[pl.ds(s6, 632)])
    pltpu.sync_copy(as_hbm.at[pl.ds(s6, 632)], as_sp.at[pl.ds(s6, 632)])
    pltpu.sync_copy(ad_hbm.at[pl.ds(s6, 632)], ad_sp.at[pl.ds(s6, 632)])
    pltpu.sync_copy(zz_hbm.at[pl.ds(s3, 640)], acc_sp.at[pl.ds(s3, 640)])
    plsc.subcore_barrier()

    lane = lax.iota(_i32, 16)
    ilo8 = lane // 8
    col8 = lane % 8
    idxc = [jnp.where(lane < 8, 2 * j, 2 * j + 1).astype(_i32)
            for j in range(8)]
    base = wid * CH

    def idx_issue(j, s4):
        pltpu.async_copy(src_hbm.at[pl.ds(base + j, 1)],
                         src_t.at[pl.ds(s4, 1)], sem_i.at[s4])
        pltpu.async_copy(dst_hbm.at[pl.ds(base + j, 1)],
                         dst_t.at[pl.ds(s4, 1)], sem_i.at[s4])

    def idx_wait(s4):
        pltpu.make_async_copy(src_hbm.at[pl.ds(0, 1)],
                              src_t.at[pl.ds(s4, 1)], sem_i.at[s4]).wait()
        pltpu.make_async_copy(dst_hbm.at[pl.ds(0, 1)],
                              dst_t.at[pl.ds(s4, 1)], sem_i.at[s4]).wait()

    def gat_issue(s4, s2):
        src_row = src_t.at[s4]
        dst_row = dst_t.at[s4]
        pltpu.async_copy(as_sp.at[src_row], as_g.at[s2], sem_g.at[s2])
        pltpu.async_copy(ad_sp.at[dst_row], ad_g.at[s2], sem_g.at[s2])
        pltpu.async_copy(h_sp.at[src_row], h_g.at[s2], sem_g.at[s2])

    def gat_wait(s4, s2):
        src_row = src_t.at[s4]
        dst_row = dst_t.at[s4]
        pltpu.make_async_copy(as_sp.at[src_row], as_g.at[s2], sem_g.at[s2]).wait()
        pltpu.make_async_copy(ad_sp.at[dst_row], ad_g.at[s2], sem_g.at[s2]).wait()
        pltpu.make_async_copy(h_sp.at[src_row], h_g.at[s2], sem_g.at[s2]).wait()

    def sc_issue(s4, s2):
        pltpu.async_copy(buf.at[s2], acc_sp.at[dst_t.at[s4]], sem_s.at[s2],
                         add=True)

    def sc_wait(s4, s2):
        pltpu.make_async_copy(buf.at[s2], acc_sp.at[dst_t.at[s4]],
                              sem_s.at[s2]).wait()

    idx_issue(0, 0)
    idx_issue(1, 1)
    idx_wait(0)
    gat_issue(0, 0)

    def chunk_body(j, carry):
        s2 = lax.rem(j, 2)
        s2n = 1 - s2
        s4 = lax.rem(j, 4)
        gat_wait(s4, s2)

        @pl.when(j >= 2)
        def _():
            sc_wait(lax.rem(j - 2, 4), s2)

        @pl.when(j < CH - 1)
        def _():
            idx_wait(lax.rem(j + 1, 4))
            gat_issue(lax.rem(j + 1, 4), s2n)

        @pl.when(j < CH - 2)
        def _():
            idx_issue(j + 2, lax.rem(j + 2, 4))

        sl16 = jnp.broadcast_to(s2, (16,)).astype(_i32)

        def quad_body(q, c2):
            ws = []
            for k in range(8):
                p = 8 * q + k
                rows2 = 2 * p + ilo8
                a = plsc.load_gather(as_g, [sl16, rows2, col8])
                b = plsc.load_gather(ad_g, [sl16, rows2, col8])
                s = a + b
                s = jnp.maximum(s, 0.2 * s)
                w16 = jnp.exp(s)
                ws.append(w16)
                plsc.store_scatter(buf, [sl16, rows2, 64 + col8], w16)
            for k in range(8):
                p = 8 * q + k
                w16 = ws[k]
                er0 = jnp.broadcast_to(2 * p, (16,)).astype(_i32)
                er1 = er0 + 1
                for j8 in range(8):
                    er = er1 if j8 >= 4 else er0
                    cols = (j8 % 4) * 16 + lane
                    hv = plsc.load_gather(h_g, [sl16, er, cols])
                    wb = _dyngather(w16, idxc[j8])
                    plsc.store_scatter(buf, [sl16, er, cols], wb * hv)
            return c2

        lax.fori_loop(0, C // 16, quad_body, 0)
        sc_issue(s4, s2)
        return carry

    lax.fori_loop(0, CH, chunk_body, 0)
    sc_wait((CH - 2) % 4, (CH - 2) % 2)
    sc_wait((CH - 1) % 4, (CH - 1) % 2)
    plsc.subcore_barrier()
    pltpu.sync_copy(acc_sp.at[pl.ds(s3, 640)],
                    acc_hbm.at[cid].at[pl.ds(s3, 640)])


def _run_sc1(h, asrc, adst, srcp, dstp, zz):
    mesh = plsc.VectorSubcoreMesh(core_axis_name="c", subcore_axis_name="s", num_cores=2, num_subcores=16)
    f = pl.kernel(
        _sc1_body,
        out_type=[jax.ShapeDtypeStruct((2, NPAD, 72), _f32)],
        mesh=mesh,
        compiler_params=pltpu.CompilerParams(needs_layout_passes=False, use_tc_tiling_on_sc=False),
        scratch_types=[
            pltpu.MemorySpace.VMEM_SHARED((N, 64), _f32),
            pltpu.MemorySpace.VMEM_SHARED((N, 8), _f32),
            pltpu.MemorySpace.VMEM_SHARED((N, 8), _f32),
            pltpu.MemorySpace.VMEM_SHARED((NPAD, 72), _f32),
            pltpu.MemorySpace.VMEM((4, C), _i32),
            pltpu.MemorySpace.VMEM((4, C), _i32),
            pltpu.MemorySpace.VMEM((2, C, 8), _f32),
            pltpu.MemorySpace.VMEM((2, C, 8), _f32),
            pltpu.MemorySpace.VMEM((2, C, 64), _f32),
            pltpu.MemorySpace.VMEM((2, C, 72), _f32),
            pltpu.SemaphoreType.DMA((4,)),
            pltpu.SemaphoreType.DMA((2,)),
            pltpu.SemaphoreType.DMA((2,)),
        ],
    )
    return f(h, asrc, adst, srcp, dstp, zz)[0]


def _tc_merge1(a0_ref, a1_ref, ws_ref, h_ref, e8_ref, b1_ref, w2_ref,
               ms2_ref, md2_ref, h2_ref, as2_ref, ad2_ref, ws2_ref):
    a0 = a0_ref[...]
    a1 = a1_ref[...]
    ws = ws_ref[...]
    h = h_ref[...]
    e8 = e8_ref[...]
    out_t = a0[:, :64] + a1[:, :64] + jnp.dot(ws, e8, preferred_element_type=_f32) * h
    ssum = a0[:, 64:72] + a1[:, 64:72] + ws
    inv = 1.0 / (ssum + 1e-16)
    x2 = out_t * jnp.dot(inv, e8, preferred_element_type=_f32) + b1_ref[...]
    x2 = jnp.where(x2 > 0, x2, jnp.exp(x2) - 1.0)
    h2 = jnp.dot(x2, w2_ref[...], preferred_element_type=_f32)
    h2_ref[...] = h2
    a_s = jnp.dot(h2, ms2_ref[...], preferred_element_type=_f32)
    a_d = jnp.dot(h2, md2_ref[...], preferred_element_type=_f32)
    as2_ref[...] = a_s
    ad2_ref[...] = a_d
    s = a_s + a_d
    s = jnp.maximum(s, 0.2 * s)
    ws2_ref[...] = jnp.exp(s)


def _run_merge1(acc0, acc1, wself, h, E8, b1r, W2, ms2, md2):
    B = 2000
    grid = (N // B,)
    return pl.pallas_call(
        _tc_merge1,
        grid=grid,
        in_specs=[
            pl.BlockSpec((B, 72), lambda i: (i, 0)),
            pl.BlockSpec((B, 72), lambda i: (i, 0)),
            pl.BlockSpec((B, H1), lambda i: (i, 0)),
            pl.BlockSpec((B, 64), lambda i: (i, 0)),
            pl.BlockSpec((H1, 64), lambda i: (0, 0)),
            pl.BlockSpec((1, 64), lambda i: (0, 0)),
            pl.BlockSpec((64, HID), lambda i: (0, 0)),
            pl.BlockSpec((HID, 1), lambda i: (0, 0)),
            pl.BlockSpec((HID, 1), lambda i: (0, 0)),
        ],
        out_specs=[
            pl.BlockSpec((B, HID), lambda i: (i, 0)),
            pl.BlockSpec((B, 1), lambda i: (i, 0)),
            pl.BlockSpec((B, 1), lambda i: (i, 0)),
            pl.BlockSpec((B, 1), lambda i: (i, 0)),
        ],
        out_shape=[
            jax.ShapeDtypeStruct((N, HID), _f32),
            jax.ShapeDtypeStruct((N, 1), _f32),
            jax.ShapeDtypeStruct((N, 1), _f32),
            jax.ShapeDtypeStruct((N, 1), _f32),
        ],
    )(acc0, acc1, wself, h, E8, b1r, W2, ms2, md2)


def _sc2_body(h2_hbm, t2_hbm, src_hbm, dst_hbm, zz_hbm, acc_hbm,
              h2_sp, t2_sp, acc_sp,
              src_t, dst_t, ta_g, tb_g, h2_g, buf, sem_i, sem_g, sem_s):
    cid = lax.axis_index("c")
    sid = lax.axis_index("s")
    wid = cid * 16 + sid

    s6 = jnp.minimum(sid * 632, N - 632)
    s3 = jnp.minimum(sid * 640, NPAD - 640)
    pltpu.sync_copy(h2_hbm.at[pl.ds(s6, 632)], h2_sp.at[pl.ds(s6, 632)])
    pltpu.sync_copy(t2_hbm.at[pl.ds(s6, 632)], t2_sp.at[pl.ds(s6, 632)])
    pltpu.sync_copy(zz_hbm.at[pl.ds(s3, 640)], acc_sp.at[pl.ds(s3, 640)])
    plsc.subcore_barrier()

    lane = lax.iota(_i32, 16)
    col8 = lane % 8
    zz16 = jnp.zeros((16,), _i32)
    on16 = jnp.ones((16,), _i32)
    idxb = [jnp.full((16,), j, _i32) for j in range(16)]
    base = wid * CH

    def idx_issue(j, s4):
        pltpu.async_copy(src_hbm.at[pl.ds(base + j, 1)],
                         src_t.at[pl.ds(s4, 1)], sem_i.at[s4])
        pltpu.async_copy(dst_hbm.at[pl.ds(base + j, 1)],
                         dst_t.at[pl.ds(s4, 1)], sem_i.at[s4])

    def idx_wait(s4):
        pltpu.make_async_copy(src_hbm.at[pl.ds(0, 1)],
                              src_t.at[pl.ds(s4, 1)], sem_i.at[s4]).wait()
        pltpu.make_async_copy(dst_hbm.at[pl.ds(0, 1)],
                              dst_t.at[pl.ds(s4, 1)], sem_i.at[s4]).wait()

    def gat_issue(s4, s2):
        src_row = src_t.at[s4]
        dst_row = dst_t.at[s4]
        pltpu.async_copy(t2_sp.at[src_row], ta_g.at[s2], sem_g.at[s2])
        pltpu.async_copy(t2_sp.at[dst_row], tb_g.at[s2], sem_g.at[s2])
        pltpu.async_copy(h2_sp.at[src_row], h2_g.at[s2], sem_g.at[s2])

    def gat_wait(s4, s2):
        src_row = src_t.at[s4]
        dst_row = dst_t.at[s4]
        pltpu.make_async_copy(t2_sp.at[src_row], ta_g.at[s2], sem_g.at[s2]).wait()
        pltpu.make_async_copy(t2_sp.at[dst_row], tb_g.at[s2], sem_g.at[s2]).wait()
        pltpu.make_async_copy(h2_sp.at[src_row], h2_g.at[s2], sem_g.at[s2]).wait()

    def sc_issue(s4, s2):
        pltpu.async_copy(buf.at[s2], acc_sp.at[dst_t.at[s4]], sem_s.at[s2],
                         add=True)

    def sc_wait(s4, s2):
        pltpu.make_async_copy(buf.at[s2], acc_sp.at[dst_t.at[s4]],
                              sem_s.at[s2]).wait()

    idx_issue(0, 0)
    idx_issue(1, 1)
    idx_wait(0)
    gat_issue(0, 0)

    def chunk_body(j, carry):
        s2 = lax.rem(j, 2)
        s2n = 1 - s2
        s4 = lax.rem(j, 4)
        gat_wait(s4, s2)

        @pl.when(j >= 2)
        def _():
            sc_wait(lax.rem(j - 2, 4), s2)

        @pl.when(j < CH - 1)
        def _():
            idx_wait(lax.rem(j + 1, 4))
            gat_issue(lax.rem(j + 1, 4), s2n)

        @pl.when(j < CH - 2)
        def _():
            idx_issue(j + 2, lax.rem(j + 2, 4))

        sl16 = jnp.broadcast_to(s2, (16,)).astype(_i32)

        wgs = []
        for g in range(C // 16):
            rows16 = g * 16 + lane
            a = plsc.load_gather(ta_g, [sl16, rows16, zz16])
            b = plsc.load_gather(tb_g, [sl16, rows16, on16])
            s = a + b
            s = jnp.maximum(s, 0.2 * s)
            wgs.append(jnp.exp(s))
        for g in range(C // 16):
            w16 = wgs[g]
            for j16 in range(16):
                e_rel = g * 16 + j16
                er = jnp.broadcast_to(e_rel, (16,)).astype(_i32)
                hv = plsc.load_gather(h2_g, [sl16, er, col8])
                wb = _dyngather(w16, idxb[j16])
                m = jnp.where(lane < 8, wb * hv,
                              jnp.where(lane == 8, wb, 0.0))
                plsc.store_scatter(buf, [sl16, er, lane], m)

        sc_issue(s4, s2)
        return carry

    lax.fori_loop(0, CH, chunk_body, 0)
    sc_wait((CH - 2) % 4, (CH - 2) % 2)
    sc_wait((CH - 1) % 4, (CH - 1) % 2)
    plsc.subcore_barrier()
    pltpu.sync_copy(acc_sp.at[pl.ds(s3, 640)],
                    acc_hbm.at[cid].at[pl.ds(s3, 640)])


def _run_sc2(h2, t2, srcp, dstp, zz):
    mesh = plsc.VectorSubcoreMesh(core_axis_name="c", subcore_axis_name="s", num_cores=2, num_subcores=16)
    f = pl.kernel(
        _sc2_body,
        out_type=[jax.ShapeDtypeStruct((2, NPAD, 16), _f32)],
        mesh=mesh,
        compiler_params=pltpu.CompilerParams(needs_layout_passes=False, use_tc_tiling_on_sc=False),
        scratch_types=[
            pltpu.MemorySpace.VMEM_SHARED((N, HID), _f32),
            pltpu.MemorySpace.VMEM_SHARED((N, 2), _f32),
            pltpu.MemorySpace.VMEM_SHARED((NPAD, 16), _f32),
            pltpu.MemorySpace.VMEM((4, C), _i32),
            pltpu.MemorySpace.VMEM((4, C), _i32),
            pltpu.MemorySpace.VMEM((2, C, 2), _f32),
            pltpu.MemorySpace.VMEM((2, C, 2), _f32),
            pltpu.MemorySpace.VMEM((2, C, HID), _f32),
            pltpu.MemorySpace.VMEM((2, C, 16), _f32),
            pltpu.SemaphoreType.DMA((4,)),
            pltpu.SemaphoreType.DMA((2,)),
            pltpu.SemaphoreType.DMA((2,)),
        ],
    )
    return f(h2, t2, srcp, dstp, zz)[0]


def _tc_final(a0_ref, a1_ref, ws2_ref, h2_ref, b2_ref, bat_ref,
              f1w_ref, f1b_ref, f2w_ref, f2b_ref, out_ref, accg, acccnt):
    i = pl.program_id(0)
    nsteps = pl.num_programs(0)
    a0 = a0_ref[...]
    a1 = a1_ref[...]
    ws2 = ws2_ref[...]
    num = a0[:, :8] + a1[:, :8] + ws2 * h2_ref[...]
    den = a0[:, 8:9] + a1[:, 8:9] + ws2
    h2f = num / (den + 1e-16) + b2_ref[...]
    bat = bat_ref[0]
    gid = lax.broadcasted_iota(_i32, (NG, 1), 0)
    oh = (bat == gid).astype(_f32)
    part = jnp.dot(oh, h2f, preferred_element_type=_f32)
    cnt = jnp.sum(oh, axis=1, keepdims=True)

    @pl.when(i == 0)
    def _():
        accg[...] = part
        acccnt[...] = cnt

    @pl.when(i > 0)
    def _():
        accg[...] += part
        acccnt[...] += cnt

    @pl.when(i == nsteps - 1)
    def _():
        g = accg[...] / jnp.maximum(acccnt[...], 1.0)
        z = jnp.maximum(jnp.dot(g, f1w_ref[...], preferred_element_type=_f32)
                        + f1b_ref[...], 0.0)
        z2 = jnp.dot(z, f2w_ref[...], preferred_element_type=_f32) + f2b_ref[...]
        mx = jnp.max(z2, axis=1, keepdims=True)
        lse = mx + jnp.log(jnp.sum(jnp.exp(z2 - mx), axis=1, keepdims=True))
        out_ref[...] = z2 - lse


def _run_final(acc0, acc1, wself2, h2, b2r, bat2d, fc1_w, fc1b, fc2_w, fc2b):
    B = 2000
    grid = (N // B,)
    return pl.pallas_call(
        _tc_final,
        grid=grid,
        in_specs=[
            pl.BlockSpec((B, 16), lambda i: (i, 0)),
            pl.BlockSpec((B, 16), lambda i: (i, 0)),
            pl.BlockSpec((B, 1), lambda i: (i, 0)),
            pl.BlockSpec((B, HID), lambda i: (i, 0)),
            pl.BlockSpec((1, HID), lambda i: (0, 0)),
            pl.BlockSpec((1, 1, B), lambda i: (i, 0, 0)),
            pl.BlockSpec((HID, 20), lambda i: (0, 0)),
            pl.BlockSpec((1, 20), lambda i: (0, 0)),
            pl.BlockSpec((20, NC), lambda i: (0, 0)),
            pl.BlockSpec((1, NC), lambda i: (0, 0)),
        ],
        out_specs=pl.BlockSpec((NG, NC), lambda i: (0, 0)),
        out_shape=jax.ShapeDtypeStruct((NG, NC), _f32),
        scratch_shapes=[
            pltpu.MemorySpace.VMEM((NG, HID), _f32),
            pltpu.MemorySpace.VMEM((NG, 1), _f32),
        ],
    )(acc0, acc1, wself2, h2, b2r, bat2d, fc1_w, fc1b, fc2_w, fc2b)


def kernel(x, edge_index, batch, W1, a_src1, a_dst1, b1, W2, a_src2, a_dst2,
           b2, fc1_w, fc1_b, fc2_w, fc2_b):
    E = edge_index.shape[1]
    npd = EP - E
    src_p = jnp.concatenate([edge_index[0], jnp.zeros((npd,), _i32)])
    dst_p = jnp.concatenate(
        [edge_index[1], N + (jnp.arange(npd, dtype=_i32) % 128)])
    srcp = src_p.reshape(NW * CH, C)
    dstp = dst_p.reshape(NW * CH, C)

    rows = np.arange(H1 * HID)
    Msrc = jnp.zeros((H1 * HID, H1), _f32).at[rows, rows // HID].set(
        a_src1.reshape(-1))
    Mdst = jnp.zeros((H1 * HID, H1), _f32).at[rows, rows // HID].set(
        a_dst1.reshape(-1))
    E8 = jnp.asarray((np.arange(64)[None, :] // 8 == np.arange(8)[:, None])
                     .astype(np.float32))
    zz1 = jnp.zeros((NPAD, 72), _f32)
    zz2 = jnp.zeros((NPAD, 16), _f32)

    h, asrc, adst, wself = _run_pre1(x, W1, Msrc, Mdst)
    accp = _run_sc1(h, asrc, adst, srcp, dstp, zz1)
    h2, asrc2, adst2, wself2 = _run_merge1(
        accp[0, :N], accp[1, :N], wself, h, E8, b1.reshape(1, 64), W2,
        a_src2.reshape(HID, 1), a_dst2.reshape(HID, 1))
    t2 = jnp.concatenate([asrc2, adst2], axis=1)
    accp2 = _run_sc2(h2, t2, srcp, dstp, zz2)
    out = _run_final(accp2[0, :N], accp2[1, :N], wself2, h2,
                     b2.reshape(1, HID), batch.reshape(N // 2000, 1, 2000),
                     fc1_w, fc1_b.reshape(1, 20), fc2_w, fc2_b.reshape(1, NC))
    return out

# --- scband reference (transcript-rebuilt; emitter-appended) ---
"""Pipeline reference for scband-gat-11647951307428 (READ-ONLY COPY).

The authoritative reference and input builder live on the scoring server;
editing this copy changes nothing except your own understanding.
"""

import jax, jax.numpy as jnp
import numpy as np

N = 10000
E = 320000
DIN = 128
HID = 8
H1 = 8
H2 = 1
NG = 64
NC = 10


def setup_inputs(seed: int = 0) -> dict:
    key = jax.random.key(seed)
    ks = jax.random.split(key, 16)
    x = jax.random.normal(ks[0], (N, DIN), dtype=jnp.float32)
    edge_index = jax.random.randint(ks[1], (2, E), 0, N, dtype=jnp.int32)
    batch = jnp.sort(jax.random.randint(ks[2], (N,), 0, NG, dtype=jnp.int32))
    s = 0.1
    W1 = jax.random.normal(ks[3], (DIN, H1 * HID), dtype=jnp.float32) * s
    a_src1 = jax.random.normal(ks[4], (H1, HID), dtype=jnp.float32) * s
    a_dst1 = jax.random.normal(ks[5], (H1, HID), dtype=jnp.float32) * s
    b1 = jnp.zeros((H1 * HID,), dtype=jnp.float32)
    W2 = jax.random.normal(ks[6], (H1 * HID, H2 * HID), dtype=jnp.float32) * s
    a_src2 = jax.random.normal(ks[7], (H2, HID), dtype=jnp.float32) * s
    a_dst2 = jax.random.normal(ks[8], (H2, HID), dtype=jnp.float32) * s
    b2 = jnp.zeros((HID,), dtype=jnp.float32)
    fc1_w = jax.random.normal(ks[9], (HID, 20), dtype=jnp.float32) * s
    fc1_b = jnp.zeros((20,), dtype=jnp.float32)
    fc2_w = jax.random.normal(ks[10], (20, NC), dtype=jnp.float32) * s
    fc2_b = jnp.zeros((NC,), dtype=jnp.float32)
    return {"x": x, "edge_index": edge_index, "batch": batch,
            "W1": W1, "a_src1": a_src1, "a_dst1": a_dst1, "b1": b1,
            "W2": W2, "a_src2": a_src2, "a_dst2": a_dst2, "b2": b2,
            "fc1_w": fc1_w, "fc1_b": fc1_b, "fc2_w": fc2_w, "fc2_b": fc2_b}


def gat_conv(x, ei, W, a_src, a_dst, b, heads, oc, concat):
    n = x.shape[0]
    sl = jnp.arange(n, dtype=ei.dtype)
    src = jnp.concatenate([ei[0], sl])
    dst = jnp.concatenate([ei[1], sl])
    h = (x @ W).reshape(n, heads, oc)
    asrc = (h * a_src[None]).sum(-1)
    adst = (h * a_dst[None]).sum(-1)
    alpha = jax.nn.leaky_relu(asrc[src] + adst[dst], 0.2)
    m = jax.lax.stop_gradient(jax.ops.segment_max(alpha, dst, num_segments=n))
    e = jnp.exp(alpha - m[dst])
    ssum = jax.ops.segment_sum(e, dst, num_segments=n)
    a = e / (ssum[dst] + 1e-16)
    out = jax.ops.segment_sum(h[src] * a[..., None], dst, num_segments=n)
    out = out.reshape(n, heads * oc) if concat else out.mean(axis=1)
    return out + b


def reference(x, edge_index, batch, W1, a_src1, a_dst1, b1, W2, a_src2, a_dst2, b2, fc1_w, fc1_b, fc2_w, fc2_b):
    # dropout layers are identity in eval mode
    h = gat_conv(x, edge_index, W1, a_src1, a_dst1, b1, H1, HID, True)
    h = jax.nn.elu(h)
    h = gat_conv(h, edge_index, W2, a_src2, a_dst2, b2, H2, HID, False)
    ssum = jax.ops.segment_sum(h, batch, num_segments=NG)
    cnt = jax.ops.segment_sum(jnp.ones((h.shape[0], 1), h.dtype), batch, num_segments=NG)
    g = ssum / jnp.maximum(cnt, 1.0)
    g = jax.nn.relu(g @ fc1_w + fc1_b)
    g = g @ fc2_w + fc2_b
    return jax.nn.log_softmax(g, axis=1)

if __name__ == "__main__":
    import jax
    _d = setup_inputs()
    print(jax.jit(kernel)(*tuple(_d.values())))

</pallas_src>

<mosaic_0001>
#map = affine_map<(d0, d1) -> (0, 0)>
#map1 = affine_map<(d0, d1) -> (0, 0, 0)>
module attributes {stable_mosaic.version = 14 : i64} {
  func.func @_sc1_body(%arg0: i32, %arg1: i32, %arg2: memref<10000x64xf32, #tpu.memory_space<hbm>>, %arg3: memref<10000x8xf32, #tpu.memory_space<hbm>>, %arg4: memref<10000x8xf32, #tpu.memory_space<hbm>>, %arg5: memref<4096x80xi32, #tpu.memory_space<hbm>>, %arg6: memref<4096x80xi32, #tpu.memory_space<hbm>>, %arg7: memref<10128x72xf32, #tpu.memory_space<hbm>>, %arg8: memref<2x10128x72xf32, #tpu.memory_space<hbm>>, %arg9: memref<10000x64xf32, #tpu.memory_space<vmem_shared>>, %arg10: memref<10000x8xf32, #tpu.memory_space<vmem_shared>>, %arg11: memref<10000x8xf32, #tpu.memory_space<vmem_shared>>, %arg12: memref<10128x72xf32, #tpu.memory_space<vmem_shared>>, %arg13: memref<4x80xi32, #tpu.memory_space<vmem>>, %arg14: memref<4x80xi32, #tpu.memory_space<vmem>>, %arg15: memref<2x80x8xf32, #tpu.memory_space<vmem>>, %arg16: memref<2x80x8xf32, #tpu.memory_space<vmem>>, %arg17: memref<2x80x64xf32, #tpu.memory_space<vmem>>, %arg18: memref<2x80x72xf32, #tpu.memory_space<vmem>>, %arg19: memref<4x!tpu.dma_semaphore, #tpu.memory_space<semaphore_mem>>, %arg20: memref<2x!tpu.dma_semaphore, #tpu.memory_space<semaphore_mem>>, %arg21: memref<2x!tpu.dma_semaphore, #tpu.memory_space<semaphore_mem>>) attributes {dimension_semantics = [#tpu.dimension_semantics<core_parallel>, #tpu.dimension_semantics<subcore_parallel>], iteration_bounds = array<i64: 2, 16>, scalar_prefetch = 0 : i64, scratch_operands = 13 : i64, tpu.core_type = #tpu.core_type<sc_vector_subcore>, window_params = [{transform_indices = #map}, {transform_indices = #map}, {transform_indices = #map}, {transform_indices = #map}, {transform_indices = #map}, {transform_indices = #map}, {transform_indices = #map1}]} {
    %mul3A = arith.constant 16 : i32
    %mul3A_0 = arith.muli %arg0, %mul3A : i32
    %add3A = arith.addi %mul3A_0, %arg1 : i32
    %mul3A_1 = arith.constant 632 : i32
    %mul3A_2 = arith.muli %arg1, %mul3A_1 : i32
    %min3A = arith.constant 9368 : i32
    %min3A_3 = arith.minsi %mul3A_2, %min3A : i32
    %mul3A_4 = arith.constant 640 : i32
    %mul3A_5 = arith.muli %arg1, %mul3A_4 : i32
    %min3A_6 = arith.constant 9488 : i32
    %min3A_7 = arith.minsi %mul3A_5, %min3A_6 : i32
    "tpu.region"() ({
      %run_scoped3A = tpu.sem_alloc : memref<!tpu.dma_semaphore, #tpu.memory_space<semaphore_mem>>
      %dma_start3A_285 = arith.constant 0 : i32
      %dma_start3A_286 = tpu.memref_slice %arg9[%min3A_3, %dma_start3A_285] : memref<10000x64xf32, #tpu.memory_space<vmem_shared>> -> memref<632x64xf32, #tpu.memory_space<vmem_shared>>
      %dma_start3A_287 = arith.constant 0 : i32
      %dma_start3A_288 = tpu.memref_slice %arg2[%min3A_3, %dma_start3A_287] : memref<10000x64xf32, #tpu.memory_space<hbm>> -> memref<632x64xf32, #tpu.memory_space<hbm>>
      tpu.enqueue_dma source(%dma_start3A_288 : memref<632x64xf32, #tpu.memory_space<hbm>>) target(%dma_start3A_286 : memref<632x64xf32, #tpu.memory_space<vmem_shared>>) target_semaphore(%run_scoped3A : memref<!tpu.dma_semaphore, #tpu.memory_space<semaphore_mem>>)
      %dma_wait3A_289 = arith.constant 0 : i32
      %dma_wait3A_290 = tpu.memref_slice %arg9[%min3A_3, %dma_wait3A_289] : memref<10000x64xf32, #tpu.memory_space<vmem_shared>> -> memref<632x64xf32, #tpu.memory_space<vmem_shared>>
      %dma_wait3A_291 = arith.constant 0 : i32
      %dma_wait3A_292 = tpu.memref_slice %arg2[%min3A_3, %dma_wait3A_291] : memref<10000x64xf32, #tpu.memory_space<hbm>> -> memref<632x64xf32, #tpu.memory_space<hbm>>
      tpu.wait_dma2 semaphore(%run_scoped3A : memref<!tpu.dma_semaphore, #tpu.memory_space<semaphore_mem>>) src(%dma_wait3A_292 : memref<632x64xf32, #tpu.memory_space<hbm>>) dst(%dma_wait3A_290 : memref<632x64xf32, #tpu.memory_space<vmem_shared>>)
      tpu.yield
    }) : () -> ()
    "tpu.region"() ({
      %run_scoped3A = tpu.sem_alloc : memref<!tpu.dma_semaphore, #tpu.memory_space<semaphore_mem>>
      %dma_start3A_285 = arith.constant 0 : i32
      %dma_start3A_286 = tpu.memref_slice %arg10[%min3A_3, %dma_start3A_285] : memref<10000x8xf32, #tpu.memory_space<vmem_shared>> -> memref<632x8xf32, #tpu.memory_space<vmem_shared>>
      %dma_start3A_287 = arith.constant 0 : i32
      %dma_start3A_288 = tpu.memref_slice %arg3[%min3A_3, %dma_start3A_287] : memref<10000x8xf32, #tpu.memory_space<hbm>> -> memref<632x8xf32, #tpu.memory_space<hbm>>
      tpu.enqueue_dma source(%dma_start3A_288 : memref<632x8xf32, #tpu.memory_space<hbm>>) target(%dma_start3A_286 : memref<632x8xf32, #tpu.memory_space<vmem_shared>>) target_semaphore(%run_scoped3A : memref<!tpu.dma_semaphore, #tpu.memory_space<semaphore_mem>>)
      %dma_wait3A_289 = arith.constant 0 : i32
      %dma_wait3A_290 = tpu.memref_slice %arg10[%min3A_3, %dma_wait3A_289] : memref<10000x8xf32, #tpu.memory_space<vmem_shared>> -> memref<632x8xf32, #tpu.memory_space<vmem_shared>>
      %dma_wait3A_291 = arith.constant 0 : i32
      %dma_wait3A_292 = tpu.memref_slice %arg3[%min3A_3, %dma_wait3A_291] : memref<10000x8xf32, #tpu.memory_space<hbm>> -> memref<632x8xf32, #tpu.memory_space<hbm>>
      tpu.wait_dma2 semaphore(%run_scoped3A : memref<!tpu.dma_semaphore, #tpu.memory_space<semaphore_mem>>) src(%dma_wait3A_292 : memref<632x8xf32, #tpu.memory_space<hbm>>) dst(%dma_wait3A_290 : memref<632x8xf32, #tpu.memory_space<vmem_shared>>)
      tpu.yield
    }) : () -> ()
    "tpu.region"() ({
      %run_scoped3A = tpu.sem_alloc : memref<!tpu.dma_semaphore, #tpu.memory_space<semaphore_mem>>
      %dma_start3A_285 = arith.constant 0 : i32
      %dma_start3A_286 = tpu.memref_slice %arg11[%min3A_3, %dma_start3A_285] : memref<10000x8xf32, #tpu.memory_space<vmem_shared>> -> memref<632x8xf32, #tpu.memory_space<vmem_shared>>
      %dma_start3A_287 = arith.constant 0 : i32
      %dma_start3A_288 = tpu.memref_slice %arg4[%min3A_3, %dma_start3A_287] : memref<10000x8xf32, #tpu.memory_space<hbm>> -> memref<632x8xf32, #tpu.memory_space<hbm>>
      tpu.enqueue_dma source(%dma_start3A_288 : memref<632x8xf32, #tpu.memory_space<hbm>>) target(%dma_start3A_286 : memref<632x8xf32, #tpu.memory_space<vmem_shared>>) target_semaphore(%run_scoped3A : memref<!tpu.dma_semaphore, #tpu.memory_space<semaphore_mem>>)
      %dma_wait3A_289 = arith.constant 0 : i32
      %dma_wait3A_290 = tpu.memref_slice %arg11[%min3A_3, %dma_wait3A_289] : memref<10000x8xf32, #tpu.memory_space<vmem_shared>> -> memref<632x8xf32, #tpu.memory_space<vmem_shared>>
      %dma_wait3A_291 = arith.constant 0 : i32
      %dma_wait3A_292 = tpu.memref_slice %arg4[%min3A_3, %dma_wait3A_291] : memref<10000x8xf32, #tpu.memory_space<hbm>> -> memref<632x8xf32, #tpu.memory_space<hbm>>
      tpu.wait_dma2 semaphore(%run_scoped3A : memref<!tpu.dma_semaphore, #tpu.memory_space<semaphore_mem>>) src(%dma_wait3A_292 : memref<632x8xf32, #tpu.memory_space<hbm>>) dst(%dma_wait3A_290 : memref<632x8xf32, #tpu.memory_space<vmem_shared>>)
      tpu.yield
    }) : () -> ()
    "tpu.region"() ({
      %run_scoped3A = tpu.sem_alloc : memref<!tpu.dma_semaphore, #tpu.memory_space<semaphore_mem>>
      %dma_start3A_285 = arith.constant 0 : i32
      %dma_start3A_286 = tpu.memref_slice %arg12[%min3A_7, %dma_start3A_285] : memref<10128x72xf32, #tpu.memory_space<vmem_shared>> -> memref<640x72xf32, #tpu.memory_space<vmem_shared>>
      %dma_start3A_287 = arith.constant 0 : i32
      %dma_start3A_288 = tpu.memref_slice %arg7[%min3A_7, %dma_start3A_287] : memref<10128x72xf32, #tpu.memory_space<hbm>> -> memref<640x72xf32, #tpu.memory_space<hbm>>
      tpu.enqueue_dma source(%dma_start3A_288 : memref<640x72xf32, #tpu.memory_space<hbm>>) target(%dma_start3A_286 : memref<640x72xf32, #tpu.memory_space<vmem_shared>>) target_semaphore(%run_scoped3A : memref<!tpu.dma_semaphore, #tpu.memory_space<semaphore_mem>>)
      %dma_wait3A_289 = arith.constant 0 : i32
      %dma_wait3A_290 = tpu.memref_slice %arg12[%min3A_7, %dma_wait3A_289] : memref<10128x72xf32, #tpu.memory_space<vmem_shared>> -> memref<640x72xf32, #tpu.memory_space<vmem_shared>>
      %dma_wait3A_291 = arith.constant 0 : i32
      %dma_wait3A_292 = tpu.memref_slice %arg7[%min3A_7, %dma_wait3A_291] : memref<10128x72xf32, #tpu.memory_space<hbm>> -> memref<640x72xf32, #tpu.memory_space<hbm>>
      tpu.wait_dma2 semaphore(%run_scoped3A : memref<!tpu.dma_semaphore, #tpu.memory_space<semaphore_mem>>) src(%dma_wait3A_292 : memref<640x72xf32, #tpu.memory_space<hbm>>) dst(%dma_wait3A_290 : memref<640x72xf32, #tpu.memory_space<vmem_shared>>)
      tpu.yield
    }) : () -> ()
    %barrier3A = arith.constant 0 : index
    tpu.barrier barrier_id(%barrier3A)
    %iota3A = tpu.iota {dimensions = array<i32: 0>} : vector<16xi32>
    %jit3A = arith.constant 8 : i32
    %div3A = vector.broadcast %jit3A : i32 to vector<16xi32>
    %div3A_8 = arith.divsi %iota3A, %div3A : vector<16xi32>
    %sign3A = arith.constant 0 : i32
    %sign3A_9 = vector.broadcast %sign3A : i32 to vector<16xi32>
    %sign3A_10 = arith.cmpi sgt, %iota3A, %sign3A_9 : vector<16xi32>
    %sign3A_11 = arith.extui %sign3A_10 : vector<16xi1> to vector<16xi32>
    %sign3A_12 = arith.constant 0 : i32
    %sign3A_13 = vector.broadcast %sign3A_12 : i32 to vector<16xi32>
    %sign3A_14 = arith.cmpi slt, %iota3A, %sign3A_13 : vector<16xi32>
    %sign3A_15 = arith.extui %sign3A_14 : vector<16xi1> to vector<16xi32>
    %sign3A_16 = arith.subi %sign3A_11, %sign3A_15 : vector<16xi32>
    %sign3A_17 = arith.constant 0 : i32
    %sign3A_18 = arith.cmpi sgt, %jit3A, %sign3A_17 : i32
    %sign3A_19 = arith.extui %sign3A_18 : i1 to i32
    %sign3A_20 = arith.constant 0 : i32
    %sign3A_21 = arith.cmpi slt, %jit3A, %sign3A_20 : i32
    %sign3A_22 = arith.extui %sign3A_21 : i1 to i32
    %sign3A_23 = arith.subi %sign3A_19, %sign3A_22 : i32
    %ne3A = vector.broadcast %sign3A_23 : i32 to vector<16xi32>
    %ne3A_24 = arith.cmpi ne, %sign3A_16, %ne3A : vector<16xi32>
    %rem3A = vector.broadcast %jit3A : i32 to vector<16xi32>
    %rem3A_25 = arith.remsi %iota3A, %rem3A : vector<16xi32>
    %ne3A_26 = arith.constant 0 : i32
    %ne3A_27 = vector.broadcast %ne3A_26 : i32 to vector<16xi32>
    %ne3A_28 = arith.cmpi ne, %rem3A_25, %ne3A_27 : vector<16xi32>
    %and3A = arith.andi %ne3A_24, %ne3A_28 : vector<16xi1>
    %sub3A = arith.constant 1 : i32
    %sub3A_29 = vector.broadcast %sub3A : i32 to vector<16xi32>
    %sub3A_30 = arith.subi %div3A_8, %sub3A_29 : vector<16xi32>
    %select_n3A = arith.select %and3A, %sub3A_30, %div3A_8 : vector<16xi1>, vector<16xi32>
    %jit3A_31 = arith.constant 8 : i32
    %eq3A = arith.constant 0 : i32
    %eq3A_32 = arith.cmpi eq, %jit3A_31, %eq3A : i32
    %jit3A_33 = arith.constant 1 : i32
    %select_n3A_34 = arith.select %eq3A_32, %jit3A_33, %jit3A_31 : i32
    %rem3A_35 = vector.broadcast %select_n3A_34 : i32 to vector<16xi32>
    %rem3A_36 = arith.remsi %iota3A, %rem3A_35 : vector<16xi32>
    %ne3A_37 = arith.constant 0 : i32
    %ne3A_38 = vector.broadcast %ne3A_37 : i32 to vector<16xi32>
    %ne3A_39 = arith.cmpi ne, %rem3A_36, %ne3A_38 : vector<16xi32>
    %lt3A = arith.constant 0 : i32
    %lt3A_40 = vector.broadcast %lt3A : i32 to vector<16xi32>
    %lt3A_41 = arith.cmpi slt, %rem3A_36, %lt3A_40 : vector<16xi32>
    %lt3A_42 = arith.constant 0 : i32
    %lt3A_43 = arith.cmpi slt, %select_n3A_34, %lt3A_42 : i32
    %ne3A_44 = vector.broadcast %lt3A_43 : i1 to vector<16xi1>
    %ne3A_45 = vector.broadcast %ne3A_44 : vector<16xi1> to vector<16xi1>
    %ne3A_46 = arith.xori %lt3A_41, %ne3A_45 : vector<16xi1>
    %and3A_47 = arith.andi %ne3A_46, %ne3A_39 : vector<16xi1>
    %add3A_48 = vector.broadcast %select_n3A_34 : i32 to vector<16xi32>
    %add3A_49 = arith.addi %rem3A_36, %add3A_48 : vector<16xi32>
    %select_n3A_50 = arith.select %and3A_47, %add3A_49, %rem3A_36 : vector<16xi1>, vector<16xi32>
    %lt3A_51 = arith.constant 8 : i32
    %lt3A_52 = vector.broadcast %lt3A_51 : i32 to vector<16xi32>
    %lt3A_53 = arith.cmpi slt, %iota3A, %lt3A_52 : vector<16xi32>
    %jit3A_54 = arith.constant 0 : i32
    %jit3A_55 = arith.constant 1 : i32
    %broadcast_in_dim3A = vector.broadcast %jit3A_54 : i32 to vector<16xi32>
    %broadcast_in_dim3A_56 = vector.broadcast %jit3A_55 : i32 to vector<16xi32>
    %select_n3A_57 = arith.select %lt3A_53, %broadcast_in_dim3A, %broadcast_in_dim3A_56 : vector<16xi1>, vector<16xi32>
    %lt3A_58 = arith.constant 8 : i32
    %lt3A_59 = vector.broadcast %lt3A_58 : i32 to vector<16xi32>
    %lt3A_60 = arith.cmpi slt, %iota3A, %lt3A_59 : vector<16xi32>
    %jit3A_61 = arith.constant 2 : i32
    %jit3A_62 = arith.constant 3 : i32
    %broadcast_in_dim3A_63 = vector.broadcast %jit3A_61 : i32 to vector<16xi32>
    %broadcast_in_dim3A_64 = vector.broadcast %jit3A_62 : i32 to vector<16xi32>
    %select_n3A_65 = arith.select %lt3A_60, %broadcast_in_dim3A_63, %broadcast_in_dim3A_64 : vector<16xi1>, vector<16xi32>
    %lt3A_66 = arith.constant 8 : i32
    %lt3A_67 = vector.broadcast %lt3A_66 : i32 to vector<16xi32>
    %lt3A_68 = arith.cmpi slt, %iota3A, %lt3A_67 : vector<16xi32>
    %jit3A_69 = arith.constant 4 : i32
    %jit3A_70 = arith.constant 5 : i32
    %broadcast_in_dim3A_71 = vector.broadcast %jit3A_69 : i32 to vector<16xi32>
    %broadcast_in_dim3A_72 = vector.broadcast %jit3A_70 : i32 to vector<16xi32>
    %select_n3A_73 = arith.select %lt3A_68, %broadcast_in_dim3A_71, %broadcast_in_dim3A_72 : vector<16xi1>, vector<16xi32>
    %lt3A_74 = arith.constant 8 : i32
    %lt3A_75 = vector.broadcast %lt3A_74 : i32 to vector<16xi32>
    %lt3A_76 = arith.cmpi slt, %iota3A, %lt3A_75 : vector<16xi32>
    %jit3A_77 = arith.constant 6 : i32
    %jit3A_78 = arith.constant 7 : i32
    %broadcast_in_dim3A_79 = vector.broadcast %jit3A_77 : i32 to vector<16xi32>
    %broadcast_in_dim3A_80 = vector.broadcast %jit3A_78 : i32 to vector<16xi32>
    %select_n3A_81 = arith.select %lt3A_76, %broadcast_in_dim3A_79, %broadcast_in_dim3A_80 : vector<16xi1>, vector<16xi32>
    %lt3A_82 = arith.constant 8 : i32
    %lt3A_83 = vector.broadcast %lt3A_82 : i32 to vector<16xi32>
    %lt3A_84 = arith.cmpi slt, %iota3A, %lt3A_83 : vector<16xi32>
    %jit3A_85 = arith.constant 8 : i32
    %jit3A_86 = arith.constant 9 : i32
    %broadcast_in_dim3A_87 = vector.broadcast %jit3A_85 : i32 to vector<16xi32>
    %broadcast_in_dim3A_88 = vector.broadcast %jit3A_86 : i32 to vector<16xi32>
    %select_n3A_89 = arith.select %lt3A_84, %broadcast_in_dim3A_87, %broadcast_in_dim3A_88 : vector<16xi1>, vector<16xi32>
    %lt3A_90 = arith.constant 8 : i32
    %lt3A_91 = vector.broadcast %lt3A_90 : i32 to vector<16xi32>
    %lt3A_92 = arith.cmpi slt, %iota3A, %lt3A_91 : vector<16xi32>
    %jit3A_93 = arith.constant 10 : i32
    %jit3A_94 = arith.constant 11 : i32
    %broadcast_in_dim3A_95 = vector.broadcast %jit3A_93 : i32 to vector<16xi32>
    %broadcast_in_dim3A_96 = vector.broadcast %jit3A_94 : i32 to vector<16xi32>
    %select_n3A_97 = arith.select %lt3A_92, %broadcast_in_dim3A_95, %broadcast_in_dim3A_96 : vector<16xi1>, vector<16xi32>
    %lt3A_98 = arith.constant 8 : i32
    %lt3A_99 = vector.broadcast %lt3A_98 : i32 to vector<16xi32>
    %lt3A_100 = arith.cmpi slt, %iota3A, %lt3A_99 : vector<16xi32>
    %jit3A_101 = arith.constant 12 : i32
    %jit3A_102 = arith.constant 13 : i32
    %broadcast_in_dim3A_103 = vector.broadcast %jit3A_101 : i32 to vector<16xi32>
    %broadcast_in_dim3A_104 = vector.broadcast %jit3A_102 : i32 to vector<16xi32>
    %select_n3A_105 = arith.select %lt3A_100, %broadcast_in_dim3A_103, %broadcast_in_dim3A_104 : vector<16xi1>, vector<16xi32>
    %lt3A_106 = arith.constant 8 : i32
    %lt3A_107 = vector.broadcast %lt3A_106 : i32 to vector<16xi32>
    %lt3A_108 = arith.cmpi slt, %iota3A, %lt3A_107 : vector<16xi32>
    %jit3A_109 = arith.constant 14 : i32
    %jit3A_110 = arith.constant 15 : i32
    %broadcast_in_dim3A_111 = vector.broadcast %jit3A_109 : i32 to vector<16xi32>
    %broadcast_in_dim3A_112 = vector.broadcast %jit3A_110 : i32 to vector<16xi32>
    %select_n3A_113 = arith.select %lt3A_108, %broadcast_in_dim3A_111, %broadcast_in_dim3A_112 : vector<16xi1>, vector<16xi32>
    %mul3A_114 = arith.constant 128 : i32
    %mul3A_115 = arith.muli %add3A, %mul3A_114 : i32
    %add3A_116 = arith.constant 0 : i32
    %add3A_117 = arith.addi %mul3A_115, %add3A_116 : i32
    %dma_start3A = arith.constant 0 : i32
    %dma_start3A_118 = arith.constant 0 : i32
    %dma_start3A_119 = arith.constant 0 : i32
    %dma_start3A_120 = tpu.memref_slice %arg13[%dma_start3A_118, %dma_start3A_119] : memref<4x80xi32, #tpu.memory_space<vmem>> -> memref<1x80xi32, #tpu.memory_space<vmem>>
    %dma_start3A_121 = arith.constant 0 : i32
    %dma_start3A_122 = tpu.memref_slice %arg5[%add3A_117, %dma_start3A_121] : memref<4096x80xi32, #tpu.memory_space<hbm>> -> memref<1x80xi32, #tpu.memory_space<hbm>>
    %dma_start3A_123 = tpu.memref_slice %arg19[%dma_start3A] : memref<4x!tpu.dma_semaphore, #tpu.memory_space<semaphore_mem>> -> memref<1x!tpu.dma_semaphore, #tpu.memory_space<semaphore_mem>>
    %dma_start3A_124 = tpu.memref_squeeze %dma_start3A_123 : memref<1x!tpu.dma_semaphore, #tpu.memory_space<semaphore_mem>> -> memref<!tpu.dma_semaphore, #tpu.memory_space<semaphore_mem>>
    %dma_start3A_125 = arith.constant 0 : i32
    %dma_start3A_126 = arith.constant 0 : i32
    %dma_start3A_127 = tpu.memref_slice %arg13[%dma_start3A_125, %dma_start3A_126] : memref<4x80xi32, #tpu.memory_space<vmem>> -> memref<1x80xi32, #tpu.memory_space<vmem>>
    %dma_start3A_128 = arith.constant 0 : i32
    %dma_start3A_129 = tpu.memref_slice %arg5[%add3A_117, %dma_start3A_128] : memref<4096x80xi32, #tpu.memory_space<hbm>> -> memref<1x80xi32, #tpu.memory_space<hbm>>
    tpu.enqueue_dma source(%dma_start3A_129 : memref<1x80xi32, #tpu.memory_space<hbm>>) target(%dma_start3A_127 : memref<1x80xi32, #tpu.memory_space<vmem>>) target_semaphore(%dma_start3A_124 : memref<!tpu.dma_semaphore, #tpu.memory_space<semaphore_mem>>)
    %add3A_130 = arith.constant 0 : i32
    %add3A_131 = arith.addi %mul3A_115, %add3A_130 : i32
    %dma_start3A_132 = arith.constant 0 : i32
    %dma_start3A_133 = arith.constant 0 : i32
    %dma_start3A_134 = arith.constant 0 : i32
    %dma_start3A_135 = tpu.memref_slice %arg14[%dma_start3A_133, %dma_start3A_134] : memref<4x80xi32, #tpu.memory_space<vmem>> -> memref<1x80xi32, #tpu.memory_space<vmem>>
    %dma_start3A_136 = arith.constant 0 : i32
    %dma_start3A_137 = tpu.memref_slice %arg6[%add3A_131, %dma_start3A_136] : memref<4096x80xi32, #tpu.memory_space<hbm>> -> memref<1x80xi32, #tpu.memory_space<hbm>>
    %dma_start3A_138 = tpu.memref_slice %arg19[%dma_start3A_132] : memref<4x!tpu.dma_semaphore, #tpu.memory_space<semaphore_mem>> -> memref<1x!tpu.dma_semaphore, #tpu.memory_space<semaphore_mem>>
    %dma_start3A_139 = tpu.memref_squeeze %dma_start3A_138 : memref<1x!tpu.dma_semaphore, #tpu.memory_space<semaphore_mem>> -> memref<!tpu.dma_semaphore, #tpu.memory_space<semaphore_mem>>
    %dma_start3A_140 = arith.constant 0 : i32
    %dma_start3A_141 = arith.constant 0 : i32
    %dma_start3A_142 = tpu.memref_slice %arg14[%dma_start3A_140, %dma_start3A_141] : memref<4x80xi32, #tpu.memory_space<vmem>> -> memref<1x80xi32, #tpu.memory_space<vmem>>
    %dma_start3A_143 = arith.constant 0 : i32
    %dma_start3A_144 = tpu.memref_slice %arg6[%add3A_131, %dma_start3A_143] : memref<4096x80xi32, #tpu.memory_space<hbm>> -> memref<1x80xi32, #tpu.memory_space<hbm>>
    tpu.enqueue_dma source(%dma_start3A_144 : memref<1x80xi32, #tpu.memory_space<hbm>>) target(%dma_start3A_142 : memref<1x80xi32, #tpu.memory_space<vmem>>) target_semaphore(%dma_start3A_139 : memref<!tpu.dma_semaphore, #tpu.memory_space<semaphore_mem>>)
    %add3A_145 = arith.constant 1 : i32
    %add3A_146 = arith.addi %mul3A_115, %add3A_145 : i32
    %dma_start3A_147 = arith.constant 1 : i32
    %dma_start3A_148 = arith.constant 1 : i32
    %dma_start3A_149 = arith.constant 0 : i32
    %dma_start3A_150 = tpu.memref_slice %arg13[%dma_start3A_148, %dma_start3A_149] : memref<4x80xi32, #tpu.memory_space<vmem>> -> memref<1x80xi32, #tpu.memory_space<vmem>>
    %dma_start3A_151 = arith.constant 0 : i32
    %dma_start3A_152 = tpu.memref_slice %arg5[%add3A_146, %dma_start3A_151] : memref<4096x80xi32, #tpu.memory_space<hbm>> -> memref<1x80xi32, #tpu.memory_space<hbm>>
    %dma_start3A_153 = tpu.memref_slice %arg19[%dma_start3A_147] : memref<4x!tpu.dma_semaphore, #tpu.memory_space<semaphore_mem>> -> memref<1x!tpu.dma_semaphore, #tpu.memory_space<semaphore_mem>>
    %dma_start3A_154 = tpu.memref_squeeze %dma_start3A_153 : memref<1x!tpu.dma_semaphore, #tpu.memory_space<semaphore_mem>> -> memref<!tpu.dma_semaphore, #tpu.memory_space<semaphore_mem>>
    %dma_start3A_155 = arith.constant 1 : i32
    %dma_start3A_156 = arith.constant 0 : i32
    %dma_start3A_157 = tpu.memref_slice %arg13[%dma_start3A_155, %dma_start3A_156] : memref<4x80xi32, #tpu.memory_space<vmem>> -> memref<1x80xi32, #tpu.memory_space<vmem>>
    %dma_start3A_158 = arith.constant 0 : i32
    %dma_start3A_159 = tpu.memref_slice %arg5[%add3A_146, %dma_start3A_158] : memref<4096x80xi32, #tpu.memory_space<hbm>> -> memref<1x80xi32, #tpu.memory_space<hbm>>
    tpu.enqueue_dma source(%dma_start3A_159 : memref<1x80xi32, #tpu.memory_space<hbm>>) target(%dma_start3A_157 : memref<1x80xi32, #tpu.memory_space<vmem>>) target_semaphore(%dma_start3A_154 : memref<!tpu.dma_semaphore, #tpu.memory_space<semaphore_mem>>)
    %add3A_160 = arith.constant 1 : i32
    %add3A_161 = arith.addi %mul3A_115, %add3A_160 : i32
    %dma_start3A_162 = arith.constant 1 : i32
    %dma_start3A_163 = arith.constant 1 : i32
    %dma_start3A_164 = arith.constant 0 : i32
    %dma_start3A_165 = tpu.memref_slice %arg14[%dma_start3A_163, %dma_start3A_164] : memref<4x80xi32, #tpu.memory_space<vmem>> -> memref<1x80xi32, #tpu.memory_space<vmem>>
    %dma_start3A_166 = arith.constant 0 : i32
    %dma_start3A_167 = tpu.memref_slice %arg6[%add3A_161, %dma_start3A_166] : memref<4096x80xi32, #tpu.memory_space<hbm>> -> memref<1x80xi32, #tpu.memory_space<hbm>>
    %dma_start3A_168 = tpu.memref_slice %arg19[%dma_start3A_162] : memref<4x!tpu.dma_semaphore, #tpu.memory_space<semaphore_mem>> -> memref<1x!tpu.dma_semaphore, #tpu.memory_space<semaphore_mem>>
    %dma_start3A_169 = tpu.memref_squeeze %dma_start3A_168 : memref<1x!tpu.dma_semaphore, #tpu.memory_space<semaphore_mem>> -> memref<!tpu.dma_semaphore, #tpu.memory_space<semaphore_mem>>
    %dma_start3A_170 = arith.constant 1 : i32
    %dma_start3A_171 = arith.constant 0 : i32
    %dma_start3A_172 = tpu.memref_slice %arg14[%dma_start3A_170, %dma_start3A_171] : memref<4x80xi32, #tpu.memory_space<vmem>> -> memref<1x80xi32, #tpu.memory_space<vmem>>
    %dma_start3A_173 = arith.constant 0 : i32
    %dma_start3A_174 = tpu.memref_slice %arg6[%add3A_161, %dma_start3A_173] : memref<4096x80xi32, #tpu.memory_space<hbm>> -> memref<1x80xi32, #tpu.memory_space<hbm>>
    tpu.enqueue_dma source(%dma_start3A_174 : memref<1x80xi32, #tpu.memory_space<hbm>>) target(%dma_start3A_172 : memref<1x80xi32, #tpu.memory_space<vmem>>) target_semaphore(%dma_start3A_169 : memref<!tpu.dma_semaphore, #tpu.memory_space<semaphore_mem>>)
    %dma_wait3A = arith.constant 0 : i32
    %dma_wait3A_175 = arith.constant 0 : i32
    %dma_wait3A_176 = arith.constant 0 : i32
    %dma_wait3A_177 = tpu.memref_slice %arg13[%dma_wait3A_175, %dma_wait3A_176] : memref<4x80xi32, #tpu.memory_space<vmem>> -> memref<1x80xi32, #tpu.memory_space<vmem>>
    %dma_wait3A_178 = arith.constant 0 : i32
    %dma_wait3A_179 = arith.constant 0 : i32
    %dma_wait3A_180 = tpu.memref_slice %arg5[%dma_wait3A_178, %dma_wait3A_179] : memref<4096x80xi32, #tpu.memory_space<hbm>> -> memref<1x80xi32, #tpu.memory_space<hbm>>
    %dma_wait3A_181 = tpu.memref_slice %arg19[%dma_wait3A] : memref<4x!tpu.dma_semaphore, #tpu.memory_space<semaphore_mem>> -> memref<1x!tpu.dma_semaphore, #tpu.memory_space<semaphore_mem>>
    %dma_wait3A_182 = tpu.memref_squeeze %dma_wait3A_181 : memref<1x!tpu.dma_semaphore, #tpu.memory_space<semaphore_mem>> -> memref<!tpu.dma_semaphore, #tpu.memory_space<semaphore_mem>>
    %dma_wait3A_183 = arith.constant 0 : i32
    %dma_wait3A_184 = arith.constant 0 : i32
    %dma_wait3A_185 = tpu.memref_slice %arg13[%dma_wait3A_183, %dma_wait3A_184] : memref<4x80xi32, #tpu.memory_space<vmem>> -> memref<1x80xi32, #tpu.memory_space<vmem>>
    %dma_wait3A_186 = arith.constant 0 : i32
    %dma_wait3A_187 = arith.constant 0 : i32
    %dma_wait3A_188 = tpu.memref_slice %arg5[%dma_wait3A_186, %dma_wait3A_187] : memref<4096x80xi32, #tpu.memory_space<hbm>> -> memref<1x80xi32, #tpu.memory_space<hbm>>
    tpu.wait_dma2 semaphore(%dma_wait3A_182 : memref<!tpu.dma_semaphore, #tpu.memory_space<semaphore_mem>>) src(%dma_wait3A_188 : memref<1x80xi32, #tpu.memory_space<hbm>>) dst(%dma_wait3A_185 : memref<1x80xi32, #tpu.memory_space<vmem>>)
    %dma_wait3A_189 = arith.constant 0 : i32
    %dma_wait3A_190 = arith.constant 0 : i32
    %dma_wait3A_191 = arith.constant 0 : i32
    %dma_wait3A_192 = tpu.memref_slice %arg14[%dma_wait3A_190, %dma_wait3A_191] : memref<4x80xi32, #tpu.memory_space<vmem>> -> memref<1x80xi32, #tpu.memory_space<vmem>>
    %dma_wait3A_193 = arith.constant 0 : i32
    %dma_wait3A_194 = arith.constant 0 : i32
    %dma_wait3A_195 = tpu.memref_slice %arg6[%dma_wait3A_193, %dma_wait3A_194] : memref<4096x80xi32, #tpu.memory_space<hbm>> -> memref<1x80xi32, #tpu.memory_space<hbm>>
    %dma_wait3A_196 = tpu.memref_slice %arg19[%dma_wait3A_189] : memref<4x!tpu.dma_semaphore, #tpu.memory_space<semaphore_mem>> -> memref<1x!tpu.dma_semaphore, #tpu.memory_space<semaphore_mem>>
    %dma_wait3A_197 = tpu.memref_squeeze %dma_wait3A_196 : memref<1x!tpu.dma_semaphore, #tpu.memory_space<semaphore_mem>> -> memref<!tpu.dma_semaphore, #tpu.memory_space<semaphore_mem>>
    %dma_wait3A_198 = arith.constant 0 : i32
    %dma_wait3A_199 = arith.constant 0 : i32
    %dma_wait3A_200 = tpu.memref_slice %arg14[%dma_wait3A_198, %dma_wait3A_199] : memref<4x80xi32, #tpu.memory_space<vmem>> -> memref<1x80xi32, #tpu.memory_space<vmem>>
    %dma_wait3A_201 = arith.constant 0 : i32
    %dma_wait3A_202 = arith.constant 0 : i32
    %dma_wait3A_203 = tpu.memref_slice %arg6[%dma_wait3A_201, %dma_wait3A_202] : memref<4096x80xi32, #tpu.memory_space<hbm>> -> memref<1x80xi32, #tpu.memory_space<hbm>>
    tpu.wait_dma2 semaphore(%dma_wait3A_197 : memref<!tpu.dma_semaphore, #tpu.memory_space<semaphore_mem>>) src(%dma_wait3A_203 : memref<1x80xi32, #tpu.memory_space<hbm>>) dst(%dma_wait3A_200 : memref<1x80xi32, #tpu.memory_space<vmem>>)
    %dma_start3A_204 = arith.constant 0 : i32
    %dma_start3A_205 = arith.constant 0 : i32
    %dma_start3A_206 = arith.constant 0 : i32
    %dma_start3A_207 = arith.constant 0 : i32
    %dma_start3A_208 = arith.constant 0 : i32
    %dma_start3A_209 = tpu.memref_slice %arg15[%dma_start3A_205, %dma_start3A_207, %dma_start3A_208] : memref<2x80x8xf32, #tpu.memory_space<vmem>> -> memref<1x80x8xf32, #tpu.memory_space<vmem>>
    %dma_start3A_210 = tpu.memref_squeeze %dma_start3A_209 : memref<1x80x8xf32, #tpu.memory_space<vmem>> -> memref<80x8xf32, #tpu.memory_space<vmem>>
    %dma_start3A_211 = arith.constant 0 : i32
    %dma_start3A_212 = tpu.memref_slice %arg13[%dma_start3A_204, %dma_start3A_211] : memref<4x80xi32, #tpu.memory_space<vmem>> -> memref<1x80xi32, #tpu.memory_space<vmem>>
    %dma_start3A_213 = tpu.memref_squeeze %dma_start3A_212 : memref<1x80xi32, #tpu.memory_space<vmem>> -> memref<80xi32, #tpu.memory_space<vmem>>
    %dma_start3A_214 = arith.constant 0 : i32
    %dma_start3A_215 = arith.constant 0 : i32
    %dma_start3A_216 = tpu.memref_slice %arg10[%dma_start3A_214, %dma_start3A_215] : memref<10000x8xf32, #tpu.memory_space<vmem_shared>> -> memref<10000x8xf32, #tpu.memory_space<vmem_shared>>
    %dma_start3A_217 = tpu.memref_slice %arg20[%dma_start3A_206] : memref<2x!tpu.dma_semaphore, #tpu.memory_space<semaphore_mem>> -> memref<1x!tpu.dma_semaphore, #tpu.memory_space<semaphore_mem>>
    %dma_start3A_218 = tpu.memref_squeeze %dma_start3A_217 : memref<1x!tpu.dma_semaphore, #tpu.memory_space<semaphore_mem>> -> memref<!tpu.dma_semaphore, #tpu.memory_space<semaphore_mem>>
    tpu.enqueue_indirect_dma source(%dma_start3A_216 : memref<10000x8xf32, #tpu.memory_space<vmem_shared>>) target(%dma_start3A_210 : memref<80x8xf32, #tpu.memory_space<vmem>>) offsets(%dma_start3A_213 : memref<80xi32, #tpu.memory_space<vmem>>) semaphore(%dma_start3A_218 : memref<!tpu.dma_semaphore, #tpu.memory_space<semaphore_mem>>)
    %dma_start3A_219 = arith.constant 0 : i32
    %dma_start3A_220 = arith.constant 0 : i32
    %dma_start3A_221 = arith.constant 0 : i32
    %dma_start3A_222 = arith.constant 0 : i32
    %dma_start3A_223 = arith.constant 0 : i32
    %dma_start3A_224 = tpu.memref_slice %arg16[%dma_start3A_220, %dma_start3A_222, %dma_start3A_223] : memref<2x80x8xf32, #tpu.memory_space<vmem>> -> memref<1x80x8xf32, #tpu.memory_space<vmem>>
    %dma_start3A_225 = tpu.memref_squeeze %dma_start3A_224 : memref<1x80x8xf32, #tpu.memory_space<vmem>> -> memref<80x8xf32, #tpu.memory_space<vmem>>
    %dma_start3A_226 = arith.constant 0 : i32
    %dma_start3A_227 = tpu.memref_slice %arg14[%dma_start3A_219, %dma_start3A_226] : memref<4x80xi32, #tpu.memory_space<vmem>> -> memref<1x80xi32, #tpu.memory_space<vmem>>
    %dma_start3A_228 = tpu.memref_squeeze %dma_start3A_227 : memref<1x80xi32, #tpu.memory_space<vmem>> -> memref<80xi32, #tpu.memory_space<vmem>>
    %dma_start3A_229 = arith.constant 0 : i32
    %dma_start3A_230 = arith.constant 0 : i32
    %dma_start3A_231 = tpu.memref_slice %arg11[%dma_start3A_229, %dma_start3A_230] : memref<10000x8xf32, #tpu.memory_space<vmem_shared>> -> memref<10000x8xf32, #tpu.memory_space<vmem_shared>>
    %dma_start3A_232 = tpu.memref_slice %arg20[%dma_start3A_221] : memref<2x!tpu.dma_semaphore, #tpu.memory_space<semaphore_mem>> -> memref<1x!tpu.dma_semaphore, #tpu.memory_space<semaphore_mem>>
    %dma_start3A_233 = tpu.memref_squeeze %dma_start3A_232 : memref<1x!tpu.dma_semaphore, #tpu.memory_space<semaphore_mem>> -> memref<!tpu.dma_semaphore, #tpu.memory_space<semaphore_mem>>
    tpu.enqueue_indirect_dma source(%dma_start3A_231 : memref<10000x8xf32, #tpu.memory_space<vmem_shared>>) target(%dma_start3A_225 : memref<80x8xf32, #tpu.memory_space<vmem>>) offsets(%dma_start3A_228 : memref<80xi32, #tpu.memory_space<vmem>>) semaphore(%dma_start3A_233 : memref<!tpu.dma_semaphore, #tpu.memory_space<semaphore_mem>>)
    %dma_start3A_234 = arith.constant 0 : i32
    %dma_start3A_235 = arith.constant 0 : i32
    %dma_start3A_236 = arith.constant 0 : i32
    %dma_start3A_237 = arith.constant 0 : i32
    %dma_start3A_238 = arith.constant 0 : i32
    %dma_start3A_239 = tpu.memref_slice %arg17[%dma_start3A_235, %dma_start3A_237, %dma_start3A_238] : memref<2x80x64xf32, #tpu.memory_space<vmem>> -> memref<1x80x64xf32, #tpu.memory_space<vmem>>
    %dma_start3A_240 = tpu.memref_squeeze %dma_start3A_239 : memref<1x80x64xf32, #tpu.memory_space<vmem>> -> memref<80x64xf32, #tpu.memory_space<vmem>>
    %dma_start3A_241 = arith.constant 0 : i32
    %dma_start3A_242 = tpu.memref_slice %arg13[%dma_start3A_234, %dma_start3A_241] : memref<4x80xi32, #tpu.memory_space<vmem>> -> memref<1x80xi32, #tpu.memory_space<vmem>>
    %dma_start3A_243 = tpu.memref_squeeze %dma_start3A_242 : memref<1x80xi32, #tpu.memory_space<vmem>> -> memref<80xi32, #tpu.memory_space<vmem>>
    %dma_start3A_244 = arith.constant 0 : i32
    %dma_start3A_245 = arith.constant 0 : i32
    %dma_start3A_246 = tpu.memref_slice %arg9[%dma_start3A_244, %dma_start3A_245] : memref<10000x64xf32, #tpu.memory_space<vmem_shared>> -> memref<10000x64xf32, #tpu.memory_space<vmem_shared>>
    %dma_start3A_247 = tpu.memref_slice %arg20[%dma_start3A_236] : memref<2x!tpu.dma_semaphore, #tpu.memory_space<semaphore_mem>> -> memref<1x!tpu.dma_semaphore, #tpu.memory_space<semaphore_mem>>
    %dma_start3A_248 = tpu.memref_squeeze %dma_start3A_247 : memref<1x!tpu.dma_semaphore, #tpu.memory_space<semaphore_mem>> -> memref<!tpu.dma_semaphore, #tpu.memory_space<semaphore_mem>>
    tpu.enqueue_indirect_dma source(%dma_start3A_246 : memref<10000x64xf32, #tpu.memory_space<vmem_shared>>) target(%dma_start3A_240 : memref<80x64xf32, #tpu.memory_space<vmem>>) offsets(%dma_start3A_243 : memref<80xi32, #tpu.memory_space<vmem>>) semaphore(%dma_start3A_248 : memref<!tpu.dma_semaphore, #tpu.memory_space<semaphore_mem>>)
    %scan3A = arith.constant 0 : i32
    %scan3A_249 = arith.constant 0 : i32
    %scan3A_250 = arith.constant 128 : i32
    %scan3A_251 = arith.addi %scan3A_249, %scan3A_250 : i32
    %scan3A_252 = arith.constant 1 : i32
    scf.for %scan3A_285 = %scan3A_249 to %scan3A_251 step %scan3A_252  : i32 {
      %rem3A_286 = arith.constant 2 : i32
      %rem3A_287 = arith.remsi %scan3A_285, %rem3A_286 : i32
      %sub3A_288 = arith.constant 1 : i32
      %sub3A_289 = arith.subi %sub3A_288, %rem3A_287 : i32
      %rem3A_290 = arith.constant 4 : i32
      %rem3A_291 = arith.remsi %scan3A_285, %rem3A_290 : i32
      %dma_wait3A_292 = arith.constant 0 : i32
      %dma_wait3A_293 = arith.constant 0 : i32
      %dma_wait3A_294 = tpu.memref_slice %arg15[%rem3A_287, %dma_wait3A_292, %dma_wait3A_293] : memref<2x80x8xf32, #tpu.memory_space<vmem>> -> memref<1x80x8xf32, #tpu.memory_space<vmem>>
      %dma_wait3A_295 = tpu.memref_squeeze %dma_wait3A_294 : memref<1x80x8xf32, #tpu.memory_space<vmem>> -> memref<80x8xf32, #tpu.memory_space<vmem>>
      %dma_wait3A_296 = arith.constant 0 : i32
      %dma_wait3A_297 = tpu.memref_slice %arg13[%rem3A_291, %dma_wait3A_296] : memref<4x80xi32, #tpu.memory_space<vmem>> -> memref<1x80xi32, #tpu.memory_space<vmem>>
      %dma_wait3A_298 = tpu.memref_squeeze %dma_wait3A_297 : memref<1x80xi32, #tpu.memory_space<vmem>> -> memref<80xi32, #tpu.memory_space<vmem>>
      %dma_wait3A_299 = arith.constant 0 : i32
      %dma_wait3A_300 = arith.constant 0 : i32
      %dma_wait3A_301 = tpu.memref_slice %arg10[%dma_wait3A_299, %dma_wait3A_300] : memref<10000x8xf32, #tpu.memory_space<vmem_shared>> -> memref<10000x8xf32, #tpu.memory_space<vmem_shared>>
      %dma_wait3A_302 = tpu.memref_slice %arg20[%rem3A_287] : memref<2x!tpu.dma_semaphore, #tpu.memory_space<semaphore_mem>> -> memref<1x!tpu.dma_semaphore, #tpu.memory_space<semaphore_mem>>
      %dma_wait3A_303 = tpu.memref_squeeze %dma_wait3A_302 : memref<1x!tpu.dma_semaphore, #tpu.memory_space<semaphore_mem>> -> memref<!tpu.dma_semaphore, #tpu.memory_space<semaphore_mem>>
      tpu.wait_indirect_dma semaphore(%dma_wait3A_303 : memref<!tpu.dma_semaphore, #tpu.memory_space<semaphore_mem>>) src(%dma_wait3A_301 : memref<10000x8xf32, #tpu.memory_space<vmem_shared>>) dst(%dma_wait3A_295 : memref<80x8xf32, #tpu.memory_space<vmem>>)
      %dma_wait3A_304 = arith.constant 0 : i32
      %dma_wait3A_305 = arith.constant 0 : i32
      %dma_wait3A_306 = tpu.memref_slice %arg16[%rem3A_287, %dma_wait3A_304, %dma_wait3A_305] : memref<2x80x8xf32, #tpu.memory_space<vmem>> -> memref<1x80x8xf32, #tpu.memory_space<vmem>>
      %dma_wait3A_307 = tpu.memref_squeeze %dma_wait3A_306 : memref<1x80x8xf32, #tpu.memory_space<vmem>> -> memref<80x8xf32, #tpu.memory_space<vmem>>
      %dma_wait3A_308 = arith.constant 0 : i32
      %dma_wait3A_309 = tpu.memref_slice %arg14[%rem3A_291, %dma_wait3A_308] : memref<4x80xi32, #tpu.memory_space<vmem>> -> memref<1x80xi32, #tpu.memory_space<vmem>>
      %dma_wait3A_310 = tpu.memref_squeeze %dma_wait3A_309 : memref<1x80xi32, #tpu.memory_space<vmem>> -> memref<80xi32, #tpu.memory_space<vmem>>
      %dma_wait3A_311 = arith.constant 0 : i32
      %dma_wait3A_312 = arith.constant 0 : i32
      %dma_wait3A_313 = tpu.memref_slice %arg11[%dma_wait3A_311, %dma_wait3A_312] : memref<10000x8xf32, #tpu.memory_space<vmem_shared>> -> memref<10000x8xf32, #tpu.memory_space<vmem_shared>>
      %dma_wait3A_314 = tpu.memref_slice %arg20[%rem3A_287] : memref<2x!tpu.dma_semaphore, #tpu.memory_space<semaphore_mem>> -> memref<1x!tpu.dma_semaphore, #tpu.memory_space<semaphore_mem>>
      %dma_wait3A_315 = tpu.memref_squeeze %dma_wait3A_314 : memref<1x!tpu.dma_semaphore, #tpu.memory_space<semaphore_mem>> -> memref<!tpu.dma_semaphore, #tpu.memory_space<semaphore_mem>>
      tpu.wait_indirect_dma semaphore(%dma_wait3A_315 : memref<!tpu.dma_semaphore, #tpu.memory_space<semaphore_mem>>) src(%dma_wait3A_313 : memref<10000x8xf32, #tpu.memory_space<vmem_shared>>) dst(%dma_wait3A_307 : memref<80x8xf32, #tpu.memory_space<vmem>>)
      %dma_wait3A_316 = arith.constant 0 : i32
      %dma_wait3A_317 = arith.constant 0 : i32
      %dma_wait3A_318 = tpu.memref_slice %arg17[%rem3A_287, %dma_wait3A_316, %dma_wait3A_317] : memref<2x80x64xf32, #tpu.memory_space<vmem>> -> memref<1x80x64xf32, #tpu.memory_space<vmem>>
      %dma_wait3A_319 = tpu.memref_squeeze %dma_wait3A_318 : memref<1x80x64xf32, #tpu.memory_space<vmem>> -> memref<80x64xf32, #tpu.memory_space<vmem>>
      %dma_wait3A_320 = arith.constant 0 : i32
      %dma_wait3A_321 = tpu.memref_slice %arg13[%rem3A_291, %dma_wait3A_320] : memref<4x80xi32, #tpu.memory_space<vmem>> -> memref<1x80xi32, #tpu.memory_space<vmem>>
      %dma_wait3A_322 = tpu.memref_squeeze %dma_wait3A_321 : memref<1x80xi32, #tpu.memory_space<vmem>> -> memref<80xi32, #tpu.memory_space<vmem>>
      %dma_wait3A_323 = arith.constant 0 : i32
      %dma_wait3A_324 = arith.constant 0 : i32
      %dma_wait3A_325 = tpu.memref_slice %arg9[%dma_wait3A_323, %dma_wait3A_324] : memref<10000x64xf32, #tpu.memory_space<vmem_shared>> -> memref<10000x64xf32, #tpu.memory_space<vmem_shared>>
      %dma_wait3A_326 = tpu.memref_slice %arg20[%rem3A_287] : memref<2x!tpu.dma_semaphore, #tpu.memory_space<semaphore_mem>> -> memref<1x!tpu.dma_semaphore, #tpu.memory_space<semaphore_mem>>
      %dma_wait3A_327 = tpu.memref_squeeze %dma_wait3A_326 : memref<1x!tpu.dma_semaphore, #tpu.memory_space<semaphore_mem>> -> memref<!tpu.dma_semaphore, #tpu.memory_space<semaphore_mem>>
      tpu.wait_indirect_dma semaphore(%dma_wait3A_327 : memref<!tpu.dma_semaphore, #tpu.memory_space<semaphore_mem>>) src(%dma_wait3A_325 : memref<10000x64xf32, #tpu.memory_space<vmem_shared>>) dst(%dma_wait3A_319 : memref<80x64xf32, #tpu.memory_space<vmem>>)
      %ge3A = arith.constant 2 : i32
      %ge3A_328 = arith.cmpi sge, %scan3A_285, %ge3A : i32
      %convert_element_type3A = arith.extui %ge3A_328 : i1 to i32
      %cond3A = arith.constant 0 : i32
      %cond3A_329 = arith.cmpi ne, %convert_element_type3A, %cond3A : i32
      scf.if %cond3A_329 {
        %sub3A_359 = arith.constant 2 : i32
        %sub3A_360 = arith.subi %scan3A_285, %sub3A_359 : i32
        %rem3A_361 = arith.constant 4 : i32
        %rem3A_362 = arith.remsi %sub3A_360, %rem3A_361 : i32
        %dma_wait3A_363 = arith.constant 0 : i32
        %dma_wait3A_364 = arith.constant 0 : i32
        %dma_wait3A_365 = tpu.memref_slice %arg18[%rem3A_287, %dma_wait3A_363, %dma_wait3A_364] : memref<2x80x72xf32, #tpu.memory_space<vmem>> -> memref<1x80x72xf32, #tpu.memory_space<vmem>>
        %dma_wait3A_366 = tpu.memref_squeeze %dma_wait3A_365 : memref<1x80x72xf32, #tpu.memory_space<vmem>> -> memref<80x72xf32, #tpu.memory_space<vmem>>
        %dma_wait3A_367 = arith.constant 0 : i32
        %dma_wait3A_368 = tpu.memref_slice %arg14[%rem3A_362, %dma_wait3A_367] : memref<4x80xi32, #tpu.memory_space<vmem>> -> memref<1x80xi32, #tpu.memory_space<vmem>>
        %dma_wait3A_369 = tpu.memref_squeeze %dma_wait3A_368 : memref<1x80xi32, #tpu.memory_space<vmem>> -> memref<80xi32, #tpu.memory_space<vmem>>
        %dma_wait3A_370 = arith.constant 0 : i32
        %dma_wait3A_371 = arith.constant 0 : i32
        %dma_wait3A_372 = tpu.memref_slice %arg12[%dma_wait3A_370, %dma_wait3A_371] : memref<10128x72xf32, #tpu.memory_space<vmem_shared>> -> memref<10128x72xf32, #tpu.memory_space<vmem_shared>>
        %dma_wait3A_373 = tpu.memref_slice %arg21[%rem3A_287] : memref<2x!tpu.dma_semaphore, #tpu.memory_space<semaphore_mem>> -> memref<1x!tpu.dma_semaphore, #tpu.memory_space<semaphore_mem>>
        %dma_wait3A_374 = tpu.memref_squeeze %dma_wait3A_373 : memref<1x!tpu.dma_semaphore, #tpu.memory_space<semaphore_mem>> -> memref<!tpu.dma_semaphore, #tpu.memory_space<semaphore_mem>>
        tpu.wait_indirect_dma semaphore(%dma_wait3A_374 : memref<!tpu.dma_semaphore, #tpu.memory_space<semaphore_mem>>) src(%dma_wait3A_366 : memref<80x72xf32, #tpu.memory_space<vmem>>) dst(%dma_wait3A_372 : memref<10128x72xf32, #tpu.memory_space<vmem_shared>>)
      } else {
      }
      %lt3A_330 = arith.constant 127 : i32
      %lt3A_331 = arith.cmpi slt, %scan3A_285, %lt3A_330 : i32
      %convert_element_type3A_332 = arith.extui %lt3A_331 : i1 to i32
      %cond3A_333 = arith.constant 0 : i32
      %cond3A_334 = arith.cmpi ne, %convert_element_type3A_332, %cond3A_333 : i32
      scf.if %cond3A_334 {
        %add3A_359 = arith.constant 1 : i32
        %add3A_360 = arith.addi %scan3A_285, %add3A_359 : i32
        %rem3A_361 = arith.constant 4 : i32
        %rem3A_362 = arith.remsi %add3A_360, %rem3A_361 : i32
        %dma_wait3A_363 = arith.constant 0 : i32
        %dma_wait3A_364 = tpu.memref_slice %arg13[%rem3A_362, %dma_wait3A_363] : memref<4x80xi32, #tpu.memory_space<vmem>> -> memref<1x80xi32, #tpu.memory_space<vmem>>
        %dma_wait3A_365 = arith.constant 0 : i32
        %dma_wait3A_366 = arith.constant 0 : i32
        %dma_wait3A_367 = tpu.memref_slice %arg5[%dma_wait3A_365, %dma_wait3A_366] : memref<4096x80xi32, #tpu.memory_space<hbm>> -> memref<1x80xi32, #tpu.memory_space<hbm>>
        %dma_wait3A_368 = tpu.memref_slice %arg19[%rem3A_362] : memref<4x!tpu.dma_semaphore, #tpu.memory_space<semaphore_mem>> -> memref<1x!tpu.dma_semaphore, #tpu.memory_space<semaphore_mem>>
        %dma_wait3A_369 = tpu.memref_squeeze %dma_wait3A_368 : memref<1x!tpu.dma_semaphore, #tpu.memory_space<semaphore_mem>> -> memref<!tpu.dma_semaphore, #tpu.memory_space<semaphore_mem>>
        %dma_wait3A_370 = arith.constant 0 : i32
        %dma_wait3A_371 = tpu.memref_slice %arg13[%rem3A_362, %dma_wait3A_370] : memref<4x80xi32, #tpu.memory_space<vmem>> -> memref<1x80xi32, #tpu.memory_space<vmem>>
        %dma_wait3A_372 = arith.constant 0 : i32
        %dma_wait3A_373 = arith.constant 0 : i32
        %dma_wait3A_374 = tpu.memref_slice %arg5[%dma_wait3A_372, %dma_wait3A_373] : memref<4096x80xi32, #tpu.memory_space<hbm>> -> memref<1x80xi32, #tpu.memory_space<hbm>>
        tpu.wait_dma2 semaphore(%dma_wait3A_369 : memref<!tpu.dma_semaphore, #tpu.memory_space<semaphore_mem>>) src(%dma_wait3A_374 : memref<1x80xi32, #tpu.memory_space<hbm>>) dst(%dma_wait3A_371 : memref<1x80xi32, #tpu.memory_space<vmem>>)
        %dma_wait3A_375 = arith.constant 0 : i32
        %dma_wait3A_376 = tpu.memref_slice %arg14[%rem3A_362, %dma_wait3A_375] : memref<4x80xi32, #tpu.memory_space<vmem>> -> memref<1x80xi32, #tpu.memory_space<vmem>>
        %dma_wait3A_377 = arith.constant 0 : i32
        %dma_wait3A_378 = arith.constant 0 : i32
        %dma_wait3A_379 = tpu.memref_slice %arg6[%dma_wait3A_377, %dma_wait3A_378] : memref<4096x80xi32, #tpu.memory_space<hbm>> -> memref<1x80xi32, #tpu.memory_space<hbm>>
        %dma_wait3A_380 = tpu.memref_slice %arg19[%rem3A_362] : memref<4x!tpu.dma_semaphore, #tpu.memory_space<semaphore_mem>> -> memref<1x!tpu.dma_semaphore, #tpu.memory_space<semaphore_mem>>
        %dma_wait3A_381 = tpu.memref_squeeze %dma_wait3A_380 : memref<1x!tpu.dma_semaphore, #tpu.memory_space<semaphore_mem>> -> memref<!tpu.dma_semaphore, #tpu.memory_space<semaphore_mem>>
        %dma_wait3A_382 = arith.constant 0 : i32
        %dma_wait3A_383 = tpu.memref_slice %arg14[%rem3A_362, %dma_wait3A_382] : memref<4x80xi32, #tpu.memory_space<vmem>> -> memref<1x80xi32, #tpu.memory_space<vmem>>
        %dma_wait3A_384 = arith.constant 0 : i32
        %dma_wait3A_385 = arith.constant 0 : i32
        %dma_wait3A_386 = tpu.memref_slice %arg6[%dma_wait3A_384, %dma_wait3A_385] : memref<4096x80xi32, #tpu.memory_space<hbm>> -> memref<1x80xi32, #tpu.memory_space<hbm>>
        tpu.wait_dma2 semaphore(%dma_wait3A_381 : memref<!tpu.dma_semaphore, #tpu.memory_space<semaphore_mem>>) src(%dma_wait3A_386 : memref<1x80xi32, #tpu.memory_space<hbm>>) dst(%dma_wait3A_383 : memref<1x80xi32, #tpu.memory_space<vmem>>)
        %add3A_387 = arith.constant 1 : i32
        %add3A_388 = arith.addi %scan3A_285, %add3A_387 : i32
        %rem3A_389 = arith.constant 4 : i32
        %rem3A_390 = arith.remsi %add3A_388, %rem3A_389 : i32
        %dma_start3A_391 = arith.constant 0 : i32
        %dma_start3A_392 = arith.constant 0 : i32
        %dma_start3A_393 = tpu.memref_slice %arg15[%sub3A_289, %dma_start3A_391, %dma_start3A_392] : memref<2x80x8xf32, #tpu.memory_space<vmem>> -> memref<1x80x8xf32, #tpu.memory_space<vmem>>
        %dma_start3A_394 = tpu.memref_squeeze %dma_start3A_393 : memref<1x80x8xf32, #tpu.memory_space<vmem>> -> memref<80x8xf32, #tpu.memory_space<vmem>>
        %dma_start3A_395 = arith.constant 0 : i32
        %dma_start3A_396 = tpu.memref_slice %arg13[%rem3A_390, %dma_start3A_395] : memref<4x80xi32, #tpu.memory_space<vmem>> -> memref<1x80xi32, #tpu.memory_space<vmem>>
        %dma_start3A_397 = tpu.memref_squeeze %dma_start3A_396 : memref<1x80xi32, #tpu.memory_space<vmem>> -> memref<80xi32, #tpu.memory_space<vmem>>
        %dma_start3A_398 = arith.constant 0 : i32
        %dma_start3A_399 = arith.constant 0 : i32
        %dma_start3A_400 = tpu.memref_slice %arg10[%dma_start3A_398, %dma_start3A_399] : memref<10000x8xf32, #tpu.memory_space<vmem_shared>> -> memref<10000x8xf32, #tpu.memory_space<vmem_shared>>
        %dma_start3A_401 = tpu.memref_slice %arg20[%sub3A_289] : memref<2x!tpu.dma_semaphore, #tpu.memory_space<semaphore_mem>> -> memref<1x!tpu.dma_semaphore, #tpu.memory_space<semaphore_mem>>
        %dma_start3A_402 = tpu.memref_squeeze %dma_start3A_401 : memref<1x!tpu.dma_semaphore, #tpu.memory_space<semaphore_mem>> -> memref<!tpu.dma_semaphore, #tpu.memory_space<semaphore_mem>>
        tpu.enqueue_indirect_dma source(%dma_start3A_400 : memref<10000x8xf32, #tpu.memory_space<vmem_shared>>) target(%dma_start3A_394 : memref<80x8xf32, #tpu.memory_space<vmem>>) offsets(%dma_start3A_397 : memref<80xi32, #tpu.memory_space<vmem>>) semaphore(%dma_start3A_402 : memref<!tpu.dma_semaphore, #tpu.memory_space<semaphore_mem>>)
        %dma_start3A_403 = arith.constant 0 : i32
        %dma_start3A_404 = arith.constant 0 : i32
        %dma_start3A_405 = tpu.memref_slice %arg16[%sub3A_289, %dma_start3A_403, %dma_start3A_404] : memref<2x80x8xf32, #tpu.memory_space<vmem>> -> memref<1x80x8xf32, #tpu.memory_space<vmem>>
        %dma_start3A_406 = tpu.memref_squeeze %dma_start3A_405 : memref<1x80x8xf32, #tpu.memory_space<vmem>> -> memref<80x8xf32, #tpu.memory_space<vmem>>
        %dma_start3A_407 = arith.constant 0 : i32
        %dma_start3A_408 = tpu.memref_slice %arg14[%rem3A_390, %dma_start3A_407] : memref<4x80xi32, #tpu.memory_space<vmem>> -> memref<1x80xi32, #tpu.memory_space<vmem>>
        %dma_start3A_409 = tpu.memref_squeeze %dma_start3A_408 : memref<1x80xi32, #tpu.memory_space<vmem>> -> memref<80xi32, #tpu.memory_space<vmem>>
        %dma_start3A_410 = arith.constant 0 : i32
        %dma_start3A_411 = arith.constant 0 : i32
        %dma_start3A_412 = tpu.memref_slice %arg11[%dma_start3A_410, %dma_start3A_411] : memref<10000x8xf32, #tpu.memory_space<vmem_shared>> -> memref<10000x8xf32, #tpu.memory_space<vmem_shared>>
        %dma_start3A_413 = tpu.memref_slice %arg20[%sub3A_289] : memref<2x!tpu.dma_semaphore, #tpu.memory_space<semaphore_mem>> -> memref<1x!tpu.dma_semaphore, #tpu.memory_space<semaphore_mem>>
        %dma_start3A_414 = tpu.memref_squeeze %dma_start3A_413 : memref<1x!tpu.dma_semaphore, #tpu.memory_space<semaphore_mem>> -> memref<!tpu.dma_semaphore, #tpu.memory_space<semaphore_mem>>
        tpu.enqueue_indirect_dma source(%dma_start3A_412 : memref<10000x8xf32, #tpu.memory_space<vmem_shared>>) target(%dma_start3A_406 : memref<80x8xf32, #tpu.memory_space<vmem>>) offsets(%dma_start3A_409 : memref<80xi32, #tpu.memory_space<vmem>>) semaphore(%dma_start3A_414 : memref<!tpu.dma_semaphore, #tpu.memory_space<semaphore_mem>>)
        %dma_start3A_415 = arith.constant 0 : i32
        %dma_start3A_416 = arith.constant 0 : i32
        %dma_start3A_417 = tpu.memref_slice %arg17[%sub3A_289, %dma_start3A_415, %dma_start3A_416] : memref<2x80x64xf32, #tpu.memory_space<vmem>> -> memref<1x80x64xf32, #tpu.memory_space<vmem>>
        %dma_start3A_418 = tpu.memref_squeeze %dma_start3A_417 : memref<1x80x64xf32, #tpu.memory_space<vmem>> -> memref<80x64xf32, #tpu.memory_space<vmem>>
        %dma_start3A_419 = arith.constant 0 : i32
        %dma_start3A_420 = tpu.memref_slice %arg13[%rem3A_390, %dma_start3A_419] : memref<4x80xi32, #tpu.memory_space<vmem>> -> memref<1x80xi32, #tpu.memory_space<vmem>>
        %dma_start3A_421 = tpu.memref_squeeze %dma_start3A_420 : memref<1x80xi32, #tpu.memory_space<vmem>> -> memref<80xi32, #tpu.memory_space<vmem>>
        %dma_start3A_422 = arith.constant 0 : i32
        %dma_start3A_423 = arith.constant 0 : i32
        %dma_start3A_424 = tpu.memref_slice %arg9[%dma_start3A_422, %dma_start3A_423] : memref<10000x64xf32, #tpu.memory_space<vmem_shared>> -> memref<10000x64xf32, #tpu.memory_space<vmem_shared>>
        %dma_start3A_425 = tpu.memref_slice %arg20[%sub3A_289] : memref<2x!tpu.dma_semaphore, #tpu.memory_space<semaphore_mem>> -> memref<1x!tpu.dma_semaphore, #tpu.memory_space<semaphore_mem>>
        %dma_start3A_426 = tpu.memref_squeeze %dma_start3A_425 : memref<1x!tpu.dma_semaphore, #tpu.memory_space<semaphore_mem>> -> memref<!tpu.dma_semaphore, #tpu.memory_space<semaphore_mem>>
        tpu.enqueue_indirect_dma source(%dma_start3A_424 : memref<10000x64xf32, #tpu.memory_space<vmem_shared>>) target(%dma_start3A_418 : memref<80x64xf32, #tpu.memory_space<vmem>>) offsets(%dma_start3A_421 : memref<80xi32, #tpu.memory_space<vmem>>) semaphore(%dma_start3A_426 : memref<!tpu.dma_semaphore, #tpu.memory_space<semaphore_mem>>)
      } else {
      }
      %lt3A_335 = arith.constant 126 : i32
      %lt3A_336 = arith.cmpi slt, %scan3A_285, %lt3A_335 : i32
      %convert_element_type3A_337 = arith.extui %lt3A_336 : i1 to i32
      %cond3A_338 = arith.constant 0 : i32
      %cond3A_339 = arith.cmpi ne, %convert_element_type3A_337, %cond3A_338 : i32
      scf.if %cond3A_339 {
        %add3A_359 = arith.constant 2 : i32
        %add3A_360 = arith.addi %scan3A_285, %add3A_359 : i32
        %add3A_361 = arith.constant 2 : i32
        %add3A_362 = arith.addi %scan3A_285, %add3A_361 : i32
        %rem3A_363 = arith.constant 4 : i32
        %rem3A_364 = arith.remsi %add3A_362, %rem3A_363 : i32
        %add3A_365 = arith.addi %mul3A_115, %add3A_360 : i32
        %dma_start3A_366 = arith.constant 0 : i32
        %dma_start3A_367 = tpu.memref_slice %arg13[%rem3A_364, %dma_start3A_366] : memref<4x80xi32, #tpu.memory_space<vmem>> -> memref<1x80xi32, #tpu.memory_space<vmem>>
        %dma_start3A_368 = arith.constant 0 : i32
        %dma_start3A_369 = tpu.memref_slice %arg5[%add3A_365, %dma_start3A_368] : memref<4096x80xi32, #tpu.memory_space<hbm>> -> memref<1x80xi32, #tpu.memory_space<hbm>>
        %dma_start3A_370 = tpu.memref_slice %arg19[%rem3A_364] : memref<4x!tpu.dma_semaphore, #tpu.memory_space<semaphore_mem>> -> memref<1x!tpu.dma_semaphore, #tpu.memory_space<semaphore_mem>>
        %dma_start3A_371 = tpu.memref_squeeze %dma_start3A_370 : memref<1x!tpu.dma_semaphore, #tpu.memory_space<semaphore_mem>> -> memref<!tpu.dma_semaphore, #tpu.memory_space<semaphore_mem>>
        %dma_start3A_372 = arith.constant 0 : i32
        %dma_start3A_373 = tpu.memref_slice %arg13[%rem3A_364, %dma_start3A_372] : memref<4x80xi32, #tpu.memory_space<vmem>> -> memref<1x80xi32, #tpu.memory_space<vmem>>
        %dma_start3A_374 = arith.constant 0 : i32
        %dma_start3A_375 = tpu.memref_slice %arg5[%add3A_365, %dma_start3A_374] : memref<4096x80xi32, #tpu.memory_space<hbm>> -> memref<1x80xi32, #tpu.memory_space<hbm>>
        tpu.enqueue_dma source(%dma_start3A_375 : memref<1x80xi32, #tpu.memory_space<hbm>>) target(%dma_start3A_373 : memref<1x80xi32, #tpu.memory_space<vmem>>) target_semaphore(%dma_start3A_371 : memref<!tpu.dma_semaphore, #tpu.memory_space<semaphore_mem>>)
        %add3A_376 = arith.addi %mul3A_115, %add3A_360 : i32
        %dma_start3A_377 = arith.constant 0 : i32
        %dma_start3A_378 = tpu.memref_slice %arg14[%rem3A_364, %dma_start3A_377] : memref<4x80xi32, #tpu.memory_space<vmem>> -> memref<1x80xi32, #tpu.memory_space<vmem>>
        %dma_start3A_379 = arith.constant 0 : i32
        %dma_start3A_380 = tpu.memref_slice %arg6[%add3A_376, %dma_start3A_379] : memref<4096x80xi32, #tpu.memory_space<hbm>> -> memref<1x80xi32, #tpu.memory_space<hbm>>
        %dma_start3A_381 = tpu.memref_slice %arg19[%rem3A_364] : memref<4x!tpu.dma_semaphore, #tpu.memory_space<semaphore_mem>> -> memref<1x!tpu.dma_semaphore, #tpu.memory_space<semaphore_mem>>
        %dma_start3A_382 = tpu.memref_squeeze %dma_start3A_381 : memref<1x!tpu.dma_semaphore, #tpu.memory_space<semaphore_mem>> -> memref<!tpu.dma_semaphore, #tpu.memory_space<semaphore_mem>>
        %dma_start3A_383 = arith.constant 0 : i32
        %dma_start3A_384 = tpu.memref_slice %arg14[%rem3A_364, %dma_start3A_383] : memref<4x80xi32, #tpu.memory_space<vmem>> -> memref<1x80xi32, #tpu.memory_space<vmem>>
        %dma_start3A_385 = arith.constant 0 : i32
        %dma_start3A_386 = tpu.memref_slice %arg6[%add3A_376, %dma_start3A_385] : memref<4096x80xi32, #tpu.memory_space<hbm>> -> memref<1x80xi32, #tpu.memory_space<hbm>>
        tpu.enqueue_dma source(%dma_start3A_386 : memref<1x80xi32, #tpu.memory_space<hbm>>) target(%dma_start3A_384 : memref<1x80xi32, #tpu.memory_space<vmem>>) target_semaphore(%dma_start3A_382 : memref<!tpu.dma_semaphore, #tpu.memory_space<semaphore_mem>>)
      } else {
      }
      %broadcast_in_dim3A_340 = vector.broadcast %rem3A_287 : i32 to vector<16xi32>
      %scan3A_341 = arith.constant 0 : i32
      %scan3A_342 = arith.constant 0 : i32
      %scan3A_343 = arith.constant 5 : i32
      %scan3A_344 = arith.addi %scan3A_342, %scan3A_343 : i32
      %scan3A_345 = arith.constant 1 : i32
      scf.for %scan3A_359 = %scan3A_342 to %scan3A_344 step %scan3A_345  : i32 {
        %mul3A_360 = arith.constant 8 : i32
        %mul3A_361 = arith.muli %mul3A_360, %scan3A_359 : i32
        %add3A_362 = arith.constant 0 : i32
        %add3A_363 = arith.addi %mul3A_361, %add3A_362 : i32
        %mul3A_364 = arith.constant 2 : i32
        %mul3A_365 = arith.muli %mul3A_364, %add3A_363 : i32
        %add3A_366 = vector.broadcast %mul3A_365 : i32 to vector<16xi32>
        %add3A_367 = arith.addi %add3A_366, %select_n3A : vector<16xi32>
        %gather3A = tpu.vector_load_idx %arg15[%broadcast_in_dim3A_340, %add3A_367, %select_n3A_50] : memref<2x80x8xf32, #tpu.memory_space<vmem>>[vector<16xi32>, vector<16xi32>, vector<16xi32>], vector<16xf32>,
        %gather3A_368 = tpu.vector_load_idx %arg16[%broadcast_in_dim3A_340, %add3A_367, %select_n3A_50] : memref<2x80x8xf32, #tpu.memory_space<vmem>>[vector<16xi32>, vector<16xi32>, vector<16xi32>], vector<16xf32>,
        %add3A_369 = arith.addf %gather3A, %gather3A_368 : vector<16xf32>
        %mul3A_370 = arith.constant 2.000000e-01 : f32
        %mul3A_371 = vector.broadcast %mul3A_370 : f32 to vector<16xf32>
        %mul3A_372 = arith.mulf %mul3A_371, %add3A_369 : vector<16xf32>
        %max3A = arith.maximumf %add3A_369, %mul3A_372 : vector<16xf32>
        %exp3A = math.exp %max3A : vector<16xf32>
        %add3A_373 = arith.constant 64 : i32
        %add3A_374 = vector.broadcast %add3A_373 : i32 to vector<16xi32>
        %add3A_375 = arith.addi %add3A_374, %select_n3A_50 : vector<16xi32>
        tpu.vector_store_idx %arg18[%broadcast_in_dim3A_340, %add3A_367, %add3A_375], %exp3A : memref<2x80x72xf32, #tpu.memory_space<vmem>>[vector<16xi32>, vector<16xi32>, vector<16xi32>], vector<16xf32>,
        %mul3A_376 = arith.constant 8 : i32
        %mul3A_377 = arith.muli %mul3A_376, %scan3A_359 : i32
        %add3A_378 = arith.constant 1 : i32
        %add3A_379 = arith.addi %mul3A_377, %add3A_378 : i32
        %mul3A_380 = arith.constant 2 : i32
        %mul3A_381 = arith.muli %mul3A_380, %add3A_379 : i32
        %add3A_382 = vector.broadcast %mul3A_381 : i32 to vector<16xi32>
        %add3A_383 = arith.addi %add3A_382, %select_n3A : vector<16xi32>
        %gather3A_384 = tpu.vector_load_idx %arg15[%broadcast_in_dim3A_340, %add3A_383, %select_n3A_50] : memref<2x80x8xf32, #tpu.memory_space<vmem>>[vector<16xi32>, vector<16xi32>, vector<16xi32>], vector<16xf32>,
        %gather3A_385 = tpu.vector_load_idx %arg16[%broadcast_in_dim3A_340, %add3A_383, %select_n3A_50] : memref<2x80x8xf32, #tpu.memory_space<vmem>>[vector<16xi32>, vector<16xi32>, vector<16xi32>], vector<16xf32>,
        %add3A_386 = arith.addf %gather3A_384, %gather3A_385 : vector<16xf32>
        %mul3A_387 = arith.constant 2.000000e-01 : f32
        %mul3A_388 = vector.broadcast %mul3A_387 : f32 to vector<16xf32>
        %mul3A_389 = arith.mulf %mul3A_388, %add3A_386 : vector<16xf32>
        %max3A_390 = arith.maximumf %add3A_386, %mul3A_389 : vector<16xf32>
        %exp3A_391 = math.exp %max3A_390 : vector<16xf32>
        %add3A_392 = arith.constant 64 : i32
        %add3A_393 = vector.broadcast %add3A_392 : i32 to vector<16xi32>
        %add3A_394 = arith.addi %add3A_393, %select_n3A_50 : vector<16xi32>
        tpu.vector_store_idx %arg18[%broadcast_in_dim3A_340, %add3A_383, %add3A_394], %exp3A_391 : memref<2x80x72xf32, #tpu.memory_space<vmem>>[vector<16xi32>, vector<16xi32>, vector<16xi32>], vector<16xf32>,
        %mul3A_395 = arith.constant 8 : i32
        %mul3A_396 = arith.muli %mul3A_395, %scan3A_359 : i32
        %add3A_397 = arith.constant 2 : i32
        %add3A_398 = arith.addi %mul3A_396, %add3A_397 : i32
        %mul3A_399 = arith.constant 2 : i32
        %mul3A_400 = arith.muli %mul3A_399, %add3A_398 : i32
        %add3A_401 = vector.broadcast %mul3A_400 : i32 to vector<16xi32>
        %add3A_402 = arith.addi %add3A_401, %select_n3A : vector<16xi32>
        %gather3A_403 = tpu.vector_load_idx %arg15[%broadcast_in_dim3A_340, %add3A_402, %select_n3A_50] : memref<2x80x8xf32, #tpu.memory_space<vmem>>[vector<16xi32>, vector<16xi32>, vector<16xi32>], vector<16xf32>,
        %gather3A_404 = tpu.vector_load_idx %arg16[%broadcast_in_dim3A_340, %add3A_402, %select_n3A_50] : memref<2x80x8xf32, #tpu.memory_space<vmem>>[vector<16xi32>, vector<16xi32>, vector<16xi32>], vector<16xf32>,
        %add3A_405 = arith.addf %gather3A_403, %gather3A_404 : vector<16xf32>
        %mul3A_406 = arith.constant 2.000000e-01 : f32
        %mul3A_407 = vector.broadcast %mul3A_406 : f32 to vector<16xf32>
        %mul3A_408 = arith.mulf %mul3A_407, %add3A_405 : vector<16xf32>
        %max3A_409 = arith.maximumf %add3A_405, %mul3A_408 : vector<16xf32>
        %exp3A_410 = math.exp %max3A_409 : vector<16xf32>
        %add3A_411 = arith.constant 64 : i32
        %add3A_412 = vector.broadcast %add3A_411 : i32 to vector<16xi32>
        %add3A_413 = arith.addi %add3A_412, %select_n3A_50 : vector<16xi32>
        tpu.vector_store_idx %arg18[%broadcast_in_dim3A_340, %add3A_402, %add3A_413], %exp3A_410 : memref<2x80x72xf32, #tpu.memory_space<vmem>>[vector<16xi32>, vector<16xi32>, vector<16xi32>], vector<16xf32>,
        %mul3A_414 = arith.constant 8 : i32
        %mul3A_415 = arith.muli %mul3A_414, %scan3A_359 : i32
        %add3A_416 = arith.constant 3 : i32
        %add3A_417 = arith.addi %mul3A_415, %add3A_416 : i32
        %mul3A_418 = arith.constant 2 : i32
        %mul3A_419 = arith.muli %mul3A_418, %add3A_417 : i32
        %add3A_420 = vector.broadcast %mul3A_419 : i32 to vector<16xi32>
        %add3A_421 = arith.addi %add3A_420, %select_n3A : vector<16xi32>
        %gather3A_422 = tpu.vector_load_idx %arg15[%broadcast_in_dim3A_340, %add3A_421, %select_n3A_50] : memref<2x80x8xf32, #tpu.memory_space<vmem>>[vector<16xi32>, vector<16xi32>, vector<16xi32>], vector<16xf32>,
        %gather3A_423 = tpu.vector_load_idx %arg16[%broadcast_in_dim3A_340, %add3A_421, %select_n3A_50] : memref<2x80x8xf32, #tpu.memory_space<vmem>>[vector<16xi32>, vector<16xi32>, vector<16xi32>], vector<16xf32>,
        %add3A_424 = arith.addf %gather3A_422, %gather3A_423 : vector<16xf32>
        %mul3A_425 = arith.constant 2.000000e-01 : f32
        %mul3A_426 = vector.broadcast %mul3A_425 : f32 to vector<16xf32>
        %mul3A_427 = arith.mulf %mul3A_426, %add3A_424 : vector<16xf32>
        %max3A_428 = arith.maximumf %add3A_424, %mul3A_427 : vector<16xf32>
        %exp3A_429 = math.exp %max3A_428 : vector<16xf32>
        %add3A_430 = arith.constant 64 : i32
        %add3A_431 = vector.broadcast %add3A_430 : i32 to vector<16xi32>
        %add3A_432 = arith.addi %add3A_431, %select_n3A_50 : vector<16xi32>
        tpu.vector_store_idx %arg18[%broadcast_in_dim3A_340, %add3A_421, %add3A_432], %exp3A_429 : memref<2x80x72xf32, #tpu.memory_space<vmem>>[vector<16xi32>, vector<16xi32>, vector<16xi32>], vector<16xf32>,
        %mul3A_433 = arith.constant 8 : i32
        %mul3A_434 = arith.muli %mul3A_433, %scan3A_359 : i32
        %add3A_435 = arith.constant 4 : i32
        %add3A_436 = arith.addi %mul3A_434, %add3A_435 : i32
        %mul3A_437 = arith.constant 2 : i32
        %mul3A_438 = arith.muli %mul3A_437, %add3A_436 : i32
        %add3A_439 = vector.broadcast %mul3A_438 : i32 to vector<16xi32>
        %add3A_440 = arith.addi %add3A_439, %select_n3A : vector<16xi32>
        %gather3A_441 = tpu.vector_load_idx %arg15[%broadcast_in_dim3A_340, %add3A_440, %select_n3A_50] : memref<2x80x8xf32, #tpu.memory_space<vmem>>[vector<16xi32>, vector<16xi32>, vector<16xi32>], vector<16xf32>,
        %gather3A_442 = tpu.vector_load_idx %arg16[%broadcast_in_dim3A_340, %add3A_440, %select_n3A_50] : memref<2x80x8xf32, #tpu.memory_space<vmem>>[vector<16xi32>, vector<16xi32>, vector<16xi32>], vector<16xf32>,
        %add3A_443 = arith.addf %gather3A_441, %gather3A_442 : vector<16xf32>
        %mul3A_444 = arith.constant 2.000000e-01 : f32
        %mul3A_445 = vector.broadcast %mul3A_444 : f32 to vector<16xf32>
        %mul3A_446 = arith.mulf %mul3A_445, %add3A_443 : vector<16xf32>
        %max3A_447 = arith.maximumf %add3A_443, %mul3A_446 : vector<16xf32>
        %exp3A_448 = math.exp %max3A_447 : vector<16xf32>
        %add3A_449 = arith.constant 64 : i32
        %add3A_450 = vector.broadcast %add3A_449 : i32 to vector<16xi32>
        %add3A_451 = arith.addi %add3A_450, %select_n3A_50 : vector<16xi32>
        tpu.vector_store_idx %arg18[%broadcast_in_dim3A_340, %add3A_440, %add3A_451], %exp3A_448 : memref<2x80x72xf32, #tpu.memory_space<vmem>>[vector<16xi32>, vector<16xi32>, vector<16xi32>], vector<16xf32>,
        %mul3A_452 = arith.constant 8 : i32
        %mul3A_453 = arith.muli %mul3A_452, %scan3A_359 : i32
        %add3A_454 = arith.constant 5 : i32
        %add3A_455 = arith.addi %mul3A_453, %add3A_454 : i32
        %mul3A_456 = arith.constant 2 : i32
        %mul3A_457 = arith.muli %mul3A_456, %add3A_455 : i32
        %add3A_458 = vector.broadcast %mul3A_457 : i32 to vector<16xi32>
        %add3A_459 = arith.addi %add3A_458, %select_n3A : vector<16xi32>
        %gather3A_460 = tpu.vector_load_idx %arg15[%broadcast_in_dim3A_340, %add3A_459, %select_n3A_50] : memref<2x80x8xf32, #tpu.memory_space<vmem>>[vector<16xi32>, vector<16xi32>, vector<16xi32>], vector<16xf32>,
        %gather3A_461 = tpu.vector_load_idx %arg16[%broadcast_in_dim3A_340, %add3A_459, %select_n3A_50] : memref<2x80x8xf32, #tpu.memory_space<vmem>>[vector<16xi32>, vector<16xi32>, vector<16xi32>], vector<16xf32>,
        %add3A_462 = arith.addf %gather3A_460, %gather3A_461 : vector<16xf32>
        %mul3A_463 = arith.constant 2.000000e-01 : f32
        %mul3A_464 = vector.broadcast %mul3A_463 : f32 to vector<16xf32>
        %mul3A_465 = arith.mulf %mul3A_464, %add3A_462 : vector<16xf32>
        %max3A_466 = arith.maximumf %add3A_462, %mul3A_465 : vector<16xf32>
        %exp3A_467 = math.exp %max3A_466 : vector<16xf32>
        %add3A_468 = arith.constant 64 : i32
        %add3A_469 = vector.broadcast %add3A_468 : i32 to vector<16xi32>
        %add3A_470 = arith.addi %add3A_469, %select_n3A_50 : vector<16xi32>
        tpu.vector_store_idx %arg18[%broadcast_in_dim3A_340, %add3A_459, %add3A_470], %exp3A_467 : memref<2x80x72xf32, #tpu.memory_space<vmem>>[vector<16xi32>, vector<16xi32>, vector<16xi32>], vector<16xf32>,
        %mul3A_471 = arith.constant 8 : i32
        %mul3A_472 = arith.muli %mul3A_471, %scan3A_359 : i32
        %add3A_473 = arith.constant 6 : i32
        %add3A_474 = arith.addi %mul3A_472, %add3A_473 : i32
        %mul3A_475 = arith.constant 2 : i32
        %mul3A_476 = arith.muli %mul3A_475, %add3A_474 : i32
        %add3A_477 = vector.broadcast %mul3A_476 : i32 to vector<16xi32>
        %add3A_478 = arith.addi %add3A_477, %select_n3A : vector<16xi32>
        %gather3A_479 = tpu.vector_load_idx %arg15[%broadcast_in_dim3A_340, %add3A_478, %select_n3A_50] : memref<2x80x8xf32, #tpu.memory_space<vmem>>[vector<16xi32>, vector<16xi32>, vector<16xi32>], vector<16xf32>,
        %gather3A_480 = tpu.vector_load_idx %arg16[%broadcast_in_dim3A_340, %add3A_478, %select_n3A_50] : memref<2x80x8xf32, #tpu.memory_space<vmem>>[vector<16xi32>, vector<16xi32>, vector<16xi32>], vector<16xf32>,
        %add3A_481 = arith.addf %gather3A_479, %gather3A_480 : vector<16xf32>
        %mul3A_482 = arith.constant 2.000000e-01 : f32
        %mul3A_483 = vector.broadcast %mul3A_482 : f32 to vector<16xf32>
        %mul3A_484 = arith.mulf %mul3A_483, %add3A_481 : vector<16xf32>
        %max3A_485 = arith.maximumf %add3A_481, %mul3A_484 : vector<16xf32>
        %exp3A_486 = math.exp %max3A_485 : vector<16xf32>
        %add3A_487 = arith.constant 64 : i32
        %add3A_488 = vector.broadcast %add3A_487 : i32 to vector<16xi32>
        %add3A_489 = arith.addi %add3A_488, %select_n3A_50 : vector<16xi32>
        tpu.vector_store_idx %arg18[%broadcast_in_dim3A_340, %add3A_478, %add3A_489], %exp3A_486 : memref<2x80x72xf32, #tpu.memory_space<vmem>>[vector<16xi32>, vector<16xi32>, vector<16xi32>], vector<16xf32>,
        %mul3A_490 = arith.constant 8 : i32
        %mul3A_491 = arith.muli %mul3A_490, %scan3A_359 : i32
        %add3A_492 = arith.constant 7 : i32
        %add3A_493 = arith.addi %mul3A_491, %add3A_492 : i32
        %mul3A_494 = arith.constant 2 : i32
        %mul3A_495 = arith.muli %mul3A_494, %add3A_493 : i32
        %add3A_496 = vector.broadcast %mul3A_495 : i32 to vector<16xi32>
        %add3A_497 = arith.addi %add3A_496, %select_n3A : vector<16xi32>
        %gather3A_498 = tpu.vector_load_idx %arg15[%broadcast_in_dim3A_340, %add3A_497, %select_n3A_50] : memref<2x80x8xf32, #tpu.memory_space<vmem>>[vector<16xi32>, vector<16xi32>, vector<16xi32>], vector<16xf32>,
        %gather3A_499 = tpu.vector_load_idx %arg16[%broadcast_in_dim3A_340, %add3A_497, %select_n3A_50] : memref<2x80x8xf32, #tpu.memory_space<vmem>>[vector<16xi32>, vector<16xi32>, vector<16xi32>], vector<16xf32>,
        %add3A_500 = arith.addf %gather3A_498, %gather3A_499 : vector<16xf32>
        %mul3A_501 = arith.constant 2.000000e-01 : f32
        %mul3A_502 = vector.broadcast %mul3A_501 : f32 to vector<16xf32>
        %mul3A_503 = arith.mulf %mul3A_502, %add3A_500 : vector<16xf32>
        %max3A_504 = arith.maximumf %add3A_500, %mul3A_503 : vector<16xf32>
        %exp3A_505 = math.exp %max3A_504 : vector<16xf32>
        %add3A_506 = arith.constant 64 : i32
        %add3A_507 = vector.broadcast %add3A_506 : i32 to vector<16xi32>
        %add3A_508 = arith.addi %add3A_507, %select_n3A_50 : vector<16xi32>
        tpu.vector_store_idx %arg18[%broadcast_in_dim3A_340, %add3A_497, %add3A_508], %exp3A_505 : memref<2x80x72xf32, #tpu.memory_space<vmem>>[vector<16xi32>, vector<16xi32>, vector<16xi32>], vector<16xf32>,
        %mul3A_509 = arith.constant 8 : i32
        %mul3A_510 = arith.muli %mul3A_509, %scan3A_359 : i32
        %add3A_511 = arith.constant 0 : i32
        %add3A_512 = arith.addi %mul3A_510, %add3A_511 : i32
        %mul3A_513 = arith.constant 2 : i32
        %mul3A_514 = arith.muli %mul3A_513, %add3A_512 : i32
        %broadcast_in_dim3A_515 = vector.broadcast %mul3A_514 : i32 to vector<16xi32>
        %add3A_516 = arith.constant 1 : i32
        %add3A_517 = vector.broadcast %add3A_516 : i32 to vector<16xi32>
        %add3A_518 = arith.addi %broadcast_in_dim3A_515, %add3A_517 : vector<16xi32>
        %add3A_519 = arith.constant 0 : i32
        %add3A_520 = vector.broadcast %add3A_519 : i32 to vector<16xi32>
        %add3A_521 = arith.addi %add3A_520, %iota3A : vector<16xi32>
        %gather3A_522 = tpu.vector_load_idx %arg17[%broadcast_in_dim3A_340, %broadcast_in_dim3A_515, %add3A_521] : memref<2x80x64xf32, #tpu.memory_space<vmem>>[vector<16xi32>, vector<16xi32>, vector<16xi32>], vector<16xf32>,
        %broadcast_in_dim3A_523 = vector.shape_cast %select_n3A_57 : vector<16xi32> to vector<16x1xi32>
        %gather3A_524 = vector.shape_cast %broadcast_in_dim3A_523 : vector<16x1xi32> to vector<16xi32>
        %gather3A_525 = tpu.dynamic_gather %exp3A[%gather3A_524] in [0] : vector<16xf32>, vector<16xi32> -> vector<16xf32>
        %mul3A_526 = arith.mulf %gather3A_525, %gather3A_522 : vector<16xf32>
        tpu.vector_store_idx %arg18[%broadcast_in_dim3A_340, %broadcast_in_dim3A_515, %add3A_521], %mul3A_526 : memref<2x80x72xf32, #tpu.memory_space<vmem>>[vector<16xi32>, vector<16xi32>, vector<16xi32>], vector<16xf32>,
        %add3A_527 = arith.constant 16 : i32
        %add3A_528 = vector.broadcast %add3A_527 : i32 to vector<16xi32>
        %add3A_529 = arith.addi %add3A_528, %iota3A : vector<16xi32>
        %gather3A_530 = tpu.vector_load_idx %arg17[%broadcast_in_dim3A_340, %broadcast_in_dim3A_515, %add3A_529] : memref<2x80x64xf32, #tpu.memory_space<vmem>>[vector<16xi32>, vector<16xi32>, vector<16xi32>], vector<16xf32>,
        %broadcast_in_dim3A_531 = vector.shape_cast %select_n3A_65 : vector<16xi32> to vector<16x1xi32>
        %gather3A_532 = vector.shape_cast %broadcast_in_dim3A_531 : vector<16x1xi32> to vector<16xi32>
        %gather3A_533 = tpu.dynamic_gather %exp3A[%gather3A_532] in [0] : vector<16xf32>, vector<16xi32> -> vector<16xf32>
        %mul3A_534 = arith.mulf %gather3A_533, %gather3A_530 : vector<16xf32>
        tpu.vector_store_idx %arg18[%broadcast_in_dim3A_340, %broadcast_in_dim3A_515, %add3A_529], %mul3A_534 : memref<2x80x72xf32, #tpu.memory_space<vmem>>[vector<16xi32>, vector<16xi32>, vector<16xi32>], vector<16xf32>,
        %add3A_535 = arith.constant 32 : i32
        %add3A_536 = vector.broadcast %add3A_535 : i32 to vector<16xi32>
        %add3A_537 = arith.addi %add3A_536, %iota3A : vector<16xi32>
        %gather3A_538 = tpu.vector_load_idx %arg17[%broadcast_in_dim3A_340, %broadcast_in_dim3A_515, %add3A_537] : memref<2x80x64xf32, #tpu.memory_space<vmem>>[vector<16xi32>, vector<16xi32>, vector<16xi32>], vector<16xf32>,
        %broadcast_in_dim3A_539 = vector.shape_cast %select_n3A_73 : vector<16xi32> to vector<16x1xi32>
        %gather3A_540 = vector.shape_cast %broadcast_in_dim3A_539 : vector<16x1xi32> to vector<16xi32>
        %gather3A_541 = tpu.dynamic_gather %exp3A[%gather3A_540] in [0] : vector<16xf32>, vector<16xi32> -> vector<16xf32>
        %mul3A_542 = arith.mulf %gather3A_541, %gather3A_538 : vector<16xf32>
        tpu.vector_store_idx %arg18[%broadcast_in_dim3A_340, %broadcast_in_dim3A_515, %add3A_537], %mul3A_542 : memref<2x80x72xf32, #tpu.memory_space<vmem>>[vector<16xi32>, vector<16xi32>, vector<16xi32>], vector<16xf32>,
        %add3A_543 = arith.constant 48 : i32
        %add3A_544 = vector.broadcast %add3A_543 : i32 to vector<16xi32>
        %add3A_545 = arith.addi %add3A_544, %iota3A : vector<16xi32>
        %gather3A_546 = tpu.vector_load_idx %arg17[%broadcast_in_dim3A_340, %broadcast_in_dim3A_515, %add3A_545] : memref<2x80x64xf32, #tpu.memory_space<vmem>>[vector<16xi32>, vector<16xi32>, vector<16xi32>], vector<16xf32>,
        %broadcast_in_dim3A_547 = vector.shape_cast %select_n3A_81 : vector<16xi32> to vector<16x1xi32>
        %gather3A_548 = vector.shape_cast %broadcast_in_dim3A_547 : vector<16x1xi32> to vector<16xi32>
        %gather3A_549 = tpu.dynamic_gather %exp3A[%gather3A_548] in [0] : vector<16xf32>, vector<16xi32> -> vector<16xf32>
        %mul3A_550 = arith.mulf %gather3A_549, %gather3A_546 : vector<16xf32>
        tpu.vector_store_idx %arg18[%broadcast_in_dim3A_340, %broadcast_in_dim3A_515, %add3A_545], %mul3A_550 : memref<2x80x72xf32, #tpu.memory_space<vmem>>[vector<16xi32>, vector<16xi32>, vector<16xi32>], vector<16xf32>,
        %add3A_551 = arith.constant 0 : i32
        %add3A_552 = vector.broadcast %add3A_551 : i32 to vector<16xi32>
        %add3A_553 = arith.addi %add3A_552, %iota3A : vector<16xi32>
        %gather3A_554 = tpu.vector_load_idx %arg17[%broadcast_in_dim3A_340, %add3A_518, %add3A_553] : memref<2x80x64xf32, #tpu.memory_space<vmem>>[vector<16xi32>, vector<16xi32>, vector<16xi32>], vector<16xf32>,
        %broadcast_in_dim3A_555 = vector.shape_cast %select_n3A_89 : vector<16xi32> to vector<16x1xi32>
        %gather3A_556 = vector.shape_cast %broadcast_in_dim3A_555 : vector<16x1xi32> to vector<16xi32>
        %gather3A_557 = tpu.dynamic_gather %exp3A[%gather3A_556] in [0] : vector<16xf32>, vector<16xi32> -> vector<16xf32>
        %mul3A_558 = arith.mulf %gather3A_557, %gather3A_554 : vector<16xf32>
        tpu.vector_store_idx %arg18[%broadcast_in_dim3A_340, %add3A_518, %add3A_553], %mul3A_558 : memref<2x80x72xf32, #tpu.memory_space<vmem>>[vector<16xi32>, vector<16xi32>, vector<16xi32>], vector<16xf32>,
        %add3A_559 = arith.constant 16 : i32
        %add3A_560 = vector.broadcast %add3A_559 : i32 to vector<16xi32>
        %add3A_561 = arith.addi %add3A_560, %iota3A : vector<16xi32>
        %gather3A_562 = tpu.vector_load_idx %arg17[%broadcast_in_dim3A_340, %add3A_518, %add3A_561] : memref<2x80x64xf32, #tpu.memory_space<vmem>>[vector<16xi32>, vector<16xi32>, vector<16xi32>], vector<16xf32>,
        %broadcast_in_dim3A_563 = vector.shape_cast %select_n3A_97 : vector<16xi32> to vector<16x1xi32>
        %gather3A_564 = vector.shape_cast %broadcast_in_dim3A_563 : vector<16x1xi32> to vector<16xi32>
        %gather3A_565 = tpu.dynamic_gather %exp3A[%gather3A_564] in [0] : vector<16xf32>, vector<16xi32> -> vector<16xf32>
        %mul3A_566 = arith.mulf %gather3A_565, %gather3A_562 : vector<16xf32>
        tpu.vector_store_idx %arg18[%broadcast_in_dim3A_340, %add3A_518, %add3A_561], %mul3A_566 : memref<2x80x72xf32, #tpu.memory_space<vmem>>[vector<16xi32>, vector<16xi32>, vector<16xi32>], vector<16xf32>,
        %add3A_567 = arith.constant 32 : i32
        %add3A_568 = vector.broadcast %add3A_567 : i32 to vector<16xi32>
        %add3A_569 = arith.addi %add3A_568, %iota3A : vector<16xi32>
        %gather3A_570 = tpu.vector_load_idx %arg17[%broadcast_in_dim3A_340, %add3A_518, %add3A_569] : memref<2x80x64xf32, #tpu.memory_space<vmem>>[vector<16xi32>, vector<16xi32>, vector<16xi32>], vector<16xf32>,
        %broadcast_in_dim3A_571 = vector.shape_cast %select_n3A_105 : vector<16xi32> to vector<16x1xi32>
        %gather3A_572 = vector.shape_cast %broadcast_in_dim3A_571 : vector<16x1xi32> to vector<16xi32>
        %gather3A_573 = tpu.dynamic_gather %exp3A[%gather3A_572] in [0] : vector<16xf32>, vector<16xi32> -> vector<16xf32>
        %mul3A_574 = arith.mulf %gather3A_573, %gather3A_570 : vector<16xf32>
        tpu.vector_store_idx %arg18[%broadcast_in_dim3A_340, %add3A_518, %add3A_569], %mul3A_574 : memref<2x80x72xf32, #tpu.memory_space<vmem>>[vector<16xi32>, vector<16xi32>, vector<16xi32>], vector<16xf32>,
        %add3A_575 = arith.constant 48 : i32
        %add3A_576 = vector.broadcast %add3A_575 : i32 to vector<16xi32>
        %add3A_577 = arith.addi %add3A_576, %iota3A : vector<16xi32>
        %gather3A_578 = tpu.vector_load_idx %arg17[%broadcast_in_dim3A_340, %add3A_518, %add3A_577] : memref<2x80x64xf32, #tpu.memory_space<vmem>>[vector<16xi32>, vector<16xi32>, vector<16xi32>], vector<16xf32>,
        %broadcast_in_dim3A_579 = vector.shape_cast %select_n3A_113 : vector<16xi32> to vector<16x1xi32>
        %gather3A_580 = vector.shape_cast %broadcast_in_dim3A_579 : vector<16x1xi32> to vector<16xi32>
        %gather3A_581 = tpu.dynamic_gather %exp3A[%gather3A_580] in [0] : vector<16xf32>, vector<16xi32> -> vector<16xf32>
        %mul3A_582 = arith.mulf %gather3A_581, %gather3A_578 : vector<16xf32>
        tpu.vector_store_idx %arg18[%broadcast_in_dim3A_340, %add3A_518, %add3A_577], %mul3A_582 : memref<2x80x72xf32, #tpu.memory_space<vmem>>[vector<16xi32>, vector<16xi32>, vector<16xi32>], vector<16xf32>,
        %mul3A_583 = arith.constant 8 : i32
        %mul3A_584 = arith.muli %mul3A_583, %scan3A_359 : i32
        %add3A_585 = arith.constant 1 : i32
        %add3A_586 = arith.addi %mul3A_584, %add3A_585 : i32
        %mul3A_587 = arith.constant 2 : i32
        %mul3A_588 = arith.muli %mul3A_587, %add3A_586 : i32
        %broadcast_in_dim3A_589 = vector.broadcast %mul3A_588 : i32 to vector<16xi32>
        %add3A_590 = arith.constant 1 : i32
        %add3A_591 = vector.broadcast %add3A_590 : i32 to vector<16xi32>
        %add3A_592 = arith.addi %broadcast_in_dim3A_589, %add3A_591 : vector<16xi32>
        %add3A_593 = arith.constant 0 : i32
        %add3A_594 = vector.broadcast %add3A_593 : i32 to vector<16xi32>
        %add3A_595 = arith.addi %add3A_594, %iota3A : vector<16xi32>
        %gather3A_596 = tpu.vector_load_idx %arg17[%broadcast_in_dim3A_340, %broadcast_in_dim3A_589, %add3A_595] : memref<2x80x64xf32, #tpu.memory_space<vmem>>[vector<16xi32>, vector<16xi32>, vector<16xi32>], vector<16xf32>,
        %broadcast_in_dim3A_597 = vector.shape_cast %select_n3A_57 : vector<16xi32> to vector<16x1xi32>
        %gather3A_598 = vector.shape_cast %broadcast_in_dim3A_597 : vector<16x1xi32> to vector<16xi32>
        %gather3A_599 = tpu.dynamic_gather %exp3A_391[%gather3A_598] in [0] : vector<16xf32>, vector<16xi32> -> vector<16xf32>
        %mul3A_600 = arith.mulf %gather3A_599, %gather3A_596 : vector<16xf32>
        tpu.vector_store_idx %arg18[%broadcast_in_dim3A_340, %broadcast_in_dim3A_589, %add3A_595], %mul3A_600 : memref<2x80x72xf32, #tpu.memory_space<vmem>>[vector<16xi32>, vector<16xi32>, vector<16xi32>], vector<16xf32>,
        %add3A_601 = arith.constant 16 : i32
        %add3A_602 = vector.broadcast %add3A_601 : i32 to vector<16xi32>
        %add3A_603 = arith.addi %add3A_602, %iota3A : vector<16xi32>
        %gather3A_604 = tpu.vector_load_idx %arg17[%broadcast_in_dim3A_340, %broadcast_in_dim3A_589, %add3A_603] : memref<2x80x64xf32, #tpu.memory_space<vmem>>[vector<16xi32>, vector<16xi32>, vector<16xi32>], vector<16xf32>,
        %broadcast_in_dim3A_605 = vector.shape_cast %select_n3A_65 : vector<16xi32> to vector<16x1xi32>
        %gather3A_606 = vector.shape_cast %broadcast_in_dim3A_605 : vector<16x1xi32> to vector<16xi32>
        %gather3A_607 = tpu.dynamic_gather %exp3A_391[%gather3A_606] in [0] : vector<16xf32>, vector<16xi32> -> vector<16xf32>
        %mul3A_608 = arith.mulf %gather3A_607, %gather3A_604 : vector<16xf32>
        tpu.vector_store_idx %arg18[%broadcast_in_dim3A_340, %broadcast_in_dim3A_589, %add3A_603], %mul3A_608 : memref<2x80x72xf32, #tpu.memory_space<vmem>>[vector<16xi32>, vector<16xi32>, vector<16xi32>], vector<16xf32>,
        %add3A_609 = arith.constant 32 : i32
        %add3A_610 = vector.broadcast %add3A_609 : i32 to vector<16xi32>
        %add3A_611 = arith.addi %add3A_610, %iota3A : vector<16xi32>
        %gather3A_612 = tpu.vector_load_idx %arg17[%broadcast_in_dim3A_340, %broadcast_in_dim3A_589, %add3A_611] : memref<2x80x64xf32, #tpu.memory_space<vmem>>[vector<16xi32>, vector<16xi32>, vector<16xi32>], vector<16xf32>,
        %broadcast_in_dim3A_613 = vector.shape_cast %select_n3A_73 : vector<16xi32> to vector<16x1xi32>
        %gather3A_614 = vector.shape_cast %broadcast_in_dim3A_613 : vector<16x1xi32> to vector<16xi32>
        %gather3A_615 = tpu.dynamic_gather %exp3A_391[%gather3A_614] in [0] : vector<16xf32>, vector<16xi32> -> vector<16xf32>
        %mul3A_616 = arith.mulf %gather3A_615, %gather3A_612 : vector<16xf32>
        tpu.vector_store_idx %arg18[%broadcast_in_dim3A_340, %broadcast_in_dim3A_589, %add3A_611], %mul3A_616 : memref<2x80x72xf32, #tpu.memory_space<vmem>>[vector<16xi32>, vector<16xi32>, vector<16xi32>], vector<16xf32>,
        %add3A_617 = arith.constant 48 : i32
        %add3A_618 = vector.broadcast %add3A_617 : i32 to vector<16xi32>
        %add3A_619 = arith.addi %add3A_618, %iota3A : vector<16xi32>
        %gather3A_620 = tpu.vector_load_idx %arg17[%broadcast_in_dim3A_340, %broadcast_in_dim3A_589, %add3A_619] : memref<2x80x64xf32, #tpu.memory_space<vmem>>[vector<16xi32>, vector<16xi32>, vector<16xi32>], vector<16xf32>,
        %broadcast_in_dim3A_621 = vector.shape_cast %select_n3A_81 : vector<16xi32> to vector<16x1xi32>
        %gather3A_622 = vector.shape_cast %broadcast_in_dim3A_621 : vector<16x1xi32> to vector<16xi32>
        %gather3A_623 = tpu.dynamic_gather %exp3A_391[%gather3A_622] in [0] : vector<16xf32>, vector<16xi32> -> vector<16xf32>
        %mul3A_624 = arith.mulf %gather3A_623, %gather3A_620 : vector<16xf32>
        tpu.vector_store_idx %arg18[%broadcast_in_dim3A_340, %broadcast_in_dim3A_589, %add3A_619], %mul3A_624 : memref<2x80x72xf32, #tpu.memory_space<vmem>>[vector<16xi32>, vector<16xi32>, vector<16xi32>], vector<16xf32>,
        %add3A_625 = arith.constant 0 : i32
        %add3A_626 = vector.broadcast %add3A_625 : i32 to vector<16xi32>
        %add3A_627 = arith.addi %add3A_626, %iota3A : vector<16xi32>
        %gather3A_628 = tpu.vector_load_idx %arg17[%broadcast_in_dim3A_340, %add3A_592, %add3A_627] : memref<2x80x64xf32, #tpu.memory_space<vmem>>[vector<16xi32>, vector<16xi32>, vector<16xi32>], vector<16xf32>,
        %broadcast_in_dim3A_629 = vector.shape_cast %select_n3A_89 : vector<16xi32> to vector<16x1xi32>
        %gather3A_630 = vector.shape_cast %broadcast_in_dim3A_629 : vector<16x1xi32> to vector<16xi32>
        %gather3A_631 = tpu.dynamic_gather %exp3A_391[%gather3A_630] in [0] : vector<16xf32>, vector<16xi32> -> vector<16xf32>
        %mul3A_632 = arith.mulf %gather3A_631, %gather3A_628 : vector<16xf32>
        tpu.vector_store_idx %arg18[%broadcast_in_dim3A_340, %add3A_592, %add3A_627], %mul3A_632 : memref<2x80x72xf32, #tpu.memory_space<vmem>>[vector<16xi32>, vector<16xi32>, vector<16xi32>], vector<16xf32>,
        %add3A_633 = arith.constant 16 : i32
        %add3A_634 = vector.broadcast %add3A_633 : i32 to vector<16xi32>
        %add3A_635 = arith.addi %add3A_634, %iota3A : vector<16xi32>
        %gather3A_636 = tpu.vector_load_idx %arg17[%broadcast_in_dim3A_340, %add3A_592, %add3A_635] : memref<2x80x64xf32, #tpu.memory_space<vmem>>[vector<16xi32>, vector<16xi32>, vector<16xi32>], vector<16xf32>,
        %broadcast_in_dim3A_637 = vector.shape_cast %select_n3A_97 : vector<16xi32> to vector<16x1xi32>
        %gather3A_638 = vector.shape_cast %broadcast_in_dim3A_637 : vector<16x1xi32> to vector<16xi32>
        %gather3A_639 = tpu.dynamic_gather %exp3A_391[%gather3A_638] in [0] : vector<16xf32>, vector<16xi32> -> vector<16xf32>
        %mul3A_640 = arith.mulf %gather3A_639, %gather3A_636 : vector<16xf32>
        tpu.vector_store_idx %arg18[%broadcast_in_dim3A_340, %add3A_592, %add3A_635], %mul3A_640 : memref<2x80x72xf32, #tpu.memory_space<vmem>>[vector<16xi32>, vector<16xi32>, vector<16xi32>], vector<16xf32>,
        %add3A_641 = arith.constant 32 : i32
        %add3A_642 = vector.broadcast %add3A_641 : i32 to vector<16xi32>
        %add3A_643 = arith.addi %add3A_642, %iota3A : vector<16xi32>
        %gather3A_644 = tpu.vector_load_idx %arg17[%broadcast_in_dim3A_340, %add3A_592, %add3A_643] : memref<2x80x64xf32, #tpu.memory_space<vmem>>[vector<16xi32>, vector<16xi32>, vector<16xi32>], vector<16xf32>,
        %broadcast_in_dim3A_645 = vector.shape_cast %select_n3A_105 : vector<16xi32> to vector<16x1xi32>
        %gather3A_646 = vector.shape_cast %broadcast_in_dim3A_645 : vector<16x1xi32> to vector<16xi32>
        %gather3A_647 = tpu.dynamic_gather %exp3A_391[%gather3A_646] in [0] : vector<16xf32>, vector<16xi32> -> vector<16xf32>
        %mul3A_648 = arith.mulf %gather3A_647, %gather3A_644 : vector<16xf32>
        tpu.vector_store_idx %arg18[%broadcast_in_dim3A_340, %add3A_592, %add3A_643], %mul3A_648 : memref<2x80x72xf32, #tpu.memory_space<vmem>>[vector<16xi32>, vector<16xi32>, vector<16xi32>], vector<16xf32>,
        %add3A_649 = arith.constant 48 : i32
        %add3A_650 = vector.broadcast %add3A_649 : i32 to vector<16xi32>
        %add3A_651 = arith.addi %add3A_650, %iota3A : vector<16xi32>
        %gather3A_652 = tpu.vector_load_idx %arg17[%broadcast_in_dim3A_340, %add3A_592, %add3A_651] : memref<2x80x64xf32, #tpu.memory_space<vmem>>[vector<16xi32>, vector<16xi32>, vector<16xi32>], vector<16xf32>,
        %broadcast_in_dim3A_653 = vector.shape_cast %select_n3A_113 : vector<16xi32> to vector<16x1xi32>
        %gather3A_654 = vector.shape_cast %broadcast_in_dim3A_653 : vector<16x1xi32> to vector<16xi32>
        %gather3A_655 = tpu.dynamic_gather %exp3A_391[%gather3A_654] in [0] : vector<16xf32>, vector<16xi32> -> vector<16xf32>
        %mul3A_656 = arith.mulf %gather3A_655, %gather3A_652 : vector<16xf32>
        tpu.vector_store_idx %arg18[%broadcast_in_dim3A_340, %add3A_592, %add3A_651], %mul3A_656 : memref<2x80x72xf32, #tpu.memory_space<vmem>>[vector<16xi32>, vector<16xi32>, vector<16xi32>], vector<16xf32>,
        %mul3A_657 = arith.constant 8 : i32
        %mul3A_658 = arith.muli %mul3A_657, %scan3A_359 : i32
        %add3A_659 = arith.constant 2 : i32
        %add3A_660 = arith.addi %mul3A_658, %add3A_659 : i32
        %mul3A_661 = arith.constant 2 : i32
        %mul3A_662 = arith.muli %mul3A_661, %add3A_660 : i32
        %broadcast_in_dim3A_663 = vector.broadcast %mul3A_662 : i32 to vector<16xi32>
        %add3A_664 = arith.constant 1 : i32
        %add3A_665 = vector.broadcast %add3A_664 : i32 to vector<16xi32>
        %add3A_666 = arith.addi %broadcast_in_dim3A_663, %add3A_665 : vector<16xi32>
        %add3A_667 = arith.constant 0 : i32
        %add3A_668 = vector.broadcast %add3A_667 : i32 to vector<16xi32>
        %add3A_669 = arith.addi %add3A_668, %iota3A : vector<16xi32>
        %gather3A_670 = tpu.vector_load_idx %arg17[%broadcast_in_dim3A_340, %broadcast_in_dim3A_663, %add3A_669] : memref<2x80x64xf32, #tpu.memory_space<vmem>>[vector<16xi32>, vector<16xi32>, vector<16xi32>], vector<16xf32>,
        %broadcast_in_dim3A_671 = vector.shape_cast %select_n3A_57 : vector<16xi32> to vector<16x1xi32>
        %gather3A_672 = vector.shape_cast %broadcast_in_dim3A_671 : vector<16x1xi32> to vector<16xi32>
        %gather3A_673 = tpu.dynamic_gather %exp3A_410[%gather3A_672] in [0] : vector<16xf32>, vector<16xi32> -> vector<16xf32>
        %mul3A_674 = arith.mulf %gather3A_673, %gather3A_670 : vector<16xf32>
        tpu.vector_store_idx %arg18[%broadcast_in_dim3A_340, %broadcast_in_dim3A_663, %add3A_669], %mul3A_674 : memref<2x80x72xf32, #tpu.memory_space<vmem>>[vector<16xi32>, vector<16xi32>, vector<16xi32>], vector<16xf32>,
        %add3A_675 = arith.constant 16 : i32
        %add3A_676 = vector.broadcast %add3A_675 : i32 to vector<16xi32>
        %add3A_677 = arith.addi %add3A_676, %iota3A : vector<16xi32>
        %gather3A_678 = tpu.vector_load_idx %arg17[%broadcast_in_dim3A_340, %broadcast_in_dim3A_663, %add3A_677] : memref<2x80x64xf32, #tpu.memory_space<vmem>>[vector<16xi32>, vector<16xi32>, vector<16xi32>], vector<16xf32>,
        %broadcast_in_dim3A_679 = vector.shape_cast %select_n3A_65 : vector<16xi32> to vector<16x1xi32>
        %gather3A_680 = vector.shape_cast %broadcast_in_dim3A_679 : vector<16x1xi32> to vector<16xi32>
        %gather3A_681 = tpu.dynamic_gather %exp3A_410[%gather3A_680] in [0] : vector<16xf32>, vector<16xi32> -> vector<16xf32>
        %mul3A_682 = arith.mulf %gather3A_681, %gather3A_678 : vector<16xf32>
        tpu.vector_store_idx %arg18[%broadcast_in_dim3A_340, %broadcast_in_dim3A_663, %add3A_677], %mul3A_682 : memref<2x80x72xf32, #tpu.memory_space<vmem>>[vector<16xi32>, vector<16xi32>, vector<16xi32>], vector<16xf32>,
        %add3A_683 = arith.constant 32 : i32
        %add3A_684 = vector.broadcast %add3A_683 : i32 to vector<16xi32>
        %add3A_685 = arith.addi %add3A_684, %iota3A : vector<16xi32>
        %gather3A_686 = tpu.vector_load_idx %arg17[%broadcast_in_dim3A_340, %broadcast_in_dim3A_663, %add3A_685] : memref<2x80x64xf32, #tpu.memory_space<vmem>>[vector<16xi32>, vector<16xi32>, vector<16xi32>], vector<16xf32>,
        %broadcast_in_dim3A_687 = vector.shape_cast %select_n3A_73 : vector<16xi32> to vector<16x1xi32>
        %gather3A_688 = vector.shape_cast %broadcast_in_dim3A_687 : vector<16x1xi32> to vector<16xi32>
        %gather3A_689 = tpu.dynamic_gather %exp3A_410[%gather3A_688] in [0] : vector<16xf32>, vector<16xi32> -> vector<16xf32>
        %mul3A_690 = arith.mulf %gather3A_689, %gather3A_686 : vector<16xf32>
        tpu.vector_store_idx %arg18[%broadcast_in_dim3A_340, %broadcast_in_dim3A_663, %add3A_685], %mul3A_690 : memref<2x80x72xf32, #tpu.memory_space<vmem>>[vector<16xi32>, vector<16xi32>, vector<16xi32>], vector<16xf32>,
        %add3A_691 = arith.constant 48 : i32
        %add3A_692 = vector.broadcast %add3A_691 : i32 to vector<16xi32>
        %add3A_693 = arith.addi %add3A_692, %iota3A : vector<16xi32>
        %gather3A_694 = tpu.vector_load_idx %arg17[%broadcast_in_dim3A_340, %broadcast_in_dim3A_663, %add3A_693] : memref<2x80x64xf32, #tpu.memory_space<vmem>>[vector<16xi32>, vector<16xi32>, vector<16xi32>], vector<16xf32>,
        %broadcast_in_dim3A_695 = vector.shape_cast %select_n3A_81 : vector<16xi32> to vector<16x1xi32>
        %gather3A_696 = vector.shape_cast %broadcast_in_dim3A_695 : vector<16x1xi32> to vector<16xi32>
        %gather3A_697 = tpu.dynamic_gather %exp3A_410[%gather3A_696] in [0] : vector<16xf32>, vector<16xi32> -> vector<16xf32>
        %mul3A_698 = arith.mulf %gather3A_697, %gather3A_694 : vector<16xf32>
        tpu.vector_store_idx %arg18[%broadcast_in_dim3A_340, %broadcast_in_dim3A_663, %add3A_693], %mul3A_698 : memref<2x80x72xf32, #tpu.memory_space<vmem>>[vector<16xi32>, vector<16xi32>, vector<16xi32>], vector<16xf32>,
        %add3A_699 = arith.constant 0 : i32
        %add3A_700 = vector.broadcast %add3A_699 : i32 to vector<16xi32>
        %add3A_701 = arith.addi %add3A_700, %iota3A : vector<16xi32>
        %gather3A_702 = tpu.vector_load_idx %arg17[%broadcast_in_dim3A_340, %add3A_666, %add3A_701] : memref<2x80x64xf32, #tpu.memory_space<vmem>>[vector<16xi32>, vector<16xi32>, vector<16xi32>], vector<16xf32>,
        %broadcast_in_dim3A_703 = vector.shape_cast %select_n3A_89 : vector<16xi32> to vector<16x1xi32>
        %gather3A_704 = vector.shape_cast %broadcast_in_dim3A_703 : vector<16x1xi32> to vector<16xi32>
        %gather3A_705 = tpu.dynamic_gather %exp3A_410[%gather3A_704] in [0] : vector<16xf32>, vector<16xi32> -> vector<16xf32>
        %mul3A_706 = arith.mulf %gather3A_705, %gather3A_702 : vector<16xf32>
        tpu.vector_store_idx %arg18[%broadcast_in_dim3A_340, %add3A_666, %add3A_701], %mul3A_706 : memref<2x80x72xf32, #tpu.memory_space<vmem>>[vector<16xi32>, vector<16xi32>, vector<16xi32>], vector<16xf32>,
        %add3A_707 = arith.constant 16 : i32
        %add3A_708 = vector.broadcast %add3A_707 : i32 to vector<16xi32>
        %add3A_709 = arith.addi %add3A_708, %iota3A : vector<16xi32>
        %gather3A_710 = tpu.vector_load_idx %arg17[%broadcast_in_dim3A_340, %add3A_666, %add3A_709] : memref<2x80x64xf32, #tpu.memory_space<vmem>>[vector<16xi32>, vector<16xi32>, vector<16xi32>], vector<16xf32>,
        %broadcast_in_dim3A_711 = vector.shape_cast %select_n3A_97 : vector<16xi32> to vector<16x1xi32>
        %gather3A_712 = vector.shape_cast %broadcast_in_dim3A_711 : vector<16x1xi32> to vector<16xi32>
        %gather3A_713 = tpu.dynamic_gather %exp3A_410[%gather3A_712] in [0] : vector<16xf32>, vector<16xi32> -> vector<16xf32>
        %mul3A_714 = arith.mulf %gather3A_713, %gather3A_710 : vector<16xf32>
        tpu.vector_store_idx %arg18[%broadcast_in_dim3A_340, %add3A_666, %add3A_709], %mul3A_714 : memref<2x80x72xf32, #tpu.memory_space<vmem>>[vector<16xi32>, vector<16xi32>, vector<16xi32>], vector<16xf32>,
        %add3A_715 = arith.constant 32 : i32
        %add3A_716 = vector.broadcast %add3A_715 : i32 to vector<16xi32>
        %add3A_717 = arith.addi %add3A_716, %iota3A : vector<16xi32>
        %gather3A_718 = tpu.vector_load_idx %arg17[%broadcast_in_dim3A_340, %add3A_666, %add3A_717] : memref<2x80x64xf32, #tpu.memory_space<vmem>>[vector<16xi32>, vector<16xi32>, vector<16xi32>], vector<16xf32>,
        %broadcast_in_dim3A_719 = vector.shape_cast %select_n3A_105 : vector<16xi32> to vector<16x1xi32>
        %gather3A_720 = vector.shape_cast %broadcast_in_dim3A_719 : vector<16x1xi32> to vector<16xi32>
        %gather3A_721 = tpu.dynamic_gather %exp3A_410[%gather3A_720] in [0] : vector<16xf32>, vector<16xi32> -> vector<16xf32>
        %mul3A_722 = arith.mulf %gather3A_721, %gather3A_718 : vector<16xf32>
        tpu.vector_store_idx %arg18[%broadcast_in_dim3A_340, %add3A_666, %add3A_717], %mul3A_722 : memref<2x80x72xf32, #tpu.memory_space<vmem>>[vector<16xi32>, vector<16xi32>, vector<16xi32>], vector<16xf32>,
        %add3A_723 = arith.constant 48 : i32
        %add3A_724 = vector.broadcast %add3A_723 : i32 to vector<16xi32>
        %add3A_725 = arith.addi %add3A_724, %iota3A : vector<16xi32>
        %gather3A_726 = tpu.vector_load_idx %arg17[%broadcast_in_dim3A_340, %add3A_666, %add3A_725] : memref<2x80x64xf32, #tpu.memory_space<vmem>>[vector<16xi32>, vector<16xi32>, vector<16xi32>], vector<16xf32>,
        %broadcast_in_dim3A_727 = vector.shape_cast %select_n3A_113 : vector<16xi32> to vector<16x1xi32>
        %gather3A_728 = vector.shape_cast %broadcast_in_dim3A_727 : vector<16x1xi32> to vector<16xi32>
        %gather3A_729 = tpu.dynamic_gather %exp3A_410[%gather3A_728] in [0] : vector<16xf32>, vector<16xi32> -> vector<16xf32>
        %mul3A_730 = arith.mulf %gather3A_729, %gather3A_726 : vector<16xf32>
        tpu.vector_store_idx %arg18[%broadcast_in_dim3A_340, %add3A_666, %add3A_725], %mul3A_730 : memref<2x80x72xf32, #tpu.memory_space<vmem>>[vector<16xi32>, vector<16xi32>, vector<16xi32>], vector<16xf32>,
        %mul3A_731 = arith.constant 8 : i32
        %mul3A_732 = arith.muli %mul3A_731, %scan3A_359 : i32
        %add3A_733 = arith.constant 3 : i32
        %add3A_734 = arith.addi %mul3A_732, %add3A_733 : i32
        %mul3A_735 = arith.constant 2 : i32
        %mul3A_736 = arith.muli %mul3A_735, %add3A_734 : i32
        %broadcast_in_dim3A_737 = vector.broadcast %mul3A_736 : i32 to vector<16xi32>
        %add3A_738 = arith.constant 1 : i32
        %add3A_739 = vector.broadcast %add3A_738 : i32 to vector<16xi32>
        %add3A_740 = arith.addi %broadcast_in_dim3A_737, %add3A_739 : vector<16xi32>
        %add3A_741 = arith.constant 0 : i32
        %add3A_742 = vector.broadcast %add3A_741 : i32 to vector<16xi32>
        %add3A_743 = arith.addi %add3A_742, %iota3A : vector<16xi32>
        %gather3A_744 = tpu.vector_load_idx %arg17[%broadcast_in_dim3A_340, %broadcast_in_dim3A_737, %add3A_743] : memref<2x80x64xf32, #tpu.memory_space<vmem>>[vector<16xi32>, vector<16xi32>, vector<16xi32>], vector<16xf32>,
        %broadcast_in_dim3A_745 = vector.shape_cast %select_n3A_57 : vector<16xi32> to vector<16x1xi32>
        %gather3A_746 = vector.shape_cast %broadcast_in_dim3A_745 : vector<16x1xi32> to vector<16xi32>
        %gather3A_747 = tpu.dynamic_gather %exp3A_429[%gather3A_746] in [0] : vector<16xf32>, vector<16xi32> -> vector<16xf32>
        %mul3A_748 = arith.mulf %gather3A_747, %gather3A_744 : vector<16xf32>
        tpu.vector_store_idx %arg18[%broadcast_in_dim3A_340, %broadcast_in_dim3A_737, %add3A_743], %mul3A_748 : memref<2x80x72xf32, #tpu.memory_space<vmem>>[vector<16xi32>, vector<16xi32>, vector<16xi32>], vector<16xf32>,
        %add3A_749 = arith.constant 16 : i32
        %add3A_750 = vector.broadcast %add3A_749 : i32 to vector<16xi32>
        %add3A_751 = arith.addi %add3A_750, %iota3A : vector<16xi32>
        %gather3A_752 = tpu.vector_load_idx %arg17[%broadcast_in_dim3A_340, %broadcast_in_dim3A_737, %add3A_751] : memref<2x80x64xf32, #tpu.memory_space<vmem>>[vector<16xi32>, vector<16xi32>, vector<16xi32>], vector<16xf32>,
        %broadcast_in_dim3A_753 = vector.shape_cast %select_n3A_65 : vector<16xi32> to vector<16x1xi32>
        %gather3A_754 = vector.shape_cast %broadcast_in_dim3A_753 : vector<16x1xi32> to vector<16xi32>
        %gather3A_755 = tpu.dynamic_gather %exp3A_429[%gather3A_754] in [0] : vector<16xf32>, vector<16xi32> -> vector<16xf32>
        %mul3A_756 = arith.mulf %gather3A_755, %gather3A_752 : vector<16xf32>
        tpu.vector_store_idx %arg18[%broadcast_in_dim3A_340, %broadcast_in_dim3A_737, %add3A_751], %mul3A_756 : memref<2x80x72xf32, #tpu.memory_space<vmem>>[vector<16xi32>, vector<16xi32>, vector<16xi32>], vector<16xf32>,
        %add3A_757 = arith.constant 32 : i32
        %add3A_758 = vector.broadcast %add3A_757 : i32 to vector<16xi32>
        %add3A_759 = arith.addi %add3A_758, %iota3A : vector<16xi32>
        %gather3A_760 = tpu.vector_load_idx %arg17[%broadcast_in_dim3A_340, %broadcast_in_dim3A_737, %add3A_759] : memref<2x80x64xf32, #tpu.memory_space<vmem>>[vector<16xi32>, vector<16xi32>, vector<16xi32>], vector<16xf32>,
        %broadcast_in_dim3A_761 = vector.shape_cast %select_n3A_73 : vector<16xi32> to vector<16x1xi32>
        %gather3A_762 = vector.shape_cast %broadcast_in_dim3A_761 : vector<16x1xi32> to vector<16xi32>
        %gather3A_763 = tpu.dynamic_gather %exp3A_429[%gather3A_762] in [0] : vector<16xf32>, vector<16xi32> -> vector<16xf32>
        %mul3A_764 = arith.mulf %gather3A_763, %gather3A_760 : vector<16xf32>
        tpu.vector_store_idx %arg18[%broadcast_in_dim3A_340, %broadcast_in_dim3A_737, %add3A_759], %mul3A_764 : memref<2x80x72xf32, #tpu.memory_space<vmem>>[vector<16xi32>, vector<16xi32>, vector<16xi32>], vector<16xf32>,
        %add3A_765 = arith.constant 48 : i32
        %add3A_766 = vector.broadcast %add3A_765 : i32 to vector<16xi32>
        %add3A_767 = arith.addi %add3A_766, %iota3A : vector<16xi32>
        %gather3A_768 = tpu.vector_load_idx %arg17[%broadcast_in_dim3A_340, %broadcast_in_dim3A_737, %add3A_767] : memref<2x80x64xf32, #tpu.memory_space<vmem>>[vector<16xi32>, vector<16xi32>, vector<16xi32>], vector<16xf32>,
        %broadcast_in_dim3A_769 = vector.shape_cast %select_n3A_81 : vector<16xi32> to vector<16x1xi32>
        %gather3A_770 = vector.shape_cast %broadcast_in_dim3A_769 : vector<16x1xi32> to vector<16xi32>
        %gather3A_771 = tpu.dynamic_gather %exp3A_429[%gather3A_770] in [0] : vector<16xf32>, vector<16xi32> -> vector<16xf32>
        %mul3A_772 = arith.mulf %gather3A_771, %gather3A_768 : vector<16xf32>
        tpu.vector_store_idx %arg18[%broadcast_in_dim3A_340, %broadcast_in_dim3A_737, %add3A_767], %mul3A_772 : memref<2x80x72xf32, #tpu.memory_space<vmem>>[vector<16xi32>, vector<16xi32>, vector<16xi32>], vector<16xf32>,
        %add3A_773 = arith.constant 0 : i32
        %add3A_774 = vector.broadcast %add3A_773 : i32 to vector<16xi32>
        %add3A_775 = arith.addi %add3A_774, %iota3A : vector<16xi32>
        %gather3A_776 = tpu.vector_load_idx %arg17[%broadcast_in_dim3A_340, %add3A_740, %add3A_775] : memref<2x80x64xf32, #tpu.memory_space<vmem>>[vector<16xi32>, vector<16xi32>, vector<16xi32>], vector<16xf32>,
        %broadcast_in_dim3A_777 = vector.shape_cast %select_n3A_89 : vector<16xi32> to vector<16x1xi32>
        %gather3A_778 = vector.shape_cast %broadcast_in_dim3A_777 : vector<16x1xi32> to vector<16xi32>
        %gather3A_779 = tpu.dynamic_gather %exp3A_429[%gather3A_778] in [0] : vector<16xf32>, vector<16xi32> -> vector<16xf32>
        %mul3A_780 = arith.mulf %gather3A_779, %gather3A_776 : vector<16xf32>
        tpu.vector_store_idx %arg18[%broadcast_in_dim3A_340, %add3A_740, %add3A_775], %mul3A_780 : memref<2x80x72xf32, #tpu.memory_space<vmem>>[vector<16xi32>, vector<16xi32>, vector<16xi32>], vector<16xf32>,
        %add3A_781 = arith.constant 16 : i32
        %add3A_782 = vector.broadcast %add3A_781 : i32 to vector<16xi32>
        %add3A_783 = arith.addi %add3A_782, %iota3A : vector<16xi32>
        %gather3A_784 = tpu.vector_load_idx %arg17[%broadcast_in_dim3A_340, %add3A_740, %add3A_783] : memref<2x80x64xf32, #tpu.memory_space<vmem>>[vector<16xi32>, vector<16xi32>, vector<16xi32>], vector<16xf32>,
        %broadcast_in_dim3A_785 = vector.shape_cast %select_n3A_97 : vector<16xi32> to vector<16x1xi32>
        %gather3A_786 = vector.shape_cast %broadcast_in_dim3A_785 : vector<16x1xi32> to vector<16xi32>
        %gather3A_787 = tpu.dynamic_gather %exp3A_429[%gather3A_786] in [0] : vector<16xf32>, vector<16xi32> -> vector<16xf32>
        %mul3A_788 = arith.mulf %gather3A_787, %gather3A_784 : vector<16xf32>
        tpu.vector_store_idx %arg18[%broadcast_in_dim3A_340, %add3A_740, %add3A_783], %mul3A_788 : memref<2x80x72xf32, #tpu.memory_space<vmem>>[vector<16xi32>, vector<16xi32>, vector<16xi32>], vector<16xf32>,
        %add3A_789 = arith.constant 32 : i32
        %add3A_790 = vector.broadcast %add3A_789 : i32 to vector<16xi32>
        %add3A_791 = arith.addi %add3A_790, %iota3A : vector<16xi32>
        %gather3A_792 = tpu.vector_load_idx %arg17[%broadcast_in_dim3A_340, %add3A_740, %add3A_791] : memref<2x80x64xf32, #tpu.memory_space<vmem>>[vector<16xi32>, vector<16xi32>, vector<16xi32>], vector<16xf32>,
        %broadcast_in_dim3A_793 = vector.shape_cast %select_n3A_105 : vector<16xi32> to vector<16x1xi32>
        %gather3A_794 = vector.shape_cast %broadcast_in_dim3A_793 : vector<16x1xi32> to vector<16xi32>
        %gather3A_795 = tpu.dynamic_gather %exp3A_429[%gather3A_794] in [0] : vector<16xf32>, vector<16xi32> -> vector<16xf32>
        %mul3A_796 = arith.mulf %gather3A_795, %gather3A_792 : vector<16xf32>
        tpu.vector_store_idx %arg18[%broadcast_in_dim3A_340, %add3A_740, %add3A_791], %mul3A_796 : memref<2x80x72xf32, #tpu.memory_space<vmem>>[vector<16xi32>, vector<16xi32>, vector<16xi32>], vector<16xf32>,
        %add3A_797 = arith.constant 48 : i32
        %add3A_798 = vector.broadcast %add3A_797 : i32 to vector<16xi32>
        %add3A_799 = arith.addi %add3A_798, %iota3A : vector<16xi32>
        %gather3A_800 = tpu.vector_load_idx %arg17[%broadcast_in_dim3A_340, %add3A_740, %add3A_799] : memref<2x80x64xf32, #tpu.memory_space<vmem>>[vector<16xi32>, vector<16xi32>, vector<16xi32>], vector<16xf32>,
        %broadcast_in_dim3A_801 = vector.shape_cast %select_n3A_113 : vector<16xi32> to vector<16x1xi32>
        %gather3A_802 = vector.shape_cast %broadcast_in_dim3A_801 : vector<16x1xi32> to vector<16xi32>
        %gather3A_803 = tpu.dynamic_gather %exp3A_429[%gather3A_802] in [0] : vector<16xf32>, vector<16xi32> -> vector<16xf32>
        %mul3A_804 = arith.mulf %gather3A_803, %gather3A_800 : vector<16xf32>
        tpu.vector_store_idx %arg18[%broadcast_in_dim3A_340, %add3A_740, %add3A_799], %mul3A_804 : memref<2x80x72xf32, #tpu.memory_space<vmem>>[vector<16xi32>, vector<16xi32>, vector<16xi32>], vector<16xf32>,
        %mul3A_805 = arith.constant 8 : i32
        %mul3A_806 = arith.muli %mul3A_805, %scan3A_359 : i32
        %add3A_807 = arith.constant 4 : i32
        %add3A_808 = arith.addi %mul3A_806, %add3A_807 : i32
        %mul3A_809 = arith.constant 2 : i32
        %mul3A_810 = arith.muli %mul3A_809, %add3A_808 : i32
        %broadcast_in_dim3A_811 = vector.broadcast %mul3A_810 : i32 to vector<16xi32>
        %add3A_812 = arith.constant 1 : i32
        %add3A_813 = vector.broadcast %add3A_812 : i32 to vector<16xi32>
        %add3A_814 = arith.addi %broadcast_in_dim3A_811, %add3A_813 : vector<16xi32>
        %add3A_815 = arith.constant 0 : i32
        %add3A_816 = vector.broadcast %add3A_815 : i32 to vector<16xi32>
        %add3A_817 = arith.addi %add3A_816, %iota3A : vector<16xi32>
        %gather3A_818 = tpu.vector_load_idx %arg17[%broadcast_in_dim3A_340, %broadcast_in_dim3A_811, %add3A_817] : memref<2x80x64xf32, #tpu.memory_space<vmem>>[vector<16xi32>, vector<16xi32>, vector<16xi32>], vector<16xf32>,
        %broadcast_in_dim3A_819 = vector.shape_cast %select_n3A_57 : vector<16xi32> to vector<16x1xi32>
        %gather3A_820 = vector.shape_cast %broadcast_in_dim3A_819 : vector<16x1xi32> to vector<16xi32>
        %gather3A_821 = tpu.dynamic_gather %exp3A_448[%gather3A_820] in [0] : vector<16xf32>, vector<16xi32> -> vector<16xf32>
        %mul3A_822 = arith.mulf %gather3A_821, %gather3A_818 : vector<16xf32>
        tpu.vector_store_idx %arg18[%broadcast_in_dim3A_340, %broadcast_in_dim3A_811, %add3A_817], %mul3A_822 : memref<2x80x72xf32, #tpu.memory_space<vmem>>[vector<16xi32>, vector<16xi32>, vector<16xi32>], vector<16xf32>,
        %add3A_823 = arith.constant 16 : i32
        %add3A_824 = vector.broadcast %add3A_823 : i32 to vector<16xi32>
        %add3A_825 = arith.addi %add3A_824, %iota3A : vector<16xi32>
        %gather3A_826 = tpu.vector_load_idx %arg17[%broadcast_in_dim3A_340, %broadcast_in_dim3A_811, %add3A_825] : memref<2x80x64xf32, #tpu.memory_space<vmem>>[vector<16xi32>, vector<16xi32>, vector<16xi32>], vector<16xf32>,
        %broadcast_in_dim3A_827 = vector.shape_cast %select_n3A_65 : vector<16xi32> to vector<16x1xi32>
        %gather3A_828 = vector.shape_cast %broadcast_in_dim3A_827 : vector<16x1xi32> to vector<16xi32>
        %gather3A_829 = tpu.dynamic_gather %exp3A_448[%gather3A_828] in [0] : vector<16xf32>, vector<16xi32> -> vector<16xf32>
        %mul3A_830 = arith.mulf %gather3A_829, %gather3A_826 : vector<16xf32>
        tpu.vector_store_idx %arg18[%broadcast_in_dim3A_340, %broadcast_in_dim3A_811, %add3A_825], %mul3A_830 : memref<2x80x72xf32, #tpu.memory_space<vmem>>[vector<16xi32>, vector<16xi32>, vector<16xi32>], vector<16xf32>,
        %add3A_831 = arith.constant 32 : i32
        %add3A_832 = vector.broadcast %add3A_831 : i32 to vector<16xi32>
        %add3A_833 = arith.addi %add3A_832, %iota3A : vector<16xi32>
        %gather3A_834 = tpu.vector_load_idx %arg17[%broadcast_in_dim3A_340, %broadcast_in_dim3A_811, %add3A_833] : memref<2x80x64xf32, #tpu.memory_space<vmem>>[vector<16xi32>, vector<16xi32>, vector<16xi32>], vector<16xf32>,
        %broadcast_in_dim3A_835 = vector.shape_cast %select_n3A_73 : vector<16xi32> to vector<16x1xi32>
        %gather3A_836 = vector.shape_cast %broadcast_in_dim3A_835 : vector<16x1xi32> to vector<16xi32>
        %gather3A_837 = tpu.dynamic_gather %exp3A_448[%gather3A_836] in [0] : vector<16xf32>, vector<16xi32> -> vector<16xf32>
        %mul3A_838 = arith.mulf %gather3A_837, %gather3A_834 : vector<16xf32>
        tpu.vector_store_idx %arg18[%broadcast_in_dim3A_340, %broadcast_in_dim3A_811, %add3A_833], %mul3A_838 : memref<2x80x72xf32, #tpu.memory_space<vmem>>[vector<16xi32>, vector<16xi32>, vector<16xi32>], vector<16xf32>,
        %add3A_839 = arith.constant 48 : i32
        %add3A_840 = vector.broadcast %add3A_839 : i32 to vector<16xi32>
        %add3A_841 = arith.addi %add3A_840, %iota3A : vector<16xi32>
        %gather3A_842 = tpu.vector_load_idx %arg17[%broadcast_in_dim3A_340, %broadcast_in_dim3A_811, %add3A_841] : memref<2x80x64xf32, #tpu.memory_space<vmem>>[vector<16xi32>, vector<16xi32>, vector<16xi32>], vector<16xf32>,
        %broadcast_in_dim3A_843 = vector.shape_cast %select_n3A_81 : vector<16xi32> to vector<16x1xi32>
        %gather3A_844 = vector.shape_cast %broadcast_in_dim3A_843 : vector<16x1xi32> to vector<16xi32>
        %gather3A_845 = tpu.dynamic_gather %exp3A_448[%gather3A_844] in [0] : vector<16xf32>, vector<16xi32> -> vector<16xf32>
        %mul3A_846 = arith.mulf %gather3A_845, %gather3A_842 : vector<16xf32>
        tpu.vector_store_idx %arg18[%broadcast_in_dim3A_340, %broadcast_in_dim3A_811, %add3A_841], %mul3A_846 : memref<2x80x72xf32, #tpu.memory_space<vmem>>[vector<16xi32>, vector<16xi32>, vector<16xi32>], vector<16xf32>,
        %add3A_847 = arith.constant 0 : i32
        %add3A_848 = vector.broadcast %add3A_847 : i32 to vector<16xi32>
        %add3A_849 = arith.addi %add3A_848, %iota3A : vector<16xi32>
        %gather3A_850 = tpu.vector_load_idx %arg17[%broadcast_in_dim3A_340, %add3A_814, %add3A_849] : memref<2x80x64xf32, #tpu.memory_space<vmem>>[vector<16xi32>, vector<16xi32>, vector<16xi32>], vector<16xf32>,
        %broadcast_in_dim3A_851 = vector.shape_cast %select_n3A_89 : vector<16xi32> to vector<16x1xi32>
        %gather3A_852 = vector.shape_cast %broadcast_in_dim3A_851 : vector<16x1xi32> to vector<16xi32>
        %gather3A_853 = tpu.dynamic_gather %exp3A_448[%gather3A_852] in [0] : vector<16xf32>, vector<16xi32> -> vector<16xf32>
        %mul3A_854 = arith.mulf %gather3A_853, %gather3A_850 : vector<16xf32>
        tpu.vector_store_idx %arg18[%broadcast_in_dim3A_340, %add3A_814, %add3A_849], %mul3A_854 : memref<2x80x72xf32, #tpu.memory_space<vmem>>[vector<16xi32>, vector<16xi32>, vector<16xi32>], vector<16xf32>,
        %add3A_855 = arith.constant 16 : i32
        %add3A_856 = vector.broadcast %add3A_855 : i32 to vector<16xi32>
        %add3A_857 = arith.addi %add3A_856, %iota3A : vector<16xi32>
        %gather3A_858 = tpu.vector_load_idx %arg17[%broadcast_in_dim3A_340, %add3A_814, %add3A_857] : memref<2x80x64xf32, #tpu.memory_space<vmem>>[vector<16xi32>, vector<16xi32>, vector<16xi32>], vector<16xf32>,
        %broadcast_in_dim3A_859 = vector.shape_cast %select_n3A_97 : vector<16xi32> to vector<16x1xi32>
        %gather3A_860 = vector.shape_cast %broadcast_in_dim3A_859 : vector<16x1xi32> to vector<16xi32>
        %gather3A_861 = tpu.dynamic_gather %exp3A_448[%gather3A_860] in [0] : vector<16xf32>, vector<16xi32> -> vector<16xf32>
        %mul3A_862 = arith.mulf %gather3A_861, %gather3A_858 : vector<16xf32>
        tpu.vector_store_idx %arg18[%broadcast_in_dim3A_340, %add3A_814, %add3A_857], %mul3A_862 : memref<2x80x72xf32, #tpu.memory_space<vmem>>[vector<16xi32>, vector<16xi32>, vector<16xi32>], vector<16xf32>,
        %add3A_863 = arith.constant 32 : i32
        %add3A_864 = vector.broadcast %add3A_863 : i32 to vector<16xi32>
        %add3A_865 = arith.addi %add3A_864, %iota3A : vector<16xi32>
        %gather3A_866 = tpu.vector_load_idx %arg17[%broadcast_in_dim3A_340, %add3A_814, %add3A_865] : memref<2x80x64xf32, #tpu.memory_space<vmem>>[vector<16xi32>, vector<16xi32>, vector<16xi32>], vector<16xf32>,
        %broadcast_in_dim3A_867 = vector.shape_cast %select_n3A_105 : vector<16xi32> to vector<16x1xi32>
        %gather3A_868 = vector.shape_cast %broadcast_in_dim3A_867 : vector<16x1xi32> to vector<16xi32>
        %gather3A_869 = tpu.dynamic_gather %exp3A_448[%gather3A_868] in [0] : vector<16xf32>, vector<16xi32> -> vector<16xf32>
        %mul3A_870 = arith.mulf %gather3A_869, %gather3A_866 : vector<16xf32>
        tpu.vector_store_idx %arg18[%broadcast_in_dim3A_340, %add3A_814, %add3A_865], %mul3A_870 : memref<2x80x72xf32, #tpu.memory_space<vmem>>[vector<16xi32>, vector<16xi32>, vector<16xi32>], vector<16xf32>,
        %add3A_871 = arith.constant 48 : i32
        %add3A_872 = vector.broadcast %add3A_871 : i32 to vector<16xi32>
        %add3A_873 = arith.addi %add3A_872, %iota3A : vector<16xi32>
        %gather3A_874 = tpu.vector_load_idx %arg17[%broadcast_in_dim3A_340, %add3A_814, %add3A_873] : memref<2x80x64xf32, #tpu.memory_space<vmem>>[vector<16xi32>, vector<16xi32>, vector<16xi32>], vector<16xf32>,
        %broadcast_in_dim3A_875 = vector.shape_cast %select_n3A_113 : vector<16xi32> to vector<16x1xi32>
        %gather3A_876 = vector.shape_cast %broadcast_in_dim3A_875 : vector<16x1xi32> to vector<16xi32>
        %gather3A_877 = tpu.dynamic_gather %exp3A_448[%gather3A_876] in [0] : vector<16xf32>, vector<16xi32> -> vector<16xf32>
        %mul3A_878 = arith.mulf %gather3A_877, %gather3A_874 : vector<16xf32>
        tpu.vector_store_idx %arg18[%broadcast_in_dim3A_340, %add3A_814, %add3A_873], %mul3A_878 : memref<2x80x72xf32, #tpu.memory_space<vmem>>[vector<16xi32>, vector<16xi32>, vector<16xi32>], vector<16xf32>,
        %mul3A_879 = arith.constant 8 : i32
        %mul3A_880 = arith.muli %mul3A_879, %scan3A_359 : i32
        %add3A_881 = arith.constant 5 : i32
        %add3A_882 = arith.addi %mul3A_880, %add3A_881 : i32
        %mul3A_883 = arith.constant 2 : i32
        %mul3A_884 = arith.muli %mul3A_883, %add3A_882 : i32
        %broadcast_in_dim3A_885 = vector.broadcast %mul3A_884 : i32 to vector<16xi32>
        %add3A_886 = arith.constant 1 : i32
        %add3A_887 = vector.broadcast %add3A_886 : i32 to vector<16xi32>
        %add3A_888 = arith.addi %broadcast_in_dim3A_885, %add3A_887 : vector<16xi32>
        %add3A_889 = arith.constant 0 : i32
        %add3A_890 = vector.broadcast %add3A_889 : i32 to vector<16xi32>
        %add3A_891 = arith.addi %add3A_890, %iota3A : vector<16xi32>
        %gather3A_892 = tpu.vector_load_idx %arg17[%broadcast_in_dim3A_340, %broadcast_in_dim3A_885, %add3A_891] : memref<2x80x64xf32, #tpu.memory_space<vmem>>[vector<16xi32>, vector<16xi32>, vector<16xi32>], vector<16xf32>,
        %broadcast_in_dim3A_893 = vector.shape_cast %select_n3A_57 : vector<16xi32> to vector<16x1xi32>
        %gather3A_894 = vector.shape_cast %broadcast_in_dim3A_893 : vector<16x1xi32> to vector<16xi32>
        %gather3A_895 = tpu.dynamic_gather %exp3A_467[%gather3A_894] in [0] : vector<16xf32>, vector<16xi32> -> vector<16xf32>
        %mul3A_896 = arith.mulf %gather3A_895, %gather3A_892 : vector<16xf32>
        tpu.vector_store_idx %arg18[%broadcast_in_dim3A_340, %broadcast_in_dim3A_885, %add3A_891], %mul3A_896 : memref<2x80x72xf32, #tpu.memory_space<vmem>>[vector<16xi32>, vector<16xi32>, vector<16xi32>], vector<16xf32>,
        %add3A_897 = arith.constant 16 : i32
        %add3A_898 = vector.broadcast %add3A_897 : i32 to vector<16xi32>
        %add3A_899 = arith.addi %add3A_898, %iota3A : vector<16xi32>
        %gather3A_900 = tpu.vector_load_idx %arg17[%broadcast_in_dim3A_340, %broadcast_in_dim3A_885, %add3A_899] : memref<2x80x64xf32, #tpu.memory_space<vmem>>[vector<16xi32>, vector<16xi32>, vector<16xi32>], vector<16xf32>,
        %broadcast_in_dim3A_901 = vector.shape_cast %select_n3A_65 : vector<16xi32> to vector<16x1xi32>
        %gather3A_902 = vector.shape_cast %broadcast_in_dim3A_901 : vector<16x1xi32> to vector<16xi32>
        %gather3A_903 = tpu.dynamic_gather %exp3A_467[%gather3A_902] in [0] : vector<16xf32>, vector<16xi32> -> vector<16xf32>
        %mul3A_904 = arith.mulf %gather3A_903, %gather3A_900 : vector<16xf32>
        tpu.vector_store_idx %arg18[%broadcast_in_dim3A_340, %broadcast_in_dim3A_885, %add3A_899], %mul3A_904 : memref<2x80x72xf32, #tpu.memory_space<vmem>>[vector<16xi32>, vector<16xi32>, vector<16xi32>], vector<16xf32>,
        %add3A_905 = arith.constant 32 : i32
        %add3A_906 = vector.broadcast %add3A_905 : i32 to vector<16xi32>
        %add3A_907 = arith.addi %add3A_906, %iota3A : vector<16xi32>
        %gather3A_908 = tpu.vector_load_idx %arg17[%broadcast_in_dim3A_340, %broadcast_in_dim3A_885, %add3A_907] : memref<2x80x64xf32, #tpu.memory_space<vmem>>[vector<16xi32>, vector<16xi32>, vector<16xi32>], vector<16xf32>,
        %broadcast_in_dim3A_909 = vector.shape_cast %select_n3A_73 : vector<16xi32> to vector<16x1xi32>
        %gather3A_910 = vector.shape_cast %broadcast_in_dim3A_909 : vector<16x1xi32> to vector<16xi32>
        %gather3A_911 = tpu.dynamic_gather %exp3A_467[%gather3A_910] in [0] : vector<16xf32>, vector<16xi32> -> vector<16xf32>
        %mul3A_912 = arith.mulf %gather3A_911, %gather3A_908 : vector<16xf32>
        tpu.vector_store_idx %arg18[%broadcast_in_dim3A_340, %broadcast_in_dim3A_885, %add3A_907], %mul3A_912 : memref<2x80x72xf32, #tpu.memory_space<vmem>>[vector<16xi32>, vector<16xi32>, vector<16xi32>], vector<16xf32>,
        %add3A_913 = arith.constant 48 : i32
        %add3A_914 = vector.broadcast %add3A_913 : i32 to vector<16xi32>
        %add3A_915 = arith.addi %add3A_914, %iota3A : vector<16xi32>
        %gather3A_916 = tpu.vector_load_idx %arg17[%broadcast_in_dim3A_340, %broadcast_in_dim3A_885, %add3A_915] : memref<2x80x64xf32, #tpu.memory_space<vmem>>[vector<16xi32>, vector<16xi32>, vector<16xi32>], vector<16xf32>,
        %broadcast_in_dim3A_917 = vector.shape_cast %select_n3A_81 : vector<16xi32> to vector<16x1xi32>
        %gather3A_918 = vector.shape_cast %broadcast_in_dim3A_917 : vector<16x1xi32> to vector<16xi32>
        %gather3A_919 = tpu.dynamic_gather %exp3A_467[%gather3A_918] in [0] : vector<16xf32>, vector<16xi32> -> vector<16xf32>
        %mul3A_920 = arith.mulf %gather3A_919, %gather3A_916 : vector<16xf32>
        tpu.vector_store_idx %arg18[%broadcast_in_dim3A_340, %broadcast_in_dim3A_885, %add3A_915], %mul3A_920 : memref<2x80x72xf32, #tpu.memory_space<vmem>>[vector<16xi32>, vector<16xi32>, vector<16xi32>], vector<16xf32>,
        %add3A_921 = arith.constant 0 : i32
        %add3A_922 = vector.broadcast %add3A_921 : i32 to vector<16xi32>
        %add3A_923 = arith.addi %add3A_922, %iota3A : vector<16xi32>
        %gather3A_924 = tpu.vector_load_idx %arg17[%broadcast_in_dim3A_340, %add3A_888, %add3A_923] : memref<2x80x64xf32, #tpu.memory_space<vmem>>[vector<16xi32>, vector<16xi32>, vector<16xi32>], vector<16xf32>,
        %broadcast_in_dim3A_925 = vector.shape_cast %select_n3A_89 : vector<16xi32> to vector<16x1xi32>
        %gather3A_926 = vector.shape_cast %broadcast_in_dim3A_925 : vector<16x1xi32> to vector<16xi32>
        %gather3A_927 = tpu.dynamic_gather %exp3A_467[%gather3A_926] in [0] : vector<16xf32>, vector<16xi32> -> vector<16xf32>
        %mul3A_928 = arith.mulf %gather3A_927, %gather3A_924 : vector<16xf32>
        tpu.vector_store_idx %arg18[%broadcast_in_dim3A_340, %add3A_888, %add3A_923], %mul3A_928 : memref<2x80x72xf32, #tpu.memory_space<vmem>>[vector<16xi32>, vector<16xi32>, vector<16xi32>], vector<16xf32>,
        %add3A_929 = arith.constant 16 : i32
        %add3A_930 = vector.broadcast %add3A_929 : i32 to vector<16xi32>
        %add3A_931 = arith.addi %add3A_930, %iota3A : vector<16xi32>
        %gather3A_932 = tpu.vector_load_idx %arg17[%broadcast_in_dim3A_340, %add3A_888, %add3A_931] : memref<2x80x64xf32, #tpu.memory_space<vmem>>[vector<16xi32>, vector<16xi32>, vector<16xi32>], vector<16xf32>,
        %broadcast_in_dim3A_933 = vector.shape_cast %select_n3A_97 : vector<16xi32> to vector<16x1xi32>
        %gather3A_934 = vector.shape_cast %broadcast_in_dim3A_933 : vector<16x1xi32> to vector<16xi32>
        %gather3A_935 = tpu.dynamic_gather %exp3A_467[%gather3A_934] in [0] : vector<16xf32>, vector<16xi32> -> vector<16xf32>
        %mul3A_936 = arith.mulf %gather3A_935, %gather3A_932 : vector<16xf32>
        tpu.vector_store_idx %arg18[%broadcast_in_dim3A_340, %add3A_888, %add3A_931], %mul3A_936 : memref<2x80x72xf32, #tpu.memory_space<vmem>>[vector<16xi32>, vector<16xi32>, vector<16xi32>], vector<16xf32>,
        %add3A_937 = arith.constant 32 : i32
        %add3A_938 = vector.broadcast %add3A_937 : i32 to vector<16xi32>
        %add3A_939 = arith.addi %add3A_938, %iota3A : vector<16xi32>
        %gather3A_940 = tpu.vector_load_idx %arg17[%broadcast_in_dim3A_340, %add3A_888, %add3A_939] : memref<2x80x64xf32, #tpu.memory_space<vmem>>[vector<16xi32>, vector<16xi32>, vector<16xi32>], vector<16xf32>,
        %broadcast_in_dim3A_941 = vector.shape_cast %select_n3A_105 : vector<16xi32> to vector<16x1xi32>
        %gather3A_942 = vector.shape_cast %broadcast_in_dim3A_941 : vector<16x1xi32> to vector<16xi32>
        %gather3A_943 = tpu.dynamic_gather %exp3A_467[%gather3A_942] in [0] : vector<16xf32>, vector<16xi32> -> vector<16xf32>
        %mul3A_944 = arith.mulf %gather3A_943, %gather3A_940 : vector<16xf32>
        tpu.vector_store_idx %arg18[%broadcast_in_dim3A_340, %add3A_888, %add3A_939], %mul3A_944 : memref<2x80x72xf32, #tpu.memory_space<vmem>>[vector<16xi32>, vector<16xi32>, vector<16xi32>], vector<16xf32>,
        %add3A_945 = arith.constant 48 : i32
        %add3A_946 = vector.broadcast %add3A_945 : i32 to vector<16xi32>
        %add3A_947 = arith.addi %add3A_946, %iota3A : vector<16xi32>
        %gather3A_948 = tpu.vector_load_idx %arg17[%broadcast_in_dim3A_340, %add3A_888, %add3A_947] : memref<2x80x64xf32, #tpu.memory_space<vmem>>[vector<16xi32>, vector<16xi32>, vector<16xi32>], vector<16xf32>,
        %broadcast_in_dim3A_949 = vector.shape_cast %select_n3A_113 : vector<16xi32> to vector<16x1xi32>
        %gather3A_950 = vector.shape_cast %broadcast_in_dim3A_949 : vector<16x1xi32> to vector<16xi32>
        %gather3A_951 = tpu.dynamic_gather %exp3A_467[%gather3A_950] in [0] : vector<16xf32>, vector<16xi32> -> vector<16xf32>
        %mul3A_952 = arith.mulf %gather3A_951, %gather3A_948 : vector<16xf32>
        tpu.vector_store_idx %arg18[%broadcast_in_dim3A_340, %add3A_888, %add3A_947], %mul3A_952 : memref<2x80x72xf32, #tpu.memory_space<vmem>>[vector<16xi32>, vector<16xi32>, vector<16xi32>], vector<16xf32>,
        %mul3A_953 = arith.constant 8 : i32
        %mul3A_954 = arith.muli %mul3A_953, %scan3A_359 : i32
        %add3A_955 = arith.constant 6 : i32
        %add3A_956 = arith.addi %mul3A_954, %add3A_955 : i32
        %mul3A_957 = arith.constant 2 : i32
        %mul3A_958 = arith.muli %mul3A_957, %add3A_956 : i32
        %broadcast_in_dim3A_959 = vector.broadcast %mul3A_958 : i32 to vector<16xi32>
        %add3A_960 = arith.constant 1 : i32
        %add3A_961 = vector.broadcast %add3A_960 : i32 to vector<16xi32>
        %add3A_962 = arith.addi %broadcast_in_dim3A_959, %add3A_961 : vector<16xi32>
        %add3A_963 = arith.constant 0 : i32
        %add3A_964 = vector.broadcast %add3A_963 : i32 to vector<16xi32>
        %add3A_965 = arith.addi %add3A_964, %iota3A : vector<16xi32>
        %gather3A_966 = tpu.vector_load_idx %arg17[%broadcast_in_dim3A_340, %broadcast_in_dim3A_959, %add3A_965] : memref<2x80x64xf32, #tpu.memory_space<vmem>>[vector<16xi32>, vector<16xi32>, vector<16xi32>], vector<16xf32>,
        %broadcast_in_dim3A_967 = vector.shape_cast %select_n3A_57 : vector<16xi32> to vector<16x1xi32>
        %gather3A_968 = vector.shape_cast %broadcast_in_dim3A_967 : vector<16x1xi32> to vector<16xi32>
        %gather3A_969 = tpu.dynamic_gather %exp3A_486[%gather3A_968] in [0] : vector<16xf32>, vector<16xi32> -> vector<16xf32>
        %mul3A_970 = arith.mulf %gather3A_969, %gather3A_966 : vector<16xf32>
        tpu.vector_store_idx %arg18[%broadcast_in_dim3A_340, %broadcast_in_dim3A_959, %add3A_965], %mul3A_970 : memref<2x80x72xf32, #tpu.memory_space<vmem>>[vector<16xi32>, vector<16xi32>, vector<16xi32>], vector<16xf32>,
        %add3A_971 = arith.constant 16 : i32
        %add3A_972 = vector.broadcast %add3A_971 : i32 to vector<16xi32>
        %add3A_973 = arith.addi %add3A_972, %iota3A : vector<16xi32>
        %gather3A_974 = tpu.vector_load_idx %arg17[%broadcast_in_dim3A_340, %broadcast_in_dim3A_959, %add3A_973] : memref<2x80x64xf32, #tpu.memory_space<vmem>>[vector<16xi32>, vector<16xi32>, vector<16xi32>], vector<16xf32>,
        %broadcast_in_dim3A_975 = vector.shape_cast %select_n3A_65 : vector<16xi32> to vector<16x1xi32>
        %gather3A_976 = vector.shape_cast %broadcast_in_dim3A_975 : vector<16x1xi32> to vector<16xi32>
        %gather3A_977 = tpu.dynamic_gather %exp3A_486[%gather3A_976] in [0] : vector<16xf32>, vector<16xi32> -> vector<16xf32>
        %mul3A_978 = arith.mulf %gather3A_977, %gather3A_974 : vector<16xf32>
        tpu.vector_store_idx %arg18[%broadcast_in_dim3A_340, %broadcast_in_dim3A_959, %add3A_973], %mul3A_978 : memref<2x80x72xf32, #tpu.memory_space<vmem>>[vector<16xi32>, vector<16xi32>, vector<16xi32>], vector<16xf32>,
        %add3A_979 = arith.constant 32 : i32
        %add3A_980 = vector.broadcast %add3A_979 : i32 to vector<16xi32>
        %add3A_981 = arith.addi %add3A_980, %iota3A : vector<16xi32>
        %gather3A_982 = tpu.vector_load_idx %arg17[%broadcast_in_dim3A_340, %broadcast_in_dim3A_959, %add3A_981] : memref<2x80x64xf32, #tpu.memory_space<vmem>>[vector<16xi32>, vector<16xi32>, vector<16xi32>], vector<16xf32>,
        %broadcast_in_dim3A_983 = vector.shape_cast %select_n3A_73 : vector<16xi32> to vector<16x1xi32>
        %gather3A_984 = vector.shape_cast %broadcast_in_dim3A_983 : vector<16x1xi32> to vector<16xi32>
        %gather3A_985 = tpu.dynamic_gather %exp3A_486[%gather3A_984] in [0] : vector<16xf32>, vector<16xi32> -> vector<16xf32>
        %mul3A_986 = arith.mulf %gather3A_985, %gather3A_982 : vector<16xf32>
        tpu.vector_store_idx %arg18[%broadcast_in_dim3A_340, %broadcast_in_dim3A_959, %add3A_981], %mul3A_986 : memref<2x80x72xf32, #tpu.memory_space<vmem>>[vector<16xi32>, vector<16xi32>, vector<16xi32>], vector<16xf32>,
        %add3A_987 = arith.constant 48 : i32
        %add3A_988 = vector.broadcast %add3A_987 : i32 to vector<16xi32>
        %add3A_989 = arith.addi %add3A_988, %iota3A : vector<16xi32>
        %gather3A_990 = tpu.vector_load_idx %arg17[%broadcast_in_dim3A_340, %broadcast_in_dim3A_959, %add3A_989] : memref<2x80x64xf32, #tpu.memory_space<vmem>>[vector<16xi32>, vector<16xi32>, vector<16xi32>], vector<16xf32>,
        %broadcast_in_dim3A_991 = vector.shape_cast %select_n3A_81 : vector<16xi32> to vector<16x1xi32>
        %gather3A_992 = vector.shape_cast %broadcast_in_dim3A_991 : vector<16x1xi32> to vector<16xi32>
        %gather3A_993 = tpu.dynamic_gather %exp3A_486[%gather3A_992] in [0] : vector<16xf32>, vector<16xi32> -> vector<16xf32>
        %mul3A_994 = arith.mulf %gather3A_993, %gather3A_990 : vector<16xf32>
        tpu.vector_store_idx %arg18[%broadcast_in_dim3A_340, %broadcast_in_dim3A_959, %add3A_989], %mul3A_994 : memref<2x80x72xf32, #tpu.memory_space<vmem>>[vector<16xi32>, vector<16xi32>, vector<16xi32>], vector<16xf32>,
        %add3A_995 = arith.constant 0 : i32
        %add3A_996 = vector.broadcast %add3A_995 : i32 to vector<16xi32>
        %add3A_997 = arith.addi %add3A_996, %iota3A : vector<16xi32>
        %gather3A_998 = tpu.vector_load_idx %arg17[%broadcast_in_dim3A_340, %add3A_962, %add3A_997] : memref<2x80x64xf32, #tpu.memory_space<vmem>>[vector<16xi32>, vector<16xi32>, vector<16xi32>], vector<16xf32>,
        %broadcast_in_dim3A_999 = vector.shape_cast %select_n3A_89 : vector<16xi32> to vector<16x1xi32>
        %gather3A_1000 = vector.shape_cast %broadcast_in_dim3A_999 : vector<16x1xi32> to vector<16xi32>
        %gather3A_1001 = tpu.dynamic_gather %exp3A_486[%gather3A_1000] in [0] : vector<16xf32>, vector<16xi32> -> vector<16xf32>
        %mul3A_1002 = arith.mulf %gather3A_1001, %gather3A_998 : vector<16xf32>
        tpu.vector_store_idx %arg18[%broadcast_in_dim3A_340, %add3A_962, %add3A_997], %mul3A_1002 : memref<2x80x72xf32, #tpu.memory_space<vmem>>[vector<16xi32>, vector<16xi32>, vector<16xi32>], vector<16xf32>,
        %add3A_1003 = arith.constant 16 : i32
        %add3A_1004 = vector.broadcast %add3A_1003 : i32 to vector<16xi32>
        %add3A_1005 = arith.addi %add3A_1004, %iota3A : vector<16xi32>
        %gather3A_1006 = tpu.vector_load_idx %arg17[%broadcast_in_dim3A_340, %add3A_962, %add3A_1005] : memref<2x80x64xf32, #tpu.memory_space<vmem>>[vector<16xi32>, vector<16xi32>, vector<16xi32>], vector<16xf32>,
        %broadcast_in_dim3A_1007 = vector.shape_cast %select_n3A_97 : vector<16xi32> to vector<16x1xi32>
        %gather3A_1008 = vector.shape_cast %broadcast_in_dim3A_1007 : vector<16x1xi32> to vector<16xi32>
        %gather3A_1009 = tpu.dynamic_gather %exp3A_486[%gather3A_1008] in [0] : vector<16xf32>, vector<16xi32> -> vector<16xf32>
        %mul3A_1010 = arith.mulf %gather3A_1009, %gather3A_1006 : vector<16xf32>
        tpu.vector_store_idx %arg18[%broadcast_in_dim3A_340, %add3A_962, %add3A_1005], %mul3A_1010 : memref<2x80x72xf32, #tpu.memory_space<vmem>>[vector<16xi32>, vector<16xi32>, vector<16xi32>], vector<16xf32>,
        %add3A_1011 = arith.constant 32 : i32
        %add3A_1012 = vector.broadcast %add3A_1011 : i32 to vector<16xi32>
        %add3A_1013 = arith.addi %add3A_1012, %iota3A : vector<16xi32>
        %gather3A_1014 = tpu.vector_load_idx %arg17[%broadcast_in_dim3A_340, %add3A_962, %add3A_1013] : memref<2x80x64xf32, #tpu.memory_space<vmem>>[vector<16xi32>, vector<16xi32>, vector<16xi32>], vector<16xf32>,
        %broadcast_in_dim3A_1015 = vector.shape_cast %select_n3A_105 : vector<16xi32> to vector<16x1xi32>
        %gather3A_1016 = vector.shape_cast %broadcast_in_dim3A_1015 : vector<16x1xi32> to vector<16xi32>
        %gather3A_1017 = tpu.dynamic_gather %exp3A_486[%gather3A_1016] in [0] : vector<16xf32>, vector<16xi32> -> vector<16xf32>
        %mul3A_1018 = arith.mulf %gather3A_1017, %gather3A_1014 : vector<16xf32>
        tpu.vector_store_idx %arg18[%broadcast_in_dim3A_340, %add3A_962, %add3A_1013], %mul3A_1018 : memref<2x80x72xf32, #tpu.memory_space<vmem>>[vector<16xi32>, vector<16xi32>, vector<16xi32>], vector<16xf32>,
        %add3A_1019 = arith.constant 48 : i32
        %add3A_1020 = vector.broadcast %add3A_1019 : i32 to vector<16xi32>
        %add3A_1021 = arith.addi %add3A_1020, %iota3A : vector<16xi32>
        %gather3A_1022 = tpu.vector_load_idx %arg17[%broadcast_in_dim3A_340, %add3A_962, %add3A_1021] : memref<2x80x64xf32, #tpu.memory_space<vmem>>[vector<16xi32>, vector<16xi32>, vector<16xi32>], vector<16xf32>,
        %broadcast_in_dim3A_1023 = vector.shape_cast %select_n3A_113 : vector<16xi32> to vector<16x1xi32>
        %gather3A_1024 = vector.shape_cast %broadcast_in_dim3A_1023 : vector<16x1xi32> to vector<16xi32>
        %gather3A_1025 = tpu.dynamic_gather %exp3A_486[%gather3A_1024] in [0] : vector<16xf32>, vector<16xi32> -> vector<16xf32>
        %mul3A_1026 = arith.mulf %gather3A_1025, %gather3A_1022 : vector<16xf32>
        tpu.vector_store_idx %arg18[%broadcast_in_dim3A_340, %add3A_962, %add3A_1021], %mul3A_1026 : memref<2x80x72xf32, #tpu.memory_space<vmem>>[vector<16xi32>, vector<16xi32>, vector<16xi32>], vector<16xf32>,
        %mul3A_1027 = arith.constant 8 : i32
        %mul3A_1028 = arith.muli %mul3A_1027, %scan3A_359 : i32
        %add3A_1029 = arith.constant 7 : i32
        %add3A_1030 = arith.addi %mul3A_1028, %add3A_1029 : i32
        %mul3A_1031 = arith.constant 2 : i32
        %mul3A_1032 = arith.muli %mul3A_1031, %add3A_1030 : i32
        %broadcast_in_dim3A_1033 = vector.broadcast %mul3A_1032 : i32 to vector<16xi32>
        %add3A_1034 = arith.constant 1 : i32
        %add3A_1035 = vector.broadcast %add3A_1034 : i32 to vector<16xi32>
        %add3A_1036 = arith.addi %broadcast_in_dim3A_1033, %add3A_1035 : vector<16xi32>
        %add3A_1037 = arith.constant 0 : i32
        %add3A_1038 = vector.broadcast %add3A_1037 : i32 to vector<16xi32>
        %add3A_1039 = arith.addi %add3A_1038, %iota3A : vector<16xi32>
        %gather3A_1040 = tpu.vector_load_idx %arg17[%broadcast_in_dim3A_340, %broadcast_in_dim3A_1033, %add3A_1039] : memref<2x80x64xf32, #tpu.memory_space<vmem>>[vector<16xi32>, vector<16xi32>, vector<16xi32>], vector<16xf32>,
        %broadcast_in_dim3A_1041 = vector.shape_cast %select_n3A_57 : vector<16xi32> to vector<16x1xi32>
        %gather3A_1042 = vector.shape_cast %broadcast_in_dim3A_1041 : vector<16x1xi32> to vector<16xi32>
        %gather3A_1043 = tpu.dynamic_gather %exp3A_505[%gather3A_1042] in [0] : vector<16xf32>, vector<16xi32> -> vector<16xf32>
        %mul3A_1044 = arith.mulf %gather3A_1043, %gather3A_1040 : vector<16xf32>
        tpu.vector_store_idx %arg18[%broadcast_in_dim3A_340, %broadcast_in_dim3A_1033, %add3A_1039], %mul3A_1044 : memref<2x80x72xf32, #tpu.memory_space<vmem>>[vector<16xi32>, vector<16xi32>, vector<16xi32>], vector<16xf32>,
        %add3A_1045 = arith.constant 16 : i32
        %add3A_1046 = vector.broadcast %add3A_1045 : i32 to vector<16xi32>
        %add3A_1047 = arith.addi %add3A_1046, %iota3A : vector<16xi32>
        %gather3A_1048 = tpu.vector_load_idx %arg17[%broadcast_in_dim3A_340, %broadcast_in_dim3A_1033, %add3A_1047] : memref<2x80x64xf32, #tpu.memory_space<vmem>>[vector<16xi32>, vector<16xi32>, vector<16xi32>], vector<16xf32>,
        %broadcast_in_dim3A_1049 = vector.shape_cast %select_n3A_65 : vector<16xi32> to vector<16x1xi32>
        %gather3A_1050 = vector.shape_cast %broadcast_in_dim3A_1049 : vector<16x1xi32> to vector<16xi32>
        %gather3A_1051 = tpu.dynamic_gather %exp3A_505[%gather3A_1050] in [0] : vector<16xf32>, vector<16xi32> -> vector<16xf32>
        %mul3A_1052 = arith.mulf %gather3A_1051, %gather3A_1048 : vector<16xf32>
        tpu.vector_store_idx %arg18[%broadcast_in_dim3A_340, %broadcast_in_dim3A_1033, %add3A_1047], %mul3A_1052 : memref<2x80x72xf32, #tpu.memory_space<vmem>>[vector<16xi32>, vector<16xi32>, vector<16xi32>], vector<16xf32>,
        %add3A_1053 = arith.constant 32 : i32
        %add3A_1054 = vector.broadcast %add3A_1053 : i32 to vector<16xi32>
        %add3A_1055 = arith.addi %add3A_1054, %iota3A : vector<16xi32>
        %gather3A_1056 = tpu.vector_load_idx %arg17[%broadcast_in_dim3A_340, %broadcast_in_dim3A_1033, %add3A_1055] : memref<2x80x64xf32, #tpu.memory_space<vmem>>[vector<16xi32>, vector<16xi32>, vector<16xi32>], vector<16xf32>,
        %broadcast_in_dim3A_1057 = vector.shape_cast %select_n3A_73 : vector<16xi32> to vector<16x1xi32>
        %gather3A_1058 = vector.shape_cast %broadcast_in_dim3A_1057 : vector<16x1xi32> to vector<16xi32>
        %gather3A_1059 = tpu.dynamic_gather %exp3A_505[%gather3A_1058] in [0] : vector<16xf32>, vector<16xi32> -> vector<16xf32>
        %mul3A_1060 = arith.mulf %gather3A_1059, %gather3A_1056 : vector<16xf32>
        tpu.vector_store_idx %arg18[%broadcast_in_dim3A_340, %broadcast_in_dim3A_1033, %add3A_1055], %mul3A_1060 : memref<2x80x72xf32, #tpu.memory_space<vmem>>[vector<16xi32>, vector<16xi32>, vector<16xi32>], vector<16xf32>,
        %add3A_1061 = arith.constant 48 : i32
        %add3A_1062 = vector.broadcast %add3A_1061 : i32 to vector<16xi32>
        %add3A_1063 = arith.addi %add3A_1062, %iota3A : vector<16xi32>
        %gather3A_1064 = tpu.vector_load_idx %arg17[%broadcast_in_dim3A_340, %broadcast_in_dim3A_1033, %add3A_1063] : memref<2x80x64xf32, #tpu.memory_space<vmem>>[vector<16xi32>, vector<16xi32>, vector<16xi32>], vector<16xf32>,
        %broadcast_in_dim3A_1065 = vector.shape_cast %select_n3A_81 : vector<16xi32> to vector<16x1xi32>
        %gather3A_1066 = vector.shape_cast %broadcast_in_dim3A_1065 : vector<16x1xi32> to vector<16xi32>
        %gather3A_1067 = tpu.dynamic_gather %exp3A_505[%gather3A_1066] in [0] : vector<16xf32>, vector<16xi32> -> vector<16xf32>
        %mul3A_1068 = arith.mulf %gather3A_1067, %gather3A_1064 : vector<16xf32>
        tpu.vector_store_idx %arg18[%broadcast_in_dim3A_340, %broadcast_in_dim3A_1033, %add3A_1063], %mul3A_1068 : memref<2x80x72xf32, #tpu.memory_space<vmem>>[vector<16xi32>, vector<16xi32>, vector<16xi32>], vector<16xf32>,
        %add3A_1069 = arith.constant 0 : i32
        %add3A_1070 = vector.broadcast %add3A_1069 : i32 to vector<16xi32>
        %add3A_1071 = arith.addi %add3A_1070, %iota3A : vector<16xi32>
        %gather3A_1072 = tpu.vector_load_idx %arg17[%broadcast_in_dim3A_340, %add3A_1036, %add3A_1071] : memref<2x80x64xf32, #tpu.memory_space<vmem>>[vector<16xi32>, vector<16xi32>, vector<16xi32>], vector<16xf32>,
        %broadcast_in_dim3A_1073 = vector.shape_cast %select_n3A_89 : vector<16xi32> to vector<16x1xi32>
        %gather3A_1074 = vector.shape_cast %broadcast_in_dim3A_1073 : vector<16x1xi32> to vector<16xi32>
        %gather3A_1075 = tpu.dynamic_gather %exp3A_505[%gather3A_1074] in [0] : vector<16xf32>, vector<16xi32> -> vector<16xf32>
        %mul3A_1076 = arith.mulf %gather3A_1075, %gather3A_1072 : vector<16xf32>
        tpu.vector_store_idx %arg18[%broadcast_in_dim3A_340, %add3A_1036, %add3A_1071], %mul3A_1076 : memref<2x80x72xf32, #tpu.memory_space<vmem>>[vector<16xi32>, vector<16xi32>, vector<16xi32>], vector<16xf32>,
        %add3A_1077 = arith.constant 16 : i32
        %add3A_1078 = vector.broadcast %add3A_1077 : i32 to vector<16xi32>
        %add3A_1079 = arith.addi %add3A_1078, %iota3A : vector<16xi32>
        %gather3A_1080 = tpu.vector_load_idx %arg17[%broadcast_in_dim3A_340, %add3A_1036, %add3A_1079] : memref<2x80x64xf32, #tpu.memory_space<vmem>>[vector<16xi32>, vector<16xi32>, vector<16xi32>], vector<16xf32>,
        %broadcast_in_dim3A_1081 = vector.shape_cast %select_n3A_97 : vector<16xi32> to vector<16x1xi32>
        %gather3A_1082 = vector.shape_cast %broadcast_in_dim3A_1081 : vector<16x1xi32> to vector<16xi32>
        %gather3A_1083 = tpu.dynamic_gather %exp3A_505[%gather3A_1082] in [0] : vector<16xf32>, vector<16xi32> -> vector<16xf32>
        %mul3A_1084 = arith.mulf %gather3A_1083, %gather3A_1080 : vector<16xf32>
        tpu.vector_store_idx %arg18[%broadcast_in_dim3A_340, %add3A_1036, %add3A_1079], %mul3A_1084 : memref<2x80x72xf32, #tpu.memory_space<vmem>>[vector<16xi32>, vector<16xi32>, vector<16xi32>], vector<16xf32>,
        %add3A_1085 = arith.constant 32 : i32
        %add3A_1086 = vector.broadcast %add3A_1085 : i32 to vector<16xi32>
        %add3A_1087 = arith.addi %add3A_1086, %iota3A : vector<16xi32>
        %gather3A_1088 = tpu.vector_load_idx %arg17[%broadcast_in_dim3A_340, %add3A_1036, %add3A_1087] : memref<2x80x64xf32, #tpu.memory_space<vmem>>[vector<16xi32>, vector<16xi32>, vector<16xi32>], vector<16xf32>,
        %broadcast_in_dim3A_1089 = vector.shape_cast %select_n3A_105 : vector<16xi32> to vector<16x1xi32>
        %gather3A_1090 = vector.shape_cast %broadcast_in_dim3A_1089 : vector<16x1xi32> to vector<16xi32>
        %gather3A_1091 = tpu.dynamic_gather %exp3A_505[%gather3A_1090] in [0] : vector<16xf32>, vector<16xi32> -> vector<16xf32>
        %mul3A_1092 = arith.mulf %gather3A_1091, %gather3A_1088 : vector<16xf32>
        tpu.vector_store_idx %arg18[%broadcast_in_dim3A_340, %add3A_1036, %add3A_1087], %mul3A_1092 : memref<2x80x72xf32, #tpu.memory_space<vmem>>[vector<16xi32>, vector<16xi32>, vector<16xi32>], vector<16xf32>,
        %add3A_1093 = arith.constant 48 : i32
        %add3A_1094 = vector.broadcast %add3A_1093 : i32 to vector<16xi32>
        %add3A_1095 = arith.addi %add3A_1094, %iota3A : vector<16xi32>
        %gather3A_1096 = tpu.vector_load_idx %arg17[%broadcast_in_dim3A_340, %add3A_1036, %add3A_1095] : memref<2x80x64xf32, #tpu.memory_space<vmem>>[vector<16xi32>, vector<16xi32>, vector<16xi32>], vector<16xf32>,
        %broadcast_in_dim3A_1097 = vector.shape_cast %select_n3A_113 : vector<16xi32> to vector<16x1xi32>
        %gather3A_1098 = vector.shape_cast %broadcast_in_dim3A_1097 : vector<16x1xi32> to vector<16xi32>
        %gather3A_1099 = tpu.dynamic_gather %exp3A_505[%gather3A_1098] in [0] : vector<16xf32>, vector<16xi32> -> vector<16xf32>
        %mul3A_1100 = arith.mulf %gather3A_1099, %gather3A_1096 : vector<16xf32>
        tpu.vector_store_idx %arg18[%broadcast_in_dim3A_340, %add3A_1036, %add3A_1095], %mul3A_1100 : memref<2x80x72xf32, #tpu.memory_space<vmem>>[vector<16xi32>, vector<16xi32>, vector<16xi32>], vector<16xf32>,
      }
      %scan3A_346 = arith.constant 5 : i32
      %dma_start3A_347 = arith.constant 0 : i32
      %dma_start3A_348 = arith.constant 0 : i32
      %dma_start3A_349 = tpu.memref_slice %arg18[%rem3A_287, %dma_start3A_347, %dma_start3A_348] : memref<2x80x72xf32, #tpu.memory_space<vmem>> -> memref<1x80x72xf32, #tpu.memory_space<vmem>>
      %dma_start3A_350 = tpu.memref_squeeze %dma_start3A_349 : memref<1x80x72xf32, #tpu.memory_space<vmem>> -> memref<80x72xf32, #tpu.memory_space<vmem>>
      %dma_start3A_351 = arith.constant 0 : i32
      %dma_start3A_352 = tpu.memref_slice %arg14[%rem3A_291, %dma_start3A_351] : memref<4x80xi32, #tpu.memory_space<vmem>> -> memref<1x80xi32, #tpu.memory_space<vmem>>
      %dma_start3A_353 = tpu.memref_squeeze %dma_start3A_352 : memref<1x80xi32, #tpu.memory_space<vmem>> -> memref<80xi32, #tpu.memory_space<vmem>>
      %dma_start3A_354 = arith.constant 0 : i32
      %dma_start3A_355 = arith.constant 0 : i32
      %dma_start3A_356 = tpu.memref_slice %arg12[%dma_start3A_354, %dma_start3A_355] : memref<10128x72xf32, #tpu.memory_space<vmem_shared>> -> memref<10128x72xf32, #tpu.memory_space<vmem_shared>>
      %dma_start3A_357 = tpu.memref_slice %arg21[%rem3A_287] : memref<2x!tpu.dma_semaphore, #tpu.memory_space<semaphore_mem>> -> memref<1x!tpu.dma_semaphore, #tpu.memory_space<semaphore_mem>>
      %dma_start3A_358 = tpu.memref_squeeze %dma_start3A_357 : memref<1x!tpu.dma_semaphore, #tpu.memory_space<semaphore_mem>> -> memref<!tpu.dma_semaphore, #tpu.memory_space<semaphore_mem>>
      tpu.enqueue_indirect_dma source(%dma_start3A_350 : memref<80x72xf32, #tpu.memory_space<vmem>>) target(%dma_start3A_356 : memref<10128x72xf32, #tpu.memory_space<vmem_shared>>) offsets(%dma_start3A_353 : memref<80xi32, #tpu.memory_space<vmem>>) semaphore(%dma_start3A_358 : memref<!tpu.dma_semaphore, #tpu.memory_space<semaphore_mem>>) {add = true}
    }
    %scan3A_253 = arith.constant 128 : i32
    %dma_wait3A_254 = arith.constant 0 : i32
    %dma_wait3A_255 = arith.constant 2 : i32
    %dma_wait3A_256 = arith.constant 0 : i32
    %dma_wait3A_257 = arith.constant 0 : i32
    %dma_wait3A_258 = arith.constant 0 : i32
    %dma_wait3A_259 = tpu.memref_slice %arg18[%dma_wait3A_254, %dma_wait3A_257, %dma_wait3A_258] : memref<2x80x72xf32, #tpu.memory_space<vmem>> -> memref<1x80x72xf32, #tpu.memory_space<vmem>>
    %dma_wait3A_260 = tpu.memref_squeeze %dma_wait3A_259 : memref<1x80x72xf32, #tpu.memory_space<vmem>> -> memref<80x72xf32, #tpu.memory_space<vmem>>
    %dma_wait3A_261 = arith.constant 0 : i32
    %dma_wait3A_262 = tpu.memref_slice %arg14[%dma_wait3A_255, %dma_wait3A_261] : memref<4x80xi32, #tpu.memory_space<vmem>> -> memref<1x80xi32, #tpu.memory_space<vmem>>
    %dma_wait3A_263 = tpu.memref_squeeze %dma_wait3A_262 : memref<1x80xi32, #tpu.memory_space<vmem>> -> memref<80xi32, #tpu.memory_space<vmem>>
    %dma_wait3A_264 = arith.constant 0 : i32
    %dma_wait3A_265 = arith.constant 0 : i32
    %dma_wait3A_266 = tpu.memref_slice %arg12[%dma_wait3A_264, %dma_wait3A_265] : memref<10128x72xf32, #tpu.memory_space<vmem_shared>> -> memref<10128x72xf32, #tpu.memory_space<vmem_shared>>
    %dma_wait3A_267 = tpu.memref_slice %arg21[%dma_wait3A_256] : memref<2x!tpu.dma_semaphore, #tpu.memory_space<semaphore_mem>> -> memref<1x!tpu.dma_semaphore, #tpu.memory_space<semaphore_mem>>
    %dma_wait3A_268 = tpu.memref_squeeze %dma_wait3A_267 : memref<1x!tpu.dma_semaphore, #tpu.memory_space<semaphore_mem>> -> memref<!tpu.dma_semaphore, #tpu.memory_space<semaphore_mem>>
    tpu.wait_indirect_dma semaphore(%dma_wait3A_268 : memref<!tpu.dma_semaphore, #tpu.memory_space<semaphore_mem>>) src(%dma_wait3A_260 : memref<80x72xf32, #tpu.memory_space<vmem>>) dst(%dma_wait3A_266 : memref<10128x72xf32, #tpu.memory_space<vmem_shared>>)
    %dma_wait3A_269 = arith.constant 1 : i32
    %dma_wait3A_270 = arith.constant 3 : i32
    %dma_wait3A_271 = arith.constant 1 : i32
    %dma_wait3A_272 = arith.constant 0 : i32
    %dma_wait3A_273 = arith.constant 0 : i32
    %dma_wait3A_274 = tpu.memref_slice %arg18[%dma_wait3A_269, %dma_wait3A_272, %dma_wait3A_273] : memref<2x80x72xf32, #tpu.memory_space<vmem>> -> memref<1x80x72xf32, #tpu.memory_space<vmem>>
    %dma_wait3A_275 = tpu.memref_squeeze %dma_wait3A_274 : memref<1x80x72xf32, #tpu.memory_space<vmem>> -> memref<80x72xf32, #tpu.memory_space<vmem>>
    %dma_wait3A_276 = arith.constant 0 : i32
    %dma_wait3A_277 = tpu.memref_slice %arg14[%dma_wait3A_270, %dma_wait3A_276] : memref<4x80xi32, #tpu.memory_space<vmem>> -> memref<1x80xi32, #tpu.memory_space<vmem>>
    %dma_wait3A_278 = tpu.memref_squeeze %dma_wait3A_277 : memref<1x80xi32, #tpu.memory_space<vmem>> -> memref<80xi32, #tpu.memory_space<vmem>>
    %dma_wait3A_279 = arith.constant 0 : i32
    %dma_wait3A_280 = arith.constant 0 : i32
    %dma_wait3A_281 = tpu.memref_slice %arg12[%dma_wait3A_279, %dma_wait3A_280] : memref<10128x72xf32, #tpu.memory_space<vmem_shared>> -> memref<10128x72xf32, #tpu.memory_space<vmem_shared>>
    %dma_wait3A_282 = tpu.memref_slice %arg21[%dma_wait3A_271] : memref<2x!tpu.dma_semaphore, #tpu.memory_space<semaphore_mem>> -> memref<1x!tpu.dma_semaphore, #tpu.memory_space<semaphore_mem>>
    %dma_wait3A_283 = tpu.memref_squeeze %dma_wait3A_282 : memref<1x!tpu.dma_semaphore, #tpu.memory_space<semaphore_mem>> -> memref<!tpu.dma_semaphore, #tpu.memory_space<semaphore_mem>>
    tpu.wait_indirect_dma semaphore(%dma_wait3A_283 : memref<!tpu.dma_semaphore, #tpu.memory_space<semaphore_mem>>) src(%dma_wait3A_275 : memref<80x72xf32, #tpu.memory_space<vmem>>) dst(%dma_wait3A_281 : memref<10128x72xf32, #tpu.memory_space<vmem_shared>>)
    %barrier3A_284 = arith.constant 0 : index
    tpu.barrier barrier_id(%barrier3A_284)
    "tpu.region"() ({
      %run_scoped3A = tpu.sem_alloc : memref<!tpu.dma_semaphore, #tpu.memory_space<semaphore_mem>>
      %dma_start3A_285 = arith.constant 0 : i32
      %dma_start3A_286 = arith.constant 0 : i32
      %dma_start3A_287 = tpu.memref_slice %arg8[%arg0, %dma_start3A_285, %dma_start3A_286] : memref<2x10128x72xf32, #tpu.memory_space<hbm>> -> memref<1x10128x72xf32, #tpu.memory_space<hbm>>
      %dma_start3A_288 = tpu.memref_squeeze %dma_start3A_287 : memref<1x10128x72xf32, #tpu.memory_space<hbm>> -> memref<10128x72xf32, #tpu.memory_space<hbm>>
      %dma_start3A_289 = arith.constant 0 : i32
      %dma_start3A_290 = tpu.memref_slice %dma_start3A_288[%min3A_7, %dma_start3A_289] : memref<10128x72xf32, #tpu.memory_space<hbm>> -> memref<640x72xf32, #tpu.memory_space<hbm>>
      %dma_start3A_291 = arith.constant 0 : i32
      %dma_start3A_292 = tpu.memref_slice %arg12[%min3A_7, %dma_start3A_291] : memref<10128x72xf32, #tpu.memory_space<vmem_shared>> -> memref<640x72xf32, #tpu.memory_space<vmem_shared>>
      tpu.enqueue_dma source(%dma_start3A_292 : memref<640x72xf32, #tpu.memory_space<vmem_shared>>) target(%dma_start3A_290 : memref<640x72xf32, #tpu.memory_space<hbm>>) target_semaphore(%run_scoped3A : memref<!tpu.dma_semaphore, #tpu.memory_space<semaphore_mem>>)
      %dma_wait3A_293 = arith.constant 0 : i32
      %dma_wait3A_294 = arith.constant 0 : i32
      %dma_wait3A_295 = tpu.memref_slice %arg8[%arg0, %dma_wait3A_293, %dma_wait3A_294] : memref<2x10128x72xf32, #tpu.memory_space<hbm>> -> memref<1x10128x72xf32, #tpu.memory_space<hbm>>
      %dma_wait3A_296 = tpu.memref_squeeze %dma_wait3A_295 : memref<1x10128x72xf32, #tpu.memory_space<hbm>> -> memref<10128x72xf32, #tpu.memory_space<hbm>>
      %dma_wait3A_297 = arith.constant 0 : i32
      %dma_wait3A_298 = tpu.memref_slice %dma_wait3A_296[%min3A_7, %dma_wait3A_297] : memref<10128x72xf32, #tpu.memory_space<hbm>> -> memref<640x72xf32, #tpu.memory_space<hbm>>
      %dma_wait3A_299 = arith.constant 0 : i32
      %dma_wait3A_300 = tpu.memref_slice %arg12[%min3A_7, %dma_wait3A_299] : memref<10128x72xf32, #tpu.memory_space<vmem_shared>> -> memref<640x72xf32, #tpu.memory_space<vmem_shared>>
      tpu.wait_dma2 semaphore(%run_scoped3A : memref<!tpu.dma_semaphore, #tpu.memory_space<semaphore_mem>>) src(%dma_wait3A_300 : memref<640x72xf32, #tpu.memory_space<vmem_shared>>) dst(%dma_wait3A_298 : memref<640x72xf32, #tpu.memory_space<hbm>>)
      tpu.yield
    }) : () -> ()
    return
  }
}

#map = affine_map<(d0, d1) -> (0, 0)>
#map1 = affine_map<(d0, d1) -> (0, 0, 0)>
module attributes {stable_mosaic.version = 14 : i64} {
  func.func @_sc2_body(%arg0: i32, %arg1: i32, %arg2: memref<10000x8xf32, #tpu.memory_space<hbm>>, %arg3: memref<10000x2xf32, #tpu.memory_space<hbm>>, %arg4: memref<4096x80xi32, #tpu.memory_space<hbm>>, %arg5: memref<4096x80xi32, #tpu.memory_space<hbm>>, %arg6: memref<10128x16xf32, #tpu.memory_space<hbm>>, %arg7: memref<2x10128x16xf32, #tpu.memory_space<hbm>>, %arg8: memref<10000x8xf32, #tpu.memory_space<vmem_shared>>, %arg9: memref<10000x2xf32, #tpu.memory_space<vmem_shared>>, %arg10: memref<10128x16xf32, #tpu.memory_space<vmem_shared>>, %arg11: memref<4x80xi32, #tpu.memory_space<vmem>>, %arg12: memref<4x80xi32, #tpu.memory_space<vmem>>, %arg13: memref<2x80x2xf32, #tpu.memory_space<vmem>>, %arg14: memref<2x80x2xf32, #tpu.memory_space<vmem>>, %arg15: memref<2x80x8xf32, #tpu.memory_space<vmem>>, %arg16: memref<2x80x16xf32, #tpu.memory_space<vmem>>, %arg17: memref<4x!tpu.dma_semaphore, #tpu.memory_space<semaphore_mem>>, %arg18: memref<2x!tpu.dma_semaphore, #tpu.memory_space<semaphore_mem>>, %arg19: memref<2x!tpu.dma_semaphore, #tpu.memory_space<semaphore_mem>>) attributes {dimension_semantics = [#tpu.dimension_semantics<core_parallel>, #tpu.dimension_semantics<subcore_parallel>], iteration_bounds = array<i64: 2, 16>, scalar_prefetch = 0 : i64, scratch_operands = 12 : i64, tpu.core_type = #tpu.core_type<sc_vector_subcore>, window_params = [{transform_indices = #map}, {transform_indices = #map}, {transform_indices = #map}, {transform_indices = #map}, {transform_indices = #map}, {transform_indices = #map1}]} {
    %mul3A = arith.constant 16 : i32
    %mul3A_0 = arith.muli %arg0, %mul3A : i32
    %add3A = arith.addi %mul3A_0, %arg1 : i32
    %mul3A_1 = arith.constant 632 : i32
    %mul3A_2 = arith.muli %arg1, %mul3A_1 : i32
    %min3A = arith.constant 9368 : i32
    %min3A_3 = arith.minsi %mul3A_2, %min3A : i32
    %mul3A_4 = arith.constant 640 : i32
    %mul3A_5 = arith.muli %arg1, %mul3A_4 : i32
    %min3A_6 = arith.constant 9488 : i32
    %min3A_7 = arith.minsi %mul3A_5, %min3A_6 : i32
    "tpu.region"() ({
      %run_scoped3A = tpu.sem_alloc : memref<!tpu.dma_semaphore, #tpu.memory_space<semaphore_mem>>
      %dma_start3A_229 = arith.constant 0 : i32
      %dma_start3A_230 = tpu.memref_slice %arg8[%min3A_3, %dma_start3A_229] : memref<10000x8xf32, #tpu.memory_space<vmem_shared>> -> memref<632x8xf32, #tpu.memory_space<vmem_shared>>
      %dma_start3A_231 = arith.constant 0 : i32
      %dma_start3A_232 = tpu.memref_slice %arg2[%min3A_3, %dma_start3A_231] : memref<10000x8xf32, #tpu.memory_space<hbm>> -> memref<632x8xf32, #tpu.memory_space<hbm>>
      tpu.enqueue_dma source(%dma_start3A_232 : memref<632x8xf32, #tpu.memory_space<hbm>>) target(%dma_start3A_230 : memref<632x8xf32, #tpu.memory_space<vmem_shared>>) target_semaphore(%run_scoped3A : memref<!tpu.dma_semaphore, #tpu.memory_space<semaphore_mem>>)
      %dma_wait3A_233 = arith.constant 0 : i32
      %dma_wait3A_234 = tpu.memref_slice %arg8[%min3A_3, %dma_wait3A_233] : memref<10000x8xf32, #tpu.memory_space<vmem_shared>> -> memref<632x8xf32, #tpu.memory_space<vmem_shared>>
      %dma_wait3A_235 = arith.constant 0 : i32
      %dma_wait3A_236 = tpu.memref_slice %arg2[%min3A_3, %dma_wait3A_235] : memref<10000x8xf32, #tpu.memory_space<hbm>> -> memref<632x8xf32, #tpu.memory_space<hbm>>
      tpu.wait_dma2 semaphore(%run_scoped3A : memref<!tpu.dma_semaphore, #tpu.memory_space<semaphore_mem>>) src(%dma_wait3A_236 : memref<632x8xf32, #tpu.memory_space<hbm>>) dst(%dma_wait3A_234 : memref<632x8xf32, #tpu.memory_space<vmem_shared>>)
      tpu.yield
    }) : () -> ()
    "tpu.region"() ({
      %run_scoped3A = tpu.sem_alloc : memref<!tpu.dma_semaphore, #tpu.memory_space<semaphore_mem>>
      %dma_start3A_229 = arith.constant 0 : i32
      %dma_start3A_230 = tpu.memref_slice %arg9[%min3A_3, %dma_start3A_229] : memref<10000x2xf32, #tpu.memory_space<vmem_shared>> -> memref<632x2xf32, #tpu.memory_space<vmem_shared>>
      %dma_start3A_231 = arith.constant 0 : i32
      %dma_start3A_232 = tpu.memref_slice %arg3[%min3A_3, %dma_start3A_231] : memref<10000x2xf32, #tpu.memory_space<hbm>> -> memref<632x2xf32, #tpu.memory_space<hbm>>
      tpu.enqueue_dma source(%dma_start3A_232 : memref<632x2xf32, #tpu.memory_space<hbm>>) target(%dma_start3A_230 : memref<632x2xf32, #tpu.memory_space<vmem_shared>>) target_semaphore(%run_scoped3A : memref<!tpu.dma_semaphore, #tpu.memory_space<semaphore_mem>>)
      %dma_wait3A_233 = arith.constant 0 : i32
      %dma_wait3A_234 = tpu.memref_slice %arg9[%min3A_3, %dma_wait3A_233] : memref<10000x2xf32, #tpu.memory_space<vmem_shared>> -> memref<632x2xf32, #tpu.memory_space<vmem_shared>>
      %dma_wait3A_235 = arith.constant 0 : i32
      %dma_wait3A_236 = tpu.memref_slice %arg3[%min3A_3, %dma_wait3A_235] : memref<10000x2xf32, #tpu.memory_space<hbm>> -> memref<632x2xf32, #tpu.memory_space<hbm>>
      tpu.wait_dma2 semaphore(%run_scoped3A : memref<!tpu.dma_semaphore, #tpu.memory_space<semaphore_mem>>) src(%dma_wait3A_236 : memref<632x2xf32, #tpu.memory_space<hbm>>) dst(%dma_wait3A_234 : memref<632x2xf32, #tpu.memory_space<vmem_shared>>)
      tpu.yield
    }) : () -> ()
    "tpu.region"() ({
      %run_scoped3A = tpu.sem_alloc : memref<!tpu.dma_semaphore, #tpu.memory_space<semaphore_mem>>
      %dma_start3A_229 = arith.constant 0 : i32
      %dma_start3A_230 = tpu.memref_slice %arg10[%min3A_7, %dma_start3A_229] : memref<10128x16xf32, #tpu.memory_space<vmem_shared>> -> memref<640x16xf32, #tpu.memory_space<vmem_shared>>
      %dma_start3A_231 = arith.constant 0 : i32
      %dma_start3A_232 = tpu.memref_slice %arg6[%min3A_7, %dma_start3A_231] : memref<10128x16xf32, #tpu.memory_space<hbm>> -> memref<640x16xf32, #tpu.memory_space<hbm>>
      tpu.enqueue_dma source(%dma_start3A_232 : memref<640x16xf32, #tpu.memory_space<hbm>>) target(%dma_start3A_230 : memref<640x16xf32, #tpu.memory_space<vmem_shared>>) target_semaphore(%run_scoped3A : memref<!tpu.dma_semaphore, #tpu.memory_space<semaphore_mem>>)
      %dma_wait3A_233 = arith.constant 0 : i32
      %dma_wait3A_234 = tpu.memref_slice %arg10[%min3A_7, %dma_wait3A_233] : memref<10128x16xf32, #tpu.memory_space<vmem_shared>> -> memref<640x16xf32, #tpu.memory_space<vmem_shared>>
      %dma_wait3A_235 = arith.constant 0 : i32
      %dma_wait3A_236 = tpu.memref_slice %arg6[%min3A_7, %dma_wait3A_235] : memref<10128x16xf32, #tpu.memory_space<hbm>> -> memref<640x16xf32, #tpu.memory_space<hbm>>
      tpu.wait_dma2 semaphore(%run_scoped3A : memref<!tpu.dma_semaphore, #tpu.memory_space<semaphore_mem>>) src(%dma_wait3A_236 : memref<640x16xf32, #tpu.memory_space<hbm>>) dst(%dma_wait3A_234 : memref<640x16xf32, #tpu.memory_space<vmem_shared>>)
      tpu.yield
    }) : () -> ()
    %barrier3A = arith.constant 0 : index
    tpu.barrier barrier_id(%barrier3A)
    %iota3A = tpu.iota {dimensions = array<i32: 0>} : vector<16xi32>
    %jit3A = arith.constant 8 : i32
    %eq3A = arith.constant 0 : i32
    %eq3A_8 = arith.cmpi eq, %jit3A, %eq3A : i32
    %jit3A_9 = arith.constant 1 : i32
    %select_n3A = arith.select %eq3A_8, %jit3A_9, %jit3A : i32
    %rem3A = vector.broadcast %select_n3A : i32 to vector<16xi32>
    %rem3A_10 = arith.remsi %iota3A, %rem3A : vector<16xi32>
    %ne3A = arith.constant 0 : i32
    %ne3A_11 = vector.broadcast %ne3A : i32 to vector<16xi32>
    %ne3A_12 = arith.cmpi ne, %rem3A_10, %ne3A_11 : vector<16xi32>
    %lt3A = arith.constant 0 : i32
    %lt3A_13 = vector.broadcast %lt3A : i32 to vector<16xi32>
    %lt3A_14 = arith.cmpi slt, %rem3A_10, %lt3A_13 : vector<16xi32>
    %lt3A_15 = arith.constant 0 : i32
    %lt3A_16 = arith.cmpi slt, %select_n3A, %lt3A_15 : i32
    %ne3A_17 = vector.broadcast %lt3A_16 : i1 to vector<16xi1>
    %ne3A_18 = vector.broadcast %ne3A_17 : vector<16xi1> to vector<16xi1>
    %ne3A_19 = arith.xori %lt3A_14, %ne3A_18 : vector<16xi1>
    %and3A = arith.andi %ne3A_19, %ne3A_12 : vector<16xi1>
    %add3A_20 = vector.broadcast %select_n3A : i32 to vector<16xi32>
    %add3A_21 = arith.addi %rem3A_10, %add3A_20 : vector<16xi32>
    %select_n3A_22 = arith.select %and3A, %add3A_21, %rem3A_10 : vector<16xi1>, vector<16xi32>
    %broadcast_in_dim3A = arith.constant 0 : i32
    %broadcast_in_dim3A_23 = vector.broadcast %broadcast_in_dim3A : i32 to vector<16xi32>
    %broadcast_in_dim3A_24 = arith.constant 1 : i32
    %broadcast_in_dim3A_25 = vector.broadcast %broadcast_in_dim3A_24 : i32 to vector<16xi32>
    %broadcast_in_dim3A_26 = arith.constant 0 : i32
    %broadcast_in_dim3A_27 = vector.broadcast %broadcast_in_dim3A_26 : i32 to vector<16xi32>
    %broadcast_in_dim3A_28 = arith.constant 1 : i32
    %broadcast_in_dim3A_29 = vector.broadcast %broadcast_in_dim3A_28 : i32 to vector<16xi32>
    %broadcast_in_dim3A_30 = arith.constant 2 : i32
    %broadcast_in_dim3A_31 = vector.broadcast %broadcast_in_dim3A_30 : i32 to vector<16xi32>
    %broadcast_in_dim3A_32 = arith.constant 3 : i32
    %broadcast_in_dim3A_33 = vector.broadcast %broadcast_in_dim3A_32 : i32 to vector<16xi32>
    %broadcast_in_dim3A_34 = arith.constant 4 : i32
    %broadcast_in_dim3A_35 = vector.broadcast %broadcast_in_dim3A_34 : i32 to vector<16xi32>
    %broadcast_in_dim3A_36 = arith.constant 5 : i32
    %broadcast_in_dim3A_37 = vector.broadcast %broadcast_in_dim3A_36 : i32 to vector<16xi32>
    %broadcast_in_dim3A_38 = arith.constant 6 : i32
    %broadcast_in_dim3A_39 = vector.broadcast %broadcast_in_dim3A_38 : i32 to vector<16xi32>
    %broadcast_in_dim3A_40 = arith.constant 7 : i32
    %broadcast_in_dim3A_41 = vector.broadcast %broadcast_in_dim3A_40 : i32 to vector<16xi32>
    %broadcast_in_dim3A_42 = arith.constant 8 : i32
    %broadcast_in_dim3A_43 = vector.broadcast %broadcast_in_dim3A_42 : i32 to vector<16xi32>
    %broadcast_in_dim3A_44 = arith.constant 9 : i32
    %broadcast_in_dim3A_45 = vector.broadcast %broadcast_in_dim3A_44 : i32 to vector<16xi32>
    %broadcast_in_dim3A_46 = arith.constant 10 : i32
    %broadcast_in_dim3A_47 = vector.broadcast %broadcast_in_dim3A_46 : i32 to vector<16xi32>
    %broadcast_in_dim3A_48 = arith.constant 11 : i32
    %broadcast_in_dim3A_49 = vector.broadcast %broadcast_in_dim3A_48 : i32 to vector<16xi32>
    %broadcast_in_dim3A_50 = arith.constant 12 : i32
    %broadcast_in_dim3A_51 = vector.broadcast %broadcast_in_dim3A_50 : i32 to vector<16xi32>
    %broadcast_in_dim3A_52 = arith.constant 13 : i32
    %broadcast_in_dim3A_53 = vector.broadcast %broadcast_in_dim3A_52 : i32 to vector<16xi32>
    %broadcast_in_dim3A_54 = arith.constant 14 : i32
    %broadcast_in_dim3A_55 = vector.broadcast %broadcast_in_dim3A_54 : i32 to vector<16xi32>
    %broadcast_in_dim3A_56 = arith.constant 15 : i32
    %broadcast_in_dim3A_57 = vector.broadcast %broadcast_in_dim3A_56 : i32 to vector<16xi32>
    %mul3A_58 = arith.constant 128 : i32
    %mul3A_59 = arith.muli %add3A, %mul3A_58 : i32
    %add3A_60 = arith.constant 0 : i32
    %add3A_61 = arith.addi %mul3A_59, %add3A_60 : i32
    %dma_start3A = arith.constant 0 : i32
    %dma_start3A_62 = arith.constant 0 : i32
    %dma_start3A_63 = arith.constant 0 : i32
    %dma_start3A_64 = tpu.memref_slice %arg11[%dma_start3A_62, %dma_start3A_63] : memref<4x80xi32, #tpu.memory_space<vmem>> -> memref<1x80xi32, #tpu.memory_space<vmem>>
    %dma_start3A_65 = arith.constant 0 : i32
    %dma_start3A_66 = tpu.memref_slice %arg4[%add3A_61, %dma_start3A_65] : memref<4096x80xi32, #tpu.memory_space<hbm>> -> memref<1x80xi32, #tpu.memory_space<hbm>>
    %dma_start3A_67 = tpu.memref_slice %arg17[%dma_start3A] : memref<4x!tpu.dma_semaphore, #tpu.memory_space<semaphore_mem>> -> memref<1x!tpu.dma_semaphore, #tpu.memory_space<semaphore_mem>>
    %dma_start3A_68 = tpu.memref_squeeze %dma_start3A_67 : memref<1x!tpu.dma_semaphore, #tpu.memory_space<semaphore_mem>> -> memref<!tpu.dma_semaphore, #tpu.memory_space<semaphore_mem>>
    %dma_start3A_69 = arith.constant 0 : i32
    %dma_start3A_70 = arith.constant 0 : i32
    %dma_start3A_71 = tpu.memref_slice %arg11[%dma_start3A_69, %dma_start3A_70] : memref<4x80xi32, #tpu.memory_space<vmem>> -> memref<1x80xi32, #tpu.memory_space<vmem>>
    %dma_start3A_72 = arith.constant 0 : i32
    %dma_start3A_73 = tpu.memref_slice %arg4[%add3A_61, %dma_start3A_72] : memref<4096x80xi32, #tpu.memory_space<hbm>> -> memref<1x80xi32, #tpu.memory_space<hbm>>
    tpu.enqueue_dma source(%dma_start3A_73 : memref<1x80xi32, #tpu.memory_space<hbm>>) target(%dma_start3A_71 : memref<1x80xi32, #tpu.memory_space<vmem>>) target_semaphore(%dma_start3A_68 : memref<!tpu.dma_semaphore, #tpu.memory_space<semaphore_mem>>)
    %add3A_74 = arith.constant 0 : i32
    %add3A_75 = arith.addi %mul3A_59, %add3A_74 : i32
    %dma_start3A_76 = arith.constant 0 : i32
    %dma_start3A_77 = arith.constant 0 : i32
    %dma_start3A_78 = arith.constant 0 : i32
    %dma_start3A_79 = tpu.memref_slice %arg12[%dma_start3A_77, %dma_start3A_78] : memref<4x80xi32, #tpu.memory_space<vmem>> -> memref<1x80xi32, #tpu.memory_space<vmem>>
    %dma_start3A_80 = arith.constant 0 : i32
    %dma_start3A_81 = tpu.memref_slice %arg5[%add3A_75, %dma_start3A_80] : memref<4096x80xi32, #tpu.memory_space<hbm>> -> memref<1x80xi32, #tpu.memory_space<hbm>>
    %dma_start3A_82 = tpu.memref_slice %arg17[%dma_start3A_76] : memref<4x!tpu.dma_semaphore, #tpu.memory_space<semaphore_mem>> -> memref<1x!tpu.dma_semaphore, #tpu.memory_space<semaphore_mem>>
    %dma_start3A_83 = tpu.memref_squeeze %dma_start3A_82 : memref<1x!tpu.dma_semaphore, #tpu.memory_space<semaphore_mem>> -> memref<!tpu.dma_semaphore, #tpu.memory_space<semaphore_mem>>
    %dma_start3A_84 = arith.constant 0 : i32
    %dma_start3A_85 = arith.constant 0 : i32
    %dma_start3A_86 = tpu.memref_slice %arg12[%dma_start3A_84, %dma_start3A_85] : memref<4x80xi32, #tpu.memory_space<vmem>> -> memref<1x80xi32, #tpu.memory_space<vmem>>
    %dma_start3A_87 = arith.constant 0 : i32
    %dma_start3A_88 = tpu.memref_slice %arg5[%add3A_75, %dma_start3A_87] : memref<4096x80xi32, #tpu.memory_space<hbm>> -> memref<1x80xi32, #tpu.memory_space<hbm>>
    tpu.enqueue_dma source(%dma_start3A_88 : memref<1x80xi32, #tpu.memory_space<hbm>>) target(%dma_start3A_86 : memref<1x80xi32, #tpu.memory_space<vmem>>) target_semaphore(%dma_start3A_83 : memref<!tpu.dma_semaphore, #tpu.memory_space<semaphore_mem>>)
    %add3A_89 = arith.constant 1 : i32
    %add3A_90 = arith.addi %mul3A_59, %add3A_89 : i32
    %dma_start3A_91 = arith.constant 1 : i32
    %dma_start3A_92 = arith.constant 1 : i32
    %dma_start3A_93 = arith.constant 0 : i32
    %dma_start3A_94 = tpu.memref_slice %arg11[%dma_start3A_92, %dma_start3A_93] : memref<4x80xi32, #tpu.memory_space<vmem>> -> memref<1x80xi32, #tpu.memory_space<vmem>>
    %dma_start3A_95 = arith.constant 0 : i32
    %dma_start3A_96 = tpu.memref_slice %arg4[%add3A_90, %dma_start3A_95] : memref<4096x80xi32, #tpu.memory_space<hbm>> -> memref<1x80xi32, #tpu.memory_space<hbm>>
    %dma_start3A_97 = tpu.memref_slice %arg17[%dma_start3A_91] : memref<4x!tpu.dma_semaphore, #tpu.memory_space<semaphore_mem>> -> memref<1x!tpu.dma_semaphore, #tpu.memory_space<semaphore_mem>>
    %dma_start3A_98 = tpu.memref_squeeze %dma_start3A_97 : memref<1x!tpu.dma_semaphore, #tpu.memory_space<semaphore_mem>> -> memref<!tpu.dma_semaphore, #tpu.memory_space<semaphore_mem>>
    %dma_start3A_99 = arith.constant 1 : i32
    %dma_start3A_100 = arith.constant 0 : i32
    %dma_start3A_101 = tpu.memref_slice %arg11[%dma_start3A_99, %dma_start3A_100] : memref<4x80xi32, #tpu.memory_space<vmem>> -> memref<1x80xi32, #tpu.memory_space<vmem>>
    %dma_start3A_102 = arith.constant 0 : i32
    %dma_start3A_103 = tpu.memref_slice %arg4[%add3A_90, %dma_start3A_102] : memref<4096x80xi32, #tpu.memory_space<hbm>> -> memref<1x80xi32, #tpu.memory_space<hbm>>
    tpu.enqueue_dma source(%dma_start3A_103 : memref<1x80xi32, #tpu.memory_space<hbm>>) target(%dma_start3A_101 : memref<1x80xi32, #tpu.memory_space<vmem>>) target_semaphore(%dma_start3A_98 : memref<!tpu.dma_semaphore, #tpu.memory_space<semaphore_mem>>)
    %add3A_104 = arith.constant 1 : i32
    %add3A_105 = arith.addi %mul3A_59, %add3A_104 : i32
    %dma_start3A_106 = arith.constant 1 : i32
    %dma_start3A_107 = arith.constant 1 : i32
    %dma_start3A_108 = arith.constant 0 : i32
    %dma_start3A_109 = tpu.memref_slice %arg12[%dma_start3A_107, %dma_start3A_108] : memref<4x80xi32, #tpu.memory_space<vmem>> -> memref<1x80xi32, #tpu.memory_space<vmem>>
    %dma_start3A_110 = arith.constant 0 : i32
    %dma_start3A_111 = tpu.memref_slice %arg5[%add3A_105, %dma_start3A_110] : memref<4096x80xi32, #tpu.memory_space<hbm>> -> memref<1x80xi32, #tpu.memory_space<hbm>>
    %dma_start3A_112 = tpu.memref_slice %arg17[%dma_start3A_106] : memref<4x!tpu.dma_semaphore, #tpu.memory_space<semaphore_mem>> -> memref<1x!tpu.dma_semaphore, #tpu.memory_space<semaphore_mem>>
    %dma_start3A_113 = tpu.memref_squeeze %dma_start3A_112 : memref<1x!tpu.dma_semaphore, #tpu.memory_space<semaphore_mem>> -> memref<!tpu.dma_semaphore, #tpu.memory_space<semaphore_mem>>
    %dma_start3A_114 = arith.constant 1 : i32
    %dma_start3A_115 = arith.constant 0 : i32
    %dma_start3A_116 = tpu.memref_slice %arg12[%dma_start3A_114, %dma_start3A_115] : memref<4x80xi32, #tpu.memory_space<vmem>> -> memref<1x80xi32, #tpu.memory_space<vmem>>
    %dma_start3A_117 = arith.constant 0 : i32
    %dma_start3A_118 = tpu.memref_slice %arg5[%add3A_105, %dma_start3A_117] : memref<4096x80xi32, #tpu.memory_space<hbm>> -> memref<1x80xi32, #tpu.memory_space<hbm>>
    tpu.enqueue_dma source(%dma_start3A_118 : memref<1x80xi32, #tpu.memory_space<hbm>>) target(%dma_start3A_116 : memref<1x80xi32, #tpu.memory_space<vmem>>) target_semaphore(%dma_start3A_113 : memref<!tpu.dma_semaphore, #tpu.memory_space<semaphore_mem>>)
    %dma_wait3A = arith.constant 0 : i32
    %dma_wait3A_119 = arith.constant 0 : i32
    %dma_wait3A_120 = arith.constant 0 : i32
    %dma_wait3A_121 = tpu.memref_slice %arg11[%dma_wait3A_119, %dma_wait3A_120] : memref<4x80xi32, #tpu.memory_space<vmem>> -> memref<1x80xi32, #tpu.memory_space<vmem>>
    %dma_wait3A_122 = arith.constant 0 : i32
    %dma_wait3A_123 = arith.constant 0 : i32
    %dma_wait3A_124 = tpu.memref_slice %arg4[%dma_wait3A_122, %dma_wait3A_123] : memref<4096x80xi32, #tpu.memory_space<hbm>> -> memref<1x80xi32, #tpu.memory_space<hbm>>
    %dma_wait3A_125 = tpu.memref_slice %arg17[%dma_wait3A] : memref<4x!tpu.dma_semaphore, #tpu.memory_space<semaphore_mem>> -> memref<1x!tpu.dma_semaphore, #tpu.memory_space<semaphore_mem>>
    %dma_wait3A_126 = tpu.memref_squeeze %dma_wait3A_125 : memref<1x!tpu.dma_semaphore, #tpu.memory_space<semaphore_mem>> -> memref<!tpu.dma_semaphore, #tpu.memory_space<semaphore_mem>>
    %dma_wait3A_127 = arith.constant 0 : i32
    %dma_wait3A_128 = arith.constant 0 : i32
    %dma_wait3A_129 = tpu.memref_slice %arg11[%dma_wait3A_127, %dma_wait3A_128] : memref<4x80xi32, #tpu.memory_space<vmem>> -> memref<1x80xi32, #tpu.memory_space<vmem>>
    %dma_wait3A_130 = arith.constant 0 : i32
    %dma_wait3A_131 = arith.constant 0 : i32
    %dma_wait3A_132 = tpu.memref_slice %arg4[%dma_wait3A_130, %dma_wait3A_131] : memref<4096x80xi32, #tpu.memory_space<hbm>> -> memref<1x80xi32, #tpu.memory_space<hbm>>
    tpu.wait_dma2 semaphore(%dma_wait3A_126 : memref<!tpu.dma_semaphore, #tpu.memory_space<semaphore_mem>>) src(%dma_wait3A_132 : memref<1x80xi32, #tpu.memory_space<hbm>>) dst(%dma_wait3A_129 : memref<1x80xi32, #tpu.memory_space<vmem>>)
    %dma_wait3A_133 = arith.constant 0 : i32
    %dma_wait3A_134 = arith.constant 0 : i32
    %dma_wait3A_135 = arith.constant 0 : i32
    %dma_wait3A_136 = tpu.memref_slice %arg12[%dma_wait3A_134, %dma_wait3A_135] : memref<4x80xi32, #tpu.memory_space<vmem>> -> memref<1x80xi32, #tpu.memory_space<vmem>>
    %dma_wait3A_137 = arith.constant 0 : i32
    %dma_wait3A_138 = arith.constant 0 : i32
    %dma_wait3A_139 = tpu.memref_slice %arg5[%dma_wait3A_137, %dma_wait3A_138] : memref<4096x80xi32, #tpu.memory_space<hbm>> -> memref<1x80xi32, #tpu.memory_space<hbm>>
    %dma_wait3A_140 = tpu.memref_slice %arg17[%dma_wait3A_133] : memref<4x!tpu.dma_semaphore, #tpu.memory_space<semaphore_mem>> -> memref<1x!tpu.dma_semaphore, #tpu.memory_space<semaphore_mem>>
    %dma_wait3A_141 = tpu.memref_squeeze %dma_wait3A_140 : memref<1x!tpu.dma_semaphore, #tpu.memory_space<semaphore_mem>> -> memref<!tpu.dma_semaphore, #tpu.memory_space<semaphore_mem>>
    %dma_wait3A_142 = arith.constant 0 : i32
    %dma_wait3A_143 = arith.constant 0 : i32
    %dma_wait3A_144 = tpu.memref_slice %arg12[%dma_wait3A_142, %dma_wait3A_143] : memref<4x80xi32, #tpu.memory_space<vmem>> -> memref<1x80xi32, #tpu.memory_space<vmem>>
    %dma_wait3A_145 = arith.constant 0 : i32
    %dma_wait3A_146 = arith.constant 0 : i32
    %dma_wait3A_147 = tpu.memref_slice %arg5[%dma_wait3A_145, %dma_wait3A_146] : memref<4096x80xi32, #tpu.memory_space<hbm>> -> memref<1x80xi32, #tpu.memory_space<hbm>>
    tpu.wait_dma2 semaphore(%dma_wait3A_141 : memref<!tpu.dma_semaphore, #tpu.memory_space<semaphore_mem>>) src(%dma_wait3A_147 : memref<1x80xi32, #tpu.memory_space<hbm>>) dst(%dma_wait3A_144 : memref<1x80xi32, #tpu.memory_space<vmem>>)
    %dma_start3A_148 = arith.constant 0 : i32
    %dma_start3A_149 = arith.constant 0 : i32
    %dma_start3A_150 = arith.constant 0 : i32
    %dma_start3A_151 = arith.constant 0 : i32
    %dma_start3A_152 = arith.constant 0 : i32
    %dma_start3A_153 = tpu.memref_slice %arg13[%dma_start3A_149, %dma_start3A_151, %dma_start3A_152] : memref<2x80x2xf32, #tpu.memory_space<vmem>> -> memref<1x80x2xf32, #tpu.memory_space<vmem>>
    %dma_start3A_154 = tpu.memref_squeeze %dma_start3A_153 : memref<1x80x2xf32, #tpu.memory_space<vmem>> -> memref<80x2xf32, #tpu.memory_space<vmem>>
    %dma_start3A_155 = arith.constant 0 : i32
    %dma_start3A_156 = tpu.memref_slice %arg11[%dma_start3A_148, %dma_start3A_155] : memref<4x80xi32, #tpu.memory_space<vmem>> -> memref<1x80xi32, #tpu.memory_space<vmem>>
    %dma_start3A_157 = tpu.memref_squeeze %dma_start3A_156 : memref<1x80xi32, #tpu.memory_space<vmem>> -> memref<80xi32, #tpu.memory_space<vmem>>
    %dma_start3A_158 = arith.constant 0 : i32
    %dma_start3A_159 = arith.constant 0 : i32
    %dma_start3A_160 = tpu.memref_slice %arg9[%dma_start3A_158, %dma_start3A_159] : memref<10000x2xf32, #tpu.memory_space<vmem_shared>> -> memref<10000x2xf32, #tpu.memory_space<vmem_shared>>
    %dma_start3A_161 = tpu.memref_slice %arg18[%dma_start3A_150] : memref<2x!tpu.dma_semaphore, #tpu.memory_space<semaphore_mem>> -> memref<1x!tpu.dma_semaphore, #tpu.memory_space<semaphore_mem>>
    %dma_start3A_162 = tpu.memref_squeeze %dma_start3A_161 : memref<1x!tpu.dma_semaphore, #tpu.memory_space<semaphore_mem>> -> memref<!tpu.dma_semaphore, #tpu.memory_space<semaphore_mem>>
    tpu.enqueue_indirect_dma source(%dma_start3A_160 : memref<10000x2xf32, #tpu.memory_space<vmem_shared>>) target(%dma_start3A_154 : memref<80x2xf32, #tpu.memory_space<vmem>>) offsets(%dma_start3A_157 : memref<80xi32, #tpu.memory_space<vmem>>) semaphore(%dma_start3A_162 : memref<!tpu.dma_semaphore, #tpu.memory_space<semaphore_mem>>)
    %dma_start3A_163 = arith.constant 0 : i32
    %dma_start3A_164 = arith.constant 0 : i32
    %dma_start3A_165 = arith.constant 0 : i32
    %dma_start3A_166 = arith.constant 0 : i32
    %dma_start3A_167 = arith.constant 0 : i32
    %dma_start3A_168 = tpu.memref_slice %arg14[%dma_start3A_164, %dma_start3A_166, %dma_start3A_167] : memref<2x80x2xf32, #tpu.memory_space<vmem>> -> memref<1x80x2xf32, #tpu.memory_space<vmem>>
    %dma_start3A_169 = tpu.memref_squeeze %dma_start3A_168 : memref<1x80x2xf32, #tpu.memory_space<vmem>> -> memref<80x2xf32, #tpu.memory_space<vmem>>
    %dma_start3A_170 = arith.constant 0 : i32
    %dma_start3A_171 = tpu.memref_slice %arg12[%dma_start3A_163, %dma_start3A_170] : memref<4x80xi32, #tpu.memory_space<vmem>> -> memref<1x80xi32, #tpu.memory_space<vmem>>
    %dma_start3A_172 = tpu.memref_squeeze %dma_start3A_171 : memref<1x80xi32, #tpu.memory_space<vmem>> -> memref<80xi32, #tpu.memory_space<vmem>>
    %dma_start3A_173 = arith.constant 0 : i32
    %dma_start3A_174 = arith.constant 0 : i32
    %dma_start3A_175 = tpu.memref_slice %arg9[%dma_start3A_173, %dma_start3A_174] : memref<10000x2xf32, #tpu.memory_space<vmem_shared>> -> memref<10000x2xf32, #tpu.memory_space<vmem_shared>>
    %dma_start3A_176 = tpu.memref_slice %arg18[%dma_start3A_165] : memref<2x!tpu.dma_semaphore, #tpu.memory_space<semaphore_mem>> -> memref<1x!tpu.dma_semaphore, #tpu.memory_space<semaphore_mem>>
    %dma_start3A_177 = tpu.memref_squeeze %dma_start3A_176 : memref<1x!tpu.dma_semaphore, #tpu.memory_space<semaphore_mem>> -> memref<!tpu.dma_semaphore, #tpu.memory_space<semaphore_mem>>
    tpu.enqueue_indirect_dma source(%dma_start3A_175 : memref<10000x2xf32, #tpu.memory_space<vmem_shared>>) target(%dma_start3A_169 : memref<80x2xf32, #tpu.memory_space<vmem>>) offsets(%dma_start3A_172 : memref<80xi32, #tpu.memory_space<vmem>>) semaphore(%dma_start3A_177 : memref<!tpu.dma_semaphore, #tpu.memory_space<semaphore_mem>>)
    %dma_start3A_178 = arith.constant 0 : i32
    %dma_start3A_179 = arith.constant 0 : i32
    %dma_start3A_180 = arith.constant 0 : i32
    %dma_start3A_181 = arith.constant 0 : i32
    %dma_start3A_182 = arith.constant 0 : i32
    %dma_start3A_183 = tpu.memref_slice %arg15[%dma_start3A_179, %dma_start3A_181, %dma_start3A_182] : memref<2x80x8xf32, #tpu.memory_space<vmem>> -> memref<1x80x8xf32, #tpu.memory_space<vmem>>
    %dma_start3A_184 = tpu.memref_squeeze %dma_start3A_183 : memref<1x80x8xf32, #tpu.memory_space<vmem>> -> memref<80x8xf32, #tpu.memory_space<vmem>>
    %dma_start3A_185 = arith.constant 0 : i32
    %dma_start3A_186 = tpu.memref_slice %arg11[%dma_start3A_178, %dma_start3A_185] : memref<4x80xi32, #tpu.memory_space<vmem>> -> memref<1x80xi32, #tpu.memory_space<vmem>>
    %dma_start3A_187 = tpu.memref_squeeze %dma_start3A_186 : memref<1x80xi32, #tpu.memory_space<vmem>> -> memref<80xi32, #tpu.memory_space<vmem>>
    %dma_start3A_188 = arith.constant 0 : i32
    %dma_start3A_189 = arith.constant 0 : i32
    %dma_start3A_190 = tpu.memref_slice %arg8[%dma_start3A_188, %dma_start3A_189] : memref<10000x8xf32, #tpu.memory_space<vmem_shared>> -> memref<10000x8xf32, #tpu.memory_space<vmem_shared>>
    %dma_start3A_191 = tpu.memref_slice %arg18[%dma_start3A_180] : memref<2x!tpu.dma_semaphore, #tpu.memory_space<semaphore_mem>> -> memref<1x!tpu.dma_semaphore, #tpu.memory_space<semaphore_mem>>
    %dma_start3A_192 = tpu.memref_squeeze %dma_start3A_191 : memref<1x!tpu.dma_semaphore, #tpu.memory_space<semaphore_mem>> -> memref<!tpu.dma_semaphore, #tpu.memory_space<semaphore_mem>>
    tpu.enqueue_indirect_dma source(%dma_start3A_190 : memref<10000x8xf32, #tpu.memory_space<vmem_shared>>) target(%dma_start3A_184 : memref<80x8xf32, #tpu.memory_space<vmem>>) offsets(%dma_start3A_187 : memref<80xi32, #tpu.memory_space<vmem>>) semaphore(%dma_start3A_192 : memref<!tpu.dma_semaphore, #tpu.memory_space<semaphore_mem>>)
    %scan3A = arith.constant 0 : i32
    %scan3A_193 = arith.constant 0 : i32
    %scan3A_194 = arith.constant 128 : i32
    %scan3A_195 = arith.addi %scan3A_193, %scan3A_194 : i32
    %scan3A_196 = arith.constant 1 : i32
    scf.for %scan3A_229 = %scan3A_193 to %scan3A_195 step %scan3A_196  : i32 {
      %rem3A_230 = arith.constant 2 : i32
      %rem3A_231 = arith.remsi %scan3A_229, %rem3A_230 : i32
      %sub3A = arith.constant 1 : i32
      %sub3A_232 = arith.subi %sub3A, %rem3A_231 : i32
      %rem3A_233 = arith.constant 4 : i32
      %rem3A_234 = arith.remsi %scan3A_229, %rem3A_233 : i32
      %dma_wait3A_235 = arith.constant 0 : i32
      %dma_wait3A_236 = arith.constant 0 : i32
      %dma_wait3A_237 = tpu.memref_slice %arg13[%rem3A_231, %dma_wait3A_235, %dma_wait3A_236] : memref<2x80x2xf32, #tpu.memory_space<vmem>> -> memref<1x80x2xf32, #tpu.memory_space<vmem>>
      %dma_wait3A_238 = tpu.memref_squeeze %dma_wait3A_237 : memref<1x80x2xf32, #tpu.memory_space<vmem>> -> memref<80x2xf32, #tpu.memory_space<vmem>>
      %dma_wait3A_239 = arith.constant 0 : i32
      %dma_wait3A_240 = tpu.memref_slice %arg11[%rem3A_234, %dma_wait3A_239] : memref<4x80xi32, #tpu.memory_space<vmem>> -> memref<1x80xi32, #tpu.memory_space<vmem>>
      %dma_wait3A_241 = tpu.memref_squeeze %dma_wait3A_240 : memref<1x80xi32, #tpu.memory_space<vmem>> -> memref<80xi32, #tpu.memory_space<vmem>>
      %dma_wait3A_242 = arith.constant 0 : i32
      %dma_wait3A_243 = arith.constant 0 : i32
      %dma_wait3A_244 = tpu.memref_slice %arg9[%dma_wait3A_242, %dma_wait3A_243] : memref<10000x2xf32, #tpu.memory_space<vmem_shared>> -> memref<10000x2xf32, #tpu.memory_space<vmem_shared>>
      %dma_wait3A_245 = tpu.memref_slice %arg18[%rem3A_231] : memref<2x!tpu.dma_semaphore, #tpu.memory_space<semaphore_mem>> -> memref<1x!tpu.dma_semaphore, #tpu.memory_space<semaphore_mem>>
      %dma_wait3A_246 = tpu.memref_squeeze %dma_wait3A_245 : memref<1x!tpu.dma_semaphore, #tpu.memory_space<semaphore_mem>> -> memref<!tpu.dma_semaphore, #tpu.memory_space<semaphore_mem>>
      tpu.wait_indirect_dma semaphore(%dma_wait3A_246 : memref<!tpu.dma_semaphore, #tpu.memory_space<semaphore_mem>>) src(%dma_wait3A_244 : memref<10000x2xf32, #tpu.memory_space<vmem_shared>>) dst(%dma_wait3A_238 : memref<80x2xf32, #tpu.memory_space<vmem>>)
      %dma_wait3A_247 = arith.constant 0 : i32
      %dma_wait3A_248 = arith.constant 0 : i32
      %dma_wait3A_249 = tpu.memref_slice %arg14[%rem3A_231, %dma_wait3A_247, %dma_wait3A_248] : memref<2x80x2xf32, #tpu.memory_space<vmem>> -> memref<1x80x2xf32, #tpu.memory_space<vmem>>
      %dma_wait3A_250 = tpu.memref_squeeze %dma_wait3A_249 : memref<1x80x2xf32, #tpu.memory_space<vmem>> -> memref<80x2xf32, #tpu.memory_space<vmem>>
      %dma_wait3A_251 = arith.constant 0 : i32
      %dma_wait3A_252 = tpu.memref_slice %arg12[%rem3A_234, %dma_wait3A_251] : memref<4x80xi32, #tpu.memory_space<vmem>> -> memref<1x80xi32, #tpu.memory_space<vmem>>
      %dma_wait3A_253 = tpu.memref_squeeze %dma_wait3A_252 : memref<1x80xi32, #tpu.memory_space<vmem>> -> memref<80xi32, #tpu.memory_space<vmem>>
      %dma_wait3A_254 = arith.constant 0 : i32
      %dma_wait3A_255 = arith.constant 0 : i32
      %dma_wait3A_256 = tpu.memref_slice %arg9[%dma_wait3A_254, %dma_wait3A_255] : memref<10000x2xf32, #tpu.memory_space<vmem_shared>> -> memref<10000x2xf32, #tpu.memory_space<vmem_shared>>
      %dma_wait3A_257 = tpu.memref_slice %arg18[%rem3A_231] : memref<2x!tpu.dma_semaphore, #tpu.memory_space<semaphore_mem>> -> memref<1x!tpu.dma_semaphore, #tpu.memory_space<semaphore_mem>>
      %dma_wait3A_258 = tpu.memref_squeeze %dma_wait3A_257 : memref<1x!tpu.dma_semaphore, #tpu.memory_space<semaphore_mem>> -> memref<!tpu.dma_semaphore, #tpu.memory_space<semaphore_mem>>
      tpu.wait_indirect_dma semaphore(%dma_wait3A_258 : memref<!tpu.dma_semaphore, #tpu.memory_space<semaphore_mem>>) src(%dma_wait3A_256 : memref<10000x2xf32, #tpu.memory_space<vmem_shared>>) dst(%dma_wait3A_250 : memref<80x2xf32, #tpu.memory_space<vmem>>)
      %dma_wait3A_259 = arith.constant 0 : i32
      %dma_wait3A_260 = arith.constant 0 : i32
      %dma_wait3A_261 = tpu.memref_slice %arg15[%rem3A_231, %dma_wait3A_259, %dma_wait3A_260] : memref<2x80x8xf32, #tpu.memory_space<vmem>> -> memref<1x80x8xf32, #tpu.memory_space<vmem>>
      %dma_wait3A_262 = tpu.memref_squeeze %dma_wait3A_261 : memref<1x80x8xf32, #tpu.memory_space<vmem>> -> memref<80x8xf32, #tpu.memory_space<vmem>>
      %dma_wait3A_263 = arith.constant 0 : i32
      %dma_wait3A_264 = tpu.memref_slice %arg11[%rem3A_234, %dma_wait3A_263] : memref<4x80xi32, #tpu.memory_space<vmem>> -> memref<1x80xi32, #tpu.memory_space<vmem>>
      %dma_wait3A_265 = tpu.memref_squeeze %dma_wait3A_264 : memref<1x80xi32, #tpu.memory_space<vmem>> -> memref<80xi32, #tpu.memory_space<vmem>>
      %dma_wait3A_266 = arith.constant 0 : i32
      %dma_wait3A_267 = arith.constant 0 : i32
      %dma_wait3A_268 = tpu.memref_slice %arg8[%dma_wait3A_266, %dma_wait3A_267] : memref<10000x8xf32, #tpu.memory_space<vmem_shared>> -> memref<10000x8xf32, #tpu.memory_space<vmem_shared>>
      %dma_wait3A_269 = tpu.memref_slice %arg18[%rem3A_231] : memref<2x!tpu.dma_semaphore, #tpu.memory_space<semaphore_mem>> -> memref<1x!tpu.dma_semaphore, #tpu.memory_space<semaphore_mem>>
      %dma_wait3A_270 = tpu.memref_squeeze %dma_wait3A_269 : memref<1x!tpu.dma_semaphore, #tpu.memory_space<semaphore_mem>> -> memref<!tpu.dma_semaphore, #tpu.memory_space<semaphore_mem>>
      tpu.wait_indirect_dma semaphore(%dma_wait3A_270 : memref<!tpu.dma_semaphore, #tpu.memory_space<semaphore_mem>>) src(%dma_wait3A_268 : memref<10000x8xf32, #tpu.memory_space<vmem_shared>>) dst(%dma_wait3A_262 : memref<80x8xf32, #tpu.memory_space<vmem>>)
      %ge3A = arith.constant 2 : i32
      %ge3A_271 = arith.cmpi sge, %scan3A_229, %ge3A : i32
      %convert_element_type3A = arith.extui %ge3A_271 : i1 to i32
      %cond3A = arith.constant 0 : i32
      %cond3A_272 = arith.cmpi ne, %convert_element_type3A, %cond3A : i32
      scf.if %cond3A_272 {
        %sub3A_1708 = arith.constant 2 : i32
        %sub3A_1709 = arith.subi %scan3A_229, %sub3A_1708 : i32
        %rem3A_1710 = arith.constant 4 : i32
        %rem3A_1711 = arith.remsi %sub3A_1709, %rem3A_1710 : i32
        %dma_wait3A_1712 = arith.constant 0 : i32
        %dma_wait3A_1713 = arith.constant 0 : i32
        %dma_wait3A_1714 = tpu.memref_slice %arg16[%rem3A_231, %dma_wait3A_1712, %dma_wait3A_1713] : memref<2x80x16xf32, #tpu.memory_space<vmem>> -> memref<1x80x16xf32, #tpu.memory_space<vmem>>
        %dma_wait3A_1715 = tpu.memref_squeeze %dma_wait3A_1714 : memref<1x80x16xf32, #tpu.memory_space<vmem>> -> memref<80x16xf32, #tpu.memory_space<vmem>>
        %dma_wait3A_1716 = arith.constant 0 : i32
        %dma_wait3A_1717 = tpu.memref_slice %arg12[%rem3A_1711, %dma_wait3A_1716] : memref<4x80xi32, #tpu.memory_space<vmem>> -> memref<1x80xi32, #tpu.memory_space<vmem>>
        %dma_wait3A_1718 = tpu.memref_squeeze %dma_wait3A_1717 : memref<1x80xi32, #tpu.memory_space<vmem>> -> memref<80xi32, #tpu.memory_space<vmem>>
        %dma_wait3A_1719 = arith.constant 0 : i32
        %dma_wait3A_1720 = arith.constant 0 : i32
        %dma_wait3A_1721 = tpu.memref_slice %arg10[%dma_wait3A_1719, %dma_wait3A_1720] : memref<10128x16xf32, #tpu.memory_space<vmem_shared>> -> memref<10128x16xf32, #tpu.memory_space<vmem_shared>>
        %dma_wait3A_1722 = tpu.memref_slice %arg19[%rem3A_231] : memref<2x!tpu.dma_semaphore, #tpu.memory_space<semaphore_mem>> -> memref<1x!tpu.dma_semaphore, #tpu.memory_space<semaphore_mem>>
        %dma_wait3A_1723 = tpu.memref_squeeze %dma_wait3A_1722 : memref<1x!tpu.dma_semaphore, #tpu.memory_space<semaphore_mem>> -> memref<!tpu.dma_semaphore, #tpu.memory_space<semaphore_mem>>
        tpu.wait_indirect_dma semaphore(%dma_wait3A_1723 : memref<!tpu.dma_semaphore, #tpu.memory_space<semaphore_mem>>) src(%dma_wait3A_1715 : memref<80x16xf32, #tpu.memory_space<vmem>>) dst(%dma_wait3A_1721 : memref<10128x16xf32, #tpu.memory_space<vmem_shared>>)
      } else {
      }
      %lt3A_273 = arith.constant 127 : i32
      %lt3A_274 = arith.cmpi slt, %scan3A_229, %lt3A_273 : i32
      %convert_element_type3A_275 = arith.extui %lt3A_274 : i1 to i32
      %cond3A_276 = arith.constant 0 : i32
      %cond3A_277 = arith.cmpi ne, %convert_element_type3A_275, %cond3A_276 : i32
      scf.if %cond3A_277 {
        %add3A_1708 = arith.constant 1 : i32
        %add3A_1709 = arith.addi %scan3A_229, %add3A_1708 : i32
        %rem3A_1710 = arith.constant 4 : i32
        %rem3A_1711 = arith.remsi %add3A_1709, %rem3A_1710 : i32
        %dma_wait3A_1712 = arith.constant 0 : i32
        %dma_wait3A_1713 = tpu.memref_slice %arg11[%rem3A_1711, %dma_wait3A_1712] : memref<4x80xi32, #tpu.memory_space<vmem>> -> memref<1x80xi32, #tpu.memory_space<vmem>>
        %dma_wait3A_1714 = arith.constant 0 : i32
        %dma_wait3A_1715 = arith.constant 0 : i32
        %dma_wait3A_1716 = tpu.memref_slice %arg4[%dma_wait3A_1714, %dma_wait3A_1715] : memref<4096x80xi32, #tpu.memory_space<hbm>> -> memref<1x80xi32, #tpu.memory_space<hbm>>
        %dma_wait3A_1717 = tpu.memref_slice %arg17[%rem3A_1711] : memref<4x!tpu.dma_semaphore, #tpu.memory_space<semaphore_mem>> -> memref<1x!tpu.dma_semaphore, #tpu.memory_space<semaphore_mem>>
        %dma_wait3A_1718 = tpu.memref_squeeze %dma_wait3A_1717 : memref<1x!tpu.dma_semaphore, #tpu.memory_space<semaphore_mem>> -> memref<!tpu.dma_semaphore, #tpu.memory_space<semaphore_mem>>
        %dma_wait3A_1719 = arith.constant 0 : i32
        %dma_wait3A_1720 = tpu.memref_slice %arg11[%rem3A_1711, %dma_wait3A_1719] : memref<4x80xi32, #tpu.memory_space<vmem>> -> memref<1x80xi32, #tpu.memory_space<vmem>>
        %dma_wait3A_1721 = arith.constant 0 : i32
        %dma_wait3A_1722 = arith.constant 0 : i32
        %dma_wait3A_1723 = tpu.memref_slice %arg4[%dma_wait3A_1721, %dma_wait3A_1722] : memref<4096x80xi32, #tpu.memory_space<hbm>> -> memref<1x80xi32, #tpu.memory_space<hbm>>
        tpu.wait_dma2 semaphore(%dma_wait3A_1718 : memref<!tpu.dma_semaphore, #tpu.memory_space<semaphore_mem>>) src(%dma_wait3A_1723 : memref<1x80xi32, #tpu.memory_space<hbm>>) dst(%dma_wait3A_1720 : memref<1x80xi32, #tpu.memory_space<vmem>>)
        %dma_wait3A_1724 = arith.constant 0 : i32
        %dma_wait3A_1725 = tpu.memref_slice %arg12[%rem3A_1711, %dma_wait3A_1724] : memref<4x80xi32, #tpu.memory_space<vmem>> -> memref<1x80xi32, #tpu.memory_space<vmem>>
        %dma_wait3A_1726 = arith.constant 0 : i32
        %dma_wait3A_1727 = arith.constant 0 : i32
        %dma_wait3A_1728 = tpu.memref_slice %arg5[%dma_wait3A_1726, %dma_wait3A_1727] : memref<4096x80xi32, #tpu.memory_space<hbm>> -> memref<1x80xi32, #tpu.memory_space<hbm>>
        %dma_wait3A_1729 = tpu.memref_slice %arg17[%rem3A_1711] : memref<4x!tpu.dma_semaphore, #tpu.memory_space<semaphore_mem>> -> memref<1x!tpu.dma_semaphore, #tpu.memory_space<semaphore_mem>>
        %dma_wait3A_1730 = tpu.memref_squeeze %dma_wait3A_1729 : memref<1x!tpu.dma_semaphore, #tpu.memory_space<semaphore_mem>> -> memref<!tpu.dma_semaphore, #tpu.memory_space<semaphore_mem>>
        %dma_wait3A_1731 = arith.constant 0 : i32
        %dma_wait3A_1732 = tpu.memref_slice %arg12[%rem3A_1711, %dma_wait3A_1731] : memref<4x80xi32, #tpu.memory_space<vmem>> -> memref<1x80xi32, #tpu.memory_space<vmem>>
        %dma_wait3A_1733 = arith.constant 0 : i32
        %dma_wait3A_1734 = arith.constant 0 : i32
        %dma_wait3A_1735 = tpu.memref_slice %arg5[%dma_wait3A_1733, %dma_wait3A_1734] : memref<4096x80xi32, #tpu.memory_space<hbm>> -> memref<1x80xi32, #tpu.memory_space<hbm>>
        tpu.wait_dma2 semaphore(%dma_wait3A_1730 : memref<!tpu.dma_semaphore, #tpu.memory_space<semaphore_mem>>) src(%dma_wait3A_1735 : memref<1x80xi32, #tpu.memory_space<hbm>>) dst(%dma_wait3A_1732 : memref<1x80xi32, #tpu.memory_space<vmem>>)
        %add3A_1736 = arith.constant 1 : i32
        %add3A_1737 = arith.addi %scan3A_229, %add3A_1736 : i32
        %rem3A_1738 = arith.constant 4 : i32
        %rem3A_1739 = arith.remsi %add3A_1737, %rem3A_1738 : i32
        %dma_start3A_1740 = arith.constant 0 : i32
        %dma_start3A_1741 = arith.constant 0 : i32
        %dma_start3A_1742 = tpu.memref_slice %arg13[%sub3A_232, %dma_start3A_1740, %dma_start3A_1741] : memref<2x80x2xf32, #tpu.memory_space<vmem>> -> memref<1x80x2xf32, #tpu.memory_space<vmem>>
        %dma_start3A_1743 = tpu.memref_squeeze %dma_start3A_1742 : memref<1x80x2xf32, #tpu.memory_space<vmem>> -> memref<80x2xf32, #tpu.memory_space<vmem>>
        %dma_start3A_1744 = arith.constant 0 : i32
        %dma_start3A_1745 = tpu.memref_slice %arg11[%rem3A_1739, %dma_start3A_1744] : memref<4x80xi32, #tpu.memory_space<vmem>> -> memref<1x80xi32, #tpu.memory_space<vmem>>
        %dma_start3A_1746 = tpu.memref_squeeze %dma_start3A_1745 : memref<1x80xi32, #tpu.memory_space<vmem>> -> memref<80xi32, #tpu.memory_space<vmem>>
        %dma_start3A_1747 = arith.constant 0 : i32
        %dma_start3A_1748 = arith.constant 0 : i32
        %dma_start3A_1749 = tpu.memref_slice %arg9[%dma_start3A_1747, %dma_start3A_1748] : memref<10000x2xf32, #tpu.memory_space<vmem_shared>> -> memref<10000x2xf32, #tpu.memory_space<vmem_shared>>
        %dma_start3A_1750 = tpu.memref_slice %arg18[%sub3A_232] : memref<2x!tpu.dma_semaphore, #tpu.memory_space<semaphore_mem>> -> memref<1x!tpu.dma_semaphore, #tpu.memory_space<semaphore_mem>>
        %dma_start3A_1751 = tpu.memref_squeeze %dma_start3A_1750 : memref<1x!tpu.dma_semaphore, #tpu.memory_space<semaphore_mem>> -> memref<!tpu.dma_semaphore, #tpu.memory_space<semaphore_mem>>
        tpu.enqueue_indirect_dma source(%dma_start3A_1749 : memref<10000x2xf32, #tpu.memory_space<vmem_shared>>) target(%dma_start3A_1743 : memref<80x2xf32, #tpu.memory_space<vmem>>) offsets(%dma_start3A_1746 : memref<80xi32, #tpu.memory_space<vmem>>) semaphore(%dma_start3A_1751 : memref<!tpu.dma_semaphore, #tpu.memory_space<semaphore_mem>>)
        %dma_start3A_1752 = arith.constant 0 : i32
        %dma_start3A_1753 = arith.constant 0 : i32
        %dma_start3A_1754 = tpu.memref_slice %arg14[%sub3A_232, %dma_start3A_1752, %dma_start3A_1753] : memref<2x80x2xf32, #tpu.memory_space<vmem>> -> memref<1x80x2xf32, #tpu.memory_space<vmem>>
        %dma_start3A_1755 = tpu.memref_squeeze %dma_start3A_1754 : memref<1x80x2xf32, #tpu.memory_space<vmem>> -> memref<80x2xf32, #tpu.memory_space<vmem>>
        %dma_start3A_1756 = arith.constant 0 : i32
        %dma_start3A_1757 = tpu.memref_slice %arg12[%rem3A_1739, %dma_start3A_1756] : memref<4x80xi32, #tpu.memory_space<vmem>> -> memref<1x80xi32, #tpu.memory_space<vmem>>
        %dma_start3A_1758 = tpu.memref_squeeze %dma_start3A_1757 : memref<1x80xi32, #tpu.memory_space<vmem>> -> memref<80xi32, #tpu.memory_space<vmem>>
        %dma_start3A_1759 = arith.constant 0 : i32
        %dma_start3A_1760 = arith.constant 0 : i32
        %dma_start3A_1761 = tpu.memref_slice %arg9[%dma_start3A_1759, %dma_start3A_1760] : memref<10000x2xf32, #tpu.memory_space<vmem_shared>> -> memref<10000x2xf32, #tpu.memory_space<vmem_shared>>
        %dma_start3A_1762 = tpu.memref_slice %arg18[%sub3A_232] : memref<2x!tpu.dma_semaphore, #tpu.memory_space<semaphore_mem>> -> memref<1x!tpu.dma_semaphore, #tpu.memory_space<semaphore_mem>>
        %dma_start3A_1763 = tpu.memref_squeeze %dma_start3A_1762 : memref<1x!tpu.dma_semaphore, #tpu.memory_space<semaphore_mem>> -> memref<!tpu.dma_semaphore, #tpu.memory_space<semaphore_mem>>
        tpu.enqueue_indirect_dma source(%dma_start3A_1761 : memref<10000x2xf32, #tpu.memory_space<vmem_shared>>) target(%dma_start3A_1755 : memref<80x2xf32, #tpu.memory_space<vmem>>) offsets(%dma_start3A_1758 : memref<80xi32, #tpu.memory_space<vmem>>) semaphore(%dma_start3A_1763 : memref<!tpu.dma_semaphore, #tpu.memory_space<semaphore_mem>>)
        %dma_start3A_1764 = arith.constant 0 : i32
        %dma_start3A_1765 = arith.constant 0 : i32
        %dma_start3A_1766 = tpu.memref_slice %arg15[%sub3A_232, %dma_start3A_1764, %dma_start3A_1765] : memref<2x80x8xf32, #tpu.memory_space<vmem>> -> memref<1x80x8xf32, #tpu.memory_space<vmem>>
        %dma_start3A_1767 = tpu.memref_squeeze %dma_start3A_1766 : memref<1x80x8xf32, #tpu.memory_space<vmem>> -> memref<80x8xf32, #tpu.memory_space<vmem>>
        %dma_start3A_1768 = arith.constant 0 : i32
        %dma_start3A_1769 = tpu.memref_slice %arg11[%rem3A_1739, %dma_start3A_1768] : memref<4x80xi32, #tpu.memory_space<vmem>> -> memref<1x80xi32, #tpu.memory_space<vmem>>
        %dma_start3A_1770 = tpu.memref_squeeze %dma_start3A_1769 : memref<1x80xi32, #tpu.memory_space<vmem>> -> memref<80xi32, #tpu.memory_space<vmem>>
        %dma_start3A_1771 = arith.constant 0 : i32
        %dma_start3A_1772 = arith.constant 0 : i32
        %dma_start3A_1773 = tpu.memref_slice %arg8[%dma_start3A_1771, %dma_start3A_1772] : memref<10000x8xf32, #tpu.memory_space<vmem_shared>> -> memref<10000x8xf32, #tpu.memory_space<vmem_shared>>
        %dma_start3A_1774 = tpu.memref_slice %arg18[%sub3A_232] : memref<2x!tpu.dma_semaphore, #tpu.memory_space<semaphore_mem>> -> memref<1x!tpu.dma_semaphore, #tpu.memory_space<semaphore_mem>>
        %dma_start3A_1775 = tpu.memref_squeeze %dma_start3A_1774 : memref<1x!tpu.dma_semaphore, #tpu.memory_space<semaphore_mem>> -> memref<!tpu.dma_semaphore, #tpu.memory_space<semaphore_mem>>
        tpu.enqueue_indirect_dma source(%dma_start3A_1773 : memref<10000x8xf32, #tpu.memory_space<vmem_shared>>) target(%dma_start3A_1767 : memref<80x8xf32, #tpu.memory_space<vmem>>) offsets(%dma_start3A_1770 : memref<80xi32, #tpu.memory_space<vmem>>) semaphore(%dma_start3A_1775 : memref<!tpu.dma_semaphore, #tpu.memory_space<semaphore_mem>>)
      } else {
      }
      %lt3A_278 = arith.constant 126 : i32
      %lt3A_279 = arith.cmpi slt, %scan3A_229, %lt3A_278 : i32
      %convert_element_type3A_280 = arith.extui %lt3A_279 : i1 to i32
      %cond3A_281 = arith.constant 0 : i32
      %cond3A_282 = arith.cmpi ne, %convert_element_type3A_280, %cond3A_281 : i32
      scf.if %cond3A_282 {
        %add3A_1708 = arith.constant 2 : i32
        %add3A_1709 = arith.addi %scan3A_229, %add3A_1708 : i32
        %add3A_1710 = arith.constant 2 : i32
        %add3A_1711 = arith.addi %scan3A_229, %add3A_1710 : i32
        %rem3A_1712 = arith.constant 4 : i32
        %rem3A_1713 = arith.remsi %add3A_1711, %rem3A_1712 : i32
        %add3A_1714 = arith.addi %mul3A_59, %add3A_1709 : i32
        %dma_start3A_1715 = arith.constant 0 : i32
        %dma_start3A_1716 = tpu.memref_slice %arg11[%rem3A_1713, %dma_start3A_1715] : memref<4x80xi32, #tpu.memory_space<vmem>> -> memref<1x80xi32, #tpu.memory_space<vmem>>
        %dma_start3A_1717 = arith.constant 0 : i32
        %dma_start3A_1718 = tpu.memref_slice %arg4[%add3A_1714, %dma_start3A_1717] : memref<4096x80xi32, #tpu.memory_space<hbm>> -> memref<1x80xi32, #tpu.memory_space<hbm>>
        %dma_start3A_1719 = tpu.memref_slice %arg17[%rem3A_1713] : memref<4x!tpu.dma_semaphore, #tpu.memory_space<semaphore_mem>> -> memref<1x!tpu.dma_semaphore, #tpu.memory_space<semaphore_mem>>
        %dma_start3A_1720 = tpu.memref_squeeze %dma_start3A_1719 : memref<1x!tpu.dma_semaphore, #tpu.memory_space<semaphore_mem>> -> memref<!tpu.dma_semaphore, #tpu.memory_space<semaphore_mem>>
        %dma_start3A_1721 = arith.constant 0 : i32
        %dma_start3A_1722 = tpu.memref_slice %arg11[%rem3A_1713, %dma_start3A_1721] : memref<4x80xi32, #tpu.memory_space<vmem>> -> memref<1x80xi32, #tpu.memory_space<vmem>>
        %dma_start3A_1723 = arith.constant 0 : i32
        %dma_start3A_1724 = tpu.memref_slice %arg4[%add3A_1714, %dma_start3A_1723] : memref<4096x80xi32, #tpu.memory_space<hbm>> -> memref<1x80xi32, #tpu.memory_space<hbm>>
        tpu.enqueue_dma source(%dma_start3A_1724 : memref<1x80xi32, #tpu.memory_space<hbm>>) target(%dma_start3A_1722 : memref<1x80xi32, #tpu.memory_space<vmem>>) target_semaphore(%dma_start3A_1720 : memref<!tpu.dma_semaphore, #tpu.memory_space<semaphore_mem>>)
        %add3A_1725 = arith.addi %mul3A_59, %add3A_1709 : i32
        %dma_start3A_1726 = arith.constant 0 : i32
        %dma_start3A_1727 = tpu.memref_slice %arg12[%rem3A_1713, %dma_start3A_1726] : memref<4x80xi32, #tpu.memory_space<vmem>> -> memref<1x80xi32, #tpu.memory_space<vmem>>
        %dma_start3A_1728 = arith.constant 0 : i32
        %dma_start3A_1729 = tpu.memref_slice %arg5[%add3A_1725, %dma_start3A_1728] : memref<4096x80xi32, #tpu.memory_space<hbm>> -> memref<1x80xi32, #tpu.memory_space<hbm>>
        %dma_start3A_1730 = tpu.memref_slice %arg17[%rem3A_1713] : memref<4x!tpu.dma_semaphore, #tpu.memory_space<semaphore_mem>> -> memref<1x!tpu.dma_semaphore, #tpu.memory_space<semaphore_mem>>
        %dma_start3A_1731 = tpu.memref_squeeze %dma_start3A_1730 : memref<1x!tpu.dma_semaphore, #tpu.memory_space<semaphore_mem>> -> memref<!tpu.dma_semaphore, #tpu.memory_space<semaphore_mem>>
        %dma_start3A_1732 = arith.constant 0 : i32
        %dma_start3A_1733 = tpu.memref_slice %arg12[%rem3A_1713, %dma_start3A_1732] : memref<4x80xi32, #tpu.memory_space<vmem>> -> memref<1x80xi32, #tpu.memory_space<vmem>>
        %dma_start3A_1734 = arith.constant 0 : i32
        %dma_start3A_1735 = tpu.memref_slice %arg5[%add3A_1725, %dma_start3A_1734] : memref<4096x80xi32, #tpu.memory_space<hbm>> -> memref<1x80xi32, #tpu.memory_space<hbm>>
        tpu.enqueue_dma source(%dma_start3A_1735 : memref<1x80xi32, #tpu.memory_space<hbm>>) target(%dma_start3A_1733 : memref<1x80xi32, #tpu.memory_space<vmem>>) target_semaphore(%dma_start3A_1731 : memref<!tpu.dma_semaphore, #tpu.memory_space<semaphore_mem>>)
      } else {
      }
      %broadcast_in_dim3A_283 = vector.broadcast %rem3A_231 : i32 to vector<16xi32>
      %add3A_284 = arith.constant 0 : i32
      %add3A_285 = vector.broadcast %add3A_284 : i32 to vector<16xi32>
      %add3A_286 = arith.addi %add3A_285, %iota3A : vector<16xi32>
      %gather3A = tpu.vector_load_idx %arg13[%broadcast_in_dim3A_283, %add3A_286, %broadcast_in_dim3A_23] : memref<2x80x2xf32, #tpu.memory_space<vmem>>[vector<16xi32>, vector<16xi32>, vector<16xi32>], vector<16xf32>,
      %gather3A_287 = tpu.vector_load_idx %arg14[%broadcast_in_dim3A_283, %add3A_286, %broadcast_in_dim3A_25] : memref<2x80x2xf32, #tpu.memory_space<vmem>>[vector<16xi32>, vector<16xi32>, vector<16xi32>], vector<16xf32>,
      %add3A_288 = arith.addf %gather3A, %gather3A_287 : vector<16xf32>
      %mul3A_289 = arith.constant 2.000000e-01 : f32
      %mul3A_290 = vector.broadcast %mul3A_289 : f32 to vector<16xf32>
      %mul3A_291 = arith.mulf %mul3A_290, %add3A_288 : vector<16xf32>
      %max3A = arith.maximumf %add3A_288, %mul3A_291 : vector<16xf32>
      %exp3A = math.exp %max3A : vector<16xf32>
      %add3A_292 = arith.constant 16 : i32
      %add3A_293 = vector.broadcast %add3A_292 : i32 to vector<16xi32>
      %add3A_294 = arith.addi %add3A_293, %iota3A : vector<16xi32>
      %gather3A_295 = tpu.vector_load_idx %arg13[%broadcast_in_dim3A_283, %add3A_294, %broadcast_in_dim3A_23] : memref<2x80x2xf32, #tpu.memory_space<vmem>>[vector<16xi32>, vector<16xi32>, vector<16xi32>], vector<16xf32>,
      %gather3A_296 = tpu.vector_load_idx %arg14[%broadcast_in_dim3A_283, %add3A_294, %broadcast_in_dim3A_25] : memref<2x80x2xf32, #tpu.memory_space<vmem>>[vector<16xi32>, vector<16xi32>, vector<16xi32>], vector<16xf32>,
      %add3A_297 = arith.addf %gather3A_295, %gather3A_296 : vector<16xf32>
      %mul3A_298 = arith.constant 2.000000e-01 : f32
      %mul3A_299 = vector.broadcast %mul3A_298 : f32 to vector<16xf32>
      %mul3A_300 = arith.mulf %mul3A_299, %add3A_297 : vector<16xf32>
      %max3A_301 = arith.maximumf %add3A_297, %mul3A_300 : vector<16xf32>
      %exp3A_302 = math.exp %max3A_301 : vector<16xf32>
      %add3A_303 = arith.constant 32 : i32
      %add3A_304 = vector.broadcast %add3A_303 : i32 to vector<16xi32>
      %add3A_305 = arith.addi %add3A_304, %iota3A : vector<16xi32>
      %gather3A_306 = tpu.vector_load_idx %arg13[%broadcast_in_dim3A_283, %add3A_305, %broadcast_in_dim3A_23] : memref<2x80x2xf32, #tpu.memory_space<vmem>>[vector<16xi32>, vector<16xi32>, vector<16xi32>], vector<16xf32>,
      %gather3A_307 = tpu.vector_load_idx %arg14[%broadcast_in_dim3A_283, %add3A_305, %broadcast_in_dim3A_25] : memref<2x80x2xf32, #tpu.memory_space<vmem>>[vector<16xi32>, vector<16xi32>, vector<16xi32>], vector<16xf32>,
      %add3A_308 = arith.addf %gather3A_306, %gather3A_307 : vector<16xf32>
      %mul3A_309 = arith.constant 2.000000e-01 : f32
      %mul3A_310 = vector.broadcast %mul3A_309 : f32 to vector<16xf32>
      %mul3A_311 = arith.mulf %mul3A_310, %add3A_308 : vector<16xf32>
      %max3A_312 = arith.maximumf %add3A_308, %mul3A_311 : vector<16xf32>
      %exp3A_313 = math.exp %max3A_312 : vector<16xf32>
      %add3A_314 = arith.constant 48 : i32
      %add3A_315 = vector.broadcast %add3A_314 : i32 to vector<16xi32>
      %add3A_316 = arith.addi %add3A_315, %iota3A : vector<16xi32>
      %gather3A_317 = tpu.vector_load_idx %arg13[%broadcast_in_dim3A_283, %add3A_316, %broadcast_in_dim3A_23] : memref<2x80x2xf32, #tpu.memory_space<vmem>>[vector<16xi32>, vector<16xi32>, vector<16xi32>], vector<16xf32>,
      %gather3A_318 = tpu.vector_load_idx %arg14[%broadcast_in_dim3A_283, %add3A_316, %broadcast_in_dim3A_25] : memref<2x80x2xf32, #tpu.memory_space<vmem>>[vector<16xi32>, vector<16xi32>, vector<16xi32>], vector<16xf32>,
      %add3A_319 = arith.addf %gather3A_317, %gather3A_318 : vector<16xf32>
      %mul3A_320 = arith.constant 2.000000e-01 : f32
      %mul3A_321 = vector.broadcast %mul3A_320 : f32 to vector<16xf32>
      %mul3A_322 = arith.mulf %mul3A_321, %add3A_319 : vector<16xf32>
      %max3A_323 = arith.maximumf %add3A_319, %mul3A_322 : vector<16xf32>
      %exp3A_324 = math.exp %max3A_323 : vector<16xf32>
      %add3A_325 = arith.constant 64 : i32
      %add3A_326 = vector.broadcast %add3A_325 : i32 to vector<16xi32>
      %add3A_327 = arith.addi %add3A_326, %iota3A : vector<16xi32>
      %gather3A_328 = tpu.vector_load_idx %arg13[%broadcast_in_dim3A_283, %add3A_327, %broadcast_in_dim3A_23] : memref<2x80x2xf32, #tpu.memory_space<vmem>>[vector<16xi32>, vector<16xi32>, vector<16xi32>], vector<16xf32>,
      %gather3A_329 = tpu.vector_load_idx %arg14[%broadcast_in_dim3A_283, %add3A_327, %broadcast_in_dim3A_25] : memref<2x80x2xf32, #tpu.memory_space<vmem>>[vector<16xi32>, vector<16xi32>, vector<16xi32>], vector<16xf32>,
      %add3A_330 = arith.addf %gather3A_328, %gather3A_329 : vector<16xf32>
      %mul3A_331 = arith.constant 2.000000e-01 : f32
      %mul3A_332 = vector.broadcast %mul3A_331 : f32 to vector<16xf32>
      %mul3A_333 = arith.mulf %mul3A_332, %add3A_330 : vector<16xf32>
      %max3A_334 = arith.maximumf %add3A_330, %mul3A_333 : vector<16xf32>
      %exp3A_335 = math.exp %max3A_334 : vector<16xf32>
      %broadcast_in_dim3A_336 = arith.constant 0 : i32
      %broadcast_in_dim3A_337 = vector.broadcast %broadcast_in_dim3A_336 : i32 to vector<16xi32>
      %gather3A_338 = tpu.vector_load_idx %arg15[%broadcast_in_dim3A_283, %broadcast_in_dim3A_337, %select_n3A_22] : memref<2x80x8xf32, #tpu.memory_space<vmem>>[vector<16xi32>, vector<16xi32>, vector<16xi32>], vector<16xf32>,
      %broadcast_in_dim3A_339 = vector.shape_cast %broadcast_in_dim3A_27 : vector<16xi32> to vector<16x1xi32>
      %gather3A_340 = vector.shape_cast %broadcast_in_dim3A_339 : vector<16x1xi32> to vector<16xi32>
      %gather3A_341 = tpu.dynamic_gather %exp3A[%gather3A_340] in [0] : vector<16xf32>, vector<16xi32> -> vector<16xf32>
      %lt3A_342 = arith.constant 8 : i32
      %lt3A_343 = vector.broadcast %lt3A_342 : i32 to vector<16xi32>
      %lt3A_344 = arith.cmpi slt, %iota3A, %lt3A_343 : vector<16xi32>
      %mul3A_345 = arith.mulf %gather3A_341, %gather3A_338 : vector<16xf32>
      %eq3A_346 = arith.constant 8 : i32
      %eq3A_347 = vector.broadcast %eq3A_346 : i32 to vector<16xi32>
      %eq3A_348 = arith.cmpi eq, %iota3A, %eq3A_347 : vector<16xi32>
      %jit3A_349 = arith.constant 0.000000e+00 : f32
      %broadcast_in_dim3A_350 = vector.broadcast %jit3A_349 : f32 to vector<16xf32>
      %select_n3A_351 = arith.select %eq3A_348, %gather3A_341, %broadcast_in_dim3A_350 : vector<16xi1>, vector<16xf32>
      %select_n3A_352 = arith.select %lt3A_344, %mul3A_345, %select_n3A_351 : vector<16xi1>, vector<16xf32>
      tpu.vector_store_idx %arg16[%broadcast_in_dim3A_283, %broadcast_in_dim3A_337, %iota3A], %select_n3A_352 : memref<2x80x16xf32, #tpu.memory_space<vmem>>[vector<16xi32>, vector<16xi32>, vector<16xi32>], vector<16xf32>,
      %broadcast_in_dim3A_353 = arith.constant 1 : i32
      %broadcast_in_dim3A_354 = vector.broadcast %broadcast_in_dim3A_353 : i32 to vector<16xi32>
      %gather3A_355 = tpu.vector_load_idx %arg15[%broadcast_in_dim3A_283, %broadcast_in_dim3A_354, %select_n3A_22] : memref<2x80x8xf32, #tpu.memory_space<vmem>>[vector<16xi32>, vector<16xi32>, vector<16xi32>], vector<16xf32>,
      %broadcast_in_dim3A_356 = vector.shape_cast %broadcast_in_dim3A_29 : vector<16xi32> to vector<16x1xi32>
      %gather3A_357 = vector.shape_cast %broadcast_in_dim3A_356 : vector<16x1xi32> to vector<16xi32>
      %gather3A_358 = tpu.dynamic_gather %exp3A[%gather3A_357] in [0] : vector<16xf32>, vector<16xi32> -> vector<16xf32>
      %lt3A_359 = arith.constant 8 : i32
      %lt3A_360 = vector.broadcast %lt3A_359 : i32 to vector<16xi32>
      %lt3A_361 = arith.cmpi slt, %iota3A, %lt3A_360 : vector<16xi32>
      %mul3A_362 = arith.mulf %gather3A_358, %gather3A_355 : vector<16xf32>
      %eq3A_363 = arith.constant 8 : i32
      %eq3A_364 = vector.broadcast %eq3A_363 : i32 to vector<16xi32>
      %eq3A_365 = arith.cmpi eq, %iota3A, %eq3A_364 : vector<16xi32>
      %jit3A_366 = arith.constant 0.000000e+00 : f32
      %broadcast_in_dim3A_367 = vector.broadcast %jit3A_366 : f32 to vector<16xf32>
      %select_n3A_368 = arith.select %eq3A_365, %gather3A_358, %broadcast_in_dim3A_367 : vector<16xi1>, vector<16xf32>
      %select_n3A_369 = arith.select %lt3A_361, %mul3A_362, %select_n3A_368 : vector<16xi1>, vector<16xf32>
      tpu.vector_store_idx %arg16[%broadcast_in_dim3A_283, %broadcast_in_dim3A_354, %iota3A], %select_n3A_369 : memref<2x80x16xf32, #tpu.memory_space<vmem>>[vector<16xi32>, vector<16xi32>, vector<16xi32>], vector<16xf32>,
      %broadcast_in_dim3A_370 = arith.constant 2 : i32
      %broadcast_in_dim3A_371 = vector.broadcast %broadcast_in_dim3A_370 : i32 to vector<16xi32>
      %gather3A_372 = tpu.vector_load_idx %arg15[%broadcast_in_dim3A_283, %broadcast_in_dim3A_371, %select_n3A_22] : memref<2x80x8xf32, #tpu.memory_space<vmem>>[vector<16xi32>, vector<16xi32>, vector<16xi32>], vector<16xf32>,
      %broadcast_in_dim3A_373 = vector.shape_cast %broadcast_in_dim3A_31 : vector<16xi32> to vector<16x1xi32>
      %gather3A_374 = vector.shape_cast %broadcast_in_dim3A_373 : vector<16x1xi32> to vector<16xi32>
      %gather3A_375 = tpu.dynamic_gather %exp3A[%gather3A_374] in [0] : vector<16xf32>, vector<16xi32> -> vector<16xf32>
      %lt3A_376 = arith.constant 8 : i32
      %lt3A_377 = vector.broadcast %lt3A_376 : i32 to vector<16xi32>
      %lt3A_378 = arith.cmpi slt, %iota3A, %lt3A_377 : vector<16xi32>
      %mul3A_379 = arith.mulf %gather3A_375, %gather3A_372 : vector<16xf32>
      %eq3A_380 = arith.constant 8 : i32
      %eq3A_381 = vector.broadcast %eq3A_380 : i32 to vector<16xi32>
      %eq3A_382 = arith.cmpi eq, %iota3A, %eq3A_381 : vector<16xi32>
      %jit3A_383 = arith.constant 0.000000e+00 : f32
      %broadcast_in_dim3A_384 = vector.broadcast %jit3A_383 : f32 to vector<16xf32>
      %select_n3A_385 = arith.select %eq3A_382, %gather3A_375, %broadcast_in_dim3A_384 : vector<16xi1>, vector<16xf32>
      %select_n3A_386 = arith.select %lt3A_378, %mul3A_379, %select_n3A_385 : vector<16xi1>, vector<16xf32>
      tpu.vector_store_idx %arg16[%broadcast_in_dim3A_283, %broadcast_in_dim3A_371, %iota3A], %select_n3A_386 : memref<2x80x16xf32, #tpu.memory_space<vmem>>[vector<16xi32>, vector<16xi32>, vector<16xi32>], vector<16xf32>,
      %broadcast_in_dim3A_387 = arith.constant 3 : i32
      %broadcast_in_dim3A_388 = vector.broadcast %broadcast_in_dim3A_387 : i32 to vector<16xi32>
      %gather3A_389 = tpu.vector_load_idx %arg15[%broadcast_in_dim3A_283, %broadcast_in_dim3A_388, %select_n3A_22] : memref<2x80x8xf32, #tpu.memory_space<vmem>>[vector<16xi32>, vector<16xi32>, vector<16xi32>], vector<16xf32>,
      %broadcast_in_dim3A_390 = vector.shape_cast %broadcast_in_dim3A_33 : vector<16xi32> to vector<16x1xi32>
      %gather3A_391 = vector.shape_cast %broadcast_in_dim3A_390 : vector<16x1xi32> to vector<16xi32>
      %gather3A_392 = tpu.dynamic_gather %exp3A[%gather3A_391] in [0] : vector<16xf32>, vector<16xi32> -> vector<16xf32>
      %lt3A_393 = arith.constant 8 : i32
      %lt3A_394 = vector.broadcast %lt3A_393 : i32 to vector<16xi32>
      %lt3A_395 = arith.cmpi slt, %iota3A, %lt3A_394 : vector<16xi32>
      %mul3A_396 = arith.mulf %gather3A_392, %gather3A_389 : vector<16xf32>
      %eq3A_397 = arith.constant 8 : i32
      %eq3A_398 = vector.broadcast %eq3A_397 : i32 to vector<16xi32>
      %eq3A_399 = arith.cmpi eq, %iota3A, %eq3A_398 : vector<16xi32>
      %jit3A_400 = arith.constant 0.000000e+00 : f32
      %broadcast_in_dim3A_401 = vector.broadcast %jit3A_400 : f32 to vector<16xf32>
      %select_n3A_402 = arith.select %eq3A_399, %gather3A_392, %broadcast_in_dim3A_401 : vector<16xi1>, vector<16xf32>
      %select_n3A_403 = arith.select %lt3A_395, %mul3A_396, %select_n3A_402 : vector<16xi1>, vector<16xf32>
      tpu.vector_store_idx %arg16[%broadcast_in_dim3A_283, %broadcast_in_dim3A_388, %iota3A], %select_n3A_403 : memref<2x80x16xf32, #tpu.memory_space<vmem>>[vector<16xi32>, vector<16xi32>, vector<16xi32>], vector<16xf32>,
      %broadcast_in_dim3A_404 = arith.constant 4 : i32
      %broadcast_in_dim3A_405 = vector.broadcast %broadcast_in_dim3A_404 : i32 to vector<16xi32>
      %gather3A_406 = tpu.vector_load_idx %arg15[%broadcast_in_dim3A_283, %broadcast_in_dim3A_405, %select_n3A_22] : memref<2x80x8xf32, #tpu.memory_space<vmem>>[vector<16xi32>, vector<16xi32>, vector<16xi32>], vector<16xf32>,
      %broadcast_in_dim3A_407 = vector.shape_cast %broadcast_in_dim3A_35 : vector<16xi32> to vector<16x1xi32>
      %gather3A_408 = vector.shape_cast %broadcast_in_dim3A_407 : vector<16x1xi32> to vector<16xi32>
      %gather3A_409 = tpu.dynamic_gather %exp3A[%gather3A_408] in [0] : vector<16xf32>, vector<16xi32> -> vector<16xf32>
      %lt3A_410 = arith.constant 8 : i32
      %lt3A_411 = vector.broadcast %lt3A_410 : i32 to vector<16xi32>
      %lt3A_412 = arith.cmpi slt, %iota3A, %lt3A_411 : vector<16xi32>
      %mul3A_413 = arith.mulf %gather3A_409, %gather3A_406 : vector<16xf32>
      %eq3A_414 = arith.constant 8 : i32
      %eq3A_415 = vector.broadcast %eq3A_414 : i32 to vector<16xi32>
      %eq3A_416 = arith.cmpi eq, %iota3A, %eq3A_415 : vector<16xi32>
      %jit3A_417 = arith.constant 0.000000e+00 : f32
      %broadcast_in_dim3A_418 = vector.broadcast %jit3A_417 : f32 to vector<16xf32>
      %select_n3A_419 = arith.select %eq3A_416, %gather3A_409, %broadcast_in_dim3A_418 : vector<16xi1>, vector<16xf32>
      %select_n3A_420 = arith.select %lt3A_412, %mul3A_413, %select_n3A_419 : vector<16xi1>, vector<16xf32>
      tpu.vector_store_idx %arg16[%broadcast_in_dim3A_283, %broadcast_in_dim3A_405, %iota3A], %select_n3A_420 : memref<2x80x16xf32, #tpu.memory_space<vmem>>[vector<16xi32>, vector<16xi32>, vector<16xi32>], vector<16xf32>,
      %broadcast_in_dim3A_421 = arith.constant 5 : i32
      %broadcast_in_dim3A_422 = vector.broadcast %broadcast_in_dim3A_421 : i32 to vector<16xi32>
      %gather3A_423 = tpu.vector_load_idx %arg15[%broadcast_in_dim3A_283, %broadcast_in_dim3A_422, %select_n3A_22] : memref<2x80x8xf32, #tpu.memory_space<vmem>>[vector<16xi32>, vector<16xi32>, vector<16xi32>], vector<16xf32>,
      %broadcast_in_dim3A_424 = vector.shape_cast %broadcast_in_dim3A_37 : vector<16xi32> to vector<16x1xi32>
      %gather3A_425 = vector.shape_cast %broadcast_in_dim3A_424 : vector<16x1xi32> to vector<16xi32>
      %gather3A_426 = tpu.dynamic_gather %exp3A[%gather3A_425] in [0] : vector<16xf32>, vector<16xi32> -> vector<16xf32>
      %lt3A_427 = arith.constant 8 : i32
      %lt3A_428 = vector.broadcast %lt3A_427 : i32 to vector<16xi32>
      %lt3A_429 = arith.cmpi slt, %iota3A, %lt3A_428 : vector<16xi32>
      %mul3A_430 = arith.mulf %gather3A_426, %gather3A_423 : vector<16xf32>
      %eq3A_431 = arith.constant 8 : i32
      %eq3A_432 = vector.broadcast %eq3A_431 : i32 to vector<16xi32>
      %eq3A_433 = arith.cmpi eq, %iota3A, %eq3A_432 : vector<16xi32>
      %jit3A_434 = arith.constant 0.000000e+00 : f32
      %broadcast_in_dim3A_435 = vector.broadcast %jit3A_434 : f32 to vector<16xf32>
      %select_n3A_436 = arith.select %eq3A_433, %gather3A_426, %broadcast_in_dim3A_435 : vector<16xi1>, vector<16xf32>
      %select_n3A_437 = arith.select %lt3A_429, %mul3A_430, %select_n3A_436 : vector<16xi1>, vector<16xf32>
      tpu.vector_store_idx %arg16[%broadcast_in_dim3A_283, %broadcast_in_dim3A_422, %iota3A], %select_n3A_437 : memref<2x80x16xf32, #tpu.memory_space<vmem>>[vector<16xi32>, vector<16xi32>, vector<16xi32>], vector<16xf32>,
      %broadcast_in_dim3A_438 = arith.constant 6 : i32
      %broadcast_in_dim3A_439 = vector.broadcast %broadcast_in_dim3A_438 : i32 to vector<16xi32>
      %gather3A_440 = tpu.vector_load_idx %arg15[%broadcast_in_dim3A_283, %broadcast_in_dim3A_439, %select_n3A_22] : memref<2x80x8xf32, #tpu.memory_space<vmem>>[vector<16xi32>, vector<16xi32>, vector<16xi32>], vector<16xf32>,
      %broadcast_in_dim3A_441 = vector.shape_cast %broadcast_in_dim3A_39 : vector<16xi32> to vector<16x1xi32>
      %gather3A_442 = vector.shape_cast %broadcast_in_dim3A_441 : vector<16x1xi32> to vector<16xi32>
      %gather3A_443 = tpu.dynamic_gather %exp3A[%gather3A_442] in [0] : vector<16xf32>, vector<16xi32> -> vector<16xf32>
      %lt3A_444 = arith.constant 8 : i32
      %lt3A_445 = vector.broadcast %lt3A_444 : i32 to vector<16xi32>
      %lt3A_446 = arith.cmpi slt, %iota3A, %lt3A_445 : vector<16xi32>
      %mul3A_447 = arith.mulf %gather3A_443, %gather3A_440 : vector<16xf32>
      %eq3A_448 = arith.constant 8 : i32
      %eq3A_449 = vector.broadcast %eq3A_448 : i32 to vector<16xi32>
      %eq3A_450 = arith.cmpi eq, %iota3A, %eq3A_449 : vector<16xi32>
      %jit3A_451 = arith.constant 0.000000e+00 : f32
      %broadcast_in_dim3A_452 = vector.broadcast %jit3A_451 : f32 to vector<16xf32>
      %select_n3A_453 = arith.select %eq3A_450, %gather3A_443, %broadcast_in_dim3A_452 : vector<16xi1>, vector<16xf32>
      %select_n3A_454 = arith.select %lt3A_446, %mul3A_447, %select_n3A_453 : vector<16xi1>, vector<16xf32>
      tpu.vector_store_idx %arg16[%broadcast_in_dim3A_283, %broadcast_in_dim3A_439, %iota3A], %select_n3A_454 : memref<2x80x16xf32, #tpu.memory_space<vmem>>[vector<16xi32>, vector<16xi32>, vector<16xi32>], vector<16xf32>,
      %broadcast_in_dim3A_455 = arith.constant 7 : i32
      %broadcast_in_dim3A_456 = vector.broadcast %broadcast_in_dim3A_455 : i32 to vector<16xi32>
      %gather3A_457 = tpu.vector_load_idx %arg15[%broadcast_in_dim3A_283, %broadcast_in_dim3A_456, %select_n3A_22] : memref<2x80x8xf32, #tpu.memory_space<vmem>>[vector<16xi32>, vector<16xi32>, vector<16xi32>], vector<16xf32>,
      %broadcast_in_dim3A_458 = vector.shape_cast %broadcast_in_dim3A_41 : vector<16xi32> to vector<16x1xi32>
      %gather3A_459 = vector.shape_cast %broadcast_in_dim3A_458 : vector<16x1xi32> to vector<16xi32>
      %gather3A_460 = tpu.dynamic_gather %exp3A[%gather3A_459] in [0] : vector<16xf32>, vector<16xi32> -> vector<16xf32>
      %lt3A_461 = arith.constant 8 : i32
      %lt3A_462 = vector.broadcast %lt3A_461 : i32 to vector<16xi32>
      %lt3A_463 = arith.cmpi slt, %iota3A, %lt3A_462 : vector<16xi32>
      %mul3A_464 = arith.mulf %gather3A_460, %gather3A_457 : vector<16xf32>
      %eq3A_465 = arith.constant 8 : i32
      %eq3A_466 = vector.broadcast %eq3A_465 : i32 to vector<16xi32>
      %eq3A_467 = arith.cmpi eq, %iota3A, %eq3A_466 : vector<16xi32>
      %jit3A_468 = arith.constant 0.000000e+00 : f32
      %broadcast_in_dim3A_469 = vector.broadcast %jit3A_468 : f32 to vector<16xf32>
      %select_n3A_470 = arith.select %eq3A_467, %gather3A_460, %broadcast_in_dim3A_469 : vector<16xi1>, vector<16xf32>
      %select_n3A_471 = arith.select %lt3A_463, %mul3A_464, %select_n3A_470 : vector<16xi1>, vector<16xf32>
      tpu.vector_store_idx %arg16[%broadcast_in_dim3A_283, %broadcast_in_dim3A_456, %iota3A], %select_n3A_471 : memref<2x80x16xf32, #tpu.memory_space<vmem>>[vector<16xi32>, vector<16xi32>, vector<16xi32>], vector<16xf32>,
      %broadcast_in_dim3A_472 = arith.constant 8 : i32
      %broadcast_in_dim3A_473 = vector.broadcast %broadcast_in_dim3A_472 : i32 to vector<16xi32>
      %gather3A_474 = tpu.vector_load_idx %arg15[%broadcast_in_dim3A_283, %broadcast_in_dim3A_473, %select_n3A_22] : memref<2x80x8xf32, #tpu.memory_space<vmem>>[vector<16xi32>, vector<16xi32>, vector<16xi32>], vector<16xf32>,
      %broadcast_in_dim3A_475 = vector.shape_cast %broadcast_in_dim3A_43 : vector<16xi32> to vector<16x1xi32>
      %gather3A_476 = vector.shape_cast %broadcast_in_dim3A_475 : vector<16x1xi32> to vector<16xi32>
      %gather3A_477 = tpu.dynamic_gather %exp3A[%gather3A_476] in [0] : vector<16xf32>, vector<16xi32> -> vector<16xf32>
      %lt3A_478 = arith.constant 8 : i32
      %lt3A_479 = vector.broadcast %lt3A_478 : i32 to vector<16xi32>
      %lt3A_480 = arith.cmpi slt, %iota3A, %lt3A_479 : vector<16xi32>
      %mul3A_481 = arith.mulf %gather3A_477, %gather3A_474 : vector<16xf32>
      %eq3A_482 = arith.constant 8 : i32
      %eq3A_483 = vector.broadcast %eq3A_482 : i32 to vector<16xi32>
      %eq3A_484 = arith.cmpi eq, %iota3A, %eq3A_483 : vector<16xi32>
      %jit3A_485 = arith.constant 0.000000e+00 : f32
      %broadcast_in_dim3A_486 = vector.broadcast %jit3A_485 : f32 to vector<16xf32>
      %select_n3A_487 = arith.select %eq3A_484, %gather3A_477, %broadcast_in_dim3A_486 : vector<16xi1>, vector<16xf32>
      %select_n3A_488 = arith.select %lt3A_480, %mul3A_481, %select_n3A_487 : vector<16xi1>, vector<16xf32>
      tpu.vector_store_idx %arg16[%broadcast_in_dim3A_283, %broadcast_in_dim3A_473, %iota3A], %select_n3A_488 : memref<2x80x16xf32, #tpu.memory_space<vmem>>[vector<16xi32>, vector<16xi32>, vector<16xi32>], vector<16xf32>,
      %broadcast_in_dim3A_489 = arith.constant 9 : i32
      %broadcast_in_dim3A_490 = vector.broadcast %broadcast_in_dim3A_489 : i32 to vector<16xi32>
      %gather3A_491 = tpu.vector_load_idx %arg15[%broadcast_in_dim3A_283, %broadcast_in_dim3A_490, %select_n3A_22] : memref<2x80x8xf32, #tpu.memory_space<vmem>>[vector<16xi32>, vector<16xi32>, vector<16xi32>], vector<16xf32>,
      %broadcast_in_dim3A_492 = vector.shape_cast %broadcast_in_dim3A_45 : vector<16xi32> to vector<16x1xi32>
      %gather3A_493 = vector.shape_cast %broadcast_in_dim3A_492 : vector<16x1xi32> to vector<16xi32>
      %gather3A_494 = tpu.dynamic_gather %exp3A[%gather3A_493] in [0] : vector<16xf32>, vector<16xi32> -> vector<16xf32>
      %lt3A_495 = arith.constant 8 : i32
      %lt3A_496 = vector.broadcast %lt3A_495 : i32 to vector<16xi32>
      %lt3A_497 = arith.cmpi slt, %iota3A, %lt3A_496 : vector<16xi32>
      %mul3A_498 = arith.mulf %gather3A_494, %gather3A_491 : vector<16xf32>
      %eq3A_499 = arith.constant 8 : i32
      %eq3A_500 = vector.broadcast %eq3A_499 : i32 to vector<16xi32>
      %eq3A_501 = arith.cmpi eq, %iota3A, %eq3A_500 : vector<16xi32>
      %jit3A_502 = arith.constant 0.000000e+00 : f32
      %broadcast_in_dim3A_503 = vector.broadcast %jit3A_502 : f32 to vector<16xf32>
      %select_n3A_504 = arith.select %eq3A_501, %gather3A_494, %broadcast_in_dim3A_503 : vector<16xi1>, vector<16xf32>
      %select_n3A_505 = arith.select %lt3A_497, %mul3A_498, %select_n3A_504 : vector<16xi1>, vector<16xf32>
      tpu.vector_store_idx %arg16[%broadcast_in_dim3A_283, %broadcast_in_dim3A_490, %iota3A], %select_n3A_505 : memref<2x80x16xf32, #tpu.memory_space<vmem>>[vector<16xi32>, vector<16xi32>, vector<16xi32>], vector<16xf32>,
      %broadcast_in_dim3A_506 = arith.constant 10 : i32
      %broadcast_in_dim3A_507 = vector.broadcast %broadcast_in_dim3A_506 : i32 to vector<16xi32>
      %gather3A_508 = tpu.vector_load_idx %arg15[%broadcast_in_dim3A_283, %broadcast_in_dim3A_507, %select_n3A_22] : memref<2x80x8xf32, #tpu.memory_space<vmem>>[vector<16xi32>, vector<16xi32>, vector<16xi32>], vector<16xf32>,
      %broadcast_in_dim3A_509 = vector.shape_cast %broadcast_in_dim3A_47 : vector<16xi32> to vector<16x1xi32>
      %gather3A_510 = vector.shape_cast %broadcast_in_dim3A_509 : vector<16x1xi32> to vector<16xi32>
      %gather3A_511 = tpu.dynamic_gather %exp3A[%gather3A_510] in [0] : vector<16xf32>, vector<16xi32> -> vector<16xf32>
      %lt3A_512 = arith.constant 8 : i32
      %lt3A_513 = vector.broadcast %lt3A_512 : i32 to vector<16xi32>
      %lt3A_514 = arith.cmpi slt, %iota3A, %lt3A_513 : vector<16xi32>
      %mul3A_515 = arith.mulf %gather3A_511, %gather3A_508 : vector<16xf32>
      %eq3A_516 = arith.constant 8 : i32
      %eq3A_517 = vector.broadcast %eq3A_516 : i32 to vector<16xi32>
      %eq3A_518 = arith.cmpi eq, %iota3A, %eq3A_517 : vector<16xi32>
      %jit3A_519 = arith.constant 0.000000e+00 : f32
      %broadcast_in_dim3A_520 = vector.broadcast %jit3A_519 : f32 to vector<16xf32>
      %select_n3A_521 = arith.select %eq3A_518, %gather3A_511, %broadcast_in_dim3A_520 : vector<16xi1>, vector<16xf32>
      %select_n3A_522 = arith.select %lt3A_514, %mul3A_515, %select_n3A_521 : vector<16xi1>, vector<16xf32>
      tpu.vector_store_idx %arg16[%broadcast_in_dim3A_283, %broadcast_in_dim3A_507, %iota3A], %select_n3A_522 : memref<2x80x16xf32, #tpu.memory_space<vmem>>[vector<16xi32>, vector<16xi32>, vector<16xi32>], vector<16xf32>,
      %broadcast_in_dim3A_523 = arith.constant 11 : i32
      %broadcast_in_dim3A_524 = vector.broadcast %broadcast_in_dim3A_523 : i32 to vector<16xi32>
      %gather3A_525 = tpu.vector_load_idx %arg15[%broadcast_in_dim3A_283, %broadcast_in_dim3A_524, %select_n3A_22] : memref<2x80x8xf32, #tpu.memory_space<vmem>>[vector<16xi32>, vector<16xi32>, vector<16xi32>], vector<16xf32>,
      %broadcast_in_dim3A_526 = vector.shape_cast %broadcast_in_dim3A_49 : vector<16xi32> to vector<16x1xi32>
      %gather3A_527 = vector.shape_cast %broadcast_in_dim3A_526 : vector<16x1xi32> to vector<16xi32>
      %gather3A_528 = tpu.dynamic_gather %exp3A[%gather3A_527] in [0] : vector<16xf32>, vector<16xi32> -> vector<16xf32>
      %lt3A_529 = arith.constant 8 : i32
      %lt3A_530 = vector.broadcast %lt3A_529 : i32 to vector<16xi32>
      %lt3A_531 = arith.cmpi slt, %iota3A, %lt3A_530 : vector<16xi32>
      %mul3A_532 = arith.mulf %gather3A_528, %gather3A_525 : vector<16xf32>
      %eq3A_533 = arith.constant 8 : i32
      %eq3A_534 = vector.broadcast %eq3A_533 : i32 to vector<16xi32>
      %eq3A_535 = arith.cmpi eq, %iota3A, %eq3A_534 : vector<16xi32>
      %jit3A_536 = arith.constant 0.000000e+00 : f32
      %broadcast_in_dim3A_537 = vector.broadcast %jit3A_536 : f32 to vector<16xf32>
      %select_n3A_538 = arith.select %eq3A_535, %gather3A_528, %broadcast_in_dim3A_537 : vector<16xi1>, vector<16xf32>
      %select_n3A_539 = arith.select %lt3A_531, %mul3A_532, %select_n3A_538 : vector<16xi1>, vector<16xf32>
      tpu.vector_store_idx %arg16[%broadcast_in_dim3A_283, %broadcast_in_dim3A_524, %iota3A], %select_n3A_539 : memref<2x80x16xf32, #tpu.memory_space<vmem>>[vector<16xi32>, vector<16xi32>, vector<16xi32>], vector<16xf32>,
      %broadcast_in_dim3A_540 = arith.constant 12 : i32
      %broadcast_in_dim3A_541 = vector.broadcast %broadcast_in_dim3A_540 : i32 to vector<16xi32>
      %gather3A_542 = tpu.vector_load_idx %arg15[%broadcast_in_dim3A_283, %broadcast_in_dim3A_541, %select_n3A_22] : memref<2x80x8xf32, #tpu.memory_space<vmem>>[vector<16xi32>, vector<16xi32>, vector<16xi32>], vector<16xf32>,
      %broadcast_in_dim3A_543 = vector.shape_cast %broadcast_in_dim3A_51 : vector<16xi32> to vector<16x1xi32>
      %gather3A_544 = vector.shape_cast %broadcast_in_dim3A_543 : vector<16x1xi32> to vector<16xi32>
      %gather3A_545 = tpu.dynamic_gather %exp3A[%gather3A_544] in [0] : vector<16xf32>, vector<16xi32> -> vector<16xf32>
      %lt3A_546 = arith.constant 8 : i32
      %lt3A_547 = vector.broadcast %lt3A_546 : i32 to vector<16xi32>
      %lt3A_548 = arith.cmpi slt, %iota3A, %lt3A_547 : vector<16xi32>
      %mul3A_549 = arith.mulf %gather3A_545, %gather3A_542 : vector<16xf32>
      %eq3A_550 = arith.constant 8 : i32
      %eq3A_551 = vector.broadcast %eq3A_550 : i32 to vector<16xi32>
      %eq3A_552 = arith.cmpi eq, %iota3A, %eq3A_551 : vector<16xi32>
      %jit3A_553 = arith.constant 0.000000e+00 : f32
      %broadcast_in_dim3A_554 = vector.broadcast %jit3A_553 : f32 to vector<16xf32>
      %select_n3A_555 = arith.select %eq3A_552, %gather3A_545, %broadcast_in_dim3A_554 : vector<16xi1>, vector<16xf32>
      %select_n3A_556 = arith.select %lt3A_548, %mul3A_549, %select_n3A_555 : vector<16xi1>, vector<16xf32>
      tpu.vector_store_idx %arg16[%broadcast_in_dim3A_283, %broadcast_in_dim3A_541, %iota3A], %select_n3A_556 : memref<2x80x16xf32, #tpu.memory_space<vmem>>[vector<16xi32>, vector<16xi32>, vector<16xi32>], vector<16xf32>,
      %broadcast_in_dim3A_557 = arith.constant 13 : i32
      %broadcast_in_dim3A_558 = vector.broadcast %broadcast_in_dim3A_557 : i32 to vector<16xi32>
      %gather3A_559 = tpu.vector_load_idx %arg15[%broadcast_in_dim3A_283, %broadcast_in_dim3A_558, %select_n3A_22] : memref<2x80x8xf32, #tpu.memory_space<vmem>>[vector<16xi32>, vector<16xi32>, vector<16xi32>], vector<16xf32>,
      %broadcast_in_dim3A_560 = vector.shape_cast %broadcast_in_dim3A_53 : vector<16xi32> to vector<16x1xi32>
      %gather3A_561 = vector.shape_cast %broadcast_in_dim3A_560 : vector<16x1xi32> to vector<16xi32>
      %gather3A_562 = tpu.dynamic_gather %exp3A[%gather3A_561] in [0] : vector<16xf32>, vector<16xi32> -> vector<16xf32>
      %lt3A_563 = arith.constant 8 : i32
      %lt3A_564 = vector.broadcast %lt3A_563 : i32 to vector<16xi32>
      %lt3A_565 = arith.cmpi slt, %iota3A, %lt3A_564 : vector<16xi32>
      %mul3A_566 = arith.mulf %gather3A_562, %gather3A_559 : vector<16xf32>
      %eq3A_567 = arith.constant 8 : i32
      %eq3A_568 = vector.broadcast %eq3A_567 : i32 to vector<16xi32>
      %eq3A_569 = arith.cmpi eq, %iota3A, %eq3A_568 : vector<16xi32>
      %jit3A_570 = arith.constant 0.000000e+00 : f32
      %broadcast_in_dim3A_571 = vector.broadcast %jit3A_570 : f32 to vector<16xf32>
      %select_n3A_572 = arith.select %eq3A_569, %gather3A_562, %broadcast_in_dim3A_571 : vector<16xi1>, vector<16xf32>
      %select_n3A_573 = arith.select %lt3A_565, %mul3A_566, %select_n3A_572 : vector<16xi1>, vector<16xf32>
      tpu.vector_store_idx %arg16[%broadcast_in_dim3A_283, %broadcast_in_dim3A_558, %iota3A], %select_n3A_573 : memref<2x80x16xf32, #tpu.memory_space<vmem>>[vector<16xi32>, vector<16xi32>, vector<16xi32>], vector<16xf32>,
      %broadcast_in_dim3A_574 = arith.constant 14 : i32
      %broadcast_in_dim3A_575 = vector.broadcast %broadcast_in_dim3A_574 : i32 to vector<16xi32>
      %gather3A_576 = tpu.vector_load_idx %arg15[%broadcast_in_dim3A_283, %broadcast_in_dim3A_575, %select_n3A_22] : memref<2x80x8xf32, #tpu.memory_space<vmem>>[vector<16xi32>, vector<16xi32>, vector<16xi32>], vector<16xf32>,
      %broadcast_in_dim3A_577 = vector.shape_cast %broadcast_in_dim3A_55 : vector<16xi32> to vector<16x1xi32>
      %gather3A_578 = vector.shape_cast %broadcast_in_dim3A_577 : vector<16x1xi32> to vector<16xi32>
      %gather3A_579 = tpu.dynamic_gather %exp3A[%gather3A_578] in [0] : vector<16xf32>, vector<16xi32> -> vector<16xf32>
      %lt3A_580 = arith.constant 8 : i32
      %lt3A_581 = vector.broadcast %lt3A_580 : i32 to vector<16xi32>
      %lt3A_582 = arith.cmpi slt, %iota3A, %lt3A_581 : vector<16xi32>
      %mul3A_583 = arith.mulf %gather3A_579, %gather3A_576 : vector<16xf32>
      %eq3A_584 = arith.constant 8 : i32
      %eq3A_585 = vector.broadcast %eq3A_584 : i32 to vector<16xi32>
      %eq3A_586 = arith.cmpi eq, %iota3A, %eq3A_585 : vector<16xi32>
      %jit3A_587 = arith.constant 0.000000e+00 : f32
      %broadcast_in_dim3A_588 = vector.broadcast %jit3A_587 : f32 to vector<16xf32>
      %select_n3A_589 = arith.select %eq3A_586, %gather3A_579, %broadcast_in_dim3A_588 : vector<16xi1>, vector<16xf32>
      %select_n3A_590 = arith.select %lt3A_582, %mul3A_583, %select_n3A_589 : vector<16xi1>, vector<16xf32>
      tpu.vector_store_idx %arg16[%broadcast_in_dim3A_283, %broadcast_in_dim3A_575, %iota3A], %select_n3A_590 : memref<2x80x16xf32, #tpu.memory_space<vmem>>[vector<16xi32>, vector<16xi32>, vector<16xi32>], vector<16xf32>,
      %broadcast_in_dim3A_591 = arith.constant 15 : i32
      %broadcast_in_dim3A_592 = vector.broadcast %broadcast_in_dim3A_591 : i32 to vector<16xi32>
      %gather3A_593 = tpu.vector_load_idx %arg15[%broadcast_in_dim3A_283, %broadcast_in_dim3A_592, %select_n3A_22] : memref<2x80x8xf32, #tpu.memory_space<vmem>>[vector<16xi32>, vector<16xi32>, vector<16xi32>], vector<16xf32>,
      %broadcast_in_dim3A_594 = vector.shape_cast %broadcast_in_dim3A_57 : vector<16xi32> to vector<16x1xi32>
      %gather3A_595 = vector.shape_cast %broadcast_in_dim3A_594 : vector<16x1xi32> to vector<16xi32>
      %gather3A_596 = tpu.dynamic_gather %exp3A[%gather3A_595] in [0] : vector<16xf32>, vector<16xi32> -> vector<16xf32>
      %lt3A_597 = arith.constant 8 : i32
      %lt3A_598 = vector.broadcast %lt3A_597 : i32 to vector<16xi32>
      %lt3A_599 = arith.cmpi slt, %iota3A, %lt3A_598 : vector<16xi32>
      %mul3A_600 = arith.mulf %gather3A_596, %gather3A_593 : vector<16xf32>
      %eq3A_601 = arith.constant 8 : i32
      %eq3A_602 = vector.broadcast %eq3A_601 : i32 to vector<16xi32>
      %eq3A_603 = arith.cmpi eq, %iota3A, %eq3A_602 : vector<16xi32>
      %jit3A_604 = arith.constant 0.000000e+00 : f32
      %broadcast_in_dim3A_605 = vector.broadcast %jit3A_604 : f32 to vector<16xf32>
      %select_n3A_606 = arith.select %eq3A_603, %gather3A_596, %broadcast_in_dim3A_605 : vector<16xi1>, vector<16xf32>
      %select_n3A_607 = arith.select %lt3A_599, %mul3A_600, %select_n3A_606 : vector<16xi1>, vector<16xf32>
      tpu.vector_store_idx %arg16[%broadcast_in_dim3A_283, %broadcast_in_dim3A_592, %iota3A], %select_n3A_607 : memref<2x80x16xf32, #tpu.memory_space<vmem>>[vector<16xi32>, vector<16xi32>, vector<16xi32>], vector<16xf32>,
      %broadcast_in_dim3A_608 = arith.constant 16 : i32
      %broadcast_in_dim3A_609 = vector.broadcast %broadcast_in_dim3A_608 : i32 to vector<16xi32>
      %gather3A_610 = tpu.vector_load_idx %arg15[%broadcast_in_dim3A_283, %broadcast_in_dim3A_609, %select_n3A_22] : memref<2x80x8xf32, #tpu.memory_space<vmem>>[vector<16xi32>, vector<16xi32>, vector<16xi32>], vector<16xf32>,
      %broadcast_in_dim3A_611 = vector.shape_cast %broadcast_in_dim3A_27 : vector<16xi32> to vector<16x1xi32>
      %gather3A_612 = vector.shape_cast %broadcast_in_dim3A_611 : vector<16x1xi32> to vector<16xi32>
      %gather3A_613 = tpu.dynamic_gather %exp3A_302[%gather3A_612] in [0] : vector<16xf32>, vector<16xi32> -> vector<16xf32>
      %lt3A_614 = arith.constant 8 : i32
      %lt3A_615 = vector.broadcast %lt3A_614 : i32 to vector<16xi32>
      %lt3A_616 = arith.cmpi slt, %iota3A, %lt3A_615 : vector<16xi32>
      %mul3A_617 = arith.mulf %gather3A_613, %gather3A_610 : vector<16xf32>
      %eq3A_618 = arith.constant 8 : i32
      %eq3A_619 = vector.broadcast %eq3A_618 : i32 to vector<16xi32>
      %eq3A_620 = arith.cmpi eq, %iota3A, %eq3A_619 : vector<16xi32>
      %jit3A_621 = arith.constant 0.000000e+00 : f32
      %broadcast_in_dim3A_622 = vector.broadcast %jit3A_621 : f32 to vector<16xf32>
      %select_n3A_623 = arith.select %eq3A_620, %gather3A_613, %broadcast_in_dim3A_622 : vector<16xi1>, vector<16xf32>
      %select_n3A_624 = arith.select %lt3A_616, %mul3A_617, %select_n3A_623 : vector<16xi1>, vector<16xf32>
      tpu.vector_store_idx %arg16[%broadcast_in_dim3A_283, %broadcast_in_dim3A_609, %iota3A], %select_n3A_624 : memref<2x80x16xf32, #tpu.memory_space<vmem>>[vector<16xi32>, vector<16xi32>, vector<16xi32>], vector<16xf32>,
      %broadcast_in_dim3A_625 = arith.constant 17 : i32
      %broadcast_in_dim3A_626 = vector.broadcast %broadcast_in_dim3A_625 : i32 to vector<16xi32>
      %gather3A_627 = tpu.vector_load_idx %arg15[%broadcast_in_dim3A_283, %broadcast_in_dim3A_626, %select_n3A_22] : memref<2x80x8xf32, #tpu.memory_space<vmem>>[vector<16xi32>, vector<16xi32>, vector<16xi32>], vector<16xf32>,
      %broadcast_in_dim3A_628 = vector.shape_cast %broadcast_in_dim3A_29 : vector<16xi32> to vector<16x1xi32>
      %gather3A_629 = vector.shape_cast %broadcast_in_dim3A_628 : vector<16x1xi32> to vector<16xi32>
      %gather3A_630 = tpu.dynamic_gather %exp3A_302[%gather3A_629] in [0] : vector<16xf32>, vector<16xi32> -> vector<16xf32>
      %lt3A_631 = arith.constant 8 : i32
      %lt3A_632 = vector.broadcast %lt3A_631 : i32 to vector<16xi32>
      %lt3A_633 = arith.cmpi slt, %iota3A, %lt3A_632 : vector<16xi32>
      %mul3A_634 = arith.mulf %gather3A_630, %gather3A_627 : vector<16xf32>
      %eq3A_635 = arith.constant 8 : i32
      %eq3A_636 = vector.broadcast %eq3A_635 : i32 to vector<16xi32>
      %eq3A_637 = arith.cmpi eq, %iota3A, %eq3A_636 : vector<16xi32>
      %jit3A_638 = arith.constant 0.000000e+00 : f32
      %broadcast_in_dim3A_639 = vector.broadcast %jit3A_638 : f32 to vector<16xf32>
      %select_n3A_640 = arith.select %eq3A_637, %gather3A_630, %broadcast_in_dim3A_639 : vector<16xi1>, vector<16xf32>
      %select_n3A_641 = arith.select %lt3A_633, %mul3A_634, %select_n3A_640 : vector<16xi1>, vector<16xf32>
      tpu.vector_store_idx %arg16[%broadcast_in_dim3A_283, %broadcast_in_dim3A_626, %iota3A], %select_n3A_641 : memref<2x80x16xf32, #tpu.memory_space<vmem>>[vector<16xi32>, vector<16xi32>, vector<16xi32>], vector<16xf32>,
      %broadcast_in_dim3A_642 = arith.constant 18 : i32
      %broadcast_in_dim3A_643 = vector.broadcast %broadcast_in_dim3A_642 : i32 to vector<16xi32>
      %gather3A_644 = tpu.vector_load_idx %arg15[%broadcast_in_dim3A_283, %broadcast_in_dim3A_643, %select_n3A_22] : memref<2x80x8xf32, #tpu.memory_space<vmem>>[vector<16xi32>, vector<16xi32>, vector<16xi32>], vector<16xf32>,
      %broadcast_in_dim3A_645 = vector.shape_cast %broadcast_in_dim3A_31 : vector<16xi32> to vector<16x1xi32>
      %gather3A_646 = vector.shape_cast %broadcast_in_dim3A_645 : vector<16x1xi32> to vector<16xi32>
      %gather3A_647 = tpu.dynamic_gather %exp3A_302[%gather3A_646] in [0] : vector<16xf32>, vector<16xi32> -> vector<16xf32>
      %lt3A_648 = arith.constant 8 : i32
      %lt3A_649 = vector.broadcast %lt3A_648 : i32 to vector<16xi32>
      %lt3A_650 = arith.cmpi slt, %iota3A, %lt3A_649 : vector<16xi32>
      %mul3A_651 = arith.mulf %gather3A_647, %gather3A_644 : vector<16xf32>
      %eq3A_652 = arith.constant 8 : i32
      %eq3A_653 = vector.broadcast %eq3A_652 : i32 to vector<16xi32>
      %eq3A_654 = arith.cmpi eq, %iota3A, %eq3A_653 : vector<16xi32>
      %jit3A_655 = arith.constant 0.000000e+00 : f32
      %broadcast_in_dim3A_656 = vector.broadcast %jit3A_655 : f32 to vector<16xf32>
      %select_n3A_657 = arith.select %eq3A_654, %gather3A_647, %broadcast_in_dim3A_656 : vector<16xi1>, vector<16xf32>
      %select_n3A_658 = arith.select %lt3A_650, %mul3A_651, %select_n3A_657 : vector<16xi1>, vector<16xf32>
      tpu.vector_store_idx %arg16[%broadcast_in_dim3A_283, %broadcast_in_dim3A_643, %iota3A], %select_n3A_658 : memref<2x80x16xf32, #tpu.memory_space<vmem>>[vector<16xi32>, vector<16xi32>, vector<16xi32>], vector<16xf32>,
      %broadcast_in_dim3A_659 = arith.constant 19 : i32
      %broadcast_in_dim3A_660 = vector.broadcast %broadcast_in_dim3A_659 : i32 to vector<16xi32>
      %gather3A_661 = tpu.vector_load_idx %arg15[%broadcast_in_dim3A_283, %broadcast_in_dim3A_660, %select_n3A_22] : memref<2x80x8xf32, #tpu.memory_space<vmem>>[vector<16xi32>, vector<16xi32>, vector<16xi32>], vector<16xf32>,
      %broadcast_in_dim3A_662 = vector.shape_cast %broadcast_in_dim3A_33 : vector<16xi32> to vector<16x1xi32>
      %gather3A_663 = vector.shape_cast %broadcast_in_dim3A_662 : vector<16x1xi32> to vector<16xi32>
      %gather3A_664 = tpu.dynamic_gather %exp3A_302[%gather3A_663] in [0] : vector<16xf32>, vector<16xi32> -> vector<16xf32>
      %lt3A_665 = arith.constant 8 : i32
      %lt3A_666 = vector.broadcast %lt3A_665 : i32 to vector<16xi32>
      %lt3A_667 = arith.cmpi slt, %iota3A, %lt3A_666 : vector<16xi32>
      %mul3A_668 = arith.mulf %gather3A_664, %gather3A_661 : vector<16xf32>
      %eq3A_669 = arith.constant 8 : i32
      %eq3A_670 = vector.broadcast %eq3A_669 : i32 to vector<16xi32>
      %eq3A_671 = arith.cmpi eq, %iota3A, %eq3A_670 : vector<16xi32>
      %jit3A_672 = arith.constant 0.000000e+00 : f32
      %broadcast_in_dim3A_673 = vector.broadcast %jit3A_672 : f32 to vector<16xf32>
      %select_n3A_674 = arith.select %eq3A_671, %gather3A_664, %broadcast_in_dim3A_673 : vector<16xi1>, vector<16xf32>
      %select_n3A_675 = arith.select %lt3A_667, %mul3A_668, %select_n3A_674 : vector<16xi1>, vector<16xf32>
      tpu.vector_store_idx %arg16[%broadcast_in_dim3A_283, %broadcast_in_dim3A_660, %iota3A], %select_n3A_675 : memref<2x80x16xf32, #tpu.memory_space<vmem>>[vector<16xi32>, vector<16xi32>, vector<16xi32>], vector<16xf32>,
      %broadcast_in_dim3A_676 = arith.constant 20 : i32
      %broadcast_in_dim3A_677 = vector.broadcast %broadcast_in_dim3A_676 : i32 to vector<16xi32>
      %gather3A_678 = tpu.vector_load_idx %arg15[%broadcast_in_dim3A_283, %broadcast_in_dim3A_677, %select_n3A_22] : memref<2x80x8xf32, #tpu.memory_space<vmem>>[vector<16xi32>, vector<16xi32>, vector<16xi32>], vector<16xf32>,
      %broadcast_in_dim3A_679 = vector.shape_cast %broadcast_in_dim3A_35 : vector<16xi32> to vector<16x1xi32>
      %gather3A_680 = vector.shape_cast %broadcast_in_dim3A_679 : vector<16x1xi32> to vector<16xi32>
      %gather3A_681 = tpu.dynamic_gather %exp3A_302[%gather3A_680] in [0] : vector<16xf32>, vector<16xi32> -> vector<16xf32>
      %lt3A_682 = arith.constant 8 : i32
      %lt3A_683 = vector.broadcast %lt3A_682 : i32 to vector<16xi32>
      %lt3A_684 = arith.cmpi slt, %iota3A, %lt3A_683 : vector<16xi32>
      %mul3A_685 = arith.mulf %gather3A_681, %gather3A_678 : vector<16xf32>
      %eq3A_686 = arith.constant 8 : i32
      %eq3A_687 = vector.broadcast %eq3A_686 : i32 to vector<16xi32>
      %eq3A_688 = arith.cmpi eq, %iota3A, %eq3A_687 : vector<16xi32>
      %jit3A_689 = arith.constant 0.000000e+00 : f32
      %broadcast_in_dim3A_690 = vector.broadcast %jit3A_689 : f32 to vector<16xf32>
      %select_n3A_691 = arith.select %eq3A_688, %gather3A_681, %broadcast_in_dim3A_690 : vector<16xi1>, vector<16xf32>
      %select_n3A_692 = arith.select %lt3A_684, %mul3A_685, %select_n3A_691 : vector<16xi1>, vector<16xf32>
      tpu.vector_store_idx %arg16[%broadcast_in_dim3A_283, %broadcast_in_dim3A_677, %iota3A], %select_n3A_692 : memref<2x80x16xf32, #tpu.memory_space<vmem>>[vector<16xi32>, vector<16xi32>, vector<16xi32>], vector<16xf32>,
      %broadcast_in_dim3A_693 = arith.constant 21 : i32
      %broadcast_in_dim3A_694 = vector.broadcast %broadcast_in_dim3A_693 : i32 to vector<16xi32>
      %gather3A_695 = tpu.vector_load_idx %arg15[%broadcast_in_dim3A_283, %broadcast_in_dim3A_694, %select_n3A_22] : memref<2x80x8xf32, #tpu.memory_space<vmem>>[vector<16xi32>, vector<16xi32>, vector<16xi32>], vector<16xf32>,
      %broadcast_in_dim3A_696 = vector.shape_cast %broadcast_in_dim3A_37 : vector<16xi32> to vector<16x1xi32>
      %gather3A_697 = vector.shape_cast %broadcast_in_dim3A_696 : vector<16x1xi32> to vector<16xi32>
      %gather3A_698 = tpu.dynamic_gather %exp3A_302[%gather3A_697] in [0] : vector<16xf32>, vector<16xi32> -> vector<16xf32>
      %lt3A_699 = arith.constant 8 : i32
      %lt3A_700 = vector.broadcast %lt3A_699 : i32 to vector<16xi32>
      %lt3A_701 = arith.cmpi slt, %iota3A, %lt3A_700 : vector<16xi32>
      %mul3A_702 = arith.mulf %gather3A_698, %gather3A_695 : vector<16xf32>
      %eq3A_703 = arith.constant 8 : i32
      %eq3A_704 = vector.broadcast %eq3A_703 : i32 to vector<16xi32>
      %eq3A_705 = arith.cmpi eq, %iota3A, %eq3A_704 : vector<16xi32>
      %jit3A_706 = arith.constant 0.000000e+00 : f32
      %broadcast_in_dim3A_707 = vector.broadcast %jit3A_706 : f32 to vector<16xf32>
      %select_n3A_708 = arith.select %eq3A_705, %gather3A_698, %broadcast_in_dim3A_707 : vector<16xi1>, vector<16xf32>
      %select_n3A_709 = arith.select %lt3A_701, %mul3A_702, %select_n3A_708 : vector<16xi1>, vector<16xf32>
      tpu.vector_store_idx %arg16[%broadcast_in_dim3A_283, %broadcast_in_dim3A_694, %iota3A], %select_n3A_709 : memref<2x80x16xf32, #tpu.memory_space<vmem>>[vector<16xi32>, vector<16xi32>, vector<16xi32>], vector<16xf32>,
      %broadcast_in_dim3A_710 = arith.constant 22 : i32
      %broadcast_in_dim3A_711 = vector.broadcast %broadcast_in_dim3A_710 : i32 to vector<16xi32>
      %gather3A_712 = tpu.vector_load_idx %arg15[%broadcast_in_dim3A_283, %broadcast_in_dim3A_711, %select_n3A_22] : memref<2x80x8xf32, #tpu.memory_space<vmem>>[vector<16xi32>, vector<16xi32>, vector<16xi32>], vector<16xf32>,
      %broadcast_in_dim3A_713 = vector.shape_cast %broadcast_in_dim3A_39 : vector<16xi32> to vector<16x1xi32>
      %gather3A_714 = vector.shape_cast %broadcast_in_dim3A_713 : vector<16x1xi32> to vector<16xi32>
      %gather3A_715 = tpu.dynamic_gather %exp3A_302[%gather3A_714] in [0] : vector<16xf32>, vector<16xi32> -> vector<16xf32>
      %lt3A_716 = arith.constant 8 : i32
      %lt3A_717 = vector.broadcast %lt3A_716 : i32 to vector<16xi32>
      %lt3A_718 = arith.cmpi slt, %iota3A, %lt3A_717 : vector<16xi32>
      %mul3A_719 = arith.mulf %gather3A_715, %gather3A_712 : vector<16xf32>
      %eq3A_720 = arith.constant 8 : i32
      %eq3A_721 = vector.broadcast %eq3A_720 : i32 to vector<16xi32>
      %eq3A_722 = arith.cmpi eq, %iota3A, %eq3A_721 : vector<16xi32>
      %jit3A_723 = arith.constant 0.000000e+00 : f32
      %broadcast_in_dim3A_724 = vector.broadcast %jit3A_723 : f32 to vector<16xf32>
      %select_n3A_725 = arith.select %eq3A_722, %gather3A_715, %broadcast_in_dim3A_724 : vector<16xi1>, vector<16xf32>
      %select_n3A_726 = arith.select %lt3A_718, %mul3A_719, %select_n3A_725 : vector<16xi1>, vector<16xf32>
      tpu.vector_store_idx %arg16[%broadcast_in_dim3A_283, %broadcast_in_dim3A_711, %iota3A], %select_n3A_726 : memref<2x80x16xf32, #tpu.memory_space<vmem>>[vector<16xi32>, vector<16xi32>, vector<16xi32>], vector<16xf32>,
      %broadcast_in_dim3A_727 = arith.constant 23 : i32
      %broadcast_in_dim3A_728 = vector.broadcast %broadcast_in_dim3A_727 : i32 to vector<16xi32>
      %gather3A_729 = tpu.vector_load_idx %arg15[%broadcast_in_dim3A_283, %broadcast_in_dim3A_728, %select_n3A_22] : memref<2x80x8xf32, #tpu.memory_space<vmem>>[vector<16xi32>, vector<16xi32>, vector<16xi32>], vector<16xf32>,
      %broadcast_in_dim3A_730 = vector.shape_cast %broadcast_in_dim3A_41 : vector<16xi32> to vector<16x1xi32>
      %gather3A_731 = vector.shape_cast %broadcast_in_dim3A_730 : vector<16x1xi32> to vector<16xi32>
      %gather3A_732 = tpu.dynamic_gather %exp3A_302[%gather3A_731] in [0] : vector<16xf32>, vector<16xi32> -> vector<16xf32>
      %lt3A_733 = arith.constant 8 : i32
      %lt3A_734 = vector.broadcast %lt3A_733 : i32 to vector<16xi32>
      %lt3A_735 = arith.cmpi slt, %iota3A, %lt3A_734 : vector<16xi32>
      %mul3A_736 = arith.mulf %gather3A_732, %gather3A_729 : vector<16xf32>
      %eq3A_737 = arith.constant 8 : i32
      %eq3A_738 = vector.broadcast %eq3A_737 : i32 to vector<16xi32>
      %eq3A_739 = arith.cmpi eq, %iota3A, %eq3A_738 : vector<16xi32>
      %jit3A_740 = arith.constant 0.000000e+00 : f32
      %broadcast_in_dim3A_741 = vector.broadcast %jit3A_740 : f32 to vector<16xf32>
      %select_n3A_742 = arith.select %eq3A_739, %gather3A_732, %broadcast_in_dim3A_741 : vector<16xi1>, vector<16xf32>
      %select_n3A_743 = arith.select %lt3A_735, %mul3A_736, %select_n3A_742 : vector<16xi1>, vector<16xf32>
      tpu.vector_store_idx %arg16[%broadcast_in_dim3A_283, %broadcast_in_dim3A_728, %iota3A], %select_n3A_743 : memref<2x80x16xf32, #tpu.memory_space<vmem>>[vector<16xi32>, vector<16xi32>, vector<16xi32>], vector<16xf32>,
      %broadcast_in_dim3A_744 = arith.constant 24 : i32
      %broadcast_in_dim3A_745 = vector.broadcast %broadcast_in_dim3A_744 : i32 to vector<16xi32>
      %gather3A_746 = tpu.vector_load_idx %arg15[%broadcast_in_dim3A_283, %broadcast_in_dim3A_745, %select_n3A_22] : memref<2x80x8xf32, #tpu.memory_space<vmem>>[vector<16xi32>, vector<16xi32>, vector<16xi32>], vector<16xf32>,
      %broadcast_in_dim3A_747 = vector.shape_cast %broadcast_in_dim3A_43 : vector<16xi32> to vector<16x1xi32>
      %gather3A_748 = vector.shape_cast %broadcast_in_dim3A_747 : vector<16x1xi32> to vector<16xi32>
      %gather3A_749 = tpu.dynamic_gather %exp3A_302[%gather3A_748] in [0] : vector<16xf32>, vector<16xi32> -> vector<16xf32>
      %lt3A_750 = arith.constant 8 : i32
      %lt3A_751 = vector.broadcast %lt3A_750 : i32 to vector<16xi32>
      %lt3A_752 = arith.cmpi slt, %iota3A, %lt3A_751 : vector<16xi32>
      %mul3A_753 = arith.mulf %gather3A_749, %gather3A_746 : vector<16xf32>
      %eq3A_754 = arith.constant 8 : i32
      %eq3A_755 = vector.broadcast %eq3A_754 : i32 to vector<16xi32>
      %eq3A_756 = arith.cmpi eq, %iota3A, %eq3A_755 : vector<16xi32>
      %jit3A_757 = arith.constant 0.000000e+00 : f32
      %broadcast_in_dim3A_758 = vector.broadcast %jit3A_757 : f32 to vector<16xf32>
      %select_n3A_759 = arith.select %eq3A_756, %gather3A_749, %broadcast_in_dim3A_758 : vector<16xi1>, vector<16xf32>
      %select_n3A_760 = arith.select %lt3A_752, %mul3A_753, %select_n3A_759 : vector<16xi1>, vector<16xf32>
      tpu.vector_store_idx %arg16[%broadcast_in_dim3A_283, %broadcast_in_dim3A_745, %iota3A], %select_n3A_760 : memref<2x80x16xf32, #tpu.memory_space<vmem>>[vector<16xi32>, vector<16xi32>, vector<16xi32>], vector<16xf32>,
      %broadcast_in_dim3A_761 = arith.constant 25 : i32
      %broadcast_in_dim3A_762 = vector.broadcast %broadcast_in_dim3A_761 : i32 to vector<16xi32>
      %gather3A_763 = tpu.vector_load_idx %arg15[%broadcast_in_dim3A_283, %broadcast_in_dim3A_762, %select_n3A_22] : memref<2x80x8xf32, #tpu.memory_space<vmem>>[vector<16xi32>, vector<16xi32>, vector<16xi32>], vector<16xf32>,
      %broadcast_in_dim3A_764 = vector.shape_cast %broadcast_in_dim3A_45 : vector<16xi32> to vector<16x1xi32>
      %gather3A_765 = vector.shape_cast %broadcast_in_dim3A_764 : vector<16x1xi32> to vector<16xi32>
      %gather3A_766 = tpu.dynamic_gather %exp3A_302[%gather3A_765] in [0] : vector<16xf32>, vector<16xi32> -> vector<16xf32>
      %lt3A_767 = arith.constant 8 : i32
      %lt3A_768 = vector.broadcast %lt3A_767 : i32 to vector<16xi32>
      %lt3A_769 = arith.cmpi slt, %iota3A, %lt3A_768 : vector<16xi32>
      %mul3A_770 = arith.mulf %gather3A_766, %gather3A_763 : vector<16xf32>
      %eq3A_771 = arith.constant 8 : i32
      %eq3A_772 = vector.broadcast %eq3A_771 : i32 to vector<16xi32>
      %eq3A_773 = arith.cmpi eq, %iota3A, %eq3A_772 : vector<16xi32>
      %jit3A_774 = arith.constant 0.000000e+00 : f32
      %broadcast_in_dim3A_775 = vector.broadcast %jit3A_774 : f32 to vector<16xf32>
      %select_n3A_776 = arith.select %eq3A_773, %gather3A_766, %broadcast_in_dim3A_775 : vector<16xi1>, vector<16xf32>
      %select_n3A_777 = arith.select %lt3A_769, %mul3A_770, %select_n3A_776 : vector<16xi1>, vector<16xf32>
      tpu.vector_store_idx %arg16[%broadcast_in_dim3A_283, %broadcast_in_dim3A_762, %iota3A], %select_n3A_777 : memref<2x80x16xf32, #tpu.memory_space<vmem>>[vector<16xi32>, vector<16xi32>, vector<16xi32>], vector<16xf32>,
      %broadcast_in_dim3A_778 = arith.constant 26 : i32
      %broadcast_in_dim3A_779 = vector.broadcast %broadcast_in_dim3A_778 : i32 to vector<16xi32>
      %gather3A_780 = tpu.vector_load_idx %arg15[%broadcast_in_dim3A_283, %broadcast_in_dim3A_779, %select_n3A_22] : memref<2x80x8xf32, #tpu.memory_space<vmem>>[vector<16xi32>, vector<16xi32>, vector<16xi32>], vector<16xf32>,
      %broadcast_in_dim3A_781 = vector.shape_cast %broadcast_in_dim3A_47 : vector<16xi32> to vector<16x1xi32>
      %gather3A_782 = vector.shape_cast %broadcast_in_dim3A_781 : vector<16x1xi32> to vector<16xi32>
      %gather3A_783 = tpu.dynamic_gather %exp3A_302[%gather3A_782] in [0] : vector<16xf32>, vector<16xi32> -> vector<16xf32>
      %lt3A_784 = arith.constant 8 : i32
      %lt3A_785 = vector.broadcast %lt3A_784 : i32 to vector<16xi32>
      %lt3A_786 = arith.cmpi slt, %iota3A, %lt3A_785 : vector<16xi32>
      %mul3A_787 = arith.mulf %gather3A_783, %gather3A_780 : vector<16xf32>
      %eq3A_788 = arith.constant 8 : i32
      %eq3A_789 = vector.broadcast %eq3A_788 : i32 to vector<16xi32>
      %eq3A_790 = arith.cmpi eq, %iota3A, %eq3A_789 : vector<16xi32>
      %jit3A_791 = arith.constant 0.000000e+00 : f32
      %broadcast_in_dim3A_792 = vector.broadcast %jit3A_791 : f32 to vector<16xf32>
      %select_n3A_793 = arith.select %eq3A_790, %gather3A_783, %broadcast_in_dim3A_792 : vector<16xi1>, vector<16xf32>
      %select_n3A_794 = arith.select %lt3A_786, %mul3A_787, %select_n3A_793 : vector<16xi1>, vector<16xf32>
      tpu.vector_store_idx %arg16[%broadcast_in_dim3A_283, %broadcast_in_dim3A_779, %iota3A], %select_n3A_794 : memref<2x80x16xf32, #tpu.memory_space<vmem>>[vector<16xi32>, vector<16xi32>, vector<16xi32>], vector<16xf32>,
      %broadcast_in_dim3A_795 = arith.constant 27 : i32
      %broadcast_in_dim3A_796 = vector.broadcast %broadcast_in_dim3A_795 : i32 to vector<16xi32>
      %gather3A_797 = tpu.vector_load_idx %arg15[%broadcast_in_dim3A_283, %broadcast_in_dim3A_796, %select_n3A_22] : memref<2x80x8xf32, #tpu.memory_space<vmem>>[vector<16xi32>, vector<16xi32>, vector<16xi32>], vector<16xf32>,
      %broadcast_in_dim3A_798 = vector.shape_cast %broadcast_in_dim3A_49 : vector<16xi32> to vector<16x1xi32>
      %gather3A_799 = vector.shape_cast %broadcast_in_dim3A_798 : vector<16x1xi32> to vector<16xi32>
      %gather3A_800 = tpu.dynamic_gather %exp3A_302[%gather3A_799] in [0] : vector<16xf32>, vector<16xi32> -> vector<16xf32>
      %lt3A_801 = arith.constant 8 : i32
      %lt3A_802 = vector.broadcast %lt3A_801 : i32 to vector<16xi32>
      %lt3A_803 = arith.cmpi slt, %iota3A, %lt3A_802 : vector<16xi32>
      %mul3A_804 = arith.mulf %gather3A_800, %gather3A_797 : vector<16xf32>
      %eq3A_805 = arith.constant 8 : i32
      %eq3A_806 = vector.broadcast %eq3A_805 : i32 to vector<16xi32>
      %eq3A_807 = arith.cmpi eq, %iota3A, %eq3A_806 : vector<16xi32>
      %jit3A_808 = arith.constant 0.000000e+00 : f32
      %broadcast_in_dim3A_809 = vector.broadcast %jit3A_808 : f32 to vector<16xf32>
      %select_n3A_810 = arith.select %eq3A_807, %gather3A_800, %broadcast_in_dim3A_809 : vector<16xi1>, vector<16xf32>
      %select_n3A_811 = arith.select %lt3A_803, %mul3A_804, %select_n3A_810 : vector<16xi1>, vector<16xf32>
      tpu.vector_store_idx %arg16[%broadcast_in_dim3A_283, %broadcast_in_dim3A_796, %iota3A], %select_n3A_811 : memref<2x80x16xf32, #tpu.memory_space<vmem>>[vector<16xi32>, vector<16xi32>, vector<16xi32>], vector<16xf32>,
      %broadcast_in_dim3A_812 = arith.constant 28 : i32
      %broadcast_in_dim3A_813 = vector.broadcast %broadcast_in_dim3A_812 : i32 to vector<16xi32>
      %gather3A_814 = tpu.vector_load_idx %arg15[%broadcast_in_dim3A_283, %broadcast_in_dim3A_813, %select_n3A_22] : memref<2x80x8xf32, #tpu.memory_space<vmem>>[vector<16xi32>, vector<16xi32>, vector<16xi32>], vector<16xf32>,
      %broadcast_in_dim3A_815 = vector.shape_cast %broadcast_in_dim3A_51 : vector<16xi32> to vector<16x1xi32>
      %gather3A_816 = vector.shape_cast %broadcast_in_dim3A_815 : vector<16x1xi32> to vector<16xi32>
      %gather3A_817 = tpu.dynamic_gather %exp3A_302[%gather3A_816] in [0] : vector<16xf32>, vector<16xi32> -> vector<16xf32>
      %lt3A_818 = arith.constant 8 : i32
      %lt3A_819 = vector.broadcast %lt3A_818 : i32 to vector<16xi32>
      %lt3A_820 = arith.cmpi slt, %iota3A, %lt3A_819 : vector<16xi32>
      %mul3A_821 = arith.mulf %gather3A_817, %gather3A_814 : vector<16xf32>
      %eq3A_822 = arith.constant 8 : i32
      %eq3A_823 = vector.broadcast %eq3A_822 : i32 to vector<16xi32>
      %eq3A_824 = arith.cmpi eq, %iota3A, %eq3A_823 : vector<16xi32>
      %jit3A_825 = arith.constant 0.000000e+00 : f32
      %broadcast_in_dim3A_826 = vector.broadcast %jit3A_825 : f32 to vector<16xf32>
      %select_n3A_827 = arith.select %eq3A_824, %gather3A_817, %broadcast_in_dim3A_826 : vector<16xi1>, vector<16xf32>
      %select_n3A_828 = arith.select %lt3A_820, %mul3A_821, %select_n3A_827 : vector<16xi1>, vector<16xf32>
      tpu.vector_store_idx %arg16[%broadcast_in_dim3A_283, %broadcast_in_dim3A_813, %iota3A], %select_n3A_828 : memref<2x80x16xf32, #tpu.memory_space<vmem>>[vector<16xi32>, vector<16xi32>, vector<16xi32>], vector<16xf32>,
      %broadcast_in_dim3A_829 = arith.constant 29 : i32
      %broadcast_in_dim3A_830 = vector.broadcast %broadcast_in_dim3A_829 : i32 to vector<16xi32>
      %gather3A_831 = tpu.vector_load_idx %arg15[%broadcast_in_dim3A_283, %broadcast_in_dim3A_830, %select_n3A_22] : memref<2x80x8xf32, #tpu.memory_space<vmem>>[vector<16xi32>, vector<16xi32>, vector<16xi32>], vector<16xf32>,
      %broadcast_in_dim3A_832 = vector.shape_cast %broadcast_in_dim3A_53 : vector<16xi32> to vector<16x1xi32>
      %gather3A_833 = vector.shape_cast %broadcast_in_dim3A_832 : vector<16x1xi32> to vector<16xi32>
      %gather3A_834 = tpu.dynamic_gather %exp3A_302[%gather3A_833] in [0] : vector<16xf32>, vector<16xi32> -> vector<16xf32>
      %lt3A_835 = arith.constant 8 : i32
      %lt3A_836 = vector.broadcast %lt3A_835 : i32 to vector<16xi32>
      %lt3A_837 = arith.cmpi slt, %iota3A, %lt3A_836 : vector<16xi32>
      %mul3A_838 = arith.mulf %gather3A_834, %gather3A_831 : vector<16xf32>
      %eq3A_839 = arith.constant 8 : i32
      %eq3A_840 = vector.broadcast %eq3A_839 : i32 to vector<16xi32>
      %eq3A_841 = arith.cmpi eq, %iota3A, %eq3A_840 : vector<16xi32>
      %jit3A_842 = arith.constant 0.000000e+00 : f32
      %broadcast_in_dim3A_843 = vector.broadcast %jit3A_842 : f32 to vector<16xf32>
      %select_n3A_844 = arith.select %eq3A_841, %gather3A_834, %broadcast_in_dim3A_843 : vector<16xi1>, vector<16xf32>
      %select_n3A_845 = arith.select %lt3A_837, %mul3A_838, %select_n3A_844 : vector<16xi1>, vector<16xf32>
      tpu.vector_store_idx %arg16[%broadcast_in_dim3A_283, %broadcast_in_dim3A_830, %iota3A], %select_n3A_845 : memref<2x80x16xf32, #tpu.memory_space<vmem>>[vector<16xi32>, vector<16xi32>, vector<16xi32>], vector<16xf32>,
      %broadcast_in_dim3A_846 = arith.constant 30 : i32
      %broadcast_in_dim3A_847 = vector.broadcast %broadcast_in_dim3A_846 : i32 to vector<16xi32>
      %gather3A_848 = tpu.vector_load_idx %arg15[%broadcast_in_dim3A_283, %broadcast_in_dim3A_847, %select_n3A_22] : memref<2x80x8xf32, #tpu.memory_space<vmem>>[vector<16xi32>, vector<16xi32>, vector<16xi32>], vector<16xf32>,
      %broadcast_in_dim3A_849 = vector.shape_cast %broadcast_in_dim3A_55 : vector<16xi32> to vector<16x1xi32>
      %gather3A_850 = vector.shape_cast %broadcast_in_dim3A_849 : vector<16x1xi32> to vector<16xi32>
      %gather3A_851 = tpu.dynamic_gather %exp3A_302[%gather3A_850] in [0] : vector<16xf32>, vector<16xi32> -> vector<16xf32>
      %lt3A_852 = arith.constant 8 : i32
      %lt3A_853 = vector.broadcast %lt3A_852 : i32 to vector<16xi32>
      %lt3A_854 = arith.cmpi slt, %iota3A, %lt3A_853 : vector<16xi32>
      %mul3A_855 = arith.mulf %gather3A_851, %gather3A_848 : vector<16xf32>
      %eq3A_856 = arith.constant 8 : i32
      %eq3A_857 = vector.broadcast %eq3A_856 : i32 to vector<16xi32>
      %eq3A_858 = arith.cmpi eq, %iota3A, %eq3A_857 : vector<16xi32>
      %jit3A_859 = arith.constant 0.000000e+00 : f32
      %broadcast_in_dim3A_860 = vector.broadcast %jit3A_859 : f32 to vector<16xf32>
      %select_n3A_861 = arith.select %eq3A_858, %gather3A_851, %broadcast_in_dim3A_860 : vector<16xi1>, vector<16xf32>
      %select_n3A_862 = arith.select %lt3A_854, %mul3A_855, %select_n3A_861 : vector<16xi1>, vector<16xf32>
      tpu.vector_store_idx %arg16[%broadcast_in_dim3A_283, %broadcast_in_dim3A_847, %iota3A], %select_n3A_862 : memref<2x80x16xf32, #tpu.memory_space<vmem>>[vector<16xi32>, vector<16xi32>, vector<16xi32>], vector<16xf32>,
      %broadcast_in_dim3A_863 = arith.constant 31 : i32
      %broadcast_in_dim3A_864 = vector.broadcast %broadcast_in_dim3A_863 : i32 to vector<16xi32>
      %gather3A_865 = tpu.vector_load_idx %arg15[%broadcast_in_dim3A_283, %broadcast_in_dim3A_864, %select_n3A_22] : memref<2x80x8xf32, #tpu.memory_space<vmem>>[vector<16xi32>, vector<16xi32>, vector<16xi32>], vector<16xf32>,
      %broadcast_in_dim3A_866 = vector.shape_cast %broadcast_in_dim3A_57 : vector<16xi32> to vector<16x1xi32>
      %gather3A_867 = vector.shape_cast %broadcast_in_dim3A_866 : vector<16x1xi32> to vector<16xi32>
      %gather3A_868 = tpu.dynamic_gather %exp3A_302[%gather3A_867] in [0] : vector<16xf32>, vector<16xi32> -> vector<16xf32>
      %lt3A_869 = arith.constant 8 : i32
      %lt3A_870 = vector.broadcast %lt3A_869 : i32 to vector<16xi32>
      %lt3A_871 = arith.cmpi slt, %iota3A, %lt3A_870 : vector<16xi32>
      %mul3A_872 = arith.mulf %gather3A_868, %gather3A_865 : vector<16xf32>
      %eq3A_873 = arith.constant 8 : i32
      %eq3A_874 = vector.broadcast %eq3A_873 : i32 to vector<16xi32>
      %eq3A_875 = arith.cmpi eq, %iota3A, %eq3A_874 : vector<16xi32>
      %jit3A_876 = arith.constant 0.000000e+00 : f32
      %broadcast_in_dim3A_877 = vector.broadcast %jit3A_876 : f32 to vector<16xf32>
      %select_n3A_878 = arith.select %eq3A_875, %gather3A_868, %broadcast_in_dim3A_877 : vector<16xi1>, vector<16xf32>
      %select_n3A_879 = arith.select %lt3A_871, %mul3A_872, %select_n3A_878 : vector<16xi1>, vector<16xf32>
      tpu.vector_store_idx %arg16[%broadcast_in_dim3A_283, %broadcast_in_dim3A_864, %iota3A], %select_n3A_879 : memref<2x80x16xf32, #tpu.memory_space<vmem>>[vector<16xi32>, vector<16xi32>, vector<16xi32>], vector<16xf32>,
      %broadcast_in_dim3A_880 = arith.constant 32 : i32
      %broadcast_in_dim3A_881 = vector.broadcast %broadcast_in_dim3A_880 : i32 to vector<16xi32>
      %gather3A_882 = tpu.vector_load_idx %arg15[%broadcast_in_dim3A_283, %broadcast_in_dim3A_881, %select_n3A_22] : memref<2x80x8xf32, #tpu.memory_space<vmem>>[vector<16xi32>, vector<16xi32>, vector<16xi32>], vector<16xf32>,
      %broadcast_in_dim3A_883 = vector.shape_cast %broadcast_in_dim3A_27 : vector<16xi32> to vector<16x1xi32>
      %gather3A_884 = vector.shape_cast %broadcast_in_dim3A_883 : vector<16x1xi32> to vector<16xi32>
      %gather3A_885 = tpu.dynamic_gather %exp3A_313[%gather3A_884] in [0] : vector<16xf32>, vector<16xi32> -> vector<16xf32>
      %lt3A_886 = arith.constant 8 : i32
      %lt3A_887 = vector.broadcast %lt3A_886 : i32 to vector<16xi32>
      %lt3A_888 = arith.cmpi slt, %iota3A, %lt3A_887 : vector<16xi32>
      %mul3A_889 = arith.mulf %gather3A_885, %gather3A_882 : vector<16xf32>
      %eq3A_890 = arith.constant 8 : i32
      %eq3A_891 = vector.broadcast %eq3A_890 : i32 to vector<16xi32>
      %eq3A_892 = arith.cmpi eq, %iota3A, %eq3A_891 : vector<16xi32>
      %jit3A_893 = arith.constant 0.000000e+00 : f32
      %broadcast_in_dim3A_894 = vector.broadcast %jit3A_893 : f32 to vector<16xf32>
      %select_n3A_895 = arith.select %eq3A_892, %gather3A_885, %broadcast_in_dim3A_894 : vector<16xi1>, vector<16xf32>
      %select_n3A_896 = arith.select %lt3A_888, %mul3A_889, %select_n3A_895 : vector<16xi1>, vector<16xf32>
      tpu.vector_store_idx %arg16[%broadcast_in_dim3A_283, %broadcast_in_dim3A_881, %iota3A], %select_n3A_896 : memref<2x80x16xf32, #tpu.memory_space<vmem>>[vector<16xi32>, vector<16xi32>, vector<16xi32>], vector<16xf32>,
      %broadcast_in_dim3A_897 = arith.constant 33 : i32
      %broadcast_in_dim3A_898 = vector.broadcast %broadcast_in_dim3A_897 : i32 to vector<16xi32>
      %gather3A_899 = tpu.vector_load_idx %arg15[%broadcast_in_dim3A_283, %broadcast_in_dim3A_898, %select_n3A_22] : memref<2x80x8xf32, #tpu.memory_space<vmem>>[vector<16xi32>, vector<16xi32>, vector<16xi32>], vector<16xf32>,
      %broadcast_in_dim3A_900 = vector.shape_cast %broadcast_in_dim3A_29 : vector<16xi32> to vector<16x1xi32>
      %gather3A_901 = vector.shape_cast %broadcast_in_dim3A_900 : vector<16x1xi32> to vector<16xi32>
      %gather3A_902 = tpu.dynamic_gather %exp3A_313[%gather3A_901] in [0] : vector<16xf32>, vector<16xi32> -> vector<16xf32>
      %lt3A_903 = arith.constant 8 : i32
      %lt3A_904 = vector.broadcast %lt3A_903 : i32 to vector<16xi32>
      %lt3A_905 = arith.cmpi slt, %iota3A, %lt3A_904 : vector<16xi32>
      %mul3A_906 = arith.mulf %gather3A_902, %gather3A_899 : vector<16xf32>
      %eq3A_907 = arith.constant 8 : i32
      %eq3A_908 = vector.broadcast %eq3A_907 : i32 to vector<16xi32>
      %eq3A_909 = arith.cmpi eq, %iota3A, %eq3A_908 : vector<16xi32>
      %jit3A_910 = arith.constant 0.000000e+00 : f32
      %broadcast_in_dim3A_911 = vector.broadcast %jit3A_910 : f32 to vector<16xf32>
      %select_n3A_912 = arith.select %eq3A_909, %gather3A_902, %broadcast_in_dim3A_911 : vector<16xi1>, vector<16xf32>
      %select_n3A_913 = arith.select %lt3A_905, %mul3A_906, %select_n3A_912 : vector<16xi1>, vector<16xf32>
      tpu.vector_store_idx %arg16[%broadcast_in_dim3A_283, %broadcast_in_dim3A_898, %iota3A], %select_n3A_913 : memref<2x80x16xf32, #tpu.memory_space<vmem>>[vector<16xi32>, vector<16xi32>, vector<16xi32>], vector<16xf32>,
      %broadcast_in_dim3A_914 = arith.constant 34 : i32
      %broadcast_in_dim3A_915 = vector.broadcast %broadcast_in_dim3A_914 : i32 to vector<16xi32>
      %gather3A_916 = tpu.vector_load_idx %arg15[%broadcast_in_dim3A_283, %broadcast_in_dim3A_915, %select_n3A_22] : memref<2x80x8xf32, #tpu.memory_space<vmem>>[vector<16xi32>, vector<16xi32>, vector<16xi32>], vector<16xf32>,
      %broadcast_in_dim3A_917 = vector.shape_cast %broadcast_in_dim3A_31 : vector<16xi32> to vector<16x1xi32>
      %gather3A_918 = vector.shape_cast %broadcast_in_dim3A_917 : vector<16x1xi32> to vector<16xi32>
      %gather3A_919 = tpu.dynamic_gather %exp3A_313[%gather3A_918] in [0] : vector<16xf32>, vector<16xi32> -> vector<16xf32>
      %lt3A_920 = arith.constant 8 : i32
      %lt3A_921 = vector.broadcast %lt3A_920 : i32 to vector<16xi32>
      %lt3A_922 = arith.cmpi slt, %iota3A, %lt3A_921 : vector<16xi32>
      %mul3A_923 = arith.mulf %gather3A_919, %gather3A_916 : vector<16xf32>
      %eq3A_924 = arith.constant 8 : i32
      %eq3A_925 = vector.broadcast %eq3A_924 : i32 to vector<16xi32>
      %eq3A_926 = arith.cmpi eq, %iota3A, %eq3A_925 : vector<16xi32>
      %jit3A_927 = arith.constant 0.000000e+00 : f32
      %broadcast_in_dim3A_928 = vector.broadcast %jit3A_927 : f32 to vector<16xf32>
      %select_n3A_929 = arith.select %eq3A_926, %gather3A_919, %broadcast_in_dim3A_928 : vector<16xi1>, vector<16xf32>
      %select_n3A_930 = arith.select %lt3A_922, %mul3A_923, %select_n3A_929 : vector<16xi1>, vector<16xf32>
      tpu.vector_store_idx %arg16[%broadcast_in_dim3A_283, %broadcast_in_dim3A_915, %iota3A], %select_n3A_930 : memref<2x80x16xf32, #tpu.memory_space<vmem>>[vector<16xi32>, vector<16xi32>, vector<16xi32>], vector<16xf32>,
      %broadcast_in_dim3A_931 = arith.constant 35 : i32
      %broadcast_in_dim3A_932 = vector.broadcast %broadcast_in_dim3A_931 : i32 to vector<16xi32>
      %gather3A_933 = tpu.vector_load_idx %arg15[%broadcast_in_dim3A_283, %broadcast_in_dim3A_932, %select_n3A_22] : memref<2x80x8xf32, #tpu.memory_space<vmem>>[vector<16xi32>, vector<16xi32>, vector<16xi32>], vector<16xf32>,
      %broadcast_in_dim3A_934 = vector.shape_cast %broadcast_in_dim3A_33 : vector<16xi32> to vector<16x1xi32>
      %gather3A_935 = vector.shape_cast %broadcast_in_dim3A_934 : vector<16x1xi32> to vector<16xi32>
      %gather3A_936 = tpu.dynamic_gather %exp3A_313[%gather3A_935] in [0] : vector<16xf32>, vector<16xi32> -> vector<16xf32>
      %lt3A_937 = arith.constant 8 : i32
      %lt3A_938 = vector.broadcast %lt3A_937 : i32 to vector<16xi32>
      %lt3A_939 = arith.cmpi slt, %iota3A, %lt3A_938 : vector<16xi32>
      %mul3A_940 = arith.mulf %gather3A_936, %gather3A_933 : vector<16xf32>
      %eq3A_941 = arith.constant 8 : i32
      %eq3A_942 = vector.broadcast %eq3A_941 : i32 to vector<16xi32>
      %eq3A_943 = arith.cmpi eq, %iota3A, %eq3A_942 : vector<16xi32>
      %jit3A_944 = arith.constant 0.000000e+00 : f32
      %broadcast_in_dim3A_945 = vector.broadcast %jit3A_944 : f32 to vector<16xf32>
      %select_n3A_946 = arith.select %eq3A_943, %gather3A_936, %broadcast_in_dim3A_945 : vector<16xi1>, vector<16xf32>
      %select_n3A_947 = arith.select %lt3A_939, %mul3A_940, %select_n3A_946 : vector<16xi1>, vector<16xf32>
      tpu.vector_store_idx %arg16[%broadcast_in_dim3A_283, %broadcast_in_dim3A_932, %iota3A], %select_n3A_947 : memref<2x80x16xf32, #tpu.memory_space<vmem>>[vector<16xi32>, vector<16xi32>, vector<16xi32>], vector<16xf32>,
      %broadcast_in_dim3A_948 = arith.constant 36 : i32
      %broadcast_in_dim3A_949 = vector.broadcast %broadcast_in_dim3A_948 : i32 to vector<16xi32>
      %gather3A_950 = tpu.vector_load_idx %arg15[%broadcast_in_dim3A_283, %broadcast_in_dim3A_949, %select_n3A_22] : memref<2x80x8xf32, #tpu.memory_space<vmem>>[vector<16xi32>, vector<16xi32>, vector<16xi32>], vector<16xf32>,
      %broadcast_in_dim3A_951 = vector.shape_cast %broadcast_in_dim3A_35 : vector<16xi32> to vector<16x1xi32>
      %gather3A_952 = vector.shape_cast %broadcast_in_dim3A_951 : vector<16x1xi32> to vector<16xi32>
      %gather3A_953 = tpu.dynamic_gather %exp3A_313[%gather3A_952] in [0] : vector<16xf32>, vector<16xi32> -> vector<16xf32>
      %lt3A_954 = arith.constant 8 : i32
      %lt3A_955 = vector.broadcast %lt3A_954 : i32 to vector<16xi32>
      %lt3A_956 = arith.cmpi slt, %iota3A, %lt3A_955 : vector<16xi32>
      %mul3A_957 = arith.mulf %gather3A_953, %gather3A_950 : vector<16xf32>
      %eq3A_958 = arith.constant 8 : i32
      %eq3A_959 = vector.broadcast %eq3A_958 : i32 to vector<16xi32>
      %eq3A_960 = arith.cmpi eq, %iota3A, %eq3A_959 : vector<16xi32>
      %jit3A_961 = arith.constant 0.000000e+00 : f32
      %broadcast_in_dim3A_962 = vector.broadcast %jit3A_961 : f32 to vector<16xf32>
      %select_n3A_963 = arith.select %eq3A_960, %gather3A_953, %broadcast_in_dim3A_962 : vector<16xi1>, vector<16xf32>
      %select_n3A_964 = arith.select %lt3A_956, %mul3A_957, %select_n3A_963 : vector<16xi1>, vector<16xf32>
      tpu.vector_store_idx %arg16[%broadcast_in_dim3A_283, %broadcast_in_dim3A_949, %iota3A], %select_n3A_964 : memref<2x80x16xf32, #tpu.memory_space<vmem>>[vector<16xi32>, vector<16xi32>, vector<16xi32>], vector<16xf32>,
      %broadcast_in_dim3A_965 = arith.constant 37 : i32
      %broadcast_in_dim3A_966 = vector.broadcast %broadcast_in_dim3A_965 : i32 to vector<16xi32>
      %gather3A_967 = tpu.vector_load_idx %arg15[%broadcast_in_dim3A_283, %broadcast_in_dim3A_966, %select_n3A_22] : memref<2x80x8xf32, #tpu.memory_space<vmem>>[vector<16xi32>, vector<16xi32>, vector<16xi32>], vector<16xf32>,
      %broadcast_in_dim3A_968 = vector.shape_cast %broadcast_in_dim3A_37 : vector<16xi32> to vector<16x1xi32>
      %gather3A_969 = vector.shape_cast %broadcast_in_dim3A_968 : vector<16x1xi32> to vector<16xi32>
      %gather3A_970 = tpu.dynamic_gather %exp3A_313[%gather3A_969] in [0] : vector<16xf32>, vector<16xi32> -> vector<16xf32>
      %lt3A_971 = arith.constant 8 : i32
      %lt3A_972 = vector.broadcast %lt3A_971 : i32 to vector<16xi32>
      %lt3A_973 = arith.cmpi slt, %iota3A, %lt3A_972 : vector<16xi32>
      %mul3A_974 = arith.mulf %gather3A_970, %gather3A_967 : vector<16xf32>
      %eq3A_975 = arith.constant 8 : i32
      %eq3A_976 = vector.broadcast %eq3A_975 : i32 to vector<16xi32>
      %eq3A_977 = arith.cmpi eq, %iota3A, %eq3A_976 : vector<16xi32>
      %jit3A_978 = arith.constant 0.000000e+00 : f32
      %broadcast_in_dim3A_979 = vector.broadcast %jit3A_978 : f32 to vector<16xf32>
      %select_n3A_980 = arith.select %eq3A_977, %gather3A_970, %broadcast_in_dim3A_979 : vector<16xi1>, vector<16xf32>
      %select_n3A_981 = arith.select %lt3A_973, %mul3A_974, %select_n3A_980 : vector<16xi1>, vector<16xf32>
      tpu.vector_store_idx %arg16[%broadcast_in_dim3A_283, %broadcast_in_dim3A_966, %iota3A], %select_n3A_981 : memref<2x80x16xf32, #tpu.memory_space<vmem>>[vector<16xi32>, vector<16xi32>, vector<16xi32>], vector<16xf32>,
      %broadcast_in_dim3A_982 = arith.constant 38 : i32
      %broadcast_in_dim3A_983 = vector.broadcast %broadcast_in_dim3A_982 : i32 to vector<16xi32>
      %gather3A_984 = tpu.vector_load_idx %arg15[%broadcast_in_dim3A_283, %broadcast_in_dim3A_983, %select_n3A_22] : memref<2x80x8xf32, #tpu.memory_space<vmem>>[vector<16xi32>, vector<16xi32>, vector<16xi32>], vector<16xf32>,
      %broadcast_in_dim3A_985 = vector.shape_cast %broadcast_in_dim3A_39 : vector<16xi32> to vector<16x1xi32>
      %gather3A_986 = vector.shape_cast %broadcast_in_dim3A_985 : vector<16x1xi32> to vector<16xi32>
      %gather3A_987 = tpu.dynamic_gather %exp3A_313[%gather3A_986] in [0] : vector<16xf32>, vector<16xi32> -> vector<16xf32>
      %lt3A_988 = arith.constant 8 : i32
      %lt3A_989 = vector.broadcast %lt3A_988 : i32 to vector<16xi32>
      %lt3A_990 = arith.cmpi slt, %iota3A, %lt3A_989 : vector<16xi32>
      %mul3A_991 = arith.mulf %gather3A_987, %gather3A_984 : vector<16xf32>
      %eq3A_992 = arith.constant 8 : i32
      %eq3A_993 = vector.broadcast %eq3A_992 : i32 to vector<16xi32>
      %eq3A_994 = arith.cmpi eq, %iota3A, %eq3A_993 : vector<16xi32>
      %jit3A_995 = arith.constant 0.000000e+00 : f32
      %broadcast_in_dim3A_996 = vector.broadcast %jit3A_995 : f32 to vector<16xf32>
      %select_n3A_997 = arith.select %eq3A_994, %gather3A_987, %broadcast_in_dim3A_996 : vector<16xi1>, vector<16xf32>
      %select_n3A_998 = arith.select %lt3A_990, %mul3A_991, %select_n3A_997 : vector<16xi1>, vector<16xf32>
      tpu.vector_store_idx %arg16[%broadcast_in_dim3A_283, %broadcast_in_dim3A_983, %iota3A], %select_n3A_998 : memref<2x80x16xf32, #tpu.memory_space<vmem>>[vector<16xi32>, vector<16xi32>, vector<16xi32>], vector<16xf32>,
      %broadcast_in_dim3A_999 = arith.constant 39 : i32
      %broadcast_in_dim3A_1000 = vector.broadcast %broadcast_in_dim3A_999 : i32 to vector<16xi32>
      %gather3A_1001 = tpu.vector_load_idx %arg15[%broadcast_in_dim3A_283, %broadcast_in_dim3A_1000, %select_n3A_22] : memref<2x80x8xf32, #tpu.memory_space<vmem>>[vector<16xi32>, vector<16xi32>, vector<16xi32>], vector<16xf32>,
      %broadcast_in_dim3A_1002 = vector.shape_cast %broadcast_in_dim3A_41 : vector<16xi32> to vector<16x1xi32>
      %gather3A_1003 = vector.shape_cast %broadcast_in_dim3A_1002 : vector<16x1xi32> to vector<16xi32>
      %gather3A_1004 = tpu.dynamic_gather %exp3A_313[%gather3A_1003] in [0] : vector<16xf32>, vector<16xi32> -> vector<16xf32>
      %lt3A_1005 = arith.constant 8 : i32
      %lt3A_1006 = vector.broadcast %lt3A_1005 : i32 to vector<16xi32>
      %lt3A_1007 = arith.cmpi slt, %iota3A, %lt3A_1006 : vector<16xi32>
      %mul3A_1008 = arith.mulf %gather3A_1004, %gather3A_1001 : vector<16xf32>
      %eq3A_1009 = arith.constant 8 : i32
      %eq3A_1010 = vector.broadcast %eq3A_1009 : i32 to vector<16xi32>
      %eq3A_1011 = arith.cmpi eq, %iota3A, %eq3A_1010 : vector<16xi32>
      %jit3A_1012 = arith.constant 0.000000e+00 : f32
      %broadcast_in_dim3A_1013 = vector.broadcast %jit3A_1012 : f32 to vector<16xf32>
      %select_n3A_1014 = arith.select %eq3A_1011, %gather3A_1004, %broadcast_in_dim3A_1013 : vector<16xi1>, vector<16xf32>
      %select_n3A_1015 = arith.select %lt3A_1007, %mul3A_1008, %select_n3A_1014 : vector<16xi1>, vector<16xf32>
      tpu.vector_store_idx %arg16[%broadcast_in_dim3A_283, %broadcast_in_dim3A_1000, %iota3A], %select_n3A_1015 : memref<2x80x16xf32, #tpu.memory_space<vmem>>[vector<16xi32>, vector<16xi32>, vector<16xi32>], vector<16xf32>,
      %broadcast_in_dim3A_1016 = arith.constant 40 : i32
      %broadcast_in_dim3A_1017 = vector.broadcast %broadcast_in_dim3A_1016 : i32 to vector<16xi32>
      %gather3A_1018 = tpu.vector_load_idx %arg15[%broadcast_in_dim3A_283, %broadcast_in_dim3A_1017, %select_n3A_22] : memref<2x80x8xf32, #tpu.memory_space<vmem>>[vector<16xi32>, vector<16xi32>, vector<16xi32>], vector<16xf32>,
      %broadcast_in_dim3A_1019 = vector.shape_cast %broadcast_in_dim3A_43 : vector<16xi32> to vector<16x1xi32>
      %gather3A_1020 = vector.shape_cast %broadcast_in_dim3A_1019 : vector<16x1xi32> to vector<16xi32>
      %gather3A_1021 = tpu.dynamic_gather %exp3A_313[%gather3A_1020] in [0] : vector<16xf32>, vector<16xi32> -> vector<16xf32>
      %lt3A_1022 = arith.constant 8 : i32
      %lt3A_1023 = vector.broadcast %lt3A_1022 : i32 to vector<16xi32>
      %lt3A_1024 = arith.cmpi slt, %iota3A, %lt3A_1023 : vector<16xi32>
      %mul3A_1025 = arith.mulf %gather3A_1021, %gather3A_1018 : vector<16xf32>
      %eq3A_1026 = arith.constant 8 : i32
      %eq3A_1027 = vector.broadcast %eq3A_1026 : i32 to vector<16xi32>
      %eq3A_1028 = arith.cmpi eq, %iota3A, %eq3A_1027 : vector<16xi32>
      %jit3A_1029 = arith.constant 0.000000e+00 : f32
      %broadcast_in_dim3A_1030 = vector.broadcast %jit3A_1029 : f32 to vector<16xf32>
      %select_n3A_1031 = arith.select %eq3A_1028, %gather3A_1021, %broadcast_in_dim3A_1030 : vector<16xi1>, vector<16xf32>
      %select_n3A_1032 = arith.select %lt3A_1024, %mul3A_1025, %select_n3A_1031 : vector<16xi1>, vector<16xf32>
      tpu.vector_store_idx %arg16[%broadcast_in_dim3A_283, %broadcast_in_dim3A_1017, %iota3A], %select_n3A_1032 : memref<2x80x16xf32, #tpu.memory_space<vmem>>[vector<16xi32>, vector<16xi32>, vector<16xi32>], vector<16xf32>,
      %broadcast_in_dim3A_1033 = arith.constant 41 : i32
      %broadcast_in_dim3A_1034 = vector.broadcast %broadcast_in_dim3A_1033 : i32 to vector<16xi32>
      %gather3A_1035 = tpu.vector_load_idx %arg15[%broadcast_in_dim3A_283, %broadcast_in_dim3A_1034, %select_n3A_22] : memref<2x80x8xf32, #tpu.memory_space<vmem>>[vector<16xi32>, vector<16xi32>, vector<16xi32>], vector<16xf32>,
      %broadcast_in_dim3A_1036 = vector.shape_cast %broadcast_in_dim3A_45 : vector<16xi32> to vector<16x1xi32>
      %gather3A_1037 = vector.shape_cast %broadcast_in_dim3A_1036 : vector<16x1xi32> to vector<16xi32>
      %gather3A_1038 = tpu.dynamic_gather %exp3A_313[%gather3A_1037] in [0] : vector<16xf32>, vector<16xi32> -> vector<16xf32>
      %lt3A_1039 = arith.constant 8 : i32
      %lt3A_1040 = vector.broadcast %lt3A_1039 : i32 to vector<16xi32>
      %lt3A_1041 = arith.cmpi slt, %iota3A, %lt3A_1040 : vector<16xi32>
      %mul3A_1042 = arith.mulf %gather3A_1038, %gather3A_1035 : vector<16xf32>
      %eq3A_1043 = arith.constant 8 : i32
      %eq3A_1044 = vector.broadcast %eq3A_1043 : i32 to vector<16xi32>
      %eq3A_1045 = arith.cmpi eq, %iota3A, %eq3A_1044 : vector<16xi32>
      %jit3A_1046 = arith.constant 0.000000e+00 : f32
      %broadcast_in_dim3A_1047 = vector.broadcast %jit3A_1046 : f32 to vector<16xf32>
      %select_n3A_1048 = arith.select %eq3A_1045, %gather3A_1038, %broadcast_in_dim3A_1047 : vector<16xi1>, vector<16xf32>
      %select_n3A_1049 = arith.select %lt3A_1041, %mul3A_1042, %select_n3A_1048 : vector<16xi1>, vector<16xf32>
      tpu.vector_store_idx %arg16[%broadcast_in_dim3A_283, %broadcast_in_dim3A_1034, %iota3A], %select_n3A_1049 : memref<2x80x16xf32, #tpu.memory_space<vmem>>[vector<16xi32>, vector<16xi32>, vector<16xi32>], vector<16xf32>,
      %broadcast_in_dim3A_1050 = arith.constant 42 : i32
      %broadcast_in_dim3A_1051 = vector.broadcast %broadcast_in_dim3A_1050 : i32 to vector<16xi32>
      %gather3A_1052 = tpu.vector_load_idx %arg15[%broadcast_in_dim3A_283, %broadcast_in_dim3A_1051, %select_n3A_22] : memref<2x80x8xf32, #tpu.memory_space<vmem>>[vector<16xi32>, vector<16xi32>, vector<16xi32>], vector<16xf32>,
      %broadcast_in_dim3A_1053 = vector.shape_cast %broadcast_in_dim3A_47 : vector<16xi32> to vector<16x1xi32>
      %gather3A_1054 = vector.shape_cast %broadcast_in_dim3A_1053 : vector<16x1xi32> to vector<16xi32>
      %gather3A_1055 = tpu.dynamic_gather %exp3A_313[%gather3A_1054] in [0] : vector<16xf32>, vector<16xi32> -> vector<16xf32>
      %lt3A_1056 = arith.constant 8 : i32
      %lt3A_1057 = vector.broadcast %lt3A_1056 : i32 to vector<16xi32>
      %lt3A_1058 = arith.cmpi slt, %iota3A, %lt3A_1057 : vector<16xi32>
      %mul3A_1059 = arith.mulf %gather3A_1055, %gather3A_1052 : vector<16xf32>
      %eq3A_1060 = arith.constant 8 : i32
      %eq3A_1061 = vector.broadcast %eq3A_1060 : i32 to vector<16xi32>
      %eq3A_1062 = arith.cmpi eq, %iota3A, %eq3A_1061 : vector<16xi32>
      %jit3A_1063 = arith.constant 0.000000e+00 : f32
      %broadcast_in_dim3A_1064 = vector.broadcast %jit3A_1063 : f32 to vector<16xf32>
      %select_n3A_1065 = arith.select %eq3A_1062, %gather3A_1055, %broadcast_in_dim3A_1064 : vector<16xi1>, vector<16xf32>
      %select_n3A_1066 = arith.select %lt3A_1058, %mul3A_1059, %select_n3A_1065 : vector<16xi1>, vector<16xf32>
      tpu.vector_store_idx %arg16[%broadcast_in_dim3A_283, %broadcast_in_dim3A_1051, %iota3A], %select_n3A_1066 : memref<2x80x16xf32, #tpu.memory_space<vmem>>[vector<16xi32>, vector<16xi32>, vector<16xi32>], vector<16xf32>,
      %broadcast_in_dim3A_1067 = arith.constant 43 : i32
      %broadcast_in_dim3A_1068 = vector.broadcast %broadcast_in_dim3A_1067 : i32 to vector<16xi32>
      %gather3A_1069 = tpu.vector_load_idx %arg15[%broadcast_in_dim3A_283, %broadcast_in_dim3A_1068, %select_n3A_22] : memref<2x80x8xf32, #tpu.memory_space<vmem>>[vector<16xi32>, vector<16xi32>, vector<16xi32>], vector<16xf32>,
      %broadcast_in_dim3A_1070 = vector.shape_cast %broadcast_in_dim3A_49 : vector<16xi32> to vector<16x1xi32>
      %gather3A_1071 = vector.shape_cast %broadcast_in_dim3A_1070 : vector<16x1xi32> to vector<16xi32>
      %gather3A_1072 = tpu.dynamic_gather %exp3A_313[%gather3A_1071] in [0] : vector<16xf32>, vector<16xi32> -> vector<16xf32>
      %lt3A_1073 = arith.constant 8 : i32
      %lt3A_1074 = vector.broadcast %lt3A_1073 : i32 to vector<16xi32>
      %lt3A_1075 = arith.cmpi slt, %iota3A, %lt3A_1074 : vector<16xi32>
      %mul3A_1076 = arith.mulf %gather3A_1072, %gather3A_1069 : vector<16xf32>
      %eq3A_1077 = arith.constant 8 : i32
      %eq3A_1078 = vector.broadcast %eq3A_1077 : i32 to vector<16xi32>
      %eq3A_1079 = arith.cmpi eq, %iota3A, %eq3A_1078 : vector<16xi32>
      %jit3A_1080 = arith.constant 0.000000e+00 : f32
      %broadcast_in_dim3A_1081 = vector.broadcast %jit3A_1080 : f32 to vector<16xf32>
      %select_n3A_1082 = arith.select %eq3A_1079, %gather3A_1072, %broadcast_in_dim3A_1081 : vector<16xi1>, vector<16xf32>
      %select_n3A_1083 = arith.select %lt3A_1075, %mul3A_1076, %select_n3A_1082 : vector<16xi1>, vector<16xf32>
      tpu.vector_store_idx %arg16[%broadcast_in_dim3A_283, %broadcast_in_dim3A_1068, %iota3A], %select_n3A_1083 : memref<2x80x16xf32, #tpu.memory_space<vmem>>[vector<16xi32>, vector<16xi32>, vector<16xi32>], vector<16xf32>,
      %broadcast_in_dim3A_1084 = arith.constant 44 : i32
      %broadcast_in_dim3A_1085 = vector.broadcast %broadcast_in_dim3A_1084 : i32 to vector<16xi32>
      %gather3A_1086 = tpu.vector_load_idx %arg15[%broadcast_in_dim3A_283, %broadcast_in_dim3A_1085, %select_n3A_22] : memref<2x80x8xf32, #tpu.memory_space<vmem>>[vector<16xi32>, vector<16xi32>, vector<16xi32>], vector<16xf32>,
      %broadcast_in_dim3A_1087 = vector.shape_cast %broadcast_in_dim3A_51 : vector<16xi32> to vector<16x1xi32>
      %gather3A_1088 = vector.shape_cast %broadcast_in_dim3A_1087 : vector<16x1xi32> to vector<16xi32>
      %gather3A_1089 = tpu.dynamic_gather %exp3A_313[%gather3A_1088] in [0] : vector<16xf32>, vector<16xi32> -> vector<16xf32>
      %lt3A_1090 = arith.constant 8 : i32
      %lt3A_1091 = vector.broadcast %lt3A_1090 : i32 to vector<16xi32>
      %lt3A_1092 = arith.cmpi slt, %iota3A, %lt3A_1091 : vector<16xi32>
      %mul3A_1093 = arith.mulf %gather3A_1089, %gather3A_1086 : vector<16xf32>
      %eq3A_1094 = arith.constant 8 : i32
      %eq3A_1095 = vector.broadcast %eq3A_1094 : i32 to vector<16xi32>
      %eq3A_1096 = arith.cmpi eq, %iota3A, %eq3A_1095 : vector<16xi32>
      %jit3A_1097 = arith.constant 0.000000e+00 : f32
      %broadcast_in_dim3A_1098 = vector.broadcast %jit3A_1097 : f32 to vector<16xf32>
      %select_n3A_1099 = arith.select %eq3A_1096, %gather3A_1089, %broadcast_in_dim3A_1098 : vector<16xi1>, vector<16xf32>
      %select_n3A_1100 = arith.select %lt3A_1092, %mul3A_1093, %select_n3A_1099 : vector<16xi1>, vector<16xf32>
      tpu.vector_store_idx %arg16[%broadcast_in_dim3A_283, %broadcast_in_dim3A_1085, %iota3A], %select_n3A_1100 : memref<2x80x16xf32, #tpu.memory_space<vmem>>[vector<16xi32>, vector<16xi32>, vector<16xi32>], vector<16xf32>,
      %broadcast_in_dim3A_1101 = arith.constant 45 : i32
      %broadcast_in_dim3A_1102 = vector.broadcast %broadcast_in_dim3A_1101 : i32 to vector<16xi32>
      %gather3A_1103 = tpu.vector_load_idx %arg15[%broadcast_in_dim3A_283, %broadcast_in_dim3A_1102, %select_n3A_22] : memref<2x80x8xf32, #tpu.memory_space<vmem>>[vector<16xi32>, vector<16xi32>, vector<16xi32>], vector<16xf32>,
      %broadcast_in_dim3A_1104 = vector.shape_cast %broadcast_in_dim3A_53 : vector<16xi32> to vector<16x1xi32>
      %gather3A_1105 = vector.shape_cast %broadcast_in_dim3A_1104 : vector<16x1xi32> to vector<16xi32>
      %gather3A_1106 = tpu.dynamic_gather %exp3A_313[%gather3A_1105] in [0] : vector<16xf32>, vector<16xi32> -> vector<16xf32>
      %lt3A_1107 = arith.constant 8 : i32
      %lt3A_1108 = vector.broadcast %lt3A_1107 : i32 to vector<16xi32>
      %lt3A_1109 = arith.cmpi slt, %iota3A, %lt3A_1108 : vector<16xi32>
      %mul3A_1110 = arith.mulf %gather3A_1106, %gather3A_1103 : vector<16xf32>
      %eq3A_1111 = arith.constant 8 : i32
      %eq3A_1112 = vector.broadcast %eq3A_1111 : i32 to vector<16xi32>
      %eq3A_1113 = arith.cmpi eq, %iota3A, %eq3A_1112 : vector<16xi32>
      %jit3A_1114 = arith.constant 0.000000e+00 : f32
      %broadcast_in_dim3A_1115 = vector.broadcast %jit3A_1114 : f32 to vector<16xf32>
      %select_n3A_1116 = arith.select %eq3A_1113, %gather3A_1106, %broadcast_in_dim3A_1115 : vector<16xi1>, vector<16xf32>
      %select_n3A_1117 = arith.select %lt3A_1109, %mul3A_1110, %select_n3A_1116 : vector<16xi1>, vector<16xf32>
      tpu.vector_store_idx %arg16[%broadcast_in_dim3A_283, %broadcast_in_dim3A_1102, %iota3A], %select_n3A_1117 : memref<2x80x16xf32, #tpu.memory_space<vmem>>[vector<16xi32>, vector<16xi32>, vector<16xi32>], vector<16xf32>,
      %broadcast_in_dim3A_1118 = arith.constant 46 : i32
      %broadcast_in_dim3A_1119 = vector.broadcast %broadcast_in_dim3A_1118 : i32 to vector<16xi32>
      %gather3A_1120 = tpu.vector_load_idx %arg15[%broadcast_in_dim3A_283, %broadcast_in_dim3A_1119, %select_n3A_22] : memref<2x80x8xf32, #tpu.memory_space<vmem>>[vector<16xi32>, vector<16xi32>, vector<16xi32>], vector<16xf32>,
      %broadcast_in_dim3A_1121 = vector.shape_cast %broadcast_in_dim3A_55 : vector<16xi32> to vector<16x1xi32>
      %gather3A_1122 = vector.shape_cast %broadcast_in_dim3A_1121 : vector<16x1xi32> to vector<16xi32>
      %gather3A_1123 = tpu.dynamic_gather %exp3A_313[%gather3A_1122] in [0] : vector<16xf32>, vector<16xi32> -> vector<16xf32>
      %lt3A_1124 = arith.constant 8 : i32
      %lt3A_1125 = vector.broadcast %lt3A_1124 : i32 to vector<16xi32>
      %lt3A_1126 = arith.cmpi slt, %iota3A, %lt3A_1125 : vector<16xi32>
      %mul3A_1127 = arith.mulf %gather3A_1123, %gather3A_1120 : vector<16xf32>
      %eq3A_1128 = arith.constant 8 : i32
      %eq3A_1129 = vector.broadcast %eq3A_1128 : i32 to vector<16xi32>
      %eq3A_1130 = arith.cmpi eq, %iota3A, %eq3A_1129 : vector<16xi32>
      %jit3A_1131 = arith.constant 0.000000e+00 : f32
      %broadcast_in_dim3A_1132 = vector.broadcast %jit3A_1131 : f32 to vector<16xf32>
      %select_n3A_1133 = arith.select %eq3A_1130, %gather3A_1123, %broadcast_in_dim3A_1132 : vector<16xi1>, vector<16xf32>
      %select_n3A_1134 = arith.select %lt3A_1126, %mul3A_1127, %select_n3A_1133 : vector<16xi1>, vector<16xf32>
      tpu.vector_store_idx %arg16[%broadcast_in_dim3A_283, %broadcast_in_dim3A_1119, %iota3A], %select_n3A_1134 : memref<2x80x16xf32, #tpu.memory_space<vmem>>[vector<16xi32>, vector<16xi32>, vector<16xi32>], vector<16xf32>,
      %broadcast_in_dim3A_1135 = arith.constant 47 : i32
      %broadcast_in_dim3A_1136 = vector.broadcast %broadcast_in_dim3A_1135 : i32 to vector<16xi32>
      %gather3A_1137 = tpu.vector_load_idx %arg15[%broadcast_in_dim3A_283, %broadcast_in_dim3A_1136, %select_n3A_22] : memref<2x80x8xf32, #tpu.memory_space<vmem>>[vector<16xi32>, vector<16xi32>, vector<16xi32>], vector<16xf32>,
      %broadcast_in_dim3A_1138 = vector.shape_cast %broadcast_in_dim3A_57 : vector<16xi32> to vector<16x1xi32>
      %gather3A_1139 = vector.shape_cast %broadcast_in_dim3A_1138 : vector<16x1xi32> to vector<16xi32>
      %gather3A_1140 = tpu.dynamic_gather %exp3A_313[%gather3A_1139] in [0] : vector<16xf32>, vector<16xi32> -> vector<16xf32>
      %lt3A_1141 = arith.constant 8 : i32
      %lt3A_1142 = vector.broadcast %lt3A_1141 : i32 to vector<16xi32>
      %lt3A_1143 = arith.cmpi slt, %iota3A, %lt3A_1142 : vector<16xi32>
      %mul3A_1144 = arith.mulf %gather3A_1140, %gather3A_1137 : vector<16xf32>
      %eq3A_1145 = arith.constant 8 : i32
      %eq3A_1146 = vector.broadcast %eq3A_1145 : i32 to vector<16xi32>
      %eq3A_1147 = arith.cmpi eq, %iota3A, %eq3A_1146 : vector<16xi32>
      %jit3A_1148 = arith.constant 0.000000e+00 : f32
      %broadcast_in_dim3A_1149 = vector.broadcast %jit3A_1148 : f32 to vector<16xf32>
      %select_n3A_1150 = arith.select %eq3A_1147, %gather3A_1140, %broadcast_in_dim3A_1149 : vector<16xi1>, vector<16xf32>
      %select_n3A_1151 = arith.select %lt3A_1143, %mul3A_1144, %select_n3A_1150 : vector<16xi1>, vector<16xf32>
      tpu.vector_store_idx %arg16[%broadcast_in_dim3A_283, %broadcast_in_dim3A_1136, %iota3A], %select_n3A_1151 : memref<2x80x16xf32, #tpu.memory_space<vmem>>[vector<16xi32>, vector<16xi32>, vector<16xi32>], vector<16xf32>,
      %broadcast_in_dim3A_1152 = arith.constant 48 : i32
      %broadcast_in_dim3A_1153 = vector.broadcast %broadcast_in_dim3A_1152 : i32 to vector<16xi32>
      %gather3A_1154 = tpu.vector_load_idx %arg15[%broadcast_in_dim3A_283, %broadcast_in_dim3A_1153, %select_n3A_22] : memref<2x80x8xf32, #tpu.memory_space<vmem>>[vector<16xi32>, vector<16xi32>, vector<16xi32>], vector<16xf32>,
      %broadcast_in_dim3A_1155 = vector.shape_cast %broadcast_in_dim3A_27 : vector<16xi32> to vector<16x1xi32>
      %gather3A_1156 = vector.shape_cast %broadcast_in_dim3A_1155 : vector<16x1xi32> to vector<16xi32>
      %gather3A_1157 = tpu.dynamic_gather %exp3A_324[%gather3A_1156] in [0] : vector<16xf32>, vector<16xi32> -> vector<16xf32>
      %lt3A_1158 = arith.constant 8 : i32
      %lt3A_1159 = vector.broadcast %lt3A_1158 : i32 to vector<16xi32>
      %lt3A_1160 = arith.cmpi slt, %iota3A, %lt3A_1159 : vector<16xi32>
      %mul3A_1161 = arith.mulf %gather3A_1157, %gather3A_1154 : vector<16xf32>
      %eq3A_1162 = arith.constant 8 : i32
      %eq3A_1163 = vector.broadcast %eq3A_1162 : i32 to vector<16xi32>
      %eq3A_1164 = arith.cmpi eq, %iota3A, %eq3A_1163 : vector<16xi32>
      %jit3A_1165 = arith.constant 0.000000e+00 : f32
      %broadcast_in_dim3A_1166 = vector.broadcast %jit3A_1165 : f32 to vector<16xf32>
      %select_n3A_1167 = arith.select %eq3A_1164, %gather3A_1157, %broadcast_in_dim3A_1166 : vector<16xi1>, vector<16xf32>
      %select_n3A_1168 = arith.select %lt3A_1160, %mul3A_1161, %select_n3A_1167 : vector<16xi1>, vector<16xf32>
      tpu.vector_store_idx %arg16[%broadcast_in_dim3A_283, %broadcast_in_dim3A_1153, %iota3A], %select_n3A_1168 : memref<2x80x16xf32, #tpu.memory_space<vmem>>[vector<16xi32>, vector<16xi32>, vector<16xi32>], vector<16xf32>,
      %broadcast_in_dim3A_1169 = arith.constant 49 : i32
      %broadcast_in_dim3A_1170 = vector.broadcast %broadcast_in_dim3A_1169 : i32 to vector<16xi32>
      %gather3A_1171 = tpu.vector_load_idx %arg15[%broadcast_in_dim3A_283, %broadcast_in_dim3A_1170, %select_n3A_22] : memref<2x80x8xf32, #tpu.memory_space<vmem>>[vector<16xi32>, vector<16xi32>, vector<16xi32>], vector<16xf32>,
      %broadcast_in_dim3A_1172 = vector.shape_cast %broadcast_in_dim3A_29 : vector<16xi32> to vector<16x1xi32>
      %gather3A_1173 = vector.shape_cast %broadcast_in_dim3A_1172 : vector<16x1xi32> to vector<16xi32>
      %gather3A_1174 = tpu.dynamic_gather %exp3A_324[%gather3A_1173] in [0] : vector<16xf32>, vector<16xi32> -> vector<16xf32>
      %lt3A_1175 = arith.constant 8 : i32
      %lt3A_1176 = vector.broadcast %lt3A_1175 : i32 to vector<16xi32>
      %lt3A_1177 = arith.cmpi slt, %iota3A, %lt3A_1176 : vector<16xi32>
      %mul3A_1178 = arith.mulf %gather3A_1174, %gather3A_1171 : vector<16xf32>
      %eq3A_1179 = arith.constant 8 : i32
      %eq3A_1180 = vector.broadcast %eq3A_1179 : i32 to vector<16xi32>
      %eq3A_1181 = arith.cmpi eq, %iota3A, %eq3A_1180 : vector<16xi32>
      %jit3A_1182 = arith.constant 0.000000e+00 : f32
      %broadcast_in_dim3A_1183 = vector.broadcast %jit3A_1182 : f32 to vector<16xf32>
      %select_n3A_1184 = arith.select %eq3A_1181, %gather3A_1174, %broadcast_in_dim3A_1183 : vector<16xi1>, vector<16xf32>
      %select_n3A_1185 = arith.select %lt3A_1177, %mul3A_1178, %select_n3A_1184 : vector<16xi1>, vector<16xf32>
      tpu.vector_store_idx %arg16[%broadcast_in_dim3A_283, %broadcast_in_dim3A_1170, %iota3A], %select_n3A_1185 : memref<2x80x16xf32, #tpu.memory_space<vmem>>[vector<16xi32>, vector<16xi32>, vector<16xi32>], vector<16xf32>,
      %broadcast_in_dim3A_1186 = arith.constant 50 : i32
      %broadcast_in_dim3A_1187 = vector.broadcast %broadcast_in_dim3A_1186 : i32 to vector<16xi32>
      %gather3A_1188 = tpu.vector_load_idx %arg15[%broadcast_in_dim3A_283, %broadcast_in_dim3A_1187, %select_n3A_22] : memref<2x80x8xf32, #tpu.memory_space<vmem>>[vector<16xi32>, vector<16xi32>, vector<16xi32>], vector<16xf32>,
      %broadcast_in_dim3A_1189 = vector.shape_cast %broadcast_in_dim3A_31 : vector<16xi32> to vector<16x1xi32>
      %gather3A_1190 = vector.shape_cast %broadcast_in_dim3A_1189 : vector<16x1xi32> to vector<16xi32>
      %gather3A_1191 = tpu.dynamic_gather %exp3A_324[%gather3A_1190] in [0] : vector<16xf32>, vector<16xi32> -> vector<16xf32>
      %lt3A_1192 = arith.constant 8 : i32
      %lt3A_1193 = vector.broadcast %lt3A_1192 : i32 to vector<16xi32>
      %lt3A_1194 = arith.cmpi slt, %iota3A, %lt3A_1193 : vector<16xi32>
      %mul3A_1195 = arith.mulf %gather3A_1191, %gather3A_1188 : vector<16xf32>
      %eq3A_1196 = arith.constant 8 : i32
      %eq3A_1197 = vector.broadcast %eq3A_1196 : i32 to vector<16xi32>
      %eq3A_1198 = arith.cmpi eq, %iota3A, %eq3A_1197 : vector<16xi32>
      %jit3A_1199 = arith.constant 0.000000e+00 : f32
      %broadcast_in_dim3A_1200 = vector.broadcast %jit3A_1199 : f32 to vector<16xf32>
      %select_n3A_1201 = arith.select %eq3A_1198, %gather3A_1191, %broadcast_in_dim3A_1200 : vector<16xi1>, vector<16xf32>
      %select_n3A_1202 = arith.select %lt3A_1194, %mul3A_1195, %select_n3A_1201 : vector<16xi1>, vector<16xf32>
      tpu.vector_store_idx %arg16[%broadcast_in_dim3A_283, %broadcast_in_dim3A_1187, %iota3A], %select_n3A_1202 : memref<2x80x16xf32, #tpu.memory_space<vmem>>[vector<16xi32>, vector<16xi32>, vector<16xi32>], vector<16xf32>,
      %broadcast_in_dim3A_1203 = arith.constant 51 : i32
      %broadcast_in_dim3A_1204 = vector.broadcast %broadcast_in_dim3A_1203 : i32 to vector<16xi32>
      %gather3A_1205 = tpu.vector_load_idx %arg15[%broadcast_in_dim3A_283, %broadcast_in_dim3A_1204, %select_n3A_22] : memref<2x80x8xf32, #tpu.memory_space<vmem>>[vector<16xi32>, vector<16xi32>, vector<16xi32>], vector<16xf32>,
      %broadcast_in_dim3A_1206 = vector.shape_cast %broadcast_in_dim3A_33 : vector<16xi32> to vector<16x1xi32>
      %gather3A_1207 = vector.shape_cast %broadcast_in_dim3A_1206 : vector<16x1xi32> to vector<16xi32>
      %gather3A_1208 = tpu.dynamic_gather %exp3A_324[%gather3A_1207] in [0] : vector<16xf32>, vector<16xi32> -> vector<16xf32>
      %lt3A_1209 = arith.constant 8 : i32
      %lt3A_1210 = vector.broadcast %lt3A_1209 : i32 to vector<16xi32>
      %lt3A_1211 = arith.cmpi slt, %iota3A, %lt3A_1210 : vector<16xi32>
      %mul3A_1212 = arith.mulf %gather3A_1208, %gather3A_1205 : vector<16xf32>
      %eq3A_1213 = arith.constant 8 : i32
      %eq3A_1214 = vector.broadcast %eq3A_1213 : i32 to vector<16xi32>
      %eq3A_1215 = arith.cmpi eq, %iota3A, %eq3A_1214 : vector<16xi32>
      %jit3A_1216 = arith.constant 0.000000e+00 : f32
      %broadcast_in_dim3A_1217 = vector.broadcast %jit3A_1216 : f32 to vector<16xf32>
      %select_n3A_1218 = arith.select %eq3A_1215, %gather3A_1208, %broadcast_in_dim3A_1217 : vector<16xi1>, vector<16xf32>
      %select_n3A_1219 = arith.select %lt3A_1211, %mul3A_1212, %select_n3A_1218 : vector<16xi1>, vector<16xf32>
      tpu.vector_store_idx %arg16[%broadcast_in_dim3A_283, %broadcast_in_dim3A_1204, %iota3A], %select_n3A_1219 : memref<2x80x16xf32, #tpu.memory_space<vmem>>[vector<16xi32>, vector<16xi32>, vector<16xi32>], vector<16xf32>,
      %broadcast_in_dim3A_1220 = arith.constant 52 : i32
      %broadcast_in_dim3A_1221 = vector.broadcast %broadcast_in_dim3A_1220 : i32 to vector<16xi32>
      %gather3A_1222 = tpu.vector_load_idx %arg15[%broadcast_in_dim3A_283, %broadcast_in_dim3A_1221, %select_n3A_22] : memref<2x80x8xf32, #tpu.memory_space<vmem>>[vector<16xi32>, vector<16xi32>, vector<16xi32>], vector<16xf32>,
      %broadcast_in_dim3A_1223 = vector.shape_cast %broadcast_in_dim3A_35 : vector<16xi32> to vector<16x1xi32>
      %gather3A_1224 = vector.shape_cast %broadcast_in_dim3A_1223 : vector<16x1xi32> to vector<16xi32>
      %gather3A_1225 = tpu.dynamic_gather %exp3A_324[%gather3A_1224] in [0] : vector<16xf32>, vector<16xi32> -> vector<16xf32>
      %lt3A_1226 = arith.constant 8 : i32
      %lt3A_1227 = vector.broadcast %lt3A_1226 : i32 to vector<16xi32>
      %lt3A_1228 = arith.cmpi slt, %iota3A, %lt3A_1227 : vector<16xi32>
      %mul3A_1229 = arith.mulf %gather3A_1225, %gather3A_1222 : vector<16xf32>
      %eq3A_1230 = arith.constant 8 : i32
      %eq3A_1231 = vector.broadcast %eq3A_1230 : i32 to vector<16xi32>
      %eq3A_1232 = arith.cmpi eq, %iota3A, %eq3A_1231 : vector<16xi32>
      %jit3A_1233 = arith.constant 0.000000e+00 : f32
      %broadcast_in_dim3A_1234 = vector.broadcast %jit3A_1233 : f32 to vector<16xf32>
      %select_n3A_1235 = arith.select %eq3A_1232, %gather3A_1225, %broadcast_in_dim3A_1234 : vector<16xi1>, vector<16xf32>
      %select_n3A_1236 = arith.select %lt3A_1228, %mul3A_1229, %select_n3A_1235 : vector<16xi1>, vector<16xf32>
      tpu.vector_store_idx %arg16[%broadcast_in_dim3A_283, %broadcast_in_dim3A_1221, %iota3A], %select_n3A_1236 : memref<2x80x16xf32, #tpu.memory_space<vmem>>[vector<16xi32>, vector<16xi32>, vector<16xi32>], vector<16xf32>,
      %broadcast_in_dim3A_1237 = arith.constant 53 : i32
      %broadcast_in_dim3A_1238 = vector.broadcast %broadcast_in_dim3A_1237 : i32 to vector<16xi32>
      %gather3A_1239 = tpu.vector_load_idx %arg15[%broadcast_in_dim3A_283, %broadcast_in_dim3A_1238, %select_n3A_22] : memref<2x80x8xf32, #tpu.memory_space<vmem>>[vector<16xi32>, vector<16xi32>, vector<16xi32>], vector<16xf32>,
      %broadcast_in_dim3A_1240 = vector.shape_cast %broadcast_in_dim3A_37 : vector<16xi32> to vector<16x1xi32>
      %gather3A_1241 = vector.shape_cast %broadcast_in_dim3A_1240 : vector<16x1xi32> to vector<16xi32>
      %gather3A_1242 = tpu.dynamic_gather %exp3A_324[%gather3A_1241] in [0] : vector<16xf32>, vector<16xi32> -> vector<16xf32>
      %lt3A_1243 = arith.constant 8 : i32
      %lt3A_1244 = vector.broadcast %lt3A_1243 : i32 to vector<16xi32>
      %lt3A_1245 = arith.cmpi slt, %iota3A, %lt3A_1244 : vector<16xi32>
      %mul3A_1246 = arith.mulf %gather3A_1242, %gather3A_1239 : vector<16xf32>
      %eq3A_1247 = arith.constant 8 : i32
      %eq3A_1248 = vector.broadcast %eq3A_1247 : i32 to vector<16xi32>
      %eq3A_1249 = arith.cmpi eq, %iota3A, %eq3A_1248 : vector<16xi32>
      %jit3A_1250 = arith.constant 0.000000e+00 : f32
      %broadcast_in_dim3A_1251 = vector.broadcast %jit3A_1250 : f32 to vector<16xf32>
      %select_n3A_1252 = arith.select %eq3A_1249, %gather3A_1242, %broadcast_in_dim3A_1251 : vector<16xi1>, vector<16xf32>
      %select_n3A_1253 = arith.select %lt3A_1245, %mul3A_1246, %select_n3A_1252 : vector<16xi1>, vector<16xf32>
      tpu.vector_store_idx %arg16[%broadcast_in_dim3A_283, %broadcast_in_dim3A_1238, %iota3A], %select_n3A_1253 : memref<2x80x16xf32, #tpu.memory_space<vmem>>[vector<16xi32>, vector<16xi32>, vector<16xi32>], vector<16xf32>,
      %broadcast_in_dim3A_1254 = arith.constant 54 : i32
      %broadcast_in_dim3A_1255 = vector.broadcast %broadcast_in_dim3A_1254 : i32 to vector<16xi32>
      %gather3A_1256 = tpu.vector_load_idx %arg15[%broadcast_in_dim3A_283, %broadcast_in_dim3A_1255, %select_n3A_22] : memref<2x80x8xf32, #tpu.memory_space<vmem>>[vector<16xi32>, vector<16xi32>, vector<16xi32>], vector<16xf32>,
      %broadcast_in_dim3A_1257 = vector.shape_cast %broadcast_in_dim3A_39 : vector<16xi32> to vector<16x1xi32>
      %gather3A_1258 = vector.shape_cast %broadcast_in_dim3A_1257 : vector<16x1xi32> to vector<16xi32>
      %gather3A_1259 = tpu.dynamic_gather %exp3A_324[%gather3A_1258] in [0] : vector<16xf32>, vector<16xi32> -> vector<16xf32>
      %lt3A_1260 = arith.constant 8 : i32
      %lt3A_1261 = vector.broadcast %lt3A_1260 : i32 to vector<16xi32>
      %lt3A_1262 = arith.cmpi slt, %iota3A, %lt3A_1261 : vector<16xi32>
      %mul3A_1263 = arith.mulf %gather3A_1259, %gather3A_1256 : vector<16xf32>
      %eq3A_1264 = arith.constant 8 : i32
      %eq3A_1265 = vector.broadcast %eq3A_1264 : i32 to vector<16xi32>
      %eq3A_1266 = arith.cmpi eq, %iota3A, %eq3A_1265 : vector<16xi32>
      %jit3A_1267 = arith.constant 0.000000e+00 : f32
      %broadcast_in_dim3A_1268 = vector.broadcast %jit3A_1267 : f32 to vector<16xf32>
      %select_n3A_1269 = arith.select %eq3A_1266, %gather3A_1259, %broadcast_in_dim3A_1268 : vector<16xi1>, vector<16xf32>
      %select_n3A_1270 = arith.select %lt3A_1262, %mul3A_1263, %select_n3A_1269 : vector<16xi1>, vector<16xf32>
      tpu.vector_store_idx %arg16[%broadcast_in_dim3A_283, %broadcast_in_dim3A_1255, %iota3A], %select_n3A_1270 : memref<2x80x16xf32, #tpu.memory_space<vmem>>[vector<16xi32>, vector<16xi32>, vector<16xi32>], vector<16xf32>,
      %broadcast_in_dim3A_1271 = arith.constant 55 : i32
      %broadcast_in_dim3A_1272 = vector.broadcast %broadcast_in_dim3A_1271 : i32 to vector<16xi32>
      %gather3A_1273 = tpu.vector_load_idx %arg15[%broadcast_in_dim3A_283, %broadcast_in_dim3A_1272, %select_n3A_22] : memref<2x80x8xf32, #tpu.memory_space<vmem>>[vector<16xi32>, vector<16xi32>, vector<16xi32>], vector<16xf32>,
      %broadcast_in_dim3A_1274 = vector.shape_cast %broadcast_in_dim3A_41 : vector<16xi32> to vector<16x1xi32>
      %gather3A_1275 = vector.shape_cast %broadcast_in_dim3A_1274 : vector<16x1xi32> to vector<16xi32>
      %gather3A_1276 = tpu.dynamic_gather %exp3A_324[%gather3A_1275] in [0] : vector<16xf32>, vector<16xi32> -> vector<16xf32>
      %lt3A_1277 = arith.constant 8 : i32
      %lt3A_1278 = vector.broadcast %lt3A_1277 : i32 to vector<16xi32>
      %lt3A_1279 = arith.cmpi slt, %iota3A, %lt3A_1278 : vector<16xi32>
      %mul3A_1280 = arith.mulf %gather3A_1276, %gather3A_1273 : vector<16xf32>
      %eq3A_1281 = arith.constant 8 : i32
      %eq3A_1282 = vector.broadcast %eq3A_1281 : i32 to vector<16xi32>
      %eq3A_1283 = arith.cmpi eq, %iota3A, %eq3A_1282 : vector<16xi32>
      %jit3A_1284 = arith.constant 0.000000e+00 : f32
      %broadcast_in_dim3A_1285 = vector.broadcast %jit3A_1284 : f32 to vector<16xf32>
      %select_n3A_1286 = arith.select %eq3A_1283, %gather3A_1276, %broadcast_in_dim3A_1285 : vector<16xi1>, vector<16xf32>
      %select_n3A_1287 = arith.select %lt3A_1279, %mul3A_1280, %select_n3A_1286 : vector<16xi1>, vector<16xf32>
      tpu.vector_store_idx %arg16[%broadcast_in_dim3A_283, %broadcast_in_dim3A_1272, %iota3A], %select_n3A_1287 : memref<2x80x16xf32, #tpu.memory_space<vmem>>[vector<16xi32>, vector<16xi32>, vector<16xi32>], vector<16xf32>,
      %broadcast_in_dim3A_1288 = arith.constant 56 : i32
      %broadcast_in_dim3A_1289 = vector.broadcast %broadcast_in_dim3A_1288 : i32 to vector<16xi32>
      %gather3A_1290 = tpu.vector_load_idx %arg15[%broadcast_in_dim3A_283, %broadcast_in_dim3A_1289, %select_n3A_22] : memref<2x80x8xf32, #tpu.memory_space<vmem>>[vector<16xi32>, vector<16xi32>, vector<16xi32>], vector<16xf32>,
      %broadcast_in_dim3A_1291 = vector.shape_cast %broadcast_in_dim3A_43 : vector<16xi32> to vector<16x1xi32>
      %gather3A_1292 = vector.shape_cast %broadcast_in_dim3A_1291 : vector<16x1xi32> to vector<16xi32>
      %gather3A_1293 = tpu.dynamic_gather %exp3A_324[%gather3A_1292] in [0] : vector<16xf32>, vector<16xi32> -> vector<16xf32>
      %lt3A_1294 = arith.constant 8 : i32
      %lt3A_1295 = vector.broadcast %lt3A_1294 : i32 to vector<16xi32>
      %lt3A_1296 = arith.cmpi slt, %iota3A, %lt3A_1295 : vector<16xi32>
      %mul3A_1297 = arith.mulf %gather3A_1293, %gather3A_1290 : vector<16xf32>
      %eq3A_1298 = arith.constant 8 : i32
      %eq3A_1299 = vector.broadcast %eq3A_1298 : i32 to vector<16xi32>
      %eq3A_1300 = arith.cmpi eq, %iota3A, %eq3A_1299 : vector<16xi32>
      %jit3A_1301 = arith.constant 0.000000e+00 : f32
      %broadcast_in_dim3A_1302 = vector.broadcast %jit3A_1301 : f32 to vector<16xf32>
      %select_n3A_1303 = arith.select %eq3A_1300, %gather3A_1293, %broadcast_in_dim3A_1302 : vector<16xi1>, vector<16xf32>
      %select_n3A_1304 = arith.select %lt3A_1296, %mul3A_1297, %select_n3A_1303 : vector<16xi1>, vector<16xf32>
      tpu.vector_store_idx %arg16[%broadcast_in_dim3A_283, %broadcast_in_dim3A_1289, %iota3A], %select_n3A_1304 : memref<2x80x16xf32, #tpu.memory_space<vmem>>[vector<16xi32>, vector<16xi32>, vector<16xi32>], vector<16xf32>,
      %broadcast_in_dim3A_1305 = arith.constant 57 : i32
      %broadcast_in_dim3A_1306 = vector.broadcast %broadcast_in_dim3A_1305 : i32 to vector<16xi32>
      %gather3A_1307 = tpu.vector_load_idx %arg15[%broadcast_in_dim3A_283, %broadcast_in_dim3A_1306, %select_n3A_22] : memref<2x80x8xf32, #tpu.memory_space<vmem>>[vector<16xi32>, vector<16xi32>, vector<16xi32>], vector<16xf32>,
      %broadcast_in_dim3A_1308 = vector.shape_cast %broadcast_in_dim3A_45 : vector<16xi32> to vector<16x1xi32>
      %gather3A_1309 = vector.shape_cast %broadcast_in_dim3A_1308 : vector<16x1xi32> to vector<16xi32>
      %gather3A_1310 = tpu.dynamic_gather %exp3A_324[%gather3A_1309] in [0] : vector<16xf32>, vector<16xi32> -> vector<16xf32>
      %lt3A_1311 = arith.constant 8 : i32
      %lt3A_1312 = vector.broadcast %lt3A_1311 : i32 to vector<16xi32>
      %lt3A_1313 = arith.cmpi slt, %iota3A, %lt3A_1312 : vector<16xi32>
      %mul3A_1314 = arith.mulf %gather3A_1310, %gather3A_1307 : vector<16xf32>
      %eq3A_1315 = arith.constant 8 : i32
      %eq3A_1316 = vector.broadcast %eq3A_1315 : i32 to vector<16xi32>
      %eq3A_1317 = arith.cmpi eq, %iota3A, %eq3A_1316 : vector<16xi32>
      %jit3A_1318 = arith.constant 0.000000e+00 : f32
      %broadcast_in_dim3A_1319 = vector.broadcast %jit3A_1318 : f32 to vector<16xf32>
      %select_n3A_1320 = arith.select %eq3A_1317, %gather3A_1310, %broadcast_in_dim3A_1319 : vector<16xi1>, vector<16xf32>
      %select_n3A_1321 = arith.select %lt3A_1313, %mul3A_1314, %select_n3A_1320 : vector<16xi1>, vector<16xf32>
      tpu.vector_store_idx %arg16[%broadcast_in_dim3A_283, %broadcast_in_dim3A_1306, %iota3A], %select_n3A_1321 : memref<2x80x16xf32, #tpu.memory_space<vmem>>[vector<16xi32>, vector<16xi32>, vector<16xi32>], vector<16xf32>,
      %broadcast_in_dim3A_1322 = arith.constant 58 : i32
      %broadcast_in_dim3A_1323 = vector.broadcast %broadcast_in_dim3A_1322 : i32 to vector<16xi32>
      %gather3A_1324 = tpu.vector_load_idx %arg15[%broadcast_in_dim3A_283, %broadcast_in_dim3A_1323, %select_n3A_22] : memref<2x80x8xf32, #tpu.memory_space<vmem>>[vector<16xi32>, vector<16xi32>, vector<16xi32>], vector<16xf32>,
      %broadcast_in_dim3A_1325 = vector.shape_cast %broadcast_in_dim3A_47 : vector<16xi32> to vector<16x1xi32>
      %gather3A_1326 = vector.shape_cast %broadcast_in_dim3A_1325 : vector<16x1xi32> to vector<16xi32>
      %gather3A_1327 = tpu.dynamic_gather %exp3A_324[%gather3A_1326] in [0] : vector<16xf32>, vector<16xi32> -> vector<16xf32>
      %lt3A_1328 = arith.constant 8 : i32
      %lt3A_1329 = vector.broadcast %lt3A_1328 : i32 to vector<16xi32>
      %lt3A_1330 = arith.cmpi slt, %iota3A, %lt3A_1329 : vector<16xi32>
      %mul3A_1331 = arith.mulf %gather3A_1327, %gather3A_1324 : vector<16xf32>
      %eq3A_1332 = arith.constant 8 : i32
      %eq3A_1333 = vector.broadcast %eq3A_1332 : i32 to vector<16xi32>
      %eq3A_1334 = arith.cmpi eq, %iota3A, %eq3A_1333 : vector<16xi32>
      %jit3A_1335 = arith.constant 0.000000e+00 : f32
      %broadcast_in_dim3A_1336 = vector.broadcast %jit3A_1335 : f32 to vector<16xf32>
      %select_n3A_1337 = arith.select %eq3A_1334, %gather3A_1327, %broadcast_in_dim3A_1336 : vector<16xi1>, vector<16xf32>
      %select_n3A_1338 = arith.select %lt3A_1330, %mul3A_1331, %select_n3A_1337 : vector<16xi1>, vector<16xf32>
      tpu.vector_store_idx %arg16[%broadcast_in_dim3A_283, %broadcast_in_dim3A_1323, %iota3A], %select_n3A_1338 : memref<2x80x16xf32, #tpu.memory_space<vmem>>[vector<16xi32>, vector<16xi32>, vector<16xi32>], vector<16xf32>,
      %broadcast_in_dim3A_1339 = arith.constant 59 : i32
      %broadcast_in_dim3A_1340 = vector.broadcast %broadcast_in_dim3A_1339 : i32 to vector<16xi32>
      %gather3A_1341 = tpu.vector_load_idx %arg15[%broadcast_in_dim3A_283, %broadcast_in_dim3A_1340, %select_n3A_22] : memref<2x80x8xf32, #tpu.memory_space<vmem>>[vector<16xi32>, vector<16xi32>, vector<16xi32>], vector<16xf32>,
      %broadcast_in_dim3A_1342 = vector.shape_cast %broadcast_in_dim3A_49 : vector<16xi32> to vector<16x1xi32>
      %gather3A_1343 = vector.shape_cast %broadcast_in_dim3A_1342 : vector<16x1xi32> to vector<16xi32>
      %gather3A_1344 = tpu.dynamic_gather %exp3A_324[%gather3A_1343] in [0] : vector<16xf32>, vector<16xi32> -> vector<16xf32>
      %lt3A_1345 = arith.constant 8 : i32
      %lt3A_1346 = vector.broadcast %lt3A_1345 : i32 to vector<16xi32>
      %lt3A_1347 = arith.cmpi slt, %iota3A, %lt3A_1346 : vector<16xi32>
      %mul3A_1348 = arith.mulf %gather3A_1344, %gather3A_1341 : vector<16xf32>
      %eq3A_1349 = arith.constant 8 : i32
      %eq3A_1350 = vector.broadcast %eq3A_1349 : i32 to vector<16xi32>
      %eq3A_1351 = arith.cmpi eq, %iota3A, %eq3A_1350 : vector<16xi32>
      %jit3A_1352 = arith.constant 0.000000e+00 : f32
      %broadcast_in_dim3A_1353 = vector.broadcast %jit3A_1352 : f32 to vector<16xf32>
      %select_n3A_1354 = arith.select %eq3A_1351, %gather3A_1344, %broadcast_in_dim3A_1353 : vector<16xi1>, vector<16xf32>
      %select_n3A_1355 = arith.select %lt3A_1347, %mul3A_1348, %select_n3A_1354 : vector<16xi1>, vector<16xf32>
      tpu.vector_store_idx %arg16[%broadcast_in_dim3A_283, %broadcast_in_dim3A_1340, %iota3A], %select_n3A_1355 : memref<2x80x16xf32, #tpu.memory_space<vmem>>[vector<16xi32>, vector<16xi32>, vector<16xi32>], vector<16xf32>,
      %broadcast_in_dim3A_1356 = arith.constant 60 : i32
      %broadcast_in_dim3A_1357 = vector.broadcast %broadcast_in_dim3A_1356 : i32 to vector<16xi32>
      %gather3A_1358 = tpu.vector_load_idx %arg15[%broadcast_in_dim3A_283, %broadcast_in_dim3A_1357, %select_n3A_22] : memref<2x80x8xf32, #tpu.memory_space<vmem>>[vector<16xi32>, vector<16xi32>, vector<16xi32>], vector<16xf32>,
      %broadcast_in_dim3A_1359 = vector.shape_cast %broadcast_in_dim3A_51 : vector<16xi32> to vector<16x1xi32>
      %gather3A_1360 = vector.shape_cast %broadcast_in_dim3A_1359 : vector<16x1xi32> to vector<16xi32>
      %gather3A_1361 = tpu.dynamic_gather %exp3A_324[%gather3A_1360] in [0] : vector<16xf32>, vector<16xi32> -> vector<16xf32>
      %lt3A_1362 = arith.constant 8 : i32
      %lt3A_1363 = vector.broadcast %lt3A_1362 : i32 to vector<16xi32>
      %lt3A_1364 = arith.cmpi slt, %iota3A, %lt3A_1363 : vector<16xi32>
      %mul3A_1365 = arith.mulf %gather3A_1361, %gather3A_1358 : vector<16xf32>
      %eq3A_1366 = arith.constant 8 : i32
      %eq3A_1367 = vector.broadcast %eq3A_1366 : i32 to vector<16xi32>
      %eq3A_1368 = arith.cmpi eq, %iota3A, %eq3A_1367 : vector<16xi32>
      %jit3A_1369 = arith.constant 0.000000e+00 : f32
      %broadcast_in_dim3A_1370 = vector.broadcast %jit3A_1369 : f32 to vector<16xf32>
      %select_n3A_1371 = arith.select %eq3A_1368, %gather3A_1361, %broadcast_in_dim3A_1370 : vector<16xi1>, vector<16xf32>
      %select_n3A_1372 = arith.select %lt3A_1364, %mul3A_1365, %select_n3A_1371 : vector<16xi1>, vector<16xf32>
      tpu.vector_store_idx %arg16[%broadcast_in_dim3A_283, %broadcast_in_dim3A_1357, %iota3A], %select_n3A_1372 : memref<2x80x16xf32, #tpu.memory_space<vmem>>[vector<16xi32>, vector<16xi32>, vector<16xi32>], vector<16xf32>,
      %broadcast_in_dim3A_1373 = arith.constant 61 : i32
      %broadcast_in_dim3A_1374 = vector.broadcast %broadcast_in_dim3A_1373 : i32 to vector<16xi32>
      %gather3A_1375 = tpu.vector_load_idx %arg15[%broadcast_in_dim3A_283, %broadcast_in_dim3A_1374, %select_n3A_22] : memref<2x80x8xf32, #tpu.memory_space<vmem>>[vector<16xi32>, vector<16xi32>, vector<16xi32>], vector<16xf32>,
      %broadcast_in_dim3A_1376 = vector.shape_cast %broadcast_in_dim3A_53 : vector<16xi32> to vector<16x1xi32>
      %gather3A_1377 = vector.shape_cast %broadcast_in_dim3A_1376 : vector<16x1xi32> to vector<16xi32>
      %gather3A_1378 = tpu.dynamic_gather %exp3A_324[%gather3A_1377] in [0] : vector<16xf32>, vector<16xi32> -> vector<16xf32>
      %lt3A_1379 = arith.constant 8 : i32
      %lt3A_1380 = vector.broadcast %lt3A_1379 : i32 to vector<16xi32>
      %lt3A_1381 = arith.cmpi slt, %iota3A, %lt3A_1380 : vector<16xi32>
      %mul3A_1382 = arith.mulf %gather3A_1378, %gather3A_1375 : vector<16xf32>
      %eq3A_1383 = arith.constant 8 : i32
      %eq3A_1384 = vector.broadcast %eq3A_1383 : i32 to vector<16xi32>
      %eq3A_1385 = arith.cmpi eq, %iota3A, %eq3A_1384 : vector<16xi32>
      %jit3A_1386 = arith.constant 0.000000e+00 : f32
      %broadcast_in_dim3A_1387 = vector.broadcast %jit3A_1386 : f32 to vector<16xf32>
      %select_n3A_1388 = arith.select %eq3A_1385, %gather3A_1378, %broadcast_in_dim3A_1387 : vector<16xi1>, vector<16xf32>
      %select_n3A_1389 = arith.select %lt3A_1381, %mul3A_1382, %select_n3A_1388 : vector<16xi1>, vector<16xf32>
      tpu.vector_store_idx %arg16[%broadcast_in_dim3A_283, %broadcast_in_dim3A_1374, %iota3A], %select_n3A_1389 : memref<2x80x16xf32, #tpu.memory_space<vmem>>[vector<16xi32>, vector<16xi32>, vector<16xi32>], vector<16xf32>,
      %broadcast_in_dim3A_1390 = arith.constant 62 : i32
      %broadcast_in_dim3A_1391 = vector.broadcast %broadcast_in_dim3A_1390 : i32 to vector<16xi32>
      %gather3A_1392 = tpu.vector_load_idx %arg15[%broadcast_in_dim3A_283, %broadcast_in_dim3A_1391, %select_n3A_22] : memref<2x80x8xf32, #tpu.memory_space<vmem>>[vector<16xi32>, vector<16xi32>, vector<16xi32>], vector<16xf32>,
      %broadcast_in_dim3A_1393 = vector.shape_cast %broadcast_in_dim3A_55 : vector<16xi32> to vector<16x1xi32>
      %gather3A_1394 = vector.shape_cast %broadcast_in_dim3A_1393 : vector<16x1xi32> to vector<16xi32>
      %gather3A_1395 = tpu.dynamic_gather %exp3A_324[%gather3A_1394] in [0] : vector<16xf32>, vector<16xi32> -> vector<16xf32>
      %lt3A_1396 = arith.constant 8 : i32
      %lt3A_1397 = vector.broadcast %lt3A_1396 : i32 to vector<16xi32>
      %lt3A_1398 = arith.cmpi slt, %iota3A, %lt3A_1397 : vector<16xi32>
      %mul3A_1399 = arith.mulf %gather3A_1395, %gather3A_1392 : vector<16xf32>
      %eq3A_1400 = arith.constant 8 : i32
      %eq3A_1401 = vector.broadcast %eq3A_1400 : i32 to vector<16xi32>
      %eq3A_1402 = arith.cmpi eq, %iota3A, %eq3A_1401 : vector<16xi32>
      %jit3A_1403 = arith.constant 0.000000e+00 : f32
      %broadcast_in_dim3A_1404 = vector.broadcast %jit3A_1403 : f32 to vector<16xf32>
      %select_n3A_1405 = arith.select %eq3A_1402, %gather3A_1395, %broadcast_in_dim3A_1404 : vector<16xi1>, vector<16xf32>
      %select_n3A_1406 = arith.select %lt3A_1398, %mul3A_1399, %select_n3A_1405 : vector<16xi1>, vector<16xf32>
      tpu.vector_store_idx %arg16[%broadcast_in_dim3A_283, %broadcast_in_dim3A_1391, %iota3A], %select_n3A_1406 : memref<2x80x16xf32, #tpu.memory_space<vmem>>[vector<16xi32>, vector<16xi32>, vector<16xi32>], vector<16xf32>,
      %broadcast_in_dim3A_1407 = arith.constant 63 : i32
      %broadcast_in_dim3A_1408 = vector.broadcast %broadcast_in_dim3A_1407 : i32 to vector<16xi32>
      %gather3A_1409 = tpu.vector_load_idx %arg15[%broadcast_in_dim3A_283, %broadcast_in_dim3A_1408, %select_n3A_22] : memref<2x80x8xf32, #tpu.memory_space<vmem>>[vector<16xi32>, vector<16xi32>, vector<16xi32>], vector<16xf32>,
      %broadcast_in_dim3A_1410 = vector.shape_cast %broadcast_in_dim3A_57 : vector<16xi32> to vector<16x1xi32>
      %gather3A_1411 = vector.shape_cast %broadcast_in_dim3A_1410 : vector<16x1xi32> to vector<16xi32>
      %gather3A_1412 = tpu.dynamic_gather %exp3A_324[%gather3A_1411] in [0] : vector<16xf32>, vector<16xi32> -> vector<16xf32>
      %lt3A_1413 = arith.constant 8 : i32
      %lt3A_1414 = vector.broadcast %lt3A_1413 : i32 to vector<16xi32>
      %lt3A_1415 = arith.cmpi slt, %iota3A, %lt3A_1414 : vector<16xi32>
      %mul3A_1416 = arith.mulf %gather3A_1412, %gather3A_1409 : vector<16xf32>
      %eq3A_1417 = arith.constant 8 : i32
      %eq3A_1418 = vector.broadcast %eq3A_1417 : i32 to vector<16xi32>
      %eq3A_1419 = arith.cmpi eq, %iota3A, %eq3A_1418 : vector<16xi32>
      %jit3A_1420 = arith.constant 0.000000e+00 : f32
      %broadcast_in_dim3A_1421 = vector.broadcast %jit3A_1420 : f32 to vector<16xf32>
      %select_n3A_1422 = arith.select %eq3A_1419, %gather3A_1412, %broadcast_in_dim3A_1421 : vector<16xi1>, vector<16xf32>
      %select_n3A_1423 = arith.select %lt3A_1415, %mul3A_1416, %select_n3A_1422 : vector<16xi1>, vector<16xf32>
      tpu.vector_store_idx %arg16[%broadcast_in_dim3A_283, %broadcast_in_dim3A_1408, %iota3A], %select_n3A_1423 : memref<2x80x16xf32, #tpu.memory_space<vmem>>[vector<16xi32>, vector<16xi32>, vector<16xi32>], vector<16xf32>,
      %broadcast_in_dim3A_1424 = arith.constant 64 : i32
      %broadcast_in_dim3A_1425 = vector.broadcast %broadcast_in_dim3A_1424 : i32 to vector<16xi32>
      %gather3A_1426 = tpu.vector_load_idx %arg15[%broadcast_in_dim3A_283, %broadcast_in_dim3A_1425, %select_n3A_22] : memref<2x80x8xf32, #tpu.memory_space<vmem>>[vector<16xi32>, vector<16xi32>, vector<16xi32>], vector<16xf32>,
      %broadcast_in_dim3A_1427 = vector.shape_cast %broadcast_in_dim3A_27 : vector<16xi32> to vector<16x1xi32>
      %gather3A_1428 = vector.shape_cast %broadcast_in_dim3A_1427 : vector<16x1xi32> to vector<16xi32>
      %gather3A_1429 = tpu.dynamic_gather %exp3A_335[%gather3A_1428] in [0] : vector<16xf32>, vector<16xi32> -> vector<16xf32>
      %lt3A_1430 = arith.constant 8 : i32
      %lt3A_1431 = vector.broadcast %lt3A_1430 : i32 to vector<16xi32>
      %lt3A_1432 = arith.cmpi slt, %iota3A, %lt3A_1431 : vector<16xi32>
      %mul3A_1433 = arith.mulf %gather3A_1429, %gather3A_1426 : vector<16xf32>
      %eq3A_1434 = arith.constant 8 : i32
      %eq3A_1435 = vector.broadcast %eq3A_1434 : i32 to vector<16xi32>
      %eq3A_1436 = arith.cmpi eq, %iota3A, %eq3A_1435 : vector<16xi32>
      %jit3A_1437 = arith.constant 0.000000e+00 : f32
      %broadcast_in_dim3A_1438 = vector.broadcast %jit3A_1437 : f32 to vector<16xf32>
      %select_n3A_1439 = arith.select %eq3A_1436, %gather3A_1429, %broadcast_in_dim3A_1438 : vector<16xi1>, vector<16xf32>
      %select_n3A_1440 = arith.select %lt3A_1432, %mul3A_1433, %select_n3A_1439 : vector<16xi1>, vector<16xf32>
      tpu.vector_store_idx %arg16[%broadcast_in_dim3A_283, %broadcast_in_dim3A_1425, %iota3A], %select_n3A_1440 : memref<2x80x16xf32, #tpu.memory_space<vmem>>[vector<16xi32>, vector<16xi32>, vector<16xi32>], vector<16xf32>,
      %broadcast_in_dim3A_1441 = arith.constant 65 : i32
      %broadcast_in_dim3A_1442 = vector.broadcast %broadcast_in_dim3A_1441 : i32 to vector<16xi32>
      %gather3A_1443 = tpu.vector_load_idx %arg15[%broadcast_in_dim3A_283, %broadcast_in_dim3A_1442, %select_n3A_22] : memref<2x80x8xf32, #tpu.memory_space<vmem>>[vector<16xi32>, vector<16xi32>, vector<16xi32>], vector<16xf32>,
      %broadcast_in_dim3A_1444 = vector.shape_cast %broadcast_in_dim3A_29 : vector<16xi32> to vector<16x1xi32>
      %gather3A_1445 = vector.shape_cast %broadcast_in_dim3A_1444 : vector<16x1xi32> to vector<16xi32>
      %gather3A_1446 = tpu.dynamic_gather %exp3A_335[%gather3A_1445] in [0] : vector<16xf32>, vector<16xi32> -> vector<16xf32>
      %lt3A_1447 = arith.constant 8 : i32
      %lt3A_1448 = vector.broadcast %lt3A_1447 : i32 to vector<16xi32>
      %lt3A_1449 = arith.cmpi slt, %iota3A, %lt3A_1448 : vector<16xi32>
      %mul3A_1450 = arith.mulf %gather3A_1446, %gather3A_1443 : vector<16xf32>
      %eq3A_1451 = arith.constant 8 : i32
      %eq3A_1452 = vector.broadcast %eq3A_1451 : i32 to vector<16xi32>
      %eq3A_1453 = arith.cmpi eq, %iota3A, %eq3A_1452 : vector<16xi32>
      %jit3A_1454 = arith.constant 0.000000e+00 : f32
      %broadcast_in_dim3A_1455 = vector.broadcast %jit3A_1454 : f32 to vector<16xf32>
      %select_n3A_1456 = arith.select %eq3A_1453, %gather3A_1446, %broadcast_in_dim3A_1455 : vector<16xi1>, vector<16xf32>
      %select_n3A_1457 = arith.select %lt3A_1449, %mul3A_1450, %select_n3A_1456 : vector<16xi1>, vector<16xf32>
      tpu.vector_store_idx %arg16[%broadcast_in_dim3A_283, %broadcast_in_dim3A_1442, %iota3A], %select_n3A_1457 : memref<2x80x16xf32, #tpu.memory_space<vmem>>[vector<16xi32>, vector<16xi32>, vector<16xi32>], vector<16xf32>,
      %broadcast_in_dim3A_1458 = arith.constant 66 : i32
      %broadcast_in_dim3A_1459 = vector.broadcast %broadcast_in_dim3A_1458 : i32 to vector<16xi32>
      %gather3A_1460 = tpu.vector_load_idx %arg15[%broadcast_in_dim3A_283, %broadcast_in_dim3A_1459, %select_n3A_22] : memref<2x80x8xf32, #tpu.memory_space<vmem>>[vector<16xi32>, vector<16xi32>, vector<16xi32>], vector<16xf32>,
      %broadcast_in_dim3A_1461 = vector.shape_cast %broadcast_in_dim3A_31 : vector<16xi32> to vector<16x1xi32>
      %gather3A_1462 = vector.shape_cast %broadcast_in_dim3A_1461 : vector<16x1xi32> to vector<16xi32>
      %gather3A_1463 = tpu.dynamic_gather %exp3A_335[%gather3A_1462] in [0] : vector<16xf32>, vector<16xi32> -> vector<16xf32>
      %lt3A_1464 = arith.constant 8 : i32
      %lt3A_1465 = vector.broadcast %lt3A_1464 : i32 to vector<16xi32>
      %lt3A_1466 = arith.cmpi slt, %iota3A, %lt3A_1465 : vector<16xi32>
      %mul3A_1467 = arith.mulf %gather3A_1463, %gather3A_1460 : vector<16xf32>
      %eq3A_1468 = arith.constant 8 : i32
      %eq3A_1469 = vector.broadcast %eq3A_1468 : i32 to vector<16xi32>
      %eq3A_1470 = arith.cmpi eq, %iota3A, %eq3A_1469 : vector<16xi32>
      %jit3A_1471 = arith.constant 0.000000e+00 : f32
      %broadcast_in_dim3A_1472 = vector.broadcast %jit3A_1471 : f32 to vector<16xf32>
      %select_n3A_1473 = arith.select %eq3A_1470, %gather3A_1463, %broadcast_in_dim3A_1472 : vector<16xi1>, vector<16xf32>
      %select_n3A_1474 = arith.select %lt3A_1466, %mul3A_1467, %select_n3A_1473 : vector<16xi1>, vector<16xf32>
      tpu.vector_store_idx %arg16[%broadcast_in_dim3A_283, %broadcast_in_dim3A_1459, %iota3A], %select_n3A_1474 : memref<2x80x16xf32, #tpu.memory_space<vmem>>[vector<16xi32>, vector<16xi32>, vector<16xi32>], vector<16xf32>,
      %broadcast_in_dim3A_1475 = arith.constant 67 : i32
      %broadcast_in_dim3A_1476 = vector.broadcast %broadcast_in_dim3A_1475 : i32 to vector<16xi32>
      %gather3A_1477 = tpu.vector_load_idx %arg15[%broadcast_in_dim3A_283, %broadcast_in_dim3A_1476, %select_n3A_22] : memref<2x80x8xf32, #tpu.memory_space<vmem>>[vector<16xi32>, vector<16xi32>, vector<16xi32>], vector<16xf32>,
      %broadcast_in_dim3A_1478 = vector.shape_cast %broadcast_in_dim3A_33 : vector<16xi32> to vector<16x1xi32>
      %gather3A_1479 = vector.shape_cast %broadcast_in_dim3A_1478 : vector<16x1xi32> to vector<16xi32>
      %gather3A_1480 = tpu.dynamic_gather %exp3A_335[%gather3A_1479] in [0] : vector<16xf32>, vector<16xi32> -> vector<16xf32>
      %lt3A_1481 = arith.constant 8 : i32
      %lt3A_1482 = vector.broadcast %lt3A_1481 : i32 to vector<16xi32>
      %lt3A_1483 = arith.cmpi slt, %iota3A, %lt3A_1482 : vector<16xi32>
      %mul3A_1484 = arith.mulf %gather3A_1480, %gather3A_1477 : vector<16xf32>
      %eq3A_1485 = arith.constant 8 : i32
      %eq3A_1486 = vector.broadcast %eq3A_1485 : i32 to vector<16xi32>
      %eq3A_1487 = arith.cmpi eq, %iota3A, %eq3A_1486 : vector<16xi32>
      %jit3A_1488 = arith.constant 0.000000e+00 : f32
      %broadcast_in_dim3A_1489 = vector.broadcast %jit3A_1488 : f32 to vector<16xf32>
      %select_n3A_1490 = arith.select %eq3A_1487, %gather3A_1480, %broadcast_in_dim3A_1489 : vector<16xi1>, vector<16xf32>
      %select_n3A_1491 = arith.select %lt3A_1483, %mul3A_1484, %select_n3A_1490 : vector<16xi1>, vector<16xf32>
      tpu.vector_store_idx %arg16[%broadcast_in_dim3A_283, %broadcast_in_dim3A_1476, %iota3A], %select_n3A_1491 : memref<2x80x16xf32, #tpu.memory_space<vmem>>[vector<16xi32>, vector<16xi32>, vector<16xi32>], vector<16xf32>,
      %broadcast_in_dim3A_1492 = arith.constant 68 : i32
      %broadcast_in_dim3A_1493 = vector.broadcast %broadcast_in_dim3A_1492 : i32 to vector<16xi32>
      %gather3A_1494 = tpu.vector_load_idx %arg15[%broadcast_in_dim3A_283, %broadcast_in_dim3A_1493, %select_n3A_22] : memref<2x80x8xf32, #tpu.memory_space<vmem>>[vector<16xi32>, vector<16xi32>, vector<16xi32>], vector<16xf32>,
      %broadcast_in_dim3A_1495 = vector.shape_cast %broadcast_in_dim3A_35 : vector<16xi32> to vector<16x1xi32>
      %gather3A_1496 = vector.shape_cast %broadcast_in_dim3A_1495 : vector<16x1xi32> to vector<16xi32>
      %gather3A_1497 = tpu.dynamic_gather %exp3A_335[%gather3A_1496] in [0] : vector<16xf32>, vector<16xi32> -> vector<16xf32>
      %lt3A_1498 = arith.constant 8 : i32
      %lt3A_1499 = vector.broadcast %lt3A_1498 : i32 to vector<16xi32>
      %lt3A_1500 = arith.cmpi slt, %iota3A, %lt3A_1499 : vector<16xi32>
      %mul3A_1501 = arith.mulf %gather3A_1497, %gather3A_1494 : vector<16xf32>
      %eq3A_1502 = arith.constant 8 : i32
      %eq3A_1503 = vector.broadcast %eq3A_1502 : i32 to vector<16xi32>
      %eq3A_1504 = arith.cmpi eq, %iota3A, %eq3A_1503 : vector<16xi32>
      %jit3A_1505 = arith.constant 0.000000e+00 : f32
      %broadcast_in_dim3A_1506 = vector.broadcast %jit3A_1505 : f32 to vector<16xf32>
      %select_n3A_1507 = arith.select %eq3A_1504, %gather3A_1497, %broadcast_in_dim3A_1506 : vector<16xi1>, vector<16xf32>
      %select_n3A_1508 = arith.select %lt3A_1500, %mul3A_1501, %select_n3A_1507 : vector<16xi1>, vector<16xf32>
      tpu.vector_store_idx %arg16[%broadcast_in_dim3A_283, %broadcast_in_dim3A_1493, %iota3A], %select_n3A_1508 : memref<2x80x16xf32, #tpu.memory_space<vmem>>[vector<16xi32>, vector<16xi32>, vector<16xi32>], vector<16xf32>,
      %broadcast_in_dim3A_1509 = arith.constant 69 : i32
      %broadcast_in_dim3A_1510 = vector.broadcast %broadcast_in_dim3A_1509 : i32 to vector<16xi32>
      %gather3A_1511 = tpu.vector_load_idx %arg15[%broadcast_in_dim3A_283, %broadcast_in_dim3A_1510, %select_n3A_22] : memref<2x80x8xf32, #tpu.memory_space<vmem>>[vector<16xi32>, vector<16xi32>, vector<16xi32>], vector<16xf32>,
      %broadcast_in_dim3A_1512 = vector.shape_cast %broadcast_in_dim3A_37 : vector<16xi32> to vector<16x1xi32>
      %gather3A_1513 = vector.shape_cast %broadcast_in_dim3A_1512 : vector<16x1xi32> to vector<16xi32>
      %gather3A_1514 = tpu.dynamic_gather %exp3A_335[%gather3A_1513] in [0] : vector<16xf32>, vector<16xi32> -> vector<16xf32>
      %lt3A_1515 = arith.constant 8 : i32
      %lt3A_1516 = vector.broadcast %lt3A_1515 : i32 to vector<16xi32>
      %lt3A_1517 = arith.cmpi slt, %iota3A, %lt3A_1516 : vector<16xi32>
      %mul3A_1518 = arith.mulf %gather3A_1514, %gather3A_1511 : vector<16xf32>
      %eq3A_1519 = arith.constant 8 : i32
      %eq3A_1520 = vector.broadcast %eq3A_1519 : i32 to vector<16xi32>
      %eq3A_1521 = arith.cmpi eq, %iota3A, %eq3A_1520 : vector<16xi32>
      %jit3A_1522 = arith.constant 0.000000e+00 : f32
      %broadcast_in_dim3A_1523 = vector.broadcast %jit3A_1522 : f32 to vector<16xf32>
      %select_n3A_1524 = arith.select %eq3A_1521, %gather3A_1514, %broadcast_in_dim3A_1523 : vector<16xi1>, vector<16xf32>
      %select_n3A_1525 = arith.select %lt3A_1517, %mul3A_1518, %select_n3A_1524 : vector<16xi1>, vector<16xf32>
      tpu.vector_store_idx %arg16[%broadcast_in_dim3A_283, %broadcast_in_dim3A_1510, %iota3A], %select_n3A_1525 : memref<2x80x16xf32, #tpu.memory_space<vmem>>[vector<16xi32>, vector<16xi32>, vector<16xi32>], vector<16xf32>,
      %broadcast_in_dim3A_1526 = arith.constant 70 : i32
      %broadcast_in_dim3A_1527 = vector.broadcast %broadcast_in_dim3A_1526 : i32 to vector<16xi32>
      %gather3A_1528 = tpu.vector_load_idx %arg15[%broadcast_in_dim3A_283, %broadcast_in_dim3A_1527, %select_n3A_22] : memref<2x80x8xf32, #tpu.memory_space<vmem>>[vector<16xi32>, vector<16xi32>, vector<16xi32>], vector<16xf32>,
      %broadcast_in_dim3A_1529 = vector.shape_cast %broadcast_in_dim3A_39 : vector<16xi32> to vector<16x1xi32>
      %gather3A_1530 = vector.shape_cast %broadcast_in_dim3A_1529 : vector<16x1xi32> to vector<16xi32>
      %gather3A_1531 = tpu.dynamic_gather %exp3A_335[%gather3A_1530] in [0] : vector<16xf32>, vector<16xi32> -> vector<16xf32>
      %lt3A_1532 = arith.constant 8 : i32
      %lt3A_1533 = vector.broadcast %lt3A_1532 : i32 to vector<16xi32>
      %lt3A_1534 = arith.cmpi slt, %iota3A, %lt3A_1533 : vector<16xi32>
      %mul3A_1535 = arith.mulf %gather3A_1531, %gather3A_1528 : vector<16xf32>
      %eq3A_1536 = arith.constant 8 : i32
      %eq3A_1537 = vector.broadcast %eq3A_1536 : i32 to vector<16xi32>
      %eq3A_1538 = arith.cmpi eq, %iota3A, %eq3A_1537 : vector<16xi32>
      %jit3A_1539 = arith.constant 0.000000e+00 : f32
      %broadcast_in_dim3A_1540 = vector.broadcast %jit3A_1539 : f32 to vector<16xf32>
      %select_n3A_1541 = arith.select %eq3A_1538, %gather3A_1531, %broadcast_in_dim3A_1540 : vector<16xi1>, vector<16xf32>
      %select_n3A_1542 = arith.select %lt3A_1534, %mul3A_1535, %select_n3A_1541 : vector<16xi1>, vector<16xf32>
      tpu.vector_store_idx %arg16[%broadcast_in_dim3A_283, %broadcast_in_dim3A_1527, %iota3A], %select_n3A_1542 : memref<2x80x16xf32, #tpu.memory_space<vmem>>[vector<16xi32>, vector<16xi32>, vector<16xi32>], vector<16xf32>,
      %broadcast_in_dim3A_1543 = arith.constant 71 : i32
      %broadcast_in_dim3A_1544 = vector.broadcast %broadcast_in_dim3A_1543 : i32 to vector<16xi32>
      %gather3A_1545 = tpu.vector_load_idx %arg15[%broadcast_in_dim3A_283, %broadcast_in_dim3A_1544, %select_n3A_22] : memref<2x80x8xf32, #tpu.memory_space<vmem>>[vector<16xi32>, vector<16xi32>, vector<16xi32>], vector<16xf32>,
      %broadcast_in_dim3A_1546 = vector.shape_cast %broadcast_in_dim3A_41 : vector<16xi32> to vector<16x1xi32>
      %gather3A_1547 = vector.shape_cast %broadcast_in_dim3A_1546 : vector<16x1xi32> to vector<16xi32>
      %gather3A_1548 = tpu.dynamic_gather %exp3A_335[%gather3A_1547] in [0] : vector<16xf32>, vector<16xi32> -> vector<16xf32>
      %lt3A_1549 = arith.constant 8 : i32
      %lt3A_1550 = vector.broadcast %lt3A_1549 : i32 to vector<16xi32>
      %lt3A_1551 = arith.cmpi slt, %iota3A, %lt3A_1550 : vector<16xi32>
      %mul3A_1552 = arith.mulf %gather3A_1548, %gather3A_1545 : vector<16xf32>
      %eq3A_1553 = arith.constant 8 : i32
      %eq3A_1554 = vector.broadcast %eq3A_1553 : i32 to vector<16xi32>
      %eq3A_1555 = arith.cmpi eq, %iota3A, %eq3A_1554 : vector<16xi32>
      %jit3A_1556 = arith.constant 0.000000e+00 : f32
      %broadcast_in_dim3A_1557 = vector.broadcast %jit3A_1556 : f32 to vector<16xf32>
      %select_n3A_1558 = arith.select %eq3A_1555, %gather3A_1548, %broadcast_in_dim3A_1557 : vector<16xi1>, vector<16xf32>
      %select_n3A_1559 = arith.select %lt3A_1551, %mul3A_1552, %select_n3A_1558 : vector<16xi1>, vector<16xf32>
      tpu.vector_store_idx %arg16[%broadcast_in_dim3A_283, %broadcast_in_dim3A_1544, %iota3A], %select_n3A_1559 : memref<2x80x16xf32, #tpu.memory_space<vmem>>[vector<16xi32>, vector<16xi32>, vector<16xi32>], vector<16xf32>,
      %broadcast_in_dim3A_1560 = arith.constant 72 : i32
      %broadcast_in_dim3A_1561 = vector.broadcast %broadcast_in_dim3A_1560 : i32 to vector<16xi32>
      %gather3A_1562 = tpu.vector_load_idx %arg15[%broadcast_in_dim3A_283, %broadcast_in_dim3A_1561, %select_n3A_22] : memref<2x80x8xf32, #tpu.memory_space<vmem>>[vector<16xi32>, vector<16xi32>, vector<16xi32>], vector<16xf32>,
      %broadcast_in_dim3A_1563 = vector.shape_cast %broadcast_in_dim3A_43 : vector<16xi32> to vector<16x1xi32>
      %gather3A_1564 = vector.shape_cast %broadcast_in_dim3A_1563 : vector<16x1xi32> to vector<16xi32>
      %gather3A_1565 = tpu.dynamic_gather %exp3A_335[%gather3A_1564] in [0] : vector<16xf32>, vector<16xi32> -> vector<16xf32>
      %lt3A_1566 = arith.constant 8 : i32
      %lt3A_1567 = vector.broadcast %lt3A_1566 : i32 to vector<16xi32>
      %lt3A_1568 = arith.cmpi slt, %iota3A, %lt3A_1567 : vector<16xi32>
      %mul3A_1569 = arith.mulf %gather3A_1565, %gather3A_1562 : vector<16xf32>
      %eq3A_1570 = arith.constant 8 : i32
      %eq3A_1571 = vector.broadcast %eq3A_1570 : i32 to vector<16xi32>
      %eq3A_1572 = arith.cmpi eq, %iota3A, %eq3A_1571 : vector<16xi32>
      %jit3A_1573 = arith.constant 0.000000e+00 : f32
      %broadcast_in_dim3A_1574 = vector.broadcast %jit3A_1573 : f32 to vector<16xf32>
      %select_n3A_1575 = arith.select %eq3A_1572, %gather3A_1565, %broadcast_in_dim3A_1574 : vector<16xi1>, vector<16xf32>
      %select_n3A_1576 = arith.select %lt3A_1568, %mul3A_1569, %select_n3A_1575 : vector<16xi1>, vector<16xf32>
      tpu.vector_store_idx %arg16[%broadcast_in_dim3A_283, %broadcast_in_dim3A_1561, %iota3A], %select_n3A_1576 : memref<2x80x16xf32, #tpu.memory_space<vmem>>[vector<16xi32>, vector<16xi32>, vector<16xi32>], vector<16xf32>,
      %broadcast_in_dim3A_1577 = arith.constant 73 : i32
      %broadcast_in_dim3A_1578 = vector.broadcast %broadcast_in_dim3A_1577 : i32 to vector<16xi32>
      %gather3A_1579 = tpu.vector_load_idx %arg15[%broadcast_in_dim3A_283, %broadcast_in_dim3A_1578, %select_n3A_22] : memref<2x80x8xf32, #tpu.memory_space<vmem>>[vector<16xi32>, vector<16xi32>, vector<16xi32>], vector<16xf32>,
      %broadcast_in_dim3A_1580 = vector.shape_cast %broadcast_in_dim3A_45 : vector<16xi32> to vector<16x1xi32>
      %gather3A_1581 = vector.shape_cast %broadcast_in_dim3A_1580 : vector<16x1xi32> to vector<16xi32>
      %gather3A_1582 = tpu.dynamic_gather %exp3A_335[%gather3A_1581] in [0] : vector<16xf32>, vector<16xi32> -> vector<16xf32>
      %lt3A_1583 = arith.constant 8 : i32
      %lt3A_1584 = vector.broadcast %lt3A_1583 : i32 to vector<16xi32>
      %lt3A_1585 = arith.cmpi slt, %iota3A, %lt3A_1584 : vector<16xi32>
      %mul3A_1586 = arith.mulf %gather3A_1582, %gather3A_1579 : vector<16xf32>
      %eq3A_1587 = arith.constant 8 : i32
      %eq3A_1588 = vector.broadcast %eq3A_1587 : i32 to vector<16xi32>
      %eq3A_1589 = arith.cmpi eq, %iota3A, %eq3A_1588 : vector<16xi32>
      %jit3A_1590 = arith.constant 0.000000e+00 : f32
      %broadcast_in_dim3A_1591 = vector.broadcast %jit3A_1590 : f32 to vector<16xf32>
      %select_n3A_1592 = arith.select %eq3A_1589, %gather3A_1582, %broadcast_in_dim3A_1591 : vector<16xi1>, vector<16xf32>
      %select_n3A_1593 = arith.select %lt3A_1585, %mul3A_1586, %select_n3A_1592 : vector<16xi1>, vector<16xf32>
      tpu.vector_store_idx %arg16[%broadcast_in_dim3A_283, %broadcast_in_dim3A_1578, %iota3A], %select_n3A_1593 : memref<2x80x16xf32, #tpu.memory_space<vmem>>[vector<16xi32>, vector<16xi32>, vector<16xi32>], vector<16xf32>,
      %broadcast_in_dim3A_1594 = arith.constant 74 : i32
      %broadcast_in_dim3A_1595 = vector.broadcast %broadcast_in_dim3A_1594 : i32 to vector<16xi32>
      %gather3A_1596 = tpu.vector_load_idx %arg15[%broadcast_in_dim3A_283, %broadcast_in_dim3A_1595, %select_n3A_22] : memref<2x80x8xf32, #tpu.memory_space<vmem>>[vector<16xi32>, vector<16xi32>, vector<16xi32>], vector<16xf32>,
      %broadcast_in_dim3A_1597 = vector.shape_cast %broadcast_in_dim3A_47 : vector<16xi32> to vector<16x1xi32>
      %gather3A_1598 = vector.shape_cast %broadcast_in_dim3A_1597 : vector<16x1xi32> to vector<16xi32>
      %gather3A_1599 = tpu.dynamic_gather %exp3A_335[%gather3A_1598] in [0] : vector<16xf32>, vector<16xi32> -> vector<16xf32>
      %lt3A_1600 = arith.constant 8 : i32
      %lt3A_1601 = vector.broadcast %lt3A_1600 : i32 to vector<16xi32>
      %lt3A_1602 = arith.cmpi slt, %iota3A, %lt3A_1601 : vector<16xi32>
      %mul3A_1603 = arith.mulf %gather3A_1599, %gather3A_1596 : vector<16xf32>
      %eq3A_1604 = arith.constant 8 : i32
      %eq3A_1605 = vector.broadcast %eq3A_1604 : i32 to vector<16xi32>
      %eq3A_1606 = arith.cmpi eq, %iota3A, %eq3A_1605 : vector<16xi32>
      %jit3A_1607 = arith.constant 0.000000e+00 : f32
      %broadcast_in_dim3A_1608 = vector.broadcast %jit3A_1607 : f32 to vector<16xf32>
      %select_n3A_1609 = arith.select %eq3A_1606, %gather3A_1599, %broadcast_in_dim3A_1608 : vector<16xi1>, vector<16xf32>
      %select_n3A_1610 = arith.select %lt3A_1602, %mul3A_1603, %select_n3A_1609 : vector<16xi1>, vector<16xf32>
      tpu.vector_store_idx %arg16[%broadcast_in_dim3A_283, %broadcast_in_dim3A_1595, %iota3A], %select_n3A_1610 : memref<2x80x16xf32, #tpu.memory_space<vmem>>[vector<16xi32>, vector<16xi32>, vector<16xi32>], vector<16xf32>,
      %broadcast_in_dim3A_1611 = arith.constant 75 : i32
      %broadcast_in_dim3A_1612 = vector.broadcast %broadcast_in_dim3A_1611 : i32 to vector<16xi32>
      %gather3A_1613 = tpu.vector_load_idx %arg15[%broadcast_in_dim3A_283, %broadcast_in_dim3A_1612, %select_n3A_22] : memref<2x80x8xf32, #tpu.memory_space<vmem>>[vector<16xi32>, vector<16xi32>, vector<16xi32>], vector<16xf32>,
      %broadcast_in_dim3A_1614 = vector.shape_cast %broadcast_in_dim3A_49 : vector<16xi32> to vector<16x1xi32>
      %gather3A_1615 = vector.shape_cast %broadcast_in_dim3A_1614 : vector<16x1xi32> to vector<16xi32>
      %gather3A_1616 = tpu.dynamic_gather %exp3A_335[%gather3A_1615] in [0] : vector<16xf32>, vector<16xi32> -> vector<16xf32>
      %lt3A_1617 = arith.constant 8 : i32
      %lt3A_1618 = vector.broadcast %lt3A_1617 : i32 to vector<16xi32>
      %lt3A_1619 = arith.cmpi slt, %iota3A, %lt3A_1618 : vector<16xi32>
      %mul3A_1620 = arith.mulf %gather3A_1616, %gather3A_1613 : vector<16xf32>
      %eq3A_1621 = arith.constant 8 : i32
      %eq3A_1622 = vector.broadcast %eq3A_1621 : i32 to vector<16xi32>
      %eq3A_1623 = arith.cmpi eq, %iota3A, %eq3A_1622 : vector<16xi32>
      %jit3A_1624 = arith.constant 0.000000e+00 : f32
      %broadcast_in_dim3A_1625 = vector.broadcast %jit3A_1624 : f32 to vector<16xf32>
      %select_n3A_1626 = arith.select %eq3A_1623, %gather3A_1616, %broadcast_in_dim3A_1625 : vector<16xi1>, vector<16xf32>
      %select_n3A_1627 = arith.select %lt3A_1619, %mul3A_1620, %select_n3A_1626 : vector<16xi1>, vector<16xf32>
      tpu.vector_store_idx %arg16[%broadcast_in_dim3A_283, %broadcast_in_dim3A_1612, %iota3A], %select_n3A_1627 : memref<2x80x16xf32, #tpu.memory_space<vmem>>[vector<16xi32>, vector<16xi32>, vector<16xi32>], vector<16xf32>,
      %broadcast_in_dim3A_1628 = arith.constant 76 : i32
      %broadcast_in_dim3A_1629 = vector.broadcast %broadcast_in_dim3A_1628 : i32 to vector<16xi32>
      %gather3A_1630 = tpu.vector_load_idx %arg15[%broadcast_in_dim3A_283, %broadcast_in_dim3A_1629, %select_n3A_22] : memref<2x80x8xf32, #tpu.memory_space<vmem>>[vector<16xi32>, vector<16xi32>, vector<16xi32>], vector<16xf32>,
      %broadcast_in_dim3A_1631 = vector.shape_cast %broadcast_in_dim3A_51 : vector<16xi32> to vector<16x1xi32>
      %gather3A_1632 = vector.shape_cast %broadcast_in_dim3A_1631 : vector<16x1xi32> to vector<16xi32>
      %gather3A_1633 = tpu.dynamic_gather %exp3A_335[%gather3A_1632] in [0] : vector<16xf32>, vector<16xi32> -> vector<16xf32>
      %lt3A_1634 = arith.constant 8 : i32
      %lt3A_1635 = vector.broadcast %lt3A_1634 : i32 to vector<16xi32>
      %lt3A_1636 = arith.cmpi slt, %iota3A, %lt3A_1635 : vector<16xi32>
      %mul3A_1637 = arith.mulf %gather3A_1633, %gather3A_1630 : vector<16xf32>
      %eq3A_1638 = arith.constant 8 : i32
      %eq3A_1639 = vector.broadcast %eq3A_1638 : i32 to vector<16xi32>
      %eq3A_1640 = arith.cmpi eq, %iota3A, %eq3A_1639 : vector<16xi32>
      %jit3A_1641 = arith.constant 0.000000e+00 : f32
      %broadcast_in_dim3A_1642 = vector.broadcast %jit3A_1641 : f32 to vector<16xf32>
      %select_n3A_1643 = arith.select %eq3A_1640, %gather3A_1633, %broadcast_in_dim3A_1642 : vector<16xi1>, vector<16xf32>
      %select_n3A_1644 = arith.select %lt3A_1636, %mul3A_1637, %select_n3A_1643 : vector<16xi1>, vector<16xf32>
      tpu.vector_store_idx %arg16[%broadcast_in_dim3A_283, %broadcast_in_dim3A_1629, %iota3A], %select_n3A_1644 : memref<2x80x16xf32, #tpu.memory_space<vmem>>[vector<16xi32>, vector<16xi32>, vector<16xi32>], vector<16xf32>,
      %broadcast_in_dim3A_1645 = arith.constant 77 : i32
      %broadcast_in_dim3A_1646 = vector.broadcast %broadcast_in_dim3A_1645 : i32 to vector<16xi32>
      %gather3A_1647 = tpu.vector_load_idx %arg15[%broadcast_in_dim3A_283, %broadcast_in_dim3A_1646, %select_n3A_22] : memref<2x80x8xf32, #tpu.memory_space<vmem>>[vector<16xi32>, vector<16xi32>, vector<16xi32>], vector<16xf32>,
      %broadcast_in_dim3A_1648 = vector.shape_cast %broadcast_in_dim3A_53 : vector<16xi32> to vector<16x1xi32>
      %gather3A_1649 = vector.shape_cast %broadcast_in_dim3A_1648 : vector<16x1xi32> to vector<16xi32>
      %gather3A_1650 = tpu.dynamic_gather %exp3A_335[%gather3A_1649] in [0] : vector<16xf32>, vector<16xi32> -> vector<16xf32>
      %lt3A_1651 = arith.constant 8 : i32
      %lt3A_1652 = vector.broadcast %lt3A_1651 : i32 to vector<16xi32>
      %lt3A_1653 = arith.cmpi slt, %iota3A, %lt3A_1652 : vector<16xi32>
      %mul3A_1654 = arith.mulf %gather3A_1650, %gather3A_1647 : vector<16xf32>
      %eq3A_1655 = arith.constant 8 : i32
      %eq3A_1656 = vector.broadcast %eq3A_1655 : i32 to vector<16xi32>
      %eq3A_1657 = arith.cmpi eq, %iota3A, %eq3A_1656 : vector<16xi32>
      %jit3A_1658 = arith.constant 0.000000e+00 : f32
      %broadcast_in_dim3A_1659 = vector.broadcast %jit3A_1658 : f32 to vector<16xf32>
      %select_n3A_1660 = arith.select %eq3A_1657, %gather3A_1650, %broadcast_in_dim3A_1659 : vector<16xi1>, vector<16xf32>
      %select_n3A_1661 = arith.select %lt3A_1653, %mul3A_1654, %select_n3A_1660 : vector<16xi1>, vector<16xf32>
      tpu.vector_store_idx %arg16[%broadcast_in_dim3A_283, %broadcast_in_dim3A_1646, %iota3A], %select_n3A_1661 : memref<2x80x16xf32, #tpu.memory_space<vmem>>[vector<16xi32>, vector<16xi32>, vector<16xi32>], vector<16xf32>,
      %broadcast_in_dim3A_1662 = arith.constant 78 : i32
      %broadcast_in_dim3A_1663 = vector.broadcast %broadcast_in_dim3A_1662 : i32 to vector<16xi32>
      %gather3A_1664 = tpu.vector_load_idx %arg15[%broadcast_in_dim3A_283, %broadcast_in_dim3A_1663, %select_n3A_22] : memref<2x80x8xf32, #tpu.memory_space<vmem>>[vector<16xi32>, vector<16xi32>, vector<16xi32>], vector<16xf32>,
      %broadcast_in_dim3A_1665 = vector.shape_cast %broadcast_in_dim3A_55 : vector<16xi32> to vector<16x1xi32>
      %gather3A_1666 = vector.shape_cast %broadcast_in_dim3A_1665 : vector<16x1xi32> to vector<16xi32>
      %gather3A_1667 = tpu.dynamic_gather %exp3A_335[%gather3A_1666] in [0] : vector<16xf32>, vector<16xi32> -> vector<16xf32>
      %lt3A_1668 = arith.constant 8 : i32
      %lt3A_1669 = vector.broadcast %lt3A_1668 : i32 to vector<16xi32>
      %lt3A_1670 = arith.cmpi slt, %iota3A, %lt3A_1669 : vector<16xi32>
      %mul3A_1671 = arith.mulf %gather3A_1667, %gather3A_1664 : vector<16xf32>
      %eq3A_1672 = arith.constant 8 : i32
      %eq3A_1673 = vector.broadcast %eq3A_1672 : i32 to vector<16xi32>
      %eq3A_1674 = arith.cmpi eq, %iota3A, %eq3A_1673 : vector<16xi32>
      %jit3A_1675 = arith.constant 0.000000e+00 : f32
      %broadcast_in_dim3A_1676 = vector.broadcast %jit3A_1675 : f32 to vector<16xf32>
      %select_n3A_1677 = arith.select %eq3A_1674, %gather3A_1667, %broadcast_in_dim3A_1676 : vector<16xi1>, vector<16xf32>
      %select_n3A_1678 = arith.select %lt3A_1670, %mul3A_1671, %select_n3A_1677 : vector<16xi1>, vector<16xf32>
      tpu.vector_store_idx %arg16[%broadcast_in_dim3A_283, %broadcast_in_dim3A_1663, %iota3A], %select_n3A_1678 : memref<2x80x16xf32, #tpu.memory_space<vmem>>[vector<16xi32>, vector<16xi32>, vector<16xi32>], vector<16xf32>,
      %broadcast_in_dim3A_1679 = arith.constant 79 : i32
      %broadcast_in_dim3A_1680 = vector.broadcast %broadcast_in_dim3A_1679 : i32 to vector<16xi32>
      %gather3A_1681 = tpu.vector_load_idx %arg15[%broadcast_in_dim3A_283, %broadcast_in_dim3A_1680, %select_n3A_22] : memref<2x80x8xf32, #tpu.memory_space<vmem>>[vector<16xi32>, vector<16xi32>, vector<16xi32>], vector<16xf32>,
      %broadcast_in_dim3A_1682 = vector.shape_cast %broadcast_in_dim3A_57 : vector<16xi32> to vector<16x1xi32>
      %gather3A_1683 = vector.shape_cast %broadcast_in_dim3A_1682 : vector<16x1xi32> to vector<16xi32>
      %gather3A_1684 = tpu.dynamic_gather %exp3A_335[%gather3A_1683] in [0] : vector<16xf32>, vector<16xi32> -> vector<16xf32>
      %lt3A_1685 = arith.constant 8 : i32
      %lt3A_1686 = vector.broadcast %lt3A_1685 : i32 to vector<16xi32>
      %lt3A_1687 = arith.cmpi slt, %iota3A, %lt3A_1686 : vector<16xi32>
      %mul3A_1688 = arith.mulf %gather3A_1684, %gather3A_1681 : vector<16xf32>
      %eq3A_1689 = arith.constant 8 : i32
      %eq3A_1690 = vector.broadcast %eq3A_1689 : i32 to vector<16xi32>
      %eq3A_1691 = arith.cmpi eq, %iota3A, %eq3A_1690 : vector<16xi32>
      %jit3A_1692 = arith.constant 0.000000e+00 : f32
      %broadcast_in_dim3A_1693 = vector.broadcast %jit3A_1692 : f32 to vector<16xf32>
      %select_n3A_1694 = arith.select %eq3A_1691, %gather3A_1684, %broadcast_in_dim3A_1693 : vector<16xi1>, vector<16xf32>
      %select_n3A_1695 = arith.select %lt3A_1687, %mul3A_1688, %select_n3A_1694 : vector<16xi1>, vector<16xf32>
      tpu.vector_store_idx %arg16[%broadcast_in_dim3A_283, %broadcast_in_dim3A_1680, %iota3A], %select_n3A_1695 : memref<2x80x16xf32, #tpu.memory_space<vmem>>[vector<16xi32>, vector<16xi32>, vector<16xi32>], vector<16xf32>,
      %dma_start3A_1696 = arith.constant 0 : i32
      %dma_start3A_1697 = arith.constant 0 : i32
      %dma_start3A_1698 = tpu.memref_slice %arg16[%rem3A_231, %dma_start3A_1696, %dma_start3A_1697] : memref<2x80x16xf32, #tpu.memory_space<vmem>> -> memref<1x80x16xf32, #tpu.memory_space<vmem>>
      %dma_start3A_1699 = tpu.memref_squeeze %dma_start3A_1698 : memref<1x80x16xf32, #tpu.memory_space<vmem>> -> memref<80x16xf32, #tpu.memory_space<vmem>>
      %dma_start3A_1700 = arith.constant 0 : i32
      %dma_start3A_1701 = tpu.memref_slice %arg12[%rem3A_234, %dma_start3A_1700] : memref<4x80xi32, #tpu.memory_space<vmem>> -> memref<1x80xi32, #tpu.memory_space<vmem>>
      %dma_start3A_1702 = tpu.memref_squeeze %dma_start3A_1701 : memref<1x80xi32, #tpu.memory_space<vmem>> -> memref<80xi32, #tpu.memory_space<vmem>>
      %dma_start3A_1703 = arith.constant 0 : i32
      %dma_start3A_1704 = arith.constant 0 : i32
      %dma_start3A_1705 = tpu.memref_slice %arg10[%dma_start3A_1703, %dma_start3A_1704] : memref<10128x16xf32, #tpu.memory_space<vmem_shared>> -> memref<10128x16xf32, #tpu.memory_space<vmem_shared>>
      %dma_start3A_1706 = tpu.memref_slice %arg19[%rem3A_231] : memref<2x!tpu.dma_semaphore, #tpu.memory_space<semaphore_mem>> -> memref<1x!tpu.dma_semaphore, #tpu.memory_space<semaphore_mem>>
      %dma_start3A_1707 = tpu.memref_squeeze %dma_start3A_1706 : memref<1x!tpu.dma_semaphore, #tpu.memory_space<semaphore_mem>> -> memref<!tpu.dma_semaphore, #tpu.memory_space<semaphore_mem>>
      tpu.enqueue_indirect_dma source(%dma_start3A_1699 : memref<80x16xf32, #tpu.memory_space<vmem>>) target(%dma_start3A_1705 : memref<10128x16xf32, #tpu.memory_space<vmem_shared>>) offsets(%dma_start3A_1702 : memref<80xi32, #tpu.memory_space<vmem>>) semaphore(%dma_start3A_1707 : memref<!tpu.dma_semaphore, #tpu.memory_space<semaphore_mem>>) {add = true}
    }
    %scan3A_197 = arith.constant 128 : i32
    %dma_wait3A_198 = arith.constant 0 : i32
    %dma_wait3A_199 = arith.constant 2 : i32
    %dma_wait3A_200 = arith.constant 0 : i32
    %dma_wait3A_201 = arith.constant 0 : i32
    %dma_wait3A_202 = arith.constant 0 : i32
    %dma_wait3A_203 = tpu.memref_slice %arg16[%dma_wait3A_198, %dma_wait3A_201, %dma_wait3A_202] : memref<2x80x16xf32, #tpu.memory_space<vmem>> -> memref<1x80x16xf32, #tpu.memory_space<vmem>>
    %dma_wait3A_204 = tpu.memref_squeeze %dma_wait3A_203 : memref<1x80x16xf32, #tpu.memory_space<vmem>> -> memref<80x16xf32, #tpu.memory_space<vmem>>
    %dma_wait3A_205 = arith.constant 0 : i32
    %dma_wait3A_206 = tpu.memref_slice %arg12[%dma_wait3A_199, %dma_wait3A_205] : memref<4x80xi32, #tpu.memory_space<vmem>> -> memref<1x80xi32, #tpu.memory_space<vmem>>
    %dma_wait3A_207 = tpu.memref_squeeze %dma_wait3A_206 : memref<1x80xi32, #tpu.memory_space<vmem>> -> memref<80xi32, #tpu.memory_space<vmem>>
    %dma_wait3A_208 = arith.constant 0 : i32
    %dma_wait3A_209 = arith.constant 0 : i32
    %dma_wait3A_210 = tpu.memref_slice %arg10[%dma_wait3A_208, %dma_wait3A_209] : memref<10128x16xf32, #tpu.memory_space<vmem_shared>> -> memref<10128x16xf32, #tpu.memory_space<vmem_shared>>
    %dma_wait3A_211 = tpu.memref_slice %arg19[%dma_wait3A_200] : memref<2x!tpu.dma_semaphore, #tpu.memory_space<semaphore_mem>> -> memref<1x!tpu.dma_semaphore, #tpu.memory_space<semaphore_mem>>
    %dma_wait3A_212 = tpu.memref_squeeze %dma_wait3A_211 : memref<1x!tpu.dma_semaphore, #tpu.memory_space<semaphore_mem>> -> memref<!tpu.dma_semaphore, #tpu.memory_space<semaphore_mem>>
    tpu.wait_indirect_dma semaphore(%dma_wait3A_212 : memref<!tpu.dma_semaphore, #tpu.memory_space<semaphore_mem>>) src(%dma_wait3A_204 : memref<80x16xf32, #tpu.memory_space<vmem>>) dst(%dma_wait3A_210 : memref<10128x16xf32, #tpu.memory_space<vmem_shared>>)
    %dma_wait3A_213 = arith.constant 1 : i32
    %dma_wait3A_214 = arith.constant 3 : i32
    %dma_wait3A_215 = arith.constant 1 : i32
    %dma_wait3A_216 = arith.constant 0 : i32
    %dma_wait3A_217 = arith.constant 0 : i32
    %dma_wait3A_218 = tpu.memref_slice %arg16[%dma_wait3A_213, %dma_wait3A_216, %dma_wait3A_217] : memref<2x80x16xf32, #tpu.memory_space<vmem>> -> memref<1x80x16xf32, #tpu.memory_space<vmem>>
    %dma_wait3A_219 = tpu.memref_squeeze %dma_wait3A_218 : memref<1x80x16xf32, #tpu.memory_space<vmem>> -> memref<80x16xf32, #tpu.memory_space<vmem>>
    %dma_wait3A_220 = arith.constant 0 : i32
    %dma_wait3A_221 = tpu.memref_slice %arg12[%dma_wait3A_214, %dma_wait3A_220] : memref<4x80xi32, #tpu.memory_space<vmem>> -> memref<1x80xi32, #tpu.memory_space<vmem>>
    %dma_wait3A_222 = tpu.memref_squeeze %dma_wait3A_221 : memref<1x80xi32, #tpu.memory_space<vmem>> -> memref<80xi32, #tpu.memory_space<vmem>>
    %dma_wait3A_223 = arith.constant 0 : i32
    %dma_wait3A_224 = arith.constant 0 : i32
    %dma_wait3A_225 = tpu.memref_slice %arg10[%dma_wait3A_223, %dma_wait3A_224] : memref<10128x16xf32, #tpu.memory_space<vmem_shared>> -> memref<10128x16xf32, #tpu.memory_space<vmem_shared>>
    %dma_wait3A_226 = tpu.memref_slice %arg19[%dma_wait3A_215] : memref<2x!tpu.dma_semaphore, #tpu.memory_space<semaphore_mem>> -> memref<1x!tpu.dma_semaphore, #tpu.memory_space<semaphore_mem>>
    %dma_wait3A_227 = tpu.memref_squeeze %dma_wait3A_226 : memref<1x!tpu.dma_semaphore, #tpu.memory_space<semaphore_mem>> -> memref<!tpu.dma_semaphore, #tpu.memory_space<semaphore_mem>>
    tpu.wait_indirect_dma semaphore(%dma_wait3A_227 : memref<!tpu.dma_semaphore, #tpu.memory_space<semaphore_mem>>) src(%dma_wait3A_219 : memref<80x16xf32, #tpu.memory_space<vmem>>) dst(%dma_wait3A_225 : memref<10128x16xf32, #tpu.memory_space<vmem_shared>>)
    %barrier3A_228 = arith.constant 0 : index
    tpu.barrier barrier_id(%barrier3A_228)
    "tpu.region"() ({
      %run_scoped3A = tpu.sem_alloc : memref<!tpu.dma_semaphore, #tpu.memory_space<semaphore_mem>>
      %dma_start3A_229 = arith.constant 0 : i32
      %dma_start3A_230 = arith.constant 0 : i32
      %dma_start3A_231 = tpu.memref_slice %arg7[%arg0, %dma_start3A_229, %dma_start3A_230] : memref<2x10128x16xf32, #tpu.memory_space<hbm>> -> memref<1x10128x16xf32, #tpu.memory_space<hbm>>
      %dma_start3A_232 = tpu.memref_squeeze %dma_start3A_231 : memref<1x10128x16xf32, #tpu.memory_space<hbm>> -> memref<10128x16xf32, #tpu.memory_space<hbm>>
      %dma_start3A_233 = arith.constant 0 : i32
      %dma_start3A_234 = tpu.memref_slice %dma_start3A_232[%min3A_7, %dma_start3A_233] : memref<10128x16xf32, #tpu.memory_space<hbm>> -> memref<640x16xf32, #tpu.memory_space<hbm>>
      %dma_start3A_235 = arith.constant 0 : i32
      %dma_start3A_236 = tpu.memref_slice %arg10[%min3A_7, %dma_start3A_235] : memref<10128x16xf32, #tpu.memory_space<vmem_shared>> -> memref<640x16xf32, #tpu.memory_space<vmem_shared>>
      tpu.enqueue_dma source(%dma_start3A_236 : memref<640x16xf32, #tpu.memory_space<vmem_shared>>) target(%dma_start3A_234 : memref<640x16xf32, #tpu.memory_space<hbm>>) target_semaphore(%run_scoped3A : memref<!tpu.dma_semaphore, #tpu.memory_space<semaphore_mem>>)
      %dma_wait3A_237 = arith.constant 0 : i32
      %dma_wait3A_238 = arith.constant 0 : i32
      %dma_wait3A_239 = tpu.memref_slice %arg7[%arg0, %dma_wait3A_237, %dma_wait3A_238] : memref<2x10128x16xf32, #tpu.memory_space<hbm>> -> memref<1x10128x16xf32, #tpu.memory_space<hbm>>
      %dma_wait3A_240 = tpu.memref_squeeze %dma_wait3A_239 : memref<1x10128x16xf32, #tpu.memory_space<hbm>> -> memref<10128x16xf32, #tpu.memory_space<hbm>>
      %dma_wait3A_241 = arith.constant 0 : i32
      %dma_wait3A_242 = tpu.memref_slice %dma_wait3A_240[%min3A_7, %dma_wait3A_241] : memref<10128x16xf32, #tpu.memory_space<hbm>> -> memref<640x16xf32, #tpu.memory_space<hbm>>
      %dma_wait3A_243 = arith.constant 0 : i32
      %dma_wait3A_244 = tpu.memref_slice %arg10[%min3A_7, %dma_wait3A_243] : memref<10128x16xf32, #tpu.memory_space<vmem_shared>> -> memref<640x16xf32, #tpu.memory_space<vmem_shared>>
      tpu.wait_dma2 semaphore(%run_scoped3A : memref<!tpu.dma_semaphore, #tpu.memory_space<semaphore_mem>>) src(%dma_wait3A_244 : memref<640x16xf32, #tpu.memory_space<vmem_shared>>) dst(%dma_wait3A_242 : memref<640x16xf32, #tpu.memory_space<hbm>>)
      tpu.yield
    }) : () -> ()
    return
  }
}

module attributes {stable_mosaic.version = 14 : i64} {
  func.func @_tc_pre1(%arg0: i32, %arg1: memref<2000x128xf32, #tpu.memory_space<vmem>>, %arg2: memref<128x64xf32, #tpu.memory_space<vmem>>, %arg3: memref<64x8xf32, #tpu.memory_space<vmem>>, %arg4: memref<64x8xf32, #tpu.memory_space<vmem>>, %arg5: memref<2000x64xf32, #tpu.memory_space<vmem>>, %arg6: memref<2000x8xf32, #tpu.memory_space<vmem>>, %arg7: memref<2000x8xf32, #tpu.memory_space<vmem>>, %arg8: memref<2000x8xf32, #tpu.memory_space<vmem>>) attributes {dimension_semantics = [#tpu.dimension_semantics<arbitrary>], iteration_bounds = array<i64: 5>, scalar_prefetch = 0 : i64, scratch_operands = 0 : i64, tpu.core_type = #tpu.core_type<tc>, window_params = [{transform_indices = @transform_0, window_bounds = array<i64: 2000, 128>}, {pipeline_mode = #tpu.pipeline_mode<synchronous>, transform_indices = @transform_1, window_bounds = array<i64: 128, 64>}, {pipeline_mode = #tpu.pipeline_mode<synchronous>, transform_indices = @transform_2, window_bounds = array<i64: 64, 8>}, {pipeline_mode = #tpu.pipeline_mode<synchronous>, transform_indices = @transform_3, window_bounds = array<i64: 64, 8>}, {transform_indices = @transform_4, window_bounds = array<i64: 2000, 64>}, {transform_indices = @transform_5, window_bounds = array<i64: 2000, 8>}, {transform_indices = @transform_6, window_bounds = array<i64: 2000, 8>}, {transform_indices = @transform_7, window_bounds = array<i64: 2000, 8>}]} {
    %get3A = arith.constant 0 : index
    %get3A_0 = arith.constant 0 : index
    %get3A_1 = vector.load %arg1[%get3A, %get3A_0] : memref<2000x128xf32, #tpu.memory_space<vmem>>, vector<2000x128xf32>
    %get3A_2 = arith.constant 0 : index
    %get3A_3 = arith.constant 0 : index
    %get3A_4 = vector.load %arg2[%get3A_2, %get3A_3] : memref<128x64xf32, #tpu.memory_space<vmem>>, vector<128x64xf32>
    %dot_general3A = arith.constant dense<0.000000e+00> : vector<2000x64xf32>
    %dot_general3A_5 = tpu.matmul %get3A_1, %get3A_4, %dot_general3A {dimension_numbers = #tpu.dot_dimension_numbers<[1], [0], [0], [1], [0, 0, 1, 1], [], []>, transpose_lhs_hint = false} : vector<2000x128xf32>, vector<128x64xf32>, vector<2000x64xf32> -> vector<2000x64xf32>
    %swap3A = arith.constant 0 : index
    %swap3A_6 = arith.constant 0 : index
    %swap3A_7 = vector.load %arg5[%swap3A, %swap3A_6] : memref<2000x64xf32, #tpu.memory_space<vmem>>, vector<2000x64xf32>
    tpu.vector_store %arg5[%swap3A, %swap3A_6], %dot_general3A_5 {strides = array<i32>} : memref<2000x64xf32, #tpu.memory_space<vmem>>, vector<2000x64xf32>,
    %get3A_8 = arith.constant 0 : index
    %get3A_9 = arith.constant 0 : index
    %get3A_10 = vector.load %arg3[%get3A_8, %get3A_9] : memref<64x8xf32, #tpu.memory_space<vmem>>, vector<64x8xf32>
    %dot_general3A_11 = arith.constant dense<0.000000e+00> : vector<2000x8xf32>
    %dot_general3A_12 = tpu.matmul %dot_general3A_5, %get3A_10, %dot_general3A_11 {dimension_numbers = #tpu.dot_dimension_numbers<[1], [0], [0], [1], [0, 0, 1, 1], [], []>, transpose_lhs_hint = false} : vector<2000x64xf32>, vector<64x8xf32>, vector<2000x8xf32> -> vector<2000x8xf32>
    %get3A_13 = arith.constant 0 : index
    %get3A_14 = arith.constant 0 : index
    %get3A_15 = vector.load %arg4[%get3A_13, %get3A_14] : memref<64x8xf32, #tpu.memory_space<vmem>>, vector<64x8xf32>
    %dot_general3A_16 = arith.constant dense<0.000000e+00> : vector<2000x8xf32>
    %dot_general3A_17 = tpu.matmul %dot_general3A_5, %get3A_15, %dot_general3A_16 {dimension_numbers = #tpu.dot_dimension_numbers<[1], [0], [0], [1], [0, 0, 1, 1], [], []>, transpose_lhs_hint = false} : vector<2000x64xf32>, vector<64x8xf32>, vector<2000x8xf32> -> vector<2000x8xf32>
    %swap3A_18 = arith.constant 0 : index
    %swap3A_19 = arith.constant 0 : index
    %swap3A_20 = vector.load %arg6[%swap3A_18, %swap3A_19] : memref<2000x8xf32, #tpu.memory_space<vmem>>, vector<2000x8xf32>
    tpu.vector_store %arg6[%swap3A_18, %swap3A_19], %dot_general3A_12 {strides = array<i32>} : memref<2000x8xf32, #tpu.memory_space<vmem>>, vector<2000x8xf32>,
    %swap3A_21 = arith.constant 0 : index
    %swap3A_22 = arith.constant 0 : index
    %swap3A_23 = vector.load %arg7[%swap3A_21, %swap3A_22] : memref<2000x8xf32, #tpu.memory_space<vmem>>, vector<2000x8xf32>
    tpu.vector_store %arg7[%swap3A_21, %swap3A_22], %dot_general3A_17 {strides = array<i32>} : memref<2000x8xf32, #tpu.memory_space<vmem>>, vector<2000x8xf32>,
    %add3A = arith.addf %dot_general3A_12, %dot_general3A_17 : vector<2000x8xf32>
    %mul3A = arith.constant 2.000000e-01 : f32
    %mul3A_24 = vector.broadcast %mul3A : f32 to vector<2000x8xf32>
    %mul3A_25 = arith.mulf %mul3A_24, %add3A : vector<2000x8xf32>
    %max3A = arith.maximumf %add3A, %mul3A_25 : vector<2000x8xf32>
    %exp3A = math.exp %max3A : vector<2000x8xf32>
    %swap3A_26 = arith.constant 0 : index
    %swap3A_27 = arith.constant 0 : index
    %swap3A_28 = vector.load %arg8[%swap3A_26, %swap3A_27] : memref<2000x8xf32, #tpu.memory_space<vmem>>, vector<2000x8xf32>
    tpu.vector_store %arg8[%swap3A_26, %swap3A_27], %exp3A {strides = array<i32>} : memref<2000x8xf32, #tpu.memory_space<vmem>>, vector<2000x8xf32>,
    return
  }
  func.func @transform_0(%arg0: i32) -> (i32, i32) {
    %c0_i32 = arith.constant 0 : i32
    %c0_i32_0 = arith.constant 0 : i32
    return %arg0, %c0_i32 : i32, i32
  }
  func.func @transform_1(%arg0: i32) -> (i32, i32) {
    %c0_i32 = arith.constant 0 : i32
    %c0_i32_0 = arith.constant 0 : i32
    %c0_i32_1 = arith.constant 0 : i32
    return %c0_i32, %c0_i32_0 : i32, i32
  }
  func.func @transform_2(%arg0: i32) -> (i32, i32) {
    %c0_i32 = arith.constant 0 : i32
    %c0_i32_0 = arith.constant 0 : i32
    %c0_i32_1 = arith.constant 0 : i32
    return %c0_i32, %c0_i32_0 : i32, i32
  }
  func.func @transform_3(%arg0: i32) -> (i32, i32) {
    %c0_i32 = arith.constant 0 : i32
    %c0_i32_0 = arith.constant 0 : i32
    %c0_i32_1 = arith.constant 0 : i32
    return %c0_i32, %c0_i32_0 : i32, i32
  }
  func.func @transform_4(%arg0: i32) -> (i32, i32) {
    %c0_i32 = arith.constant 0 : i32
    %c0_i32_0 = arith.constant 0 : i32
    return %arg0, %c0_i32 : i32, i32
  }
  func.func @transform_5(%arg0: i32) -> (i32, i32) {
    %c0_i32 = arith.constant 0 : i32
    %c0_i32_0 = arith.constant 0 : i32
    return %arg0, %c0_i32 : i32, i32
  }
  func.func @transform_6(%arg0: i32) -> (i32, i32) {
    %c0_i32 = arith.constant 0 : i32
    %c0_i32_0 = arith.constant 0 : i32
    return %arg0, %c0_i32 : i32, i32
  }
  func.func @transform_7(%arg0: i32) -> (i32, i32) {
    %c0_i32 = arith.constant 0 : i32
    %c0_i32_0 = arith.constant 0 : i32
    return %arg0, %c0_i32 : i32, i32
  }
}

module attributes {stable_mosaic.version = 14 : i64} {
  func.func @_tc_merge1(%arg0: i32, %arg1: memref<2000x72xf32, #tpu.memory_space<vmem>>, %arg2: memref<2000x72xf32, #tpu.memory_space<vmem>>, %arg3: memref<2000x8xf32, #tpu.memory_space<vmem>>, %arg4: memref<2000x64xf32, #tpu.memory_space<vmem>>, %arg5: memref<8x64xf32, #tpu.memory_space<vmem>>, %arg6: memref<1x64xf32, #tpu.memory_space<vmem>>, %arg7: memref<64x8xf32, #tpu.memory_space<vmem>>, %arg8: memref<8x1xf32, #tpu.memory_space<vmem>>, %arg9: memref<8x1xf32, #tpu.memory_space<vmem>>, %arg10: memref<2000x8xf32, #tpu.memory_space<vmem>>, %arg11: memref<2000x1xf32, #tpu.memory_space<vmem>>, %arg12: memref<2000x1xf32, #tpu.memory_space<vmem>>, %arg13: memref<2000x1xf32, #tpu.memory_space<vmem>>) attributes {dimension_semantics = [#tpu.dimension_semantics<arbitrary>], iteration_bounds = array<i64: 5>, scalar_prefetch = 0 : i64, scratch_operands = 0 : i64, tpu.core_type = #tpu.core_type<tc>, window_params = [{transform_indices = @transform_0, window_bounds = array<i64: 2000, 72>}, {transform_indices = @transform_1, window_bounds = array<i64: 2000, 72>}, {transform_indices = @transform_2, window_bounds = array<i64: 2000, 8>}, {transform_indices = @transform_3, window_bounds = array<i64: 2000, 64>}, {pipeline_mode = #tpu.pipeline_mode<synchronous>, transform_indices = @transform_4, window_bounds = array<i64: 8, 64>}, {pipeline_mode = #tpu.pipeline_mode<synchronous>, transform_indices = @transform_5, window_bounds = array<i64: 1, 64>}, {pipeline_mode = #tpu.pipeline_mode<synchronous>, transform_indices = @transform_6, window_bounds = array<i64: 64, 8>}, {pipeline_mode = #tpu.pipeline_mode<synchronous>, transform_indices = @transform_7, window_bounds = array<i64: 8, 1>}, {pipeline_mode = #tpu.pipeline_mode<synchronous>, transform_indices = @transform_8, window_bounds = array<i64: 8, 1>}, {transform_indices = @transform_9, window_bounds = array<i64: 2000, 8>}, {transform_indices = @transform_10, window_bounds = array<i64: 2000, 1>}, {transform_indices = @transform_11, window_bounds = array<i64: 2000, 1>}, {transform_indices = @transform_12, window_bounds = array<i64: 2000, 1>}]} {
    %get3A = arith.constant 0 : index
    %get3A_0 = arith.constant 0 : index
    %get3A_1 = vector.load %arg1[%get3A, %get3A_0] : memref<2000x72xf32, #tpu.memory_space<vmem>>, vector<2000x72xf32>
    %get3A_2 = arith.constant 0 : index
    %get3A_3 = arith.constant 0 : index
    %get3A_4 = vector.load %arg2[%get3A_2, %get3A_3] : memref<2000x72xf32, #tpu.memory_space<vmem>>, vector<2000x72xf32>
    %get3A_5 = arith.constant 0 : index
    %get3A_6 = arith.constant 0 : index
    %get3A_7 = vector.load %arg3[%get3A_5, %get3A_6] : memref<2000x8xf32, #tpu.memory_space<vmem>>, vector<2000x8xf32>
    %get3A_8 = arith.constant 0 : index
    %get3A_9 = arith.constant 0 : index
    %get3A_10 = vector.load %arg4[%get3A_8, %get3A_9] : memref<2000x64xf32, #tpu.memory_space<vmem>>, vector<2000x64xf32>
    %get3A_11 = arith.constant 0 : index
    %get3A_12 = arith.constant 0 : index
    %get3A_13 = vector.load %arg5[%get3A_11, %get3A_12] : memref<8x64xf32, #tpu.memory_space<vmem>>, vector<8x64xf32>
    %slice3A = vector.extract_strided_slice %get3A_1 {offsets = [0, 0], sizes = [2000, 64], strides = [1, 1]} : vector<2000x72xf32> to vector<2000x64xf32>
    %slice3A_14 = vector.extract_strided_slice %get3A_4 {offsets = [0, 0], sizes = [2000, 64], strides = [1, 1]} : vector<2000x72xf32> to vector<2000x64xf32>
    %add3A = arith.addf %slice3A, %slice3A_14 : vector<2000x64xf32>
    %dot_general3A = arith.constant dense<0.000000e+00> : vector<2000x64xf32>
    %dot_general3A_15 = tpu.matmul %get3A_7, %get3A_13, %dot_general3A {dimension_numbers = #tpu.dot_dimension_numbers<[1], [0], [0], [1], [0, 0, 1, 1], [], []>, transpose_lhs_hint = false} : vector<2000x8xf32>, vector<8x64xf32>, vector<2000x64xf32> -> vector<2000x64xf32>
    %mul3A = arith.mulf %dot_general3A_15, %get3A_10 : vector<2000x64xf32>
    %add3A_16 = arith.addf %add3A, %mul3A : vector<2000x64xf32>
    %slice3A_17 = vector.extract_strided_slice %get3A_1 {offsets = [0, 64], sizes = [2000, 8], strides = [1, 1]} : vector<2000x72xf32> to vector<2000x8xf32>
    %slice3A_18 = vector.extract_strided_slice %get3A_4 {offsets = [0, 64], sizes = [2000, 8], strides = [1, 1]} : vector<2000x72xf32> to vector<2000x8xf32>
    %add3A_19 = arith.addf %slice3A_17, %slice3A_18 : vector<2000x8xf32>
    %add3A_20 = arith.addf %add3A_19, %get3A_7 : vector<2000x8xf32>
    %add3A_21 = arith.constant 1.000000e-16 : f32
    %add3A_22 = vector.broadcast %add3A_21 : f32 to vector<2000x8xf32>
    %add3A_23 = arith.addf %add3A_20, %add3A_22 : vector<2000x8xf32>
    %div3A = arith.constant 1.000000e+00 : f32
    %div3A_24 = vector.broadcast %div3A : f32 to vector<2000x8xf32>
    %div3A_25 = arith.divf %div3A_24, %add3A_23 : vector<2000x8xf32>
    %dot_general3A_26 = arith.constant dense<0.000000e+00> : vector<2000x64xf32>
    %dot_general3A_27 = tpu.matmul %div3A_25, %get3A_13, %dot_general3A_26 {dimension_numbers = #tpu.dot_dimension_numbers<[1], [0], [0], [1], [0, 0, 1, 1], [], []>, transpose_lhs_hint = false} : vector<2000x8xf32>, vector<8x64xf32>, vector<2000x64xf32> -> vector<2000x64xf32>
    %mul3A_28 = arith.mulf %add3A_16, %dot_general3A_27 : vector<2000x64xf32>
    %get3A_29 = arith.constant 0 : index
    %get3A_30 = arith.constant 0 : index
    %get3A_31 = vector.load %arg6[%get3A_29, %get3A_30] : memref<1x64xf32, #tpu.memory_space<vmem>>, vector<1x64xf32>
    %add3A_32 = vector.broadcast %get3A_31 : vector<1x64xf32> to vector<2000x64xf32>
    %add3A_33 = arith.addf %mul3A_28, %add3A_32 : vector<2000x64xf32>
    %gt3A = arith.constant 0.000000e+00 : f32
    %gt3A_34 = vector.broadcast %gt3A : f32 to vector<2000x64xf32>
    %gt3A_35 = arith.cmpf ogt, %add3A_33, %gt3A_34 : vector<2000x64xf32>
    %exp3A = math.exp %add3A_33 : vector<2000x64xf32>
    %sub3A = arith.constant 1.000000e+00 : f32
    %sub3A_36 = vector.broadcast %sub3A : f32 to vector<2000x64xf32>
    %sub3A_37 = arith.subf %exp3A, %sub3A_36 : vector<2000x64xf32>
    %select_n3A = arith.select %gt3A_35, %add3A_33, %sub3A_37 : vector<2000x64xi1>, vector<2000x64xf32>
    %get3A_38 = arith.constant 0 : index
    %get3A_39 = arith.constant 0 : index
    %get3A_40 = vector.load %arg7[%get3A_38, %get3A_39] : memref<64x8xf32, #tpu.memory_space<vmem>>, vector<64x8xf32>
    %dot_general3A_41 = arith.constant dense<0.000000e+00> : vector<2000x8xf32>
    %dot_general3A_42 = tpu.matmul %select_n3A, %get3A_40, %dot_general3A_41 {dimension_numbers = #tpu.dot_dimension_numbers<[1], [0], [0], [1], [0, 0, 1, 1], [], []>, transpose_lhs_hint = false} : vector<2000x64xf32>, vector<64x8xf32>, vector<2000x8xf32> -> vector<2000x8xf32>
    %swap3A = arith.constant 0 : index
    %swap3A_43 = arith.constant 0 : index
    %swap3A_44 = vector.load %arg10[%swap3A, %swap3A_43] : memref<2000x8xf32, #tpu.memory_space<vmem>>, vector<2000x8xf32>
    tpu.vector_store %arg10[%swap3A, %swap3A_43], %dot_general3A_42 {strides = array<i32>} : memref<2000x8xf32, #tpu.memory_space<vmem>>, vector<2000x8xf32>,
    %get3A_45 = arith.constant 0 : index
    %get3A_46 = arith.constant 0 : index
    %get3A_47 = vector.load %arg8[%get3A_45, %get3A_46] : memref<8x1xf32, #tpu.memory_space<vmem>>, vector<8x1xf32>
    %dot_general3A_48 = arith.constant dense<0.000000e+00> : vector<2000x1xf32>
    %dot_general3A_49 = tpu.matmul %dot_general3A_42, %get3A_47, %dot_general3A_48 {dimension_numbers = #tpu.dot_dimension_numbers<[1], [0], [0], [1], [0, 0, 1, 1], [], []>, transpose_lhs_hint = false} : vector<2000x8xf32>, vector<8x1xf32>, vector<2000x1xf32> -> vector<2000x1xf32>
    %get3A_50 = arith.constant 0 : index
    %get3A_51 = arith.constant 0 : index
    %get3A_52 = vector.load %arg9[%get3A_50, %get3A_51] : memref<8x1xf32, #tpu.memory_space<vmem>>, vector<8x1xf32>
    %dot_general3A_53 = arith.constant dense<0.000000e+00> : vector<2000x1xf32>
    %dot_general3A_54 = tpu.matmul %dot_general3A_42, %get3A_52, %dot_general3A_53 {dimension_numbers = #tpu.dot_dimension_numbers<[1], [0], [0], [1], [0, 0, 1, 1], [], []>, transpose_lhs_hint = false} : vector<2000x8xf32>, vector<8x1xf32>, vector<2000x1xf32> -> vector<2000x1xf32>
    %swap3A_55 = arith.constant 0 : index
    %swap3A_56 = arith.constant 0 : index
    %swap3A_57 = vector.load %arg11[%swap3A_55, %swap3A_56] : memref<2000x1xf32, #tpu.memory_space<vmem>>, vector<2000x1xf32>
    tpu.vector_store %arg11[%swap3A_55, %swap3A_56], %dot_general3A_49 {strides = array<i32>} : memref<2000x1xf32, #tpu.memory_space<vmem>>, vector<2000x1xf32>,
    %swap3A_58 = arith.constant 0 : index
    %swap3A_59 = arith.constant 0 : index
    %swap3A_60 = vector.load %arg12[%swap3A_58, %swap3A_59] : memref<2000x1xf32, #tpu.memory_space<vmem>>, vector<2000x1xf32>
    tpu.vector_store %arg12[%swap3A_58, %swap3A_59], %dot_general3A_54 {strides = array<i32>} : memref<2000x1xf32, #tpu.memory_space<vmem>>, vector<2000x1xf32>,
    %add3A_61 = arith.addf %dot_general3A_49, %dot_general3A_54 : vector<2000x1xf32>
    %mul3A_62 = arith.constant 2.000000e-01 : f32
    %mul3A_63 = vector.broadcast %mul3A_62 : f32 to vector<2000x1xf32>
    %mul3A_64 = arith.mulf %mul3A_63, %add3A_61 : vector<2000x1xf32>
    %max3A = arith.maximumf %add3A_61, %mul3A_64 : vector<2000x1xf32>
    %exp3A_65 = math.exp %max3A : vector<2000x1xf32>
    %swap3A_66 = arith.constant 0 : index
    %swap3A_67 = arith.constant 0 : index
    %swap3A_68 = vector.load %arg13[%swap3A_66, %swap3A_67] : memref<2000x1xf32, #tpu.memory_space<vmem>>, vector<2000x1xf32>
    tpu.vector_store %arg13[%swap3A_66, %swap3A_67], %exp3A_65 {strides = array<i32>} : memref<2000x1xf32, #tpu.memory_space<vmem>>, vector<2000x1xf32>,
    return
  }
  func.func @transform_0(%arg0: i32) -> (i32, i32) {
    %c0_i32 = arith.constant 0 : i32
    %c0_i32_0 = arith.constant 0 : i32
    return %arg0, %c0_i32 : i32, i32
  }
  func.func @transform_1(%arg0: i32) -> (i32, i32) {
    %c0_i32 = arith.constant 0 : i32
    %c0_i32_0 = arith.constant 0 : i32
    return %arg0, %c0_i32 : i32, i32
  }
  func.func @transform_2(%arg0: i32) -> (i32, i32) {
    %c0_i32 = arith.constant 0 : i32
    %c0_i32_0 = arith.constant 0 : i32
    return %arg0, %c0_i32 : i32, i32
  }
  func.func @transform_3(%arg0: i32) -> (i32, i32) {
    %c0_i32 = arith.constant 0 : i32
    %c0_i32_0 = arith.constant 0 : i32
    return %arg0, %c0_i32 : i32, i32
  }
  func.func @transform_4(%arg0: i32) -> (i32, i32) {
    %c0_i32 = arith.constant 0 : i32
    %c0_i32_0 = arith.constant 0 : i32
    %c0_i32_1 = arith.constant 0 : i32
    return %c0_i32, %c0_i32_0 : i32, i32
  }
  func.func @transform_5(%arg0: i32) -> (i32, i32) {
    %c0_i32 = arith.constant 0 : i32
    %c0_i32_0 = arith.constant 0 : i32
    %c0_i32_1 = arith.constant 0 : i32
    return %c0_i32, %c0_i32_0 : i32, i32
  }
  func.func @transform_6(%arg0: i32) -> (i32, i32) {
    %c0_i32 = arith.constant 0 : i32
    %c0_i32_0 = arith.constant 0 : i32
    %c0_i32_1 = arith.constant 0 : i32
    return %c0_i32, %c0_i32_0 : i32, i32
  }
  func.func @transform_7(%arg0: i32) -> (i32, i32) {
    %c0_i32 = arith.constant 0 : i32
    %c0_i32_0 = arith.constant 0 : i32
    %c0_i32_1 = arith.constant 0 : i32
    return %c0_i32, %c0_i32_0 : i32, i32
  }
  func.func @transform_8(%arg0: i32) -> (i32, i32) {
    %c0_i32 = arith.constant 0 : i32
    %c0_i32_0 = arith.constant 0 : i32
    %c0_i32_1 = arith.constant 0 : i32
    return %c0_i32, %c0_i32_0 : i32, i32
  }
  func.func @transform_9(%arg0: i32) -> (i32, i32) {
    %c0_i32 = arith.constant 0 : i32
    %c0_i32_0 = arith.constant 0 : i32
    return %arg0, %c0_i32 : i32, i32
  }
  func.func @transform_10(%arg0: i32) -> (i32, i32) {
    %c0_i32 = arith.constant 0 : i32
    %c0_i32_0 = arith.constant 0 : i32
    return %arg0, %c0_i32 : i32, i32
  }
  func.func @transform_11(%arg0: i32) -> (i32, i32) {
    %c0_i32 = arith.constant 0 : i32
    %c0_i32_0 = arith.constant 0 : i32
    return %arg0, %c0_i32 : i32, i32
  }
  func.func @transform_12(%arg0: i32) -> (i32, i32) {
    %c0_i32 = arith.constant 0 : i32
    %c0_i32_0 = arith.constant 0 : i32
    return %arg0, %c0_i32 : i32, i32
  }
}

module attributes {stable_mosaic.version = 14 : i64} {
  func.func @_tc_final(%arg0: i32, %arg1: memref<2000x16xf32, #tpu.memory_space<vmem>>, %arg2: memref<2000x16xf32, #tpu.memory_space<vmem>>, %arg3: memref<2000x1xf32, #tpu.memory_space<vmem>>, %arg4: memref<2000x8xf32, #tpu.memory_space<vmem>>, %arg5: memref<1x8xf32, #tpu.memory_space<vmem>>, %arg6: memref<1x1x2000xi32, #tpu.memory_space<vmem>>, %arg7: memref<8x20xf32, #tpu.memory_space<vmem>>, %arg8: memref<1x20xf32, #tpu.memory_space<vmem>>, %arg9: memref<20x10xf32, #tpu.memory_space<vmem>>, %arg10: memref<1x10xf32, #tpu.memory_space<vmem>>, %arg11: memref<64x10xf32, #tpu.memory_space<vmem>>, %arg12: memref<64x8xf32, #tpu.memory_space<vmem>>, %arg13: memref<64x1xf32, #tpu.memory_space<vmem>>) attributes {dimension_semantics = [#tpu.dimension_semantics<arbitrary>], iteration_bounds = array<i64: 5>, scalar_prefetch = 0 : i64, scratch_operands = 2 : i64, tpu.core_type = #tpu.core_type<tc>, window_params = [{transform_indices = @transform_0, window_bounds = array<i64: 2000, 16>}, {transform_indices = @transform_1, window_bounds = array<i64: 2000, 16>}, {transform_indices = @transform_2, window_bounds = array<i64: 2000, 1>}, {transform_indices = @transform_3, window_bounds = array<i64: 2000, 8>}, {pipeline_mode = #tpu.pipeline_mode<synchronous>, transform_indices = @transform_4, window_bounds = array<i64: 1, 8>}, {transform_indices = @transform_5, window_bounds = array<i64: 1, 1, 2000>}, {pipeline_mode = #tpu.pipeline_mode<synchronous>, transform_indices = @transform_6, window_bounds = array<i64: 8, 20>}, {pipeline_mode = #tpu.pipeline_mode<synchronous>, transform_indices = @transform_7, window_bounds = array<i64: 1, 20>}, {pipeline_mode = #tpu.pipeline_mode<synchronous>, transform_indices = @transform_8, window_bounds = array<i64: 20, 10>}, {pipeline_mode = #tpu.pipeline_mode<synchronous>, transform_indices = @transform_9, window_bounds = array<i64: 1, 10>}, {pipeline_mode = #tpu.pipeline_mode<synchronous>, transform_indices = @transform_10, window_bounds = array<i64: 64, 10>}]} {
    %get3A = arith.constant 0 : index
    %get3A_0 = arith.constant 0 : index
    %get3A_1 = vector.load %arg1[%get3A, %get3A_0] : memref<2000x16xf32, #tpu.memory_space<vmem>>, vector<2000x16xf32>
    %get3A_2 = arith.constant 0 : index
    %get3A_3 = arith.constant 0 : index
    %get3A_4 = vector.load %arg2[%get3A_2, %get3A_3] : memref<2000x16xf32, #tpu.memory_space<vmem>>, vector<2000x16xf32>
    %get3A_5 = arith.constant 0 : index
    %get3A_6 = arith.constant 0 : index
    %get3A_7 = vector.load %arg3[%get3A_5, %get3A_6] : memref<2000x1xf32, #tpu.memory_space<vmem>>, vector<2000x1xf32>
    %slice3A = vector.extract_strided_slice %get3A_1 {offsets = [0, 0], sizes = [2000, 8], strides = [1, 1]} : vector<2000x16xf32> to vector<2000x8xf32>
    %slice3A_8 = vector.extract_strided_slice %get3A_4 {offsets = [0, 0], sizes = [2000, 8], strides = [1, 1]} : vector<2000x16xf32> to vector<2000x8xf32>
    %add3A = arith.addf %slice3A, %slice3A_8 : vector<2000x8xf32>
    %get3A_9 = arith.constant 0 : index
    %get3A_10 = arith.constant 0 : index
    %get3A_11 = vector.load %arg4[%get3A_9, %get3A_10] : memref<2000x8xf32, #tpu.memory_space<vmem>>, vector<2000x8xf32>
    %mul3A = vector.broadcast %get3A_7 : vector<2000x1xf32> to vector<2000x8xf32>
    %mul3A_12 = arith.mulf %mul3A, %get3A_11 : vector<2000x8xf32>
    %add3A_13 = arith.addf %add3A, %mul3A_12 : vector<2000x8xf32>
    %slice3A_14 = vector.extract_strided_slice %get3A_1 {offsets = [0, 8], sizes = [2000, 1], strides = [1, 1]} : vector<2000x16xf32> to vector<2000x1xf32>
    %slice3A_15 = vector.extract_strided_slice %get3A_4 {offsets = [0, 8], sizes = [2000, 1], strides = [1, 1]} : vector<2000x16xf32> to vector<2000x1xf32>
    %add3A_16 = arith.addf %slice3A_14, %slice3A_15 : vector<2000x1xf32>
    %add3A_17 = arith.addf %add3A_16, %get3A_7 : vector<2000x1xf32>
    %add3A_18 = arith.constant 1.000000e-16 : f32
    %add3A_19 = vector.broadcast %add3A_18 : f32 to vector<2000x1xf32>
    %add3A_20 = arith.addf %add3A_17, %add3A_19 : vector<2000x1xf32>
    %div3A = vector.broadcast %add3A_20 : vector<2000x1xf32> to vector<2000x8xf32>
    %div3A_21 = arith.divf %add3A_13, %div3A : vector<2000x8xf32>
    %get3A_22 = arith.constant 0 : index
    %get3A_23 = arith.constant 0 : index
    %get3A_24 = vector.load %arg5[%get3A_22, %get3A_23] : memref<1x8xf32, #tpu.memory_space<vmem>>, vector<1x8xf32>
    %add3A_25 = vector.broadcast %get3A_24 : vector<1x8xf32> to vector<2000x8xf32>
    %add3A_26 = arith.addf %div3A_21, %add3A_25 : vector<2000x8xf32>
    %get3A_27 = arith.constant 0 : index
    %get3A_28 = arith.constant 0 : index
    %get3A_29 = arith.constant 0 : index
    %get3A_30 = vector.load %arg6[%get3A_27, %get3A_28, %get3A_29] : memref<1x1x2000xi32, #tpu.memory_space<vmem>>, vector<1x1x2000xi32>
    %get3A_31 = vector.shape_cast %get3A_30 : vector<1x1x2000xi32> to vector<1x2000xi32>
    %iota3A = tpu.iota {dimensions = array<i32: 0>} : vector<64x1xi32>
    %eq3A = vector.broadcast %get3A_31 : vector<1x2000xi32> to vector<64x2000xi32>
    %eq3A_32 = vector.broadcast %iota3A : vector<64x1xi32> to vector<64x2000xi32>
    %eq3A_33 = arith.cmpi eq, %eq3A, %eq3A_32 : vector<64x2000xi32>
    %convert_element_type3A = arith.extui %eq3A_33 : vector<64x2000xi1> to vector<64x2000xi32>
    %convert_element_type3A_34 = arith.sitofp %convert_element_type3A : vector<64x2000xi32> to vector<64x2000xf32>
    %dot_general3A = arith.constant dense<0.000000e+00> : vector<64x8xf32>
    %dot_general3A_35 = tpu.matmul %convert_element_type3A_34, %add3A_26, %dot_general3A {dimension_numbers = #tpu.dot_dimension_numbers<[1], [0], [0], [1], [0, 0, 1, 1], [], []>, transpose_lhs_hint = false} : vector<64x2000xf32>, vector<2000x8xf32>, vector<64x8xf32> -> vector<64x8xf32>
    %reduce_sum3A = arith.constant dense<0.000000e+00> : vector<64xf32>
    %reduce_sum3A_36 = vector.multi_reduction <add>, %convert_element_type3A_34, %reduce_sum3A [1] : vector<64x2000xf32> to vector<64xf32>
    %broadcast_in_dim3A = vector.shape_cast %reduce_sum3A_36 : vector<64xf32> to vector<64x1xf32>
    %eq3A_37 = arith.constant 0 : i32
    %eq3A_38 = arith.cmpi eq, %arg0, %eq3A_37 : i32
    %convert_element_type3A_39 = arith.extui %eq3A_38 : i1 to i32
    %cond3A = arith.constant 0 : i32
    %cond3A_40 = arith.cmpi ne, %convert_element_type3A_39, %cond3A : i32
    scf.if %cond3A_40 {
      %swap3A = arith.constant 0 : index
      %swap3A_50 = arith.constant 0 : index
      %swap3A_51 = vector.load %arg12[%swap3A, %swap3A_50] : memref<64x8xf32, #tpu.memory_space<vmem>>, vector<64x8xf32>
      tpu.vector_store %arg12[%swap3A, %swap3A_50], %dot_general3A_35 {strides = array<i32>} : memref<64x8xf32, #tpu.memory_space<vmem>>, vector<64x8xf32>,
      %swap3A_52 = arith.constant 0 : index
      %swap3A_53 = arith.constant 0 : index
      %swap3A_54 = vector.load %arg13[%swap3A_52, %swap3A_53] : memref<64x1xf32, #tpu.memory_space<vmem>>, vector<64x1xf32>
      tpu.vector_store %arg13[%swap3A_52, %swap3A_53], %broadcast_in_dim3A {strides = array<i32>} : memref<64x1xf32, #tpu.memory_space<vmem>>, vector<64x1xf32>,
    } else {
    }
    %gt3A = arith.constant 0 : i32
    %gt3A_41 = arith.cmpi sgt, %arg0, %gt3A : i32
    %convert_element_type3A_42 = arith.extui %gt3A_41 : i1 to i32
    %cond3A_43 = arith.constant 0 : i32
    %cond3A_44 = arith.cmpi ne, %convert_element_type3A_42, %cond3A_43 : i32
    scf.if %cond3A_44 {
      %get3A_50 = arith.constant 0 : index
      %get3A_51 = arith.constant 0 : index
      %get3A_52 = vector.load %arg12[%get3A_50, %get3A_51] : memref<64x8xf32, #tpu.memory_space<vmem>>, vector<64x8xf32>
      %add3A_53 = arith.addf %get3A_52, %dot_general3A_35 : vector<64x8xf32>
      %swap3A = arith.constant 0 : index
      %swap3A_54 = arith.constant 0 : index
      %swap3A_55 = vector.load %arg12[%swap3A, %swap3A_54] : memref<64x8xf32, #tpu.memory_space<vmem>>, vector<64x8xf32>
      tpu.vector_store %arg12[%swap3A, %swap3A_54], %add3A_53 {strides = array<i32>} : memref<64x8xf32, #tpu.memory_space<vmem>>, vector<64x8xf32>,
      %get3A_56 = arith.constant 0 : index
      %get3A_57 = arith.constant 0 : index
      %get3A_58 = vector.load %arg13[%get3A_56, %get3A_57] : memref<64x1xf32, #tpu.memory_space<vmem>>, vector<64x1xf32>
      %add3A_59 = arith.addf %get3A_58, %broadcast_in_dim3A : vector<64x1xf32>
      %swap3A_60 = arith.constant 0 : index
      %swap3A_61 = arith.constant 0 : index
      %swap3A_62 = vector.load %arg13[%swap3A_60, %swap3A_61] : memref<64x1xf32, #tpu.memory_space<vmem>>, vector<64x1xf32>
      tpu.vector_store %arg13[%swap3A_60, %swap3A_61], %add3A_59 {strides = array<i32>} : memref<64x1xf32, #tpu.memory_space<vmem>>, vector<64x1xf32>,
    } else {
    }
    %eq3A_45 = arith.constant 4 : i32
    %eq3A_46 = arith.cmpi eq, %arg0, %eq3A_45 : i32
    %convert_element_type3A_47 = arith.extui %eq3A_46 : i1 to i32
    %cond3A_48 = arith.constant 0 : i32
    %cond3A_49 = arith.cmpi ne, %convert_element_type3A_47, %cond3A_48 : i32
    scf.if %cond3A_49 {
      %get3A_50 = arith.constant 0 : index
      %get3A_51 = arith.constant 0 : index
      %get3A_52 = vector.load %arg12[%get3A_50, %get3A_51] : memref<64x8xf32, #tpu.memory_space<vmem>>, vector<64x8xf32>
      %get3A_53 = arith.constant 0 : index
      %get3A_54 = arith.constant 0 : index
      %get3A_55 = vector.load %arg13[%get3A_53, %get3A_54] : memref<64x1xf32, #tpu.memory_space<vmem>>, vector<64x1xf32>
      %max3A = arith.constant 1.000000e+00 : f32
      %max3A_56 = vector.broadcast %max3A : f32 to vector<64x1xf32>
      %max3A_57 = arith.maximumf %get3A_55, %max3A_56 : vector<64x1xf32>
      %div3A_58 = vector.broadcast %max3A_57 : vector<64x1xf32> to vector<64x8xf32>
      %div3A_59 = arith.divf %get3A_52, %div3A_58 : vector<64x8xf32>
      %get3A_60 = arith.constant 0 : index
      %get3A_61 = arith.constant 0 : index
      %get3A_62 = vector.load %arg7[%get3A_60, %get3A_61] : memref<8x20xf32, #tpu.memory_space<vmem>>, vector<8x20xf32>
      %dot_general3A_63 = arith.constant dense<0.000000e+00> : vector<64x20xf32>
      %dot_general3A_64 = tpu.matmul %div3A_59, %get3A_62, %dot_general3A_63 {dimension_numbers = #tpu.dot_dimension_numbers<[1], [0], [0], [1], [0, 0, 1, 1], [], []>, transpose_lhs_hint = false} : vector<64x8xf32>, vector<8x20xf32>, vector<64x20xf32> -> vector<64x20xf32>
      %get3A_65 = arith.constant 0 : index
      %get3A_66 = arith.constant 0 : index
      %get3A_67 = vector.load %arg8[%get3A_65, %get3A_66] : memref<1x20xf32, #tpu.memory_space<vmem>>, vector<1x20xf32>
      %add3A_68 = vector.broadcast %get3A_67 : vector<1x20xf32> to vector<64x20xf32>
      %add3A_69 = arith.addf %dot_general3A_64, %add3A_68 : vector<64x20xf32>
      %max3A_70 = arith.constant 0.000000e+00 : f32
      %max3A_71 = vector.broadcast %max3A_70 : f32 to vector<64x20xf32>
      %max3A_72 = arith.maximumf %add3A_69, %max3A_71 : vector<64x20xf32>
      %get3A_73 = arith.constant 0 : index
      %get3A_74 = arith.constant 0 : index
      %get3A_75 = vector.load %arg9[%get3A_73, %get3A_74] : memref<20x10xf32, #tpu.memory_space<vmem>>, vector<20x10xf32>
      %dot_general3A_76 = arith.constant dense<0.000000e+00> : vector<64x10xf32>
      %dot_general3A_77 = tpu.matmul %max3A_72, %get3A_75, %dot_general3A_76 {dimension_numbers = #tpu.dot_dimension_numbers<[1], [0], [0], [1], [0, 0, 1, 1], [], []>, transpose_lhs_hint = false} : vector<64x20xf32>, vector<20x10xf32>, vector<64x10xf32> -> vector<64x10xf32>
      %get3A_78 = arith.constant 0 : index
      %get3A_79 = arith.constant 0 : index
      %get3A_80 = vector.load %arg10[%get3A_78, %get3A_79] : memref<1x10xf32, #tpu.memory_space<vmem>>, vector<1x10xf32>
      %add3A_81 = vector.broadcast %get3A_80 : vector<1x10xf32> to vector<64x10xf32>
      %add3A_82 = arith.addf %dot_general3A_77, %add3A_81 : vector<64x10xf32>
      %reduce_max3A = arith.constant dense<0xFF800000> : vector<64xf32>
      %reduce_max3A_83 = vector.multi_reduction <maximumf>, %add3A_82, %reduce_max3A [1] : vector<64x10xf32> to vector<64xf32>
      %broadcast_in_dim3A_84 = vector.shape_cast %reduce_max3A_83 : vector<64xf32> to vector<64x1xf32>
      %sub3A = vector.broadcast %broadcast_in_dim3A_84 : vector<64x1xf32> to vector<64x10xf32>
      %sub3A_85 = arith.subf %add3A_82, %sub3A : vector<64x10xf32>
      %exp3A = math.exp %sub3A_85 : vector<64x10xf32>
      %reduce_sum3A_86 = arith.constant dense<0.000000e+00> : vector<64xf32>
      %reduce_sum3A_87 = vector.multi_reduction <add>, %exp3A, %reduce_sum3A_86 [1] : vector<64x10xf32> to vector<64xf32>
      %broadcast_in_dim3A_88 = vector.shape_cast %reduce_sum3A_87 : vector<64xf32> to vector<64x1xf32>
      %log3A = math.log %broadcast_in_dim3A_88 : vector<64x1xf32>
      %add3A_89 = arith.addf %broadcast_in_dim3A_84, %log3A : vector<64x1xf32>
      %sub3A_90 = vector.broadcast %add3A_89 : vector<64x1xf32> to vector<64x10xf32>
      %sub3A_91 = arith.subf %add3A_82, %sub3A_90 : vector<64x10xf32>
      %swap3A = arith.constant 0 : index
      %swap3A_92 = arith.constant 0 : index
      %swap3A_93 = vector.load %arg11[%swap3A, %swap3A_92] : memref<64x10xf32, #tpu.memory_space<vmem>>, vector<64x10xf32>
      tpu.vector_store %arg11[%swap3A, %swap3A_92], %sub3A_91 {strides = array<i32>} : memref<64x10xf32, #tpu.memory_space<vmem>>, vector<64x10xf32>,
    } else {
    }
    return
  }
  func.func @transform_0(%arg0: i32) -> (i32, i32) {
    %c0_i32 = arith.constant 0 : i32
    %c0_i32_0 = arith.constant 0 : i32
    return %arg0, %c0_i32 : i32, i32
  }
  func.func @transform_1(%arg0: i32) -> (i32, i32) {
    %c0_i32 = arith.constant 0 : i32
    %c0_i32_0 = arith.constant 0 : i32
    return %arg0, %c0_i32 : i32, i32
  }
  func.func @transform_2(%arg0: i32) -> (i32, i32) {
    %c0_i32 = arith.constant 0 : i32
    %c0_i32_0 = arith.constant 0 : i32
    return %arg0, %c0_i32 : i32, i32
  }
  func.func @transform_3(%arg0: i32) -> (i32, i32) {
    %c0_i32 = arith.constant 0 : i32
    %c0_i32_0 = arith.constant 0 : i32
    return %arg0, %c0_i32 : i32, i32
  }
  func.func @transform_4(%arg0: i32) -> (i32, i32) {
    %c0_i32 = arith.constant 0 : i32
    %c0_i32_0 = arith.constant 0 : i32
    %c0_i32_1 = arith.constant 0 : i32
    return %c0_i32, %c0_i32_0 : i32, i32
  }
  func.func @transform_5(%arg0: i32) -> (i32, i32, i32) {
    %c0_i32 = arith.constant 0 : i32
    %c0_i32_0 = arith.constant 0 : i32
    %c0_i32_1 = arith.constant 0 : i32
    return %arg0, %c0_i32, %c0_i32_0 : i32, i32, i32
  }
  func.func @transform_6(%arg0: i32) -> (i32, i32) {
    %c0_i32 = arith.constant 0 : i32
    %c0_i32_0 = arith.constant 0 : i32
    %c0_i32_1 = arith.constant 0 : i32
    return %c0_i32, %c0_i32_0 : i32, i32
  }
  func.func @transform_7(%arg0: i32) -> (i32, i32) {
    %c0_i32 = arith.constant 0 : i32
    %c0_i32_0 = arith.constant 0 : i32
    %c0_i32_1 = arith.constant 0 : i32
    return %c0_i32, %c0_i32_0 : i32, i32
  }
  func.func @transform_8(%arg0: i32) -> (i32, i32) {
    %c0_i32 = arith.constant 0 : i32
    %c0_i32_0 = arith.constant 0 : i32
    %c0_i32_1 = arith.constant 0 : i32
    return %c0_i32, %c0_i32_0 : i32, i32
  }
  func.func @transform_9(%arg0: i32) -> (i32, i32) {
    %c0_i32 = arith.constant 0 : i32
    %c0_i32_0 = arith.constant 0 : i32
    %c0_i32_1 = arith.constant 0 : i32
    return %c0_i32, %c0_i32_0 : i32, i32
  }
  func.func @transform_10(%arg0: i32) -> (i32, i32) {
    %c0_i32 = arith.constant 0 : i32
    %c0_i32_0 = arith.constant 0 : i32
    %c0_i32_1 = arith.constant 0 : i32
    return %c0_i32, %c0_i32_0 : i32, i32
  }
}

</mosaic_0001>

<sc_bundles>
// kernel: kernel.10.cloned.1.call-start
scs
__scs_entry_jumppad:
0x0: {  	(pc) =	sbr.rel $0x88, $3  }
0x1: {  	(tag) =	ssettag $0x0;
	lr =	simm.s32 $0x1  }
0x2: {  	[smem:$0x3F92] =	sst lr;
	_ =	strace $0xD0000000  }
0x3: {  	_ = 	snop  }
0x4: {  	_ = 	snop  }
0x5: {  	_ = 	snop  }
0x6: {  	_ = 	snop  }
0x7: {  	_ = 	snop  }
__scs_overlays_trampoline_lowered:
0x8: {  	[smem:$0x3FA1] =	sst s0  }
0x9: {  	[smem:$0x3FA2] =	sst s1  }
0xa: {  	[smem:$0x3FA3] =	sst s2  }
0xb: {  	[smem:$0x3FA4] =	sst s3  }
0xc: {  	[smem:$0x3FA5] =	sst s4  }
0xd: {  	[smem:$0x3FA6] =	sst s5  }
0xe: {  	[smem:$0x3FA7] =	sst s6  }
0xf: {  	[smem:$0x3FA8] =	sst s7  }
0x10: {  	[smem:$0x3FA9] =	sst s8  }
0x11: {  	[smem:$0x3FAA] =	sst s9;
	s0 =	simm.s32 @!p0 $0x0  }
0x12: {  	s1 =	sld [smem:$0x3F90];
	s0 =	simm.s32 @p0 $0x1  }
0x13: {  	[smem:$0x3FAB] =	sst s0;
	s0 =	simm.s32 @!p1 $0x0  }
0x14: {  	s2 =	sld [smem:$0x3F8F];
	s0 =	simm.s32 @p1 $0x1  }
0x15: {  	[smem:$0x3FAC] =	sst s0;
	s0 =	simm.s32 @!p2 $0x0  }
0x16: {  	s3 =	sld [smem:$0x3FDB];
	s0 =	simm.s32 @p2 $0x1  }
0x17: {  	s4 =	simm.s32 $0x1BF5;
	[smem:$0x3FAE] =	sst s0  }
0x18: {  	s0 =	sld [smem:$0x3F91];
	_ =	swait.ge [sflag:s4], $0x0  }
0x19: {  	s7 =	sld [smem:$0x3F92]  }
0x1a: {  	s8 =	sadd.s32 $0xFFFFE003, lr  }
0x1b: {  	s9 =	sadd.s32 $0xFFFFFEF7, lr;
	s5 =	simm.s32 $0xFFFFFFFF;
	p2 =	slt.u32 s8, $0xFFFFF086  }
0x1c: {  	p1 =	slt.u32 s9, $0xF7A;
	s5 =	simm.s32 @!p2 $0x0  }
0x1d: {  	s5 =	simm.s32 @p1 $0x1;
	p0 =	seq.s32 s7, s2  }
0x1e: {  	s7 =	smul.u32 @!p0 $0xF7A, s2;
	p2 =	seq.s32 @!p0 s5, $0x0  }
0x1f: {  	s9 =	smul.u32 $0xF7A, s1;
	s8 =	simm.s32 @!p0 $0x1BF5;
	p2 =	por !p2, p0  }
0x20: {  	[sflag:s8] =	ssyncset.s32 @!p0 $0xFFFFF086;
	s6 =	sadd.s32 @!p0 s3, s7;
	s7 =	simm.s32 @!p0 $0x108  }
0x21: {  	s3 =	sadd.s32 s3, s9;
	s6 =	sadd.s32 @!p0 $0x88, s6;
	s7 =	simm.s32 @p2 $0x1082  }
0x22: {  	[simem:s7], [sflag:s8] =	dma.local @!p0 [hbm:s6], $0xF7A  }
0x23: {  	s9 =	sor.u32 $0xD0000000, s2;
	s6 =	simm.s32 $0x108;
	_ =	swait.ge @!p0 [sflag:s8], $0x0  }
0x24: {  	s3 =	sadd.s32 $0x88, s3;
	s6 =	simm.s32 @!p1 $0x1082;
	[sflag:s4] =	ssyncset.s32 $0xFFFFF086  }
0x25: {  	[simem:s6], [sflag:s4] =	dma.local [hbm:s3], $0xF7A  }
0x26: {  	[smem:$0x3F92] =	sst s1;
	(tag) =	ssettag s2;
	_ =	strace s9  }
0x27: {  	s1 =	sld [smem:$0x3FA2]  }
0x28: {  	s2 =	sld [smem:$0x3FA3]  }
0x29: {  	s4 =	sld [smem:$0x3FA5]  }
0x2a: {  	p0 =	seq.s32 s5, $0x0;
	s5 =	sld [smem:$0x3FA6]  }
0x2b: {  	s6 =	sld [smem:$0x3FA7]  }
0x2c: {  	s7 =	sld [smem:$0x3FA8]  }
0x2d: {  	s3 =	simm.s32 $0x108;
	s8 =	sld [smem:$0x3FA9]  }
0x2e: {  	s3 =	simm.s32 @!p0 $0x1082;
	s9 =	sld [smem:$0x3FAA]  }
0x2f: {  	lr =	sadd.s32 s0, s3;
	s0 =	sld [smem:$0x3FA1]  }
0x30: {  	s3 =	sld [smem:$0x3FA4]  }
0x31: {  	[smem:$0x3FAD] =	sst s10  }
0x32: {  	s10 =	sld [smem:$0x3FAB];
	_ =	sdelay $0x3  }
0x33: {  	p0 =	seq.s32 s10, $0x1;
	s10 =	sld [smem:$0x3FAD];
	_ =	sdelay $0x3  }
0x34: {  	[smem:$0x3FAD] =	sst s10  }
0x35: {  	s10 =	sld [smem:$0x3FAC];
	_ =	sdelay $0x3  }
0x36: {  	p1 =	seq.s32 s10, $0x1;
	s10 =	sld [smem:$0x3FAD];
	_ =	sdelay $0x3  }
0x37: {  	[smem:$0x3FAD] =	sst s10  }
0x38: {  	s10 =	sld [smem:$0x3FAE]  }
0x39: {  	_ = 	snop;
	(pc) =	sbr.ind lr, $3  }
0x3a: {  	_ = 	snop  }
0x3b: {  	_ = 	snop  }
0x3c: {  	p2 =	seq.s32 s10, $0x1;
	s10 =	sld [smem:$0x3FAD]  }
0x3d: {  	_ =	shalt  }
0x3e: {  	_ =	shalt  }
0x3f: {  	_ =	shalt  }
0x40: {  	_ =	shalt  }
0x41: {  	_ =	shalt  }
0x42: {  	_ =	shalt  }
0x43: {  	_ =	shalt  }
0x44: {  	_ =	shalt  }
0x45: {  	_ =	shalt  }
0x46: {  	_ =	shalt  }
0x47: {  	_ =	shalt  }
0x48: {  	_ =	shalt  }
0x49: {  	_ =	shalt  }
0x4a: {  	_ =	shalt  }
0x4b: {  	_ =	shalt  }
0x4c: {  	_ =	shalt  }
0x4d: {  	_ =	shalt  }
0x4e: {  	_ =	shalt  }
0x4f: {  	_ =	shalt  }
0x50: {  	_ =	shalt  }
0x51: {  	_ =	shalt  }
0x52: {  	_ =	shalt  }
0x53: {  	_ =	shalt  }
0x54: {  	_ =	shalt  }
0x55: {  	_ =	shalt  }
0x56: {  	_ =	shalt  }
0x57: {  	_ =	shalt  }
0x58: {  	_ =	shalt  }
0x59: {  	_ =	shalt  }
0x5a: {  	_ =	shalt  }
0x5b: {  	_ =	shalt  }
0x5c: {  	_ =	shalt  }
0x5d: {  	_ =	shalt  }
0x5e: {  	_ =	shalt  }
0x5f: {  	_ =	shalt  }
0x60: {  	_ =	shalt  }
0x61: {  	_ =	shalt  }
0x62: {  	_ =	shalt  }
0x63: {  	_ =	shalt  }
0x64: {  	_ =	shalt  }
0x65: {  	_ =	shalt  }
0x66: {  	_ =	shalt  }
0x67: {  	_ =	shalt  }
0x68: {  	_ =	shalt  }
0x69: {  	_ =	shalt  }
0x6a: {  	_ =	shalt  }
0x6b: {  	_ =	shalt  }
0x6c: {  	_ =	shalt  }
0x6d: {  	_ =	shalt  }
0x6e: {  	_ =	shalt  }
0x6f: {  	_ =	shalt  }
0x70: {  	_ =	shalt  }
0x71: {  	_ =	shalt  }
0x72: {  	_ =	shalt  }
0x73: {  	_ =	shalt  }
0x74: {  	_ =	shalt  }
0x75: {  	_ =	shalt  }
0x76: {  	_ =	shalt  }
0x77: {  	_ =	shalt  }
0x78: {  	_ =	shalt  }
0x79: {  	_ =	shalt  }
0x7a: {  	_ =	shalt  }
0x7b: {  	_ =	shalt  }
0x7c: {  	_ =	shalt  }
0x7d: {  	_ =	shalt  }
0x7e: {  	_ =	shalt  }
0x7f: {  	_ =	shalt  }
0x80: {  	_ =	shalt  }
0x81: {  	_ =	shalt  }
0x82: {  	_ =	shalt  }
0x83: {  	_ =	shalt  }
0x84: {  	_ =	shalt  }
0x85: {  	_ =	shalt  }
0x86: {  	_ =	shalt  }
0x87: {  	_ =	shalt  }
.Lfunc_end0:
.L_simem_size_0:
called_computation.1_lowered:
.L_overlay_start_0:
0x88: {  	s2 =	sld [smem:$0x3FD9]  }
0x89: {  	s3 =	sld [smem:$0x3FFE];
	_ =	sdelay $0x1  }
0x8a: {  	s1 =	srdreg.scid  }
0x8b: {  	s0 =	sand.u32 $0x1, s1  }
0x8c: {  	s16 =	sshll.u32 s0, $0xA;
	s2 =	sadd.s32 s3, s2  }
0x8d: {  	s2 =	sadd.s32 s2, s16  }
0x8e: {  	[smem:$0x3FB9] =	sst s2  }
0x8f: {  	_ = 	snop  }
0x90: {  	(tm) =	ssettm $0x1  }
0x91: {  	s17 =	sld [smem:$0x3FFB];
	_ =	sdelay $0x3  }
0x92: {  	_ =	strace s17  }
0x93: {  	s2 =	sld [smem:$0x3FFC];
	_ =	sdelay $0x3  }
0x94: {  	_ =	strace s2  }
0x95: {  	s2 =	sld [smem:$0x3FFD];
	_ =	sdelay $0x3  }
0x96: {  	_ =	strace s2  }
0x97: {  	_ =	strace $0x8FFFFFFF  }
0x98: {  	s18 =	sld [smem:$0x3FDB];
	_ =	sdelay $0x1  }
0x99: {  	s19 =	simm.s32 $_scs_section_size  }
0x9a: {  	s4 =	simm.s32 $_size__tile_overlayer_lowered;
	s5 =	simm.s32 $_tile_overlayer_lowered  }
0x9b: {  	s22 =	simm.s32 $0x1BFF;
	s21 =	sshll.u32 s5, $0x1;
	s2 =	sadd.s32 s19, s18  }
0x9c: {  	s6 =	simm.s32 $0x0;
	s20 =	sshll.u32 s4, $0x1;
	s4 =	sadd.s32 s21, s2  }
0x9d: {  	[timem:s6], [sflag:s22] =	dma.local [hbm:s4], s20  }
0x9e: {  	_ =	swait.ge [sflag:s22], s20  }
0x9f: {  	s3 =	ssub.s32 $0x0, s20;
	[sflag:s22] =	ssyncset.done $0x0  }
0xa0: {  	[sflag:s22] =	ssyncadd.s32 s3;
	_ =	sdelay $0x1  }
0xa1: {  	s23 =	simm.s32 $0x1B8B  }
0xa2: {  	_ =	swait.ge [sflag:s23], $0x1  }
0xa3: {  	[sflag:s23] =	ssyncset.done $0x0  }
0xa4: {  	s25 =	simm.s32 $0x1B8E;
	s24 =	sld [smem:$0x3FFE];
	[sflag:s23] =	ssyncadd.s32 $0xFFFFFFFF  }
0xa5: {  	s26 =	simm.s32 $execute0_lowered;
	[smem:$0x3FD2] =	sst s25  }
0xa6: {  	s4 =	sshll.u32 s26, $0x1;
	_ =	strace $0x80000049;
	[dreg:$0x1] =	wrdreg $0xFFFFFFFF  }
0xa7: {  	s28 =	simm.s32 $_size_execute0_lowered;
	s2 =	sadd.s32 s2, s4;
	[dreg:$0x0] =	wrdreg $0x0  }
0xa8: {  	s4 =	sshll.u32 s28, $0x1;
	[dreg:$0x2] =	wrdreg s2  }
0xa9: {  	[dreg:$0x3] =	wrdreg s4  }
0xaa: {  	[dreg:$0x4] =	wrdreg $0xC0  }
0xab: {  	_ =	task [dreg:s6], $0x5FFFF  }
0xac: {  	[dreg:$0x1] =	wrdreg $0xFFFFFFFF  }
0xad: {  	[dreg:$0x0] =	wrdreg $0x60  }
0xae: {  	[dreg:$0x2] =	wrdreg s24  }
0xaf: {  	[dreg:$0x3] =	wrdreg $0x0  }
0xb0: {  	[dreg:$0x4] =	wrdreg $0x13880  }
0xb1: {  	[dreg:$0x5] =	wrdreg $0x18700  }
0xb2: {  	[dreg:$0x6] =	wrdreg $0x9  }
0xb3: {  	_ =	task.clear_ibuf [dreg:s6], $0x7FFFF;
	_ =	strace $0x90000049  }
0xb4: {  	s29 =	simm.s32 $0x9;
	_ =	strace $0x8000004B  }
0xb5: {  	_ =	swait.ge [sflag:s29], $0x1  }
0xb6: {  	[sflag:s29] =	ssyncadd.s32 $0xFFFFFFFF  }
0xb7: {  	_ =	strace $0x9000004B  }
0xb8: {  	_ =	sfence  }
0xb9: {  	s30 =	sld [smem:$0x0];
	_ =	sdelay $0x2  }
0xba: {  	s31 =	sshll.u32 s1, $0xD;
	s1 =	sshrl.u32 s1, $0x2  }
0xbb: {  	s3 =	sand.u32 $0x4000, s31;
	s1 =	sadd.s32 s1, s30  }
0xbc: {  	s0 =	sor.u32 s3, s0;
	s1 =	sshll.u32 s1, $0x11  }
0xbd: {  	s0 =	sor.u32 s1, s0  }
0xbe: {  	s0 =	sadd.s32 $0x8F2B, s0  }
0xbf: {  	[sflag:s0] =	ssyncadd.remote.s32 $0x1  }
0xc0: {  	_ =	sfence.sel $0xFFFF  }
0xc1: {  	[dreg:$0x0] =	wrdreg $0xFFFFFFFF;
	(pc) =	sbr.abs _section_cstart, $3  }
0xc2: {  	[dreg:$0x1] =	wrdreg $0xFFFFFFFF  }
0xc3: {  	_ =	task.clear_ibuf [dreg:s6], $0x2FFFF;
	_ =	strace $0x9FFFFFFF  }
0xc4: {  	(tm) =	ssettm $0x7FFFFFFF  }
0xc5: {  	_ =	shalt  }
tec
execute0_lowered:
.L_overlay_start_1:
0x0: {  	(tag) =	ssettag $0x1  }
0x1: {  	s3 =	rddreg [dreg:$0x0]  }
0x2: {  	v0 =	vlaneseq.u32;
	s1 =	rddreg [dreg:$0x1]  }
0x3: {  	s2 =	rddreg [dreg:$0x2];
	v1 =	vmul.u32 $0x8, v0  }
0x4: {  	s4 =	rddreg [dreg:$0x3]  }
0x5: {  	s16 =	stileid.u32;
	s5 =	simm.s32 $0x0;
	s9 =	srdreg.scid;
	v2 =	vor.u32 $0x1, v1;
	[tilespmem:$0x1FF80] =	vst v1  }
0x6: {  	v12 =	vimm.s32 $0x0;
	vm0 =	vcmask $0x3F24;
	s28 =	simm.s32 $0x1;
	s29 =	simm.s32 $0x50;
	s30 =	simm.s32 $0x4280;
	[tilespmem:$0x1FF00] =	vst v2;
	v2 =	vor.u32 $0x80, v1  }
0x7: {  	vm1 =	vmmov $0xff;
	v14 =	vimm.s32 $0x1;
	s31 =	simm.s32 $0x4780;
	s0 =	smul.u32 $0x278, s16;
	[smem:$0x7FF] =	sst s5;
	[tilespmem:$0x1FF10] =	vst v2;
	v2 =	vor.u32 $0x81, v1  }
0x8: {  	v17 =	vimm.s32 $0x2;
	v20 =	vimm.s32 $0x3;
	s24 =	smul.u32 $0x280, s16;
	s6 =	sadd.s32 $0x72A00, s3;
	s7 =	sadd.s32 $0x68A00, s3;
	[tilespmem:$0x1FF20] =	vst v2;
	v2 =	vor.u32 $0x100, v1  }
0x9: {  	v23 =	vimm.s32 $0x4;
	v26 =	vimm.s32 $0x5;
	s9 =	sand.u32 $0x1, s9;
	s25 =	sshll.u32 s16, $0x6;
	s16 =	sshll.u32 s16, $0x7;
	[tilespmem:$0x1FF30] =	vst v2;
	v2 =	vor.u32 $0x101, v1  }
0xa: {  	v29 =	vimm.s32 $0x6;
	v32 =	vimm.s32 $0x7;
	s10 =	smul.u32 $0x4F20, s9;
	s13 =	ssub.s32 $0x2, s9;
	s26 =	sshll.u32 s9, $0xB;
	[tilespmem:$0x1FF40] =	vst v2;
	v2 =	vor.u32 $0x180, v1  }
0xb: {  	v35 =	vimm.s32 $0x8;
	v38 =	vimm.s32 $0x9;
	s9 =	sor.u32 $0x1C09, s25;
	s8 =	smin.u32 s0, $0x2498;
	s12 =	smin.u32 s24, $0x2510;
	[tilespmem:$0x1FF50] =	vst v2;
	v2 =	vor.u32 $0x181, v1  }
0xc: {  	v41 =	vimm.s32 $0xA;
	v44 =	vimm.s32 $0xB;
	s15 =	sshrl.u32 s13, $0x1;
	s11 =	sadd.s32 s8, s3;
	s0 =	sshll.u32 s12, $0x1;
	[tilespmem:$0x1FF60] =	vst v2;
	v2 =	vor.u32 $0x200, v1  }
0xd: {  	v47 =	vimm.s32 $0xC;
	v50 =	vimm.s32 $0xD;
	s8 =	sshll.u32 s8, $0x3;
	s12 =	sshll.u32 s12, $0x4;
	s14 =	sadd.s32 s0, s3;
	v1 =	vor.u32 $0x201, v1;
	[tilespmem:$0x1FF70] =	vst v2  }
0xe: {  	v53 =	vimm.s32 $0xE;
	v56 =	vimm.s32 $0xF;
	v11 =	vand.u32 $0x7, v0;
	s3 =	sadd.s32 s10, s3;
	s17 =	sadd.s32 $0x4400, s11;
	s10 =	sor.u32 s16, s26;
	[tilespmem:$0x1FF90] =	vst v1  }
0xf: {  	v24 =	vor.u32 $0x40, v0;
	v27 =	vor.u32 $0x50, v0;
	v30 =	vor.u32 $0x60, v0;
	s11 =	sadd.s32 $0x1C00, s11;
	_ =	strace $0x8000004A;
	[dreg:$0x5] =	wrdreg s17  }
0x10: {  	v33 =	vor.u32 $0x70, v0;
	v36 =	vor.u32 $0x80, v0;
	v39 =	vor.u32 $0x90, v0;
	s18 =	sadd.s32 s12, s4;
	s16 =	smul.u32 $0xA, s10;
	[dreg:$0x6] =	wrdreg s11  }
0x11: {  	v42 =	vor.u32 $0xA0, v0;
	v45 =	vor.u32 $0xB0, v0;
	v48 =	vor.u32 $0xC0, v0;
	s13 =	ssub.s32 s13, s15;
	s20 =	sadd.s32 $0x6C00, s14;
	[dreg:$0x7] =	wrdreg s18  }
0x12: {  	v51 =	vor.u32 $0xD0, v0;
	v54 =	vor.u32 $0xE0, v0;
	v57 =	vor.u32 $0xF0, v0;
	s19 =	sadd.s32 s8, s1;
	s21 =	sadd.s32 s6, s16;
	[dreg:$0x8] =	wrdreg s20  }
0x13: {  	v59 =	vor.u32 $0x100, v0;
	v61 =	vor.u32 $0x110, v0;
	v63 =	vor.u32 $0x120, v0;
	s22 =	sadd.s32 s7, s16;
	s23 =	sor.u32 $0xA, s16;
	[dreg:$0x9] =	wrdreg s21  }
0x14: {  	v22 =	vor.u32 $0x20, v11;
	v25 =	vor.u32 $0x28, v11;
	s8 =	sadd.s32 s8, s2;
	s24 =	sadd.s32 s6, s23;
	v1 =	vor.u32 $0x8, v11;
	[dreg:$0xa] =	wrdreg s22  }
0x15: {  	v28 =	vor.u32 $0x30, v11;
	v31 =	vor.u32 $0x38, v11;
	s25 =	smax.u32 s13, $0x1;
	s3 =	sadd.s32 $0xBC00, s3;
	[tilespmem:$0x1FFA0] =	vst v1;
	v1 =	vor.u32 $0x10, v0;
	[dreg:$0xb] =	wrdreg s24  }
.Ltmp0:
0x16: {  	v34 =	vor.u32 $0x40, v11;
	v37 =	vor.u32 $0x48, v11;
	s26 =	sshrl.u32 s19, $0x3;
	[dreg:$0xd] =	wrdreg s25;
	[tilespmem:$0x1FFB0] =	vst v1;
	v1 =	vor.u32 $0x10, v11;
	(pc) =	sbr.rel .LBB2_1-.Ltmp0, $4  }
0x17: {  	v40 =	vor.u32 $0x50, v11;
	v43 =	vor.u32 $0x58, v11;
	s11 =	sadd.s32 s7, s23;
	[dreg:$0xe] =	wrdreg s26;
	s20 =	simm.s32 $0x9;
	[tilespmem:$0x1FFC0] =	vst v1;
	v1 =	vor.u32 $0x20, v0  }
0x18: {  	v46 =	vor.u32 $0x60, v11;
	v49 =	vor.u32 $0x68, v11;
	s21 =	sshrl.u32 s8, $0x3;
	s22 =	simm.s32 $0x4000;
	s24 =	sadd.s32 s0, s3;
	[tilespmem:$0x1FFD0] =	vst v1;
	v1 =	vor.u32 $0x18, v11  }
0x19: {  	v52 =	vor.u32 $0x70, v11;
	v55 =	vor.u32 $0x78, v11;
	s3 =	simm.s32 $0x4C80;
	s0 =	simm.s32 $0x5180;
	s25 =	simm.s32 $0x7;
	[tilespmem:$0x1FFE0] =	vst v1;
	v1 =	vor.u32 $0x30, v0  }
0x1a: {  	v58 =	vor.u32 $0x80, v11;
	v60 =	vor.u32 $0x88, v11;
	v62 =	vor.u32 $0x90, v11;
	s26 =	simm.s32 $0x8;
	s8 =	simm.s32 $0x0;
	[dreg:$0xc] =	wrdreg s11;
	[tilespmem:$0x1FFF0] =	vst v1  }
.LBB2_5:
0x1b: {  	_ =	swait.ge [sflag:s25], $0x500  }
0x1c: {  	[sflag:s25] =	ssyncset.done $0x0  }
0x1d: {  	[sflag:s25] =	ssyncadd.s32 $0xFFFFFB00  }
0x1e: {  	_ =	swait.ge [sflag:s26], $0x500  }
0x1f: {  	[sflag:s26] =	ssyncset.done $0x0  }
0x20: {  	[sflag:s26] =	ssyncadd.s32 $0xFFFFFB00  }
0x21: {  	[bflag:$0x0] =	sbarrier.arrive $0xFFFF  }
0x22: {  	[hbm:s24], [sflag:s9] =	dma.local [spmem:s11], $0x500  }
0x23: {  	_ =	swait.ge [sflag:s20], $0x500  }
0x24: {  	s8 =	sadd.s32 $0x1, s8;
	s23 =	rddreg [dreg:$0xd]  }
0x25: {  	p0 =	sne.s32 s8, s23  }
.Ltmp1:
0x26: {  	_ = 	snop;
	(pc) =	sbr.rel @!p0 .LBB2_6-.Ltmp1, $3  }
0x27: {  	_ =	sdelay $0x1  }
0x28: {  	[sflag:s20] =	ssyncset.done $0x0  }
0x29: {  	[sflag:s20] =	ssyncadd.s32 $0xFFFFFB00  }
.LBB2_1:
0x2a: {  	s11 =	rddreg [dreg:$0x5]  }
0x2b: {  	s12 =	rddreg [dreg:$0xe]  }
0x2c: {  	[spmem:s12], [sflag:s9] =	dma.local [hbm:s11], $0x278  }
0x2d: {  	_ =	swait.ge [sflag:s20], $0x278  }
0x2e: {  	[sflag:s20] =	ssyncset.done $0x0  }
0x2f: {  	s13 =	rddreg [dreg:$0x6];
	[sflag:s20] =	ssyncadd.s32 $0xFFFFFD88  }
0x30: {  	[spmem:s21], [sflag:s9] =	dma.local [hbm:s13], $0x278  }
0x31: {  	_ =	swait.ge [sflag:s20], $0x278  }
0x32: {  	[sflag:s20] =	ssyncset.done $0x0;
	s14 =	rddreg [dreg:$0x7]  }
0x33: {  	s15 =	rddreg [dreg:$0x8];
	[sflag:s20] =	ssyncadd.s32 $0xFFFFFD88;
	s11 =	sshrl.u32 s14, $0x3  }
0x34: {  	[spmem:s11], [sflag:s9] =	dma.local [hbm:s15], $0x500  }
0x35: {  	_ =	swait.ge [sflag:s20], $0x500  }
0x36: {  	[sflag:s20] =	ssyncset.done $0x0  }
0x37: {  	[sflag:s20] =	ssyncadd.s32 $0xFFFFFB00  }
0x38: {  	[bflag:$0x0] =	sbarrier.arrive $0xFFFF  }
0x39: {  	s16 =	rddreg [dreg:$0x9]  }
0x3a: {  	[tilespmem:s22], [sflag:$0x1] =	stream.linear.gather [hbm4b:s16+s5], $0x50, $0x38;
	[tilespmem:$0x5B80] =	vst v63  }
0x3b: {  	s13 =	simm.s32 $0x4140;
	s17 =	rddreg [dreg:$0xa]  }
0x3c: {  	[tilespmem:s13], [sflag:$0x1] =	stream.linear.gather [hbm4b:s17+s5], $0x50, $0x38;
	[tilespmem:$0x5B80] =	vst v63  }
0x3d: {  	s14 =	simm.s32 $0x4050;
	s18 =	rddreg [dreg:$0xb]  }
0x3e: {  	[tilespmem:s14], [sflag:$0x2] =	stream.linear.gather [hbm4b:s18+s5], $0x50, $0x38;
	[tilespmem:$0x5B80] =	vst v63  }
0x3f: {  	s23 =	simm.s32 $0x4190;
	s19 =	rddreg [dreg:$0xc]  }
0x40: {  	[tilespmem:s23], [sflag:$0x2] =	stream.linear.gather [hbm4b:s19+s5], $0x50, $0x38;
	[tilespmem:$0x5B80] =	vst v63  }
0x41: {  	_ =	swait.ge [sflag:s28], $0x50  }
0x42: {  	[sflag:s28] =	ssyncset.done $0x0  }
0x43: {  	[sflag:s28] =	ssyncadd.s32 $0xFFFFFFB0  }
0x44: {  	_ =	swait.ge [sflag:s28], $0x50  }
0x45: {  	[sflag:s28] =	ssyncset.done $0x0  }
0x46: {  	[sflag:s28] =	ssyncadd.s32 $0xFFFFFFB0  }
0x47: {  	[tilespmem:s30], [sflag:$0x5] =	stream.indirect.gather [spmem:s2], $0x2, s22, s29, $0xb8;
	[tilespmem:$0x5B80] =	vst v63  }
.Ltmp2:
0x48: {  	_ = 	snop;
	(pc) =	sbr.rel .LBB2_2-.Ltmp2, $4  }
0x49: {  	_ = 	snop  }
0x4a: {  	[tilespmem:s31], [sflag:$0x5] =	stream.indirect.gather [spmem:s2], $0x2, s13, s29, $0xb8;
	[tilespmem:$0x5B80] =	vst v63  }
0x4b: {  	s13 =	simm.s32 $0x0  }
0x4c: {  	[tilespmem:s3], [sflag:$0x5] =	stream.indirect.gather [spmem:s1], $0x8, s22, s29, $0xb8;
	[tilespmem:$0x5B80] =	vst v63  }
.LBB2_4:
0x4d: {  	v3 =	vld [tilespmem:$0x1FF80]  }
0x4e: {  	v4 =	vld [tilespmem:$0x1FF00]  }
0x4f: {  	v1 =	vmov s12  }
0x50: {  	v2 =	vmul.u32 $0x280, v1;
	_ =	sdelay $0x1  }
0x51: {  	v3 =	vor.u32 v3, v2  }
0x52: {  	v4 =	vor.u32 v4, v2;
	_ =	sdelay $0x3  }
0x53: {  	v3 =	vld.idx.msk [tilespmem:v3+s30+$0x0], $0xffff  }
0x54: {  	v4 =	vld.idx.msk [tilespmem:v4+s31+$0x0], $0xffff;
	_ =	sdelay $0x4  }
0x55: {  	v3 =	vadd.f32 v4, v3;
	_ =	sdelay $0x1  }
0x56: {  	v4 =	vmul.f32 $2.000000030e-01, v3;
	_ =	sdelay $0x1  }
0x57: {  	v3 =	vmax.f32 v3, v4  }
0x58: {  	v3 =	vmul.f32 $1.442695020e+00, v3;
	_ =	sdelay $0x1  }
0x59: {  	(erf) = vpow2.f32 v3;
	v3 =	vld [tilespmem:$0x1FF10];
	_ =	sdelay $0x4  }
0x5a: {  	v3 =	vadd.s32 v3, v2;
	_ =	sdelay $0x4  }
0x5b: {  	v10 =	vld.idx.msk [tilespmem:v3+s30+$0x0], $0xffff  }
0x5c: {  	v3 =	vld [tilespmem:$0x1FF50];
	_ =	sdelay $0x3  }
0x5d: {  	v5 =	vld [tilespmem:$0x1FF20]  }
0x5e: {  	v13 =	vadd.s32 v3, v2;
	v3 =	vld [tilespmem:$0x1FF60];
	_ =	sdelay $0x1  }
0x5f: {  	v6 =	vld [tilespmem:$0x1FF30];
	_ =	sdelay $0x1  }
0x60: {  	v5 =	vadd.s32 v5, v2  }
0x61: {  	v15 =	vadd.s32 v3, v2;
	v3 =	vld [tilespmem:$0x1FF70]  }
0x62: {  	v7 =	vld [tilespmem:$0x1FF40]  }
0x63: {  	v6 =	vadd.s32 v6, v2;
	_ =	sdelay $0x1  }
0x64: {  	v16 =	vld.idx.msk [tilespmem:v5+s31+$0x0], $0xffff;
	v4 =	vor.u32 v11, v2  }
0x65: {  	v5 =	vadd.s32 v3, v2;
	v3 =	vmul.u32 $0x500, v1;
	v1 =	vld [tilespmem:$0x1FF90]  }
0x66: {  	v8 =	vadd.s32 v7, v2  }
0x67: {  	v7 =	vld.idx.msk [tilespmem:v6+s30+$0x0], $0xffff  }
0x68: {  	v6 =	vld [tilespmem:$0x1FFA0]  }
0x69: {  	v4 =	vld.idx.msk [tilespmem:v4+s3+$0x0], $0xffff  }
0x6a: {  	v18 =	vadd.s32 v1, v2  }
0x6b: {  	v8 =	vld.idx.msk [tilespmem:v8+s31+$0x0], $0xffff;
	v9 =	vpop (erf)  }
0x6c: {  	v19 =	vperm.xlane v9, v12;
	v21 =	vor.u32 v0, v3;
	v1 =	vld.idx.msk [tilespmem:v13+s30+$0x0], $0xffff  }
0x6d: {  	v13 =	vor.u32 v6, v2;
	v6 =	vld.idx.msk [tilespmem:v15+s31+$0x0], $0xffff  }
0x6e: {  	v15 =	vmul.f32 v19, v4;
	v4 =	vld.idx.msk [tilespmem:v5+s30+$0x0], $0xffff  }
0x6f: {  	v19 =	vsel vm0, $0x0, v19;
	v5 =	vld.idx.msk [tilespmem:v18+s31+$0x0], $0xffff  }
0x70: {  	v15 =	vsel vm1, v15, v19;
	v18 =	vld [tilespmem:$0x1FFB0]  }
0x71: {  	v19 =	vld [tilespmem:$0x1FFC0];
	[tilespmem:v21+s0+$0x0] =	vst.idx.msk $0xffff, v15  }
0x72: {  	v13 =	vld.idx.msk [tilespmem:v13+s3+$0x0], $0xffff;
	_ =	sdelay $0x2  }
0x73: {  	v15 =	vperm.xlane v9, v14;
	v18 =	vor.u32 v18, v3  }
0x74: {  	v19 =	vor.u32 v19, v2  }
0x75: {  	v13 =	vmul.f32 v15, v13  }
0x76: {  	v15 =	vsel vm0, $0x0, v15  }
0x77: {  	v13 =	vsel vm1, v13, v15  }
0x78: {  	[tilespmem:v18+s0+$0x0] =	vst.idx.msk $0xffff, v13;
	v18 =	vld [tilespmem:$0x1FFD0]  }
0x79: {  	v13 =	vld.idx.msk [tilespmem:v19+s3+$0x0], $0xffff  }
0x7a: {  	v19 =	vld [tilespmem:$0x1FFE0];
	_ =	sdelay $0x2  }
0x7b: {  	v15 =	vperm.xlane v9, v17;
	v18 =	vor.u32 v18, v3;
	_ =	sdelay $0x1  }
0x7c: {  	v19 =	vor.u32 v19, v2;
	v13 =	vmul.f32 v15, v13  }
0x7d: {  	v15 =	vsel vm0, $0x0, v15  }
0x7e: {  	v13 =	vsel vm1, v13, v15  }
0x7f: {  	[tilespmem:v18+s0+$0x0] =	vst.idx.msk $0xffff, v13;
	v18 =	vld [tilespmem:$0x1FFF0];
	_ =	sdelay $0x1  }
0x80: {  	v13 =	vld.idx.msk [tilespmem:v19+s3+$0x0], $0xffff;
	_ =	sdelay $0x2  }
0x81: {  	v15 =	vperm.xlane v9, v20;
	v18 =	vor.u32 v18, v3  }
0x82: {  	v19 =	vor.u32 v22, v2  }
0x83: {  	v13 =	vmul.f32 v15, v13  }
0x84: {  	v15 =	vsel vm0, $0x0, v15  }
0x85: {  	v13 =	vsel vm1, v13, v15  }
0x86: {  	[tilespmem:v18+s0+$0x0] =	vst.idx.msk $0xffff, v13  }
0x87: {  	v13 =	vld.idx.msk [tilespmem:v19+s3+$0x0], $0xffff;
	_ =	sdelay $0x2  }
0x88: {  	v15 =	vperm.xlane v9, v23;
	v18 =	vor.u32 v24, v3  }
0x89: {  	v19 =	vor.u32 v25, v2  }
0x8a: {  	v13 =	vmul.f32 v15, v13  }
0x8b: {  	v15 =	vsel vm0, $0x0, v15  }
0x8c: {  	v13 =	vsel vm1, v13, v15  }
0x8d: {  	[tilespmem:v18+s0+$0x0] =	vst.idx.msk $0xffff, v13  }
0x8e: {  	v13 =	vld.idx.msk [tilespmem:v19+s3+$0x0], $0xffff;
	_ =	sdelay $0x2  }
0x8f: {  	v15 =	vperm.xlane v9, v26;
	v18 =	vor.u32 v27, v3  }
0x90: {  	v19 =	vor.u32 v28, v2  }
0x91: {  	v13 =	vmul.f32 v15, v13  }
0x92: {  	v15 =	vsel vm0, $0x0, v15  }
0x93: {  	v13 =	vsel vm1, v13, v15  }
0x94: {  	[tilespmem:v18+s0+$0x0] =	vst.idx.msk $0xffff, v13  }
0x95: {  	v13 =	vld.idx.msk [tilespmem:v19+s3+$0x0], $0xffff;
	_ =	sdelay $0x2  }
0x96: {  	v15 =	vperm.xlane v9, v29;
	v18 =	vor.u32 v30, v3  }
0x97: {  	v19 =	vor.u32 v31, v2  }
0x98: {  	v13 =	vmul.f32 v15, v13  }
0x99: {  	v15 =	vsel vm0, $0x0, v15  }
0x9a: {  	v13 =	vsel vm1, v13, v15  }
0x9b: {  	[tilespmem:v18+s0+$0x0] =	vst.idx.msk $0xffff, v13  }
0x9c: {  	v13 =	vld.idx.msk [tilespmem:v19+s3+$0x0], $0xffff;
	_ =	sdelay $0x2  }
0x9d: {  	v15 =	vperm.xlane v9, v32;
	v18 =	vor.u32 v33, v3  }
0x9e: {  	v19 =	vor.u32 v34, v2  }
0x9f: {  	v13 =	vmul.f32 v15, v13  }
0xa0: {  	v15 =	vsel vm0, $0x0, v15  }
0xa1: {  	v13 =	vsel vm1, v13, v15  }
0xa2: {  	[tilespmem:v18+s0+$0x0] =	vst.idx.msk $0xffff, v13  }
0xa3: {  	v13 =	vld.idx.msk [tilespmem:v19+s3+$0x0], $0xffff;
	_ =	sdelay $0x2  }
0xa4: {  	v15 =	vperm.xlane v9, v35;
	v18 =	vor.u32 v36, v3  }
0xa5: {  	v19 =	vor.u32 v37, v2  }
0xa6: {  	v13 =	vmul.f32 v15, v13  }
0xa7: {  	v15 =	vsel vm0, $0x0, v15  }
0xa8: {  	v13 =	vsel vm1, v13, v15  }
0xa9: {  	[tilespmem:v18+s0+$0x0] =	vst.idx.msk $0xffff, v13  }
0xaa: {  	v13 =	vld.idx.msk [tilespmem:v19+s3+$0x0], $0xffff;
	_ =	sdelay $0x2  }
0xab: {  	v15 =	vperm.xlane v9, v38;
	v18 =	vor.u32 v39, v3  }
0xac: {  	v19 =	vor.u32 v40, v2  }
0xad: {  	v13 =	vmul.f32 v15, v13  }
0xae: {  	v15 =	vsel vm0, $0x0, v15  }
0xaf: {  	v13 =	vsel vm1, v13, v15  }
0xb0: {  	[tilespmem:v18+s0+$0x0] =	vst.idx.msk $0xffff, v13  }
0xb1: {  	v13 =	vld.idx.msk [tilespmem:v19+s3+$0x0], $0xffff;
	_ =	sdelay $0x2  }
0xb2: {  	v15 =	vperm.xlane v9, v41;
	v18 =	vor.u32 v42, v3  }
0xb3: {  	v19 =	vor.u32 v43, v2  }
0xb4: {  	v13 =	vmul.f32 v15, v13  }
0xb5: {  	v15 =	vsel vm0, $0x0, v15  }
0xb6: {  	v13 =	vsel vm1, v13, v15  }
0xb7: {  	[tilespmem:v18+s0+$0x0] =	vst.idx.msk $0xffff, v13  }
0xb8: {  	v13 =	vld.idx.msk [tilespmem:v19+s3+$0x0], $0xffff;
	_ =	sdelay $0x2  }
0xb9: {  	v15 =	vperm.xlane v9, v44;
	v18 =	vor.u32 v45, v3  }
0xba: {  	v19 =	vor.u32 v46, v2  }
0xbb: {  	v13 =	vmul.f32 v15, v13  }
0xbc: {  	v15 =	vsel vm0, $0x0, v15  }
0xbd: {  	v13 =	vsel vm1, v13, v15  }
0xbe: {  	[tilespmem:v18+s0+$0x0] =	vst.idx.msk $0xffff, v13  }
0xbf: {  	v13 =	vld.idx.msk [tilespmem:v19+s3+$0x0], $0xffff;
	_ =	sdelay $0x2  }
0xc0: {  	v15 =	vperm.xlane v9, v47;
	v18 =	vor.u32 v48, v3  }
0xc1: {  	v19 =	vor.u32 v49, v2  }
0xc2: {  	v13 =	vmul.f32 v15, v13  }
0xc3: {  	v15 =	vsel vm0, $0x0, v15  }
0xc4: {  	v13 =	vsel vm1, v13, v15  }
0xc5: {  	[tilespmem:v18+s0+$0x0] =	vst.idx.msk $0xffff, v13  }
0xc6: {  	v13 =	vld.idx.msk [tilespmem:v19+s3+$0x0], $0xffff;
	_ =	sdelay $0x2  }
0xc7: {  	v15 =	vperm.xlane v9, v50;
	v18 =	vor.u32 v51, v3  }
0xc8: {  	v19 =	vor.u32 v52, v2  }
0xc9: {  	v13 =	vmul.f32 v15, v13  }
0xca: {  	v15 =	vsel vm0, $0x0, v15  }
0xcb: {  	v13 =	vsel vm1, v13, v15  }
0xcc: {  	[tilespmem:v18+s0+$0x0] =	vst.idx.msk $0xffff, v13  }
0xcd: {  	v13 =	vld.idx.msk [tilespmem:v19+s3+$0x0], $0xffff;
	_ =	sdelay $0x2  }
0xce: {  	v15 =	vperm.xlane v9, v53;
	v18 =	vor.u32 v54, v3  }
0xcf: {  	v10 =	vadd.f32 v16, v10;
	v16 =	vor.u32 v55, v2  }
0xd0: {  	v13 =	vmul.f32 v15, v13  }
0xd1: {  	v19 =	vmul.f32 $2.000000030e-01, v10;
	v15 =	vsel vm0, $0x0, v15  }
0xd2: {  	v13 =	vsel vm1, v13, v15  }
0xd3: {  	v10 =	vmax.f32 v10, v19;
	[tilespmem:v18+s0+$0x0] =	vst.idx.msk $0xffff, v13  }
0xd4: {  	v10 =	vmul.f32 $1.442695020e+00, v10;
	v13 =	vld.idx.msk [tilespmem:v16+s3+$0x0], $0xffff;
	_ =	sdelay $0x1  }
0xd5: {  	(erf) = vpow2.f32 v10  }
0xd6: {  	v9 =	vperm.xlane v9, v56;
	v10 =	vor.u32 v57, v3  }
0xd7: {  	v15 =	vadd.s32 v58, v2  }
0xd8: {  	v13 =	vmul.f32 v9, v13  }
0xd9: {  	v9 =	vsel vm0, $0x0, v9  }
0xda: {  	v9 =	vsel vm1, v13, v9  }
0xdb: {  	[tilespmem:v10+s0+$0x0] =	vst.idx.msk $0xffff, v9  }
0xdc: {  	v10 =	vld.idx.msk [tilespmem:v15+s3+$0x0], $0xffff;
	_ =	sdelay $0x1  }
0xdd: {  	v9 =	vpop (erf)  }
0xde: {  	v15 =	vadd.s32 v59, v3;
	v13 =	vperm.xlane v9, v12  }
0xdf: {  	v16 =	vadd.s32 v60, v2  }
0xe0: {  	v10 =	vmul.f32 v13, v10  }
0xe1: {  	v13 =	vsel vm0, $0x0, v13  }
0xe2: {  	v10 =	vsel vm1, v10, v13  }
0xe3: {  	[tilespmem:v15+s0+$0x0] =	vst.idx.msk $0xffff, v10  }
0xe4: {  	v10 =	vld.idx.msk [tilespmem:v16+s3+$0x0], $0xffff;
	_ =	sdelay $0x2  }
0xe5: {  	v13 =	vperm.xlane v9, v14;
	v15 =	vadd.s32 v61, v3  }
0xe6: {  	v16 =	vadd.s32 v62, v2  }
0xe7: {  	v10 =	vmul.f32 v13, v10  }
0xe8: {  	v13 =	vsel vm0, $0x0, v13  }
0xe9: {  	v10 =	vsel vm1, v10, v13  }
0xea: {  	[tilespmem:v15+s0+$0x0] =	vst.idx.msk $0xffff, v10  }
0xeb: {  	v10 =	vld.idx.msk [tilespmem:v16+s3+$0x0], $0xffff;
	_ =	sdelay $0x2  }
0xec: {  	v13 =	vperm.xlane v9, v17;
	v15 =	vadd.s32 v63, v3;
	v16 =	vor.u32 $0x98, v11  }
0xed: {  	v16 =	vadd.s32 v16, v2  }
0xee: {  	v10 =	vmul.f32 v13, v10  }
0xef: {  	v13 =	vsel vm0, $0x0, v13  }
0xf0: {  	v10 =	vsel vm1, v10, v13  }
0xf1: {  	[tilespmem:v15+s0+$0x0] =	vst.idx.msk $0xffff, v10  }
0xf2: {  	v10 =	vld.idx.msk [tilespmem:v16+s3+$0x0], $0xffff;
	_ =	sdelay $0x1  }
0xf3: {  	v13 =	vor.u32 $0x130, v0  }
0xf4: {  	v15 =	vperm.xlane v9, v20;
	v13 =	vadd.s32 v13, v3;
	v16 =	vor.u32 $0xA0, v11  }
0xf5: {  	v16 =	vadd.s32 v16, v2  }
0xf6: {  	v10 =	vmul.f32 v15, v10  }
0xf7: {  	v15 =	vsel vm0, $0x0, v15  }
0xf8: {  	v10 =	vsel vm1, v10, v15  }
0xf9: {  	[tilespmem:v13+s0+$0x0] =	vst.idx.msk $0xffff, v10  }
0xfa: {  	v10 =	vld.idx.msk [tilespmem:v16+s3+$0x0], $0xffff;
	_ =	sdelay $0x1  }
0xfb: {  	v13 =	vor.u32 $0x140, v0  }
0xfc: {  	v15 =	vperm.xlane v9, v23;
	v13 =	vadd.s32 v13, v3;
	v16 =	vor.u32 $0xA8, v11  }
0xfd: {  	v16 =	vadd.s32 v16, v2  }
0xfe: {  	v10 =	vmul.f32 v15, v10  }
0xff: {  	v15 =	vsel vm0, $0x0, v15  }
0x100: {  	v10 =	vsel vm1, v10, v15  }
0x101: {  	[tilespmem:v13+s0+$0x0] =	vst.idx.msk $0xffff, v10  }
0x102: {  	v10 =	vld.idx.msk [tilespmem:v16+s3+$0x0], $0xffff;
	_ =	sdelay $0x1  }
0x103: {  	v13 =	vor.u32 $0x150, v0  }
0x104: {  	v15 =	vperm.xlane v9, v26;
	v13 =	vadd.s32 v13, v3;
	v16 =	vor.u32 $0xB0, v11  }
0x105: {  	v16 =	vadd.s32 v16, v2  }
0x106: {  	v10 =	vmul.f32 v15, v10  }
0x107: {  	v15 =	vsel vm0, $0x0, v15  }
0x108: {  	v10 =	vsel vm1, v10, v15  }
0x109: {  	[tilespmem:v13+s0+$0x0] =	vst.idx.msk $0xffff, v10  }
0x10a: {  	v10 =	vld.idx.msk [tilespmem:v16+s3+$0x0], $0xffff;
	_ =	sdelay $0x1  }
0x10b: {  	v13 =	vor.u32 $0x160, v0  }
0x10c: {  	v15 =	vperm.xlane v9, v29;
	v13 =	vadd.s32 v13, v3;
	v16 =	vor.u32 $0xB8, v11  }
0x10d: {  	v16 =	vadd.s32 v16, v2  }
0x10e: {  	v10 =	vmul.f32 v15, v10  }
0x10f: {  	v15 =	vsel vm0, $0x0, v15  }
0x110: {  	v10 =	vsel vm1, v10, v15  }
0x111: {  	[tilespmem:v13+s0+$0x0] =	vst.idx.msk $0xffff, v10  }
0x112: {  	v10 =	vld.idx.msk [tilespmem:v16+s3+$0x0], $0xffff;
	_ =	sdelay $0x1  }
0x113: {  	v13 =	vor.u32 $0x170, v0  }
0x114: {  	v15 =	vperm.xlane v9, v32;
	v13 =	vadd.s32 v13, v3;
	v16 =	vor.u32 $0xC0, v11  }
0x115: {  	v16 =	vadd.s32 v16, v2  }
0x116: {  	v10 =	vmul.f32 v15, v10  }
0x117: {  	v15 =	vsel vm0, $0x0, v15  }
0x118: {  	v10 =	vsel vm1, v10, v15  }
0x119: {  	[tilespmem:v13+s0+$0x0] =	vst.idx.msk $0xffff, v10  }
0x11a: {  	v10 =	vld.idx.msk [tilespmem:v16+s3+$0x0], $0xffff;
	_ =	sdelay $0x1  }
0x11b: {  	v13 =	vor.u32 $0x180, v0  }
0x11c: {  	v15 =	vperm.xlane v9, v35;
	v13 =	vadd.s32 v13, v3;
	v16 =	vor.u32 $0xC8, v11  }
0x11d: {  	v16 =	vadd.s32 v16, v2  }
0x11e: {  	v10 =	vmul.f32 v15, v10  }
0x11f: {  	v15 =	vsel vm0, $0x0, v15  }
0x120: {  	v10 =	vsel vm1, v10, v15  }
0x121: {  	[tilespmem:v13+s0+$0x0] =	vst.idx.msk $0xffff, v10  }
0x122: {  	v10 =	vld.idx.msk [tilespmem:v16+s3+$0x0], $0xffff;
	_ =	sdelay $0x1  }
0x123: {  	v13 =	vor.u32 $0x190, v0  }
0x124: {  	v15 =	vperm.xlane v9, v38;
	v13 =	vadd.s32 v13, v3;
	v16 =	vor.u32 $0xD0, v11  }
0x125: {  	v16 =	vadd.s32 v16, v2  }
0x126: {  	v10 =	vmul.f32 v15, v10  }
0x127: {  	v15 =	vsel vm0, $0x0, v15  }
0x128: {  	v10 =	vsel vm1, v10, v15  }
0x129: {  	[tilespmem:v13+s0+$0x0] =	vst.idx.msk $0xffff, v10  }
0x12a: {  	v10 =	vld.idx.msk [tilespmem:v16+s3+$0x0], $0xffff;
	_ =	sdelay $0x1  }
0x12b: {  	v13 =	vor.u32 $0x1A0, v0  }
0x12c: {  	v15 =	vperm.xlane v9, v41;
	v13 =	vadd.s32 v13, v3;
	v16 =	vor.u32 $0xD8, v11  }
0x12d: {  	v16 =	vadd.s32 v16, v2  }
0x12e: {  	v10 =	vmul.f32 v15, v10  }
0x12f: {  	v15 =	vsel vm0, $0x0, v15  }
0x130: {  	v10 =	vsel vm1, v10, v15  }
0x131: {  	[tilespmem:v13+s0+$0x0] =	vst.idx.msk $0xffff, v10  }
0x132: {  	v10 =	vld.idx.msk [tilespmem:v16+s3+$0x0], $0xffff;
	_ =	sdelay $0x1  }
0x133: {  	v13 =	vor.u32 $0x1B0, v0  }
0x134: {  	v15 =	vperm.xlane v9, v44;
	v13 =	vadd.s32 v13, v3;
	v16 =	vor.u32 $0xE0, v11  }
0x135: {  	v16 =	vadd.s32 v16, v2  }
0x136: {  	v10 =	vmul.f32 v15, v10  }
0x137: {  	v15 =	vsel vm0, $0x0, v15  }
0x138: {  	v10 =	vsel vm1, v10, v15  }
0x139: {  	[tilespmem:v13+s0+$0x0] =	vst.idx.msk $0xffff, v10  }
0x13a: {  	v10 =	vld.idx.msk [tilespmem:v16+s3+$0x0], $0xffff;
	_ =	sdelay $0x1  }
0x13b: {  	v13 =	vor.u32 $0x1C0, v0  }
0x13c: {  	v15 =	vperm.xlane v9, v47;
	v13 =	vadd.s32 v13, v3;
	v16 =	vor.u32 $0xE8, v11  }
0x13d: {  	v16 =	vadd.s32 v16, v2  }
0x13e: {  	v10 =	vmul.f32 v15, v10  }
0x13f: {  	v15 =	vsel vm0, $0x0, v15  }
0x140: {  	v10 =	vsel vm1, v10, v15  }
0x141: {  	[tilespmem:v13+s0+$0x0] =	vst.idx.msk $0xffff, v10  }
0x142: {  	v10 =	vld.idx.msk [tilespmem:v16+s3+$0x0], $0xffff;
	_ =	sdelay $0x1  }
0x143: {  	v13 =	vor.u32 $0x1D0, v0  }
0x144: {  	v15 =	vperm.xlane v9, v50;
	v13 =	vadd.s32 v13, v3;
	v16 =	vor.u32 $0xF0, v11  }
0x145: {  	v16 =	vadd.s32 v16, v2  }
0x146: {  	v10 =	vmul.f32 v15, v10  }
0x147: {  	v15 =	vsel vm0, $0x0, v15  }
0x148: {  	v10 =	vsel vm1, v10, v15  }
0x149: {  	[tilespmem:v13+s0+$0x0] =	vst.idx.msk $0xffff, v10  }
0x14a: {  	v10 =	vld.idx.msk [tilespmem:v16+s3+$0x0], $0xffff;
	_ =	sdelay $0x1  }
0x14b: {  	v13 =	vor.u32 $0x1E0, v0  }
0x14c: {  	v15 =	vperm.xlane v9, v53;
	v13 =	vadd.s32 v13, v3;
	v16 =	vor.u32 $0xF8, v11  }
0x14d: {  	v7 =	vadd.f32 v8, v7;
	v8 =	vadd.s32 v16, v2  }
0x14e: {  	v10 =	vmul.f32 v15, v10  }
0x14f: {  	v16 =	vmul.f32 $2.000000030e-01, v7;
	v15 =	vsel vm0, $0x0, v15  }
0x150: {  	v10 =	vsel vm1, v10, v15  }
0x151: {  	v7 =	vmax.f32 v7, v16;
	[tilespmem:v13+s0+$0x0] =	vst.idx.msk $0xffff, v10  }
0x152: {  	v7 =	vmul.f32 $1.442695020e+00, v7;
	v8 =	vld.idx.msk [tilespmem:v8+s3+$0x0], $0xffff;
	_ =	sdelay $0x1  }
0x153: {  	(erf) = vpow2.f32 v7;
	v7 =	vor.u32 $0x1F0, v0  }
0x154: {  	v9 =	vperm.xlane v9, v56;
	v7 =	vadd.s32 v7, v3;
	v10 =	vor.u32 $0x100, v11  }
0x155: {  	v10 =	vadd.s32 v10, v2  }
0x156: {  	v8 =	vmul.f32 v9, v8  }
0x157: {  	v9 =	vsel vm0, $0x0, v9  }
0x158: {  	v8 =	vsel vm1, v8, v9  }
0x159: {  	[tilespmem:v7+s0+$0x0] =	vst.idx.msk $0xffff, v8  }
0x15a: {  	v8 =	vld.idx.msk [tilespmem:v10+s3+$0x0], $0xffff;
	_ =	sdelay $0x1  }
0x15b: {  	v9 =	vor.u32 $0x200, v0;
	v7 =	vpop (erf)  }
0x15c: {  	v13 =	vor.u32 $0x108, v11;
	v9 =	vadd.s32 v9, v3;
	v10 =	vperm.xlane v7, v12  }
0x15d: {  	v13 =	vadd.s32 v13, v2  }
0x15e: {  	v8 =	vmul.f32 v10, v8  }
0x15f: {  	v10 =	vsel vm0, $0x0, v10  }
0x160: {  	v8 =	vsel vm1, v8, v10  }
0x161: {  	[tilespmem:v9+s0+$0x0] =	vst.idx.msk $0xffff, v8  }
0x162: {  	v8 =	vld.idx.msk [tilespmem:v13+s3+$0x0], $0xffff;
	_ =	sdelay $0x1  }
0x163: {  	v9 =	vor.u32 $0x210, v0  }
0x164: {  	v10 =	vperm.xlane v7, v14;
	v9 =	vadd.s32 v9, v3;
	v13 =	vor.u32 $0x110, v11  }
0x165: {  	v13 =	vadd.s32 v13, v2  }
0x166: {  	v8 =	vmul.f32 v10, v8  }
0x167: {  	v10 =	vsel vm0, $0x0, v10  }
0x168: {  	v8 =	vsel vm1, v8, v10  }
0x169: {  	[tilespmem:v9+s0+$0x0] =	vst.idx.msk $0xffff, v8  }
0x16a: {  	v8 =	vld.idx.msk [tilespmem:v13+s3+$0x0], $0xffff;
	_ =	sdelay $0x1  }
0x16b: {  	v9 =	vor.u32 $0x220, v0  }
0x16c: {  	v10 =	vperm.xlane v7, v17;
	v9 =	vadd.s32 v9, v3;
	v13 =	vor.u32 $0x118, v11  }
0x16d: {  	v13 =	vadd.s32 v13, v2  }
0x16e: {  	v8 =	vmul.f32 v10, v8  }
0x16f: {  	v10 =	vsel vm0, $0x0, v10  }
0x170: {  	v8 =	vsel vm1, v8, v10  }
0x171: {  	[tilespmem:v9+s0+$0x0] =	vst.idx.msk $0xffff, v8  }
0x172: {  	v8 =	vld.idx.msk [tilespmem:v13+s3+$0x0], $0xffff;
	_ =	sdelay $0x1  }
0x173: {  	v9 =	vor.u32 $0x230, v0  }
0x174: {  	v10 =	vperm.xlane v7, v20;
	v9 =	vadd.s32 v9, v3;
	v13 =	vor.u32 $0x120, v11  }
0x175: {  	v13 =	vadd.s32 v13, v2  }
0x176: {  	v8 =	vmul.f32 v10, v8  }
0x177: {  	v10 =	vsel vm0, $0x0, v10  }
0x178: {  	v8 =	vsel vm1, v8, v10  }
0x179: {  	[tilespmem:v9+s0+$0x0] =	vst.idx.msk $0xffff, v8  }
0x17a: {  	v8 =	vld.idx.msk [tilespmem:v13+s3+$0x0], $0xffff;
	_ =	sdelay $0x1  }
0x17b: {  	v9 =	vor.u32 $0x240, v0  }
0x17c: {  	v10 =	vperm.xlane v7, v23;
	v9 =	vadd.s32 v9, v3;
	v13 =	vor.u32 $0x128, v11  }
0x17d: {  	v13 =	vadd.s32 v13, v2  }
0x17e: {  	v8 =	vmul.f32 v10, v8  }
0x17f: {  	v10 =	vsel vm0, $0x0, v10  }
0x180: {  	v8 =	vsel vm1, v8, v10  }
0x181: {  	[tilespmem:v9+s0+$0x0] =	vst.idx.msk $0xffff, v8  }
0x182: {  	v8 =	vld.idx.msk [tilespmem:v13+s3+$0x0], $0xffff;
	_ =	sdelay $0x1  }
0x183: {  	v9 =	vor.u32 $0x250, v0  }
0x184: {  	v10 =	vperm.xlane v7, v26;
	v9 =	vadd.s32 v9, v3;
	v13 =	vor.u32 $0x130, v11  }
0x185: {  	v13 =	vadd.s32 v13, v2  }
0x186: {  	v8 =	vmul.f32 v10, v8  }
0x187: {  	v10 =	vsel vm0, $0x0, v10  }
0x188: {  	v8 =	vsel vm1, v8, v10  }
0x189: {  	[tilespmem:v9+s0+$0x0] =	vst.idx.msk $0xffff, v8  }
0x18a: {  	v8 =	vld.idx.msk [tilespmem:v13+s3+$0x0], $0xffff;
	_ =	sdelay $0x1  }
0x18b: {  	v9 =	vor.u32 $0x260, v0  }
0x18c: {  	v10 =	vperm.xlane v7, v29;
	v9 =	vadd.s32 v9, v3;
	v13 =	vor.u32 $0x138, v11  }
0x18d: {  	v13 =	vadd.s32 v13, v2  }
0x18e: {  	v8 =	vmul.f32 v10, v8  }
0x18f: {  	v10 =	vsel vm0, $0x0, v10  }
0x190: {  	v8 =	vsel vm1, v8, v10  }
0x191: {  	[tilespmem:v9+s0+$0x0] =	vst.idx.msk $0xffff, v8  }
0x192: {  	v8 =	vld.idx.msk [tilespmem:v13+s3+$0x0], $0xffff;
	_ =	sdelay $0x1  }
0x193: {  	v9 =	vor.u32 $0x270, v0  }
0x194: {  	v10 =	vperm.xlane v7, v32;
	v9 =	vadd.s32 v9, v3;
	v13 =	vor.u32 $0x140, v11  }
0x195: {  	v13 =	vadd.s32 v13, v2  }
0x196: {  	v8 =	vmul.f32 v10, v8  }
0x197: {  	v10 =	vsel vm0, $0x0, v10  }
0x198: {  	v8 =	vsel vm1, v8, v10  }
0x199: {  	[tilespmem:v9+s0+$0x0] =	vst.idx.msk $0xffff, v8  }
0x19a: {  	v8 =	vld.idx.msk [tilespmem:v13+s3+$0x0], $0xffff;
	_ =	sdelay $0x1  }
0x19b: {  	v9 =	vor.u32 $0x280, v0  }
0x19c: {  	v10 =	vperm.xlane v7, v35;
	v9 =	vadd.s32 v9, v3;
	v13 =	vor.u32 $0x148, v11  }
0x19d: {  	v13 =	vadd.s32 v13, v2  }
0x19e: {  	v8 =	vmul.f32 v10, v8  }
0x19f: {  	v10 =	vsel vm0, $0x0, v10  }
0x1a0: {  	v8 =	vsel vm1, v8, v10  }
0x1a1: {  	[tilespmem:v9+s0+$0x0] =	vst.idx.msk $0xffff, v8  }
0x1a2: {  	v8 =	vld.idx.msk [tilespmem:v13+s3+$0x0], $0xffff;
	_ =	sdelay $0x1  }
0x1a3: {  	v9 =	vor.u32 $0x290, v0  }
0x1a4: {  	v10 =	vperm.xlane v7, v38;
	v9 =	vadd.s32 v9, v3;
	v13 =	vor.u32 $0x150, v11  }
0x1a5: {  	v13 =	vadd.s32 v13, v2  }
0x1a6: {  	v8 =	vmul.f32 v10, v8  }
0x1a7: {  	v10 =	vsel vm0, $0x0, v10  }
0x1a8: {  	v8 =	vsel vm1, v8, v10  }
0x1a9: {  	[tilespmem:v9+s0+$0x0] =	vst.idx.msk $0xffff, v8  }
0x1aa: {  	v8 =	vld.idx.msk [tilespmem:v13+s3+$0x0], $0xffff;
	_ =	sdelay $0x1  }
0x1ab: {  	v9 =	vor.u32 $0x2A0, v0  }
0x1ac: {  	v10 =	vperm.xlane v7, v41;
	v9 =	vadd.s32 v9, v3;
	v13 =	vor.u32 $0x158, v11  }
0x1ad: {  	v13 =	vadd.s32 v13, v2  }
0x1ae: {  	v8 =	vmul.f32 v10, v8  }
0x1af: {  	v10 =	vsel vm0, $0x0, v10  }
0x1b0: {  	v8 =	vsel vm1, v8, v10  }
0x1b1: {  	[tilespmem:v9+s0+$0x0] =	vst.idx.msk $0xffff, v8  }
0x1b2: {  	v8 =	vld.idx.msk [tilespmem:v13+s3+$0x0], $0xffff;
	_ =	sdelay $0x1  }
0x1b3: {  	v9 =	vor.u32 $0x2B0, v0  }
0x1b4: {  	v10 =	vperm.xlane v7, v44;
	v9 =	vadd.s32 v9, v3;
	v13 =	vor.u32 $0x160, v11  }
0x1b5: {  	v13 =	vadd.s32 v13, v2  }
0x1b6: {  	v8 =	vmul.f32 v10, v8  }
0x1b7: {  	v10 =	vsel vm0, $0x0, v10  }
0x1b8: {  	v8 =	vsel vm1, v8, v10  }
0x1b9: {  	[tilespmem:v9+s0+$0x0] =	vst.idx.msk $0xffff, v8  }
0x1ba: {  	v8 =	vld.idx.msk [tilespmem:v13+s3+$0x0], $0xffff;
	_ =	sdelay $0x1  }
0x1bb: {  	v9 =	vor.u32 $0x2C0, v0  }
0x1bc: {  	v10 =	vperm.xlane v7, v47;
	v9 =	vadd.s32 v9, v3;
	v13 =	vor.u32 $0x168, v11  }
0x1bd: {  	v13 =	vadd.s32 v13, v2  }
0x1be: {  	v8 =	vmul.f32 v10, v8  }
0x1bf: {  	v10 =	vsel vm0, $0x0, v10  }
0x1c0: {  	v8 =	vsel vm1, v8, v10  }
0x1c1: {  	[tilespmem:v9+s0+$0x0] =	vst.idx.msk $0xffff, v8  }
0x1c2: {  	v8 =	vld.idx.msk [tilespmem:v13+s3+$0x0], $0xffff;
	_ =	sdelay $0x1  }
0x1c3: {  	v9 =	vor.u32 $0x2D0, v0  }
0x1c4: {  	v10 =	vperm.xlane v7, v50;
	v9 =	vadd.s32 v9, v3;
	v13 =	vor.u32 $0x170, v11  }
0x1c5: {  	v13 =	vadd.s32 v13, v2  }
0x1c6: {  	v8 =	vmul.f32 v10, v8  }
0x1c7: {  	v10 =	vsel vm0, $0x0, v10  }
0x1c8: {  	v8 =	vsel vm1, v8, v10  }
0x1c9: {  	[tilespmem:v9+s0+$0x0] =	vst.idx.msk $0xffff, v8  }
0x1ca: {  	v8 =	vld.idx.msk [tilespmem:v13+s3+$0x0], $0xffff;
	_ =	sdelay $0x1  }
0x1cb: {  	v9 =	vor.u32 $0x2E0, v0  }
0x1cc: {  	v10 =	vperm.xlane v7, v53;
	v9 =	vadd.s32 v9, v3;
	v13 =	vor.u32 $0x178, v11  }
0x1cd: {  	v1 =	vadd.f32 v6, v1;
	v6 =	vadd.s32 v13, v2  }
0x1ce: {  	v8 =	vmul.f32 v10, v8  }
0x1cf: {  	v13 =	vmul.f32 $2.000000030e-01, v1;
	v10 =	vsel vm0, $0x0, v10  }
0x1d0: {  	v8 =	vsel vm1, v8, v10  }
0x1d1: {  	v1 =	vmax.f32 v1, v13;
	[tilespmem:v9+s0+$0x0] =	vst.idx.msk $0xffff, v8  }
0x1d2: {  	v1 =	vmul.f32 $1.442695020e+00, v1;
	v6 =	vld.idx.msk [tilespmem:v6+s3+$0x0], $0xffff;
	_ =	sdelay $0x1  }
0x1d3: {  	(erf) = vpow2.f32 v1;
	v1 =	vor.u32 $0x2F0, v0  }
0x1d4: {  	v7 =	vperm.xlane v7, v56;
	v1 =	vadd.s32 v1, v3;
	v8 =	vor.u32 $0x180, v11  }
0x1d5: {  	v8 =	vadd.s32 v8, v2  }
0x1d6: {  	v6 =	vmul.f32 v7, v6  }
0x1d7: {  	v7 =	vsel vm0, $0x0, v7  }
0x1d8: {  	v6 =	vsel vm1, v6, v7  }
0x1d9: {  	[tilespmem:v1+s0+$0x0] =	vst.idx.msk $0xffff, v6  }
0x1da: {  	v6 =	vld.idx.msk [tilespmem:v8+s3+$0x0], $0xffff;
	_ =	sdelay $0x1  }
0x1db: {  	v7 =	vor.u32 $0x300, v0;
	v1 =	vpop (erf)  }
0x1dc: {  	v9 =	vor.u32 $0x188, v11;
	v7 =	vadd.s32 v7, v3;
	v8 =	vperm.xlane v1, v12  }
0x1dd: {  	v9 =	vadd.s32 v9, v2  }
0x1de: {  	v6 =	vmul.f32 v8, v6  }
0x1df: {  	v8 =	vsel vm0, $0x0, v8  }
0x1e0: {  	v6 =	vsel vm1, v6, v8  }
0x1e1: {  	[tilespmem:v7+s0+$0x0] =	vst.idx.msk $0xffff, v6  }
0x1e2: {  	v6 =	vld.idx.msk [tilespmem:v9+s3+$0x0], $0xffff;
	_ =	sdelay $0x1  }
0x1e3: {  	v7 =	vor.u32 $0x310, v0  }
0x1e4: {  	v8 =	vperm.xlane v1, v14;
	v7 =	vadd.s32 v7, v3;
	v9 =	vor.u32 $0x190, v11  }
0x1e5: {  	v9 =	vadd.s32 v9, v2  }
0x1e6: {  	v6 =	vmul.f32 v8, v6  }
0x1e7: {  	v8 =	vsel vm0, $0x0, v8  }
0x1e8: {  	v6 =	vsel vm1, v6, v8  }
0x1e9: {  	[tilespmem:v7+s0+$0x0] =	vst.idx.msk $0xffff, v6  }
0x1ea: {  	v6 =	vld.idx.msk [tilespmem:v9+s3+$0x0], $0xffff;
	_ =	sdelay $0x1  }
0x1eb: {  	v7 =	vor.u32 $0x320, v0  }
0x1ec: {  	v8 =	vperm.xlane v1, v17;
	v7 =	vadd.s32 v7, v3;
	v9 =	vor.u32 $0x198, v11  }
0x1ed: {  	v9 =	vadd.s32 v9, v2  }
0x1ee: {  	v6 =	vmul.f32 v8, v6  }
0x1ef: {  	v8 =	vsel vm0, $0x0, v8  }
0x1f0: {  	v6 =	vsel vm1, v6, v8  }
0x1f1: {  	[tilespmem:v7+s0+$0x0] =	vst.idx.msk $0xffff, v6  }
0x1f2: {  	v6 =	vld.idx.msk [tilespmem:v9+s3+$0x0], $0xffff;
	_ =	sdelay $0x1  }
0x1f3: {  	v7 =	vor.u32 $0x330, v0  }
0x1f4: {  	v8 =	vperm.xlane v1, v20;
	v7 =	vadd.s32 v7, v3;
	v9 =	vor.u32 $0x1A0, v11  }
0x1f5: {  	v9 =	vadd.s32 v9, v2  }
0x1f6: {  	v6 =	vmul.f32 v8, v6  }
0x1f7: {  	v8 =	vsel vm0, $0x0, v8  }
0x1f8: {  	v6 =	vsel vm1, v6, v8  }
0x1f9: {  	[tilespmem:v7+s0+$0x0] =	vst.idx.msk $0xffff, v6  }
0x1fa: {  	v6 =	vld.idx.msk [tilespmem:v9+s3+$0x0], $0xffff;
	_ =	sdelay $0x1  }
0x1fb: {  	v7 =	vor.u32 $0x340, v0  }
0x1fc: {  	v8 =	vperm.xlane v1, v23;
	v7 =	vadd.s32 v7, v3;
	v9 =	vor.u32 $0x1A8, v11  }
0x1fd: {  	v9 =	vadd.s32 v9, v2  }
0x1fe: {  	v6 =	vmul.f32 v8, v6  }
0x1ff: {  	v8 =	vsel vm0, $0x0, v8  }
0x200: {  	v6 =	vsel vm1, v6, v8  }
0x201: {  	[tilespmem:v7+s0+$0x0] =	vst.idx.msk $0xffff, v6  }
0x202: {  	v6 =	vld.idx.msk [tilespmem:v9+s3+$0x0], $0xffff;
	_ =	sdelay $0x1  }
0x203: {  	v7 =	vor.u32 $0x350, v0  }
0x204: {  	v8 =	vperm.xlane v1, v26;
	v7 =	vadd.s32 v7, v3;
	v9 =	vor.u32 $0x1B0, v11  }
0x205: {  	v9 =	vadd.s32 v9, v2  }
0x206: {  	v6 =	vmul.f32 v8, v6  }
0x207: {  	v8 =	vsel vm0, $0x0, v8  }
0x208: {  	v6 =	vsel vm1, v6, v8  }
0x209: {  	[tilespmem:v7+s0+$0x0] =	vst.idx.msk $0xffff, v6  }
0x20a: {  	v6 =	vld.idx.msk [tilespmem:v9+s3+$0x0], $0xffff;
	_ =	sdelay $0x1  }
0x20b: {  	v7 =	vor.u32 $0x360, v0  }
0x20c: {  	v8 =	vperm.xlane v1, v29;
	v7 =	vadd.s32 v7, v3;
	v9 =	vor.u32 $0x1B8, v11  }
0x20d: {  	v9 =	vadd.s32 v9, v2  }
0x20e: {  	v6 =	vmul.f32 v8, v6  }
0x20f: {  	v8 =	vsel vm0, $0x0, v8  }
0x210: {  	v6 =	vsel vm1, v6, v8  }
0x211: {  	[tilespmem:v7+s0+$0x0] =	vst.idx.msk $0xffff, v6  }
0x212: {  	v6 =	vld.idx.msk [tilespmem:v9+s3+$0x0], $0xffff;
	_ =	sdelay $0x1  }
0x213: {  	v7 =	vor.u32 $0x370, v0  }
0x214: {  	v8 =	vperm.xlane v1, v32;
	v7 =	vadd.s32 v7, v3;
	v9 =	vor.u32 $0x1C0, v11  }
0x215: {  	v9 =	vadd.s32 v9, v2  }
0x216: {  	v6 =	vmul.f32 v8, v6  }
0x217: {  	v8 =	vsel vm0, $0x0, v8  }
0x218: {  	v6 =	vsel vm1, v6, v8  }
0x219: {  	[tilespmem:v7+s0+$0x0] =	vst.idx.msk $0xffff, v6  }
0x21a: {  	v6 =	vld.idx.msk [tilespmem:v9+s3+$0x0], $0xffff;
	_ =	sdelay $0x1  }
0x21b: {  	v7 =	vor.u32 $0x380, v0  }
0x21c: {  	v8 =	vperm.xlane v1, v35;
	v7 =	vadd.s32 v7, v3;
	v9 =	vor.u32 $0x1C8, v11  }
0x21d: {  	v9 =	vadd.s32 v9, v2  }
0x21e: {  	v6 =	vmul.f32 v8, v6  }
0x21f: {  	v8 =	vsel vm0, $0x0, v8  }
0x220: {  	v6 =	vsel vm1, v6, v8  }
0x221: {  	[tilespmem:v7+s0+$0x0] =	vst.idx.msk $0xffff, v6  }
0x222: {  	v6 =	vld.idx.msk [tilespmem:v9+s3+$0x0], $0xffff;
	_ =	sdelay $0x1  }
0x223: {  	v7 =	vor.u32 $0x390, v0  }
0x224: {  	v8 =	vperm.xlane v1, v38;
	v7 =	vadd.s32 v7, v3;
	v9 =	vor.u32 $0x1D0, v11  }
0x225: {  	v9 =	vadd.s32 v9, v2  }
0x226: {  	v6 =	vmul.f32 v8, v6  }
0x227: {  	v8 =	vsel vm0, $0x0, v8  }
0x228: {  	v6 =	vsel vm1, v6, v8  }
0x229: {  	[tilespmem:v7+s0+$0x0] =	vst.idx.msk $0xffff, v6  }
0x22a: {  	v6 =	vld.idx.msk [tilespmem:v9+s3+$0x0], $0xffff;
	_ =	sdelay $0x1  }
0x22b: {  	v7 =	vor.u32 $0x3A0, v0  }
0x22c: {  	v8 =	vperm.xlane v1, v41;
	v7 =	vadd.s32 v7, v3;
	v9 =	vor.u32 $0x1D8, v11  }
0x22d: {  	v9 =	vadd.s32 v9, v2  }
0x22e: {  	v6 =	vmul.f32 v8, v6  }
0x22f: {  	v8 =	vsel vm0, $0x0, v8  }
0x230: {  	v6 =	vsel vm1, v6, v8  }
0x231: {  	[tilespmem:v7+s0+$0x0] =	vst.idx.msk $0xffff, v6  }
0x232: {  	v6 =	vld.idx.msk [tilespmem:v9+s3+$0x0], $0xffff;
	_ =	sdelay $0x1  }
0x233: {  	v7 =	vor.u32 $0x3B0, v0  }
0x234: {  	v8 =	vperm.xlane v1, v44;
	v7 =	vadd.s32 v7, v3;
	v9 =	vor.u32 $0x1E0, v11  }
0x235: {  	v9 =	vadd.s32 v9, v2  }
0x236: {  	v6 =	vmul.f32 v8, v6  }
0x237: {  	v8 =	vsel vm0, $0x0, v8  }
0x238: {  	v6 =	vsel vm1, v6, v8  }
0x239: {  	[tilespmem:v7+s0+$0x0] =	vst.idx.msk $0xffff, v6  }
0x23a: {  	v6 =	vld.idx.msk [tilespmem:v9+s3+$0x0], $0xffff;
	_ =	sdelay $0x1  }
0x23b: {  	v7 =	vor.u32 $0x3C0, v0  }
0x23c: {  	v8 =	vperm.xlane v1, v47;
	v7 =	vadd.s32 v7, v3;
	v9 =	vor.u32 $0x1E8, v11  }
0x23d: {  	v9 =	vadd.s32 v9, v2  }
0x23e: {  	v6 =	vmul.f32 v8, v6  }
0x23f: {  	v8 =	vsel vm0, $0x0, v8  }
0x240: {  	v6 =	vsel vm1, v6, v8  }
0x241: {  	[tilespmem:v7+s0+$0x0] =	vst.idx.msk $0xffff, v6  }
0x242: {  	v6 =	vld.idx.msk [tilespmem:v9+s3+$0x0], $0xffff;
	_ =	sdelay $0x1  }
0x243: {  	v7 =	vor.u32 $0x3D0, v0  }
0x244: {  	v8 =	vperm.xlane v1, v50;
	v7 =	vadd.s32 v7, v3;
	v9 =	vor.u32 $0x1F0, v11  }
0x245: {  	v9 =	vadd.s32 v9, v2  }
0x246: {  	v6 =	vmul.f32 v8, v6  }
0x247: {  	v8 =	vsel vm0, $0x0, v8  }
0x248: {  	v6 =	vsel vm1, v6, v8  }
0x249: {  	[tilespmem:v7+s0+$0x0] =	vst.idx.msk $0xffff, v6  }
0x24a: {  	v6 =	vld.idx.msk [tilespmem:v9+s3+$0x0], $0xffff;
	_ =	sdelay $0x1  }
0x24b: {  	v7 =	vor.u32 $0x3E0, v0  }
0x24c: {  	v8 =	vperm.xlane v1, v53;
	v7 =	vadd.s32 v7, v3;
	v9 =	vor.u32 $0x1F8, v11  }
0x24d: {  	v4 =	vadd.f32 v5, v4;
	v5 =	vadd.s32 v9, v2  }
0x24e: {  	v6 =	vmul.f32 v8, v6  }
0x24f: {  	v9 =	vmul.f32 $2.000000030e-01, v4;
	v8 =	vsel vm0, $0x0, v8  }
0x250: {  	v6 =	vsel vm1, v6, v8  }
0x251: {  	v4 =	vmax.f32 v4, v9;
	[tilespmem:v7+s0+$0x0] =	vst.idx.msk $0xffff, v6  }
0x252: {  	v4 =	vmul.f32 $1.442695020e+00, v4;
	v5 =	vld.idx.msk [tilespmem:v5+s3+$0x0], $0xffff;
	_ =	sdelay $0x1  }
0x253: {  	(erf) = vpow2.f32 v4;
	v4 =	vor.u32 $0x3F0, v0  }
0x254: {  	v1 =	vperm.xlane v1, v56;
	v4 =	vadd.s32 v4, v3;
	v6 =	vor.u32 $0x200, v11  }
0x255: {  	v6 =	vadd.s32 v6, v2  }
0x256: {  	v5 =	vmul.f32 v1, v5  }
0x257: {  	v1 =	vsel vm0, $0x0, v1  }
0x258: {  	v1 =	vsel vm1, v5, v1  }
0x259: {  	[tilespmem:v4+s0+$0x0] =	vst.idx.msk $0xffff, v1  }
0x25a: {  	v4 =	vld.idx.msk [tilespmem:v6+s3+$0x0], $0xffff;
	_ =	sdelay $0x1  }
0x25b: {  	v5 =	vor.u32 $0x400, v0;
	v1 =	vpop (erf)  }
0x25c: {  	v7 =	vor.u32 $0x208, v11;
	v5 =	vadd.s32 v5, v3;
	v6 =	vperm.xlane v1, v12  }
0x25d: {  	v7 =	vadd.s32 v7, v2  }
0x25e: {  	v4 =	vmul.f32 v6, v4  }
0x25f: {  	v6 =	vsel vm0, $0x0, v6  }
0x260: {  	v4 =	vsel vm1, v4, v6  }
0x261: {  	[tilespmem:v5+s0+$0x0] =	vst.idx.msk $0xffff, v4  }
0x262: {  	v4 =	vld.idx.msk [tilespmem:v7+s3+$0x0], $0xffff;
	_ =	sdelay $0x1  }
0x263: {  	v5 =	vor.u32 $0x410, v0  }
0x264: {  	v6 =	vperm.xlane v1, v14;
	v5 =	vadd.s32 v5, v3;
	v7 =	vor.u32 $0x210, v11  }
0x265: {  	v7 =	vadd.s32 v7, v2  }
0x266: {  	v4 =	vmul.f32 v6, v4  }
0x267: {  	v6 =	vsel vm0, $0x0, v6  }
0x268: {  	v4 =	vsel vm1, v4, v6  }
0x269: {  	[tilespmem:v5+s0+$0x0] =	vst.idx.msk $0xffff, v4  }
0x26a: {  	v4 =	vld.idx.msk [tilespmem:v7+s3+$0x0], $0xffff;
	_ =	sdelay $0x1  }
0x26b: {  	v5 =	vor.u32 $0x420, v0  }
0x26c: {  	v6 =	vperm.xlane v1, v17;
	v5 =	vadd.s32 v5, v3;
	v7 =	vor.u32 $0x218, v11  }
0x26d: {  	v7 =	vadd.s32 v7, v2  }
0x26e: {  	v4 =	vmul.f32 v6, v4  }
0x26f: {  	v6 =	vsel vm0, $0x0, v6  }
0x270: {  	v4 =	vsel vm1, v4, v6  }
0x271: {  	[tilespmem:v5+s0+$0x0] =	vst.idx.msk $0xffff, v4  }
0x272: {  	v4 =	vld.idx.msk [tilespmem:v7+s3+$0x0], $0xffff;
	_ =	sdelay $0x1  }
0x273: {  	v5 =	vor.u32 $0x430, v0  }
0x274: {  	v6 =	vperm.xlane v1, v20;
	v5 =	vadd.s32 v5, v3;
	v7 =	vor.u32 $0x220, v11  }
0x275: {  	v7 =	vadd.s32 v7, v2  }
0x276: {  	v4 =	vmul.f32 v6, v4  }
0x277: {  	v6 =	vsel vm0, $0x0, v6  }
0x278: {  	v4 =	vsel vm1, v4, v6  }
0x279: {  	[tilespmem:v5+s0+$0x0] =	vst.idx.msk $0xffff, v4  }
0x27a: {  	v4 =	vld.idx.msk [tilespmem:v7+s3+$0x0], $0xffff;
	_ =	sdelay $0x1  }
0x27b: {  	v5 =	vor.u32 $0x440, v0  }
0x27c: {  	v6 =	vperm.xlane v1, v23;
	v5 =	vadd.s32 v5, v3;
	v7 =	vor.u32 $0x228, v11  }
0x27d: {  	v7 =	vadd.s32 v7, v2  }
0x27e: {  	v4 =	vmul.f32 v6, v4  }
0x27f: {  	v6 =	vsel vm0, $0x0, v6  }
0x280: {  	v4 =	vsel vm1, v4, v6  }
0x281: {  	[tilespmem:v5+s0+$0x0] =	vst.idx.msk $0xffff, v4  }
0x282: {  	v4 =	vld.idx.msk [tilespmem:v7+s3+$0x0], $0xffff;
	_ =	sdelay $0x1  }
0x283: {  	v5 =	vor.u32 $0x450, v0  }
0x284: {  	v6 =	vperm.xlane v1, v26;
	v5 =	vadd.s32 v5, v3;
	v7 =	vor.u32 $0x230, v11  }
0x285: {  	v7 =	vadd.s32 v7, v2  }
0x286: {  	v4 =	vmul.f32 v6, v4  }
0x287: {  	v6 =	vsel vm0, $0x0, v6  }
0x288: {  	v4 =	vsel vm1, v4, v6  }
0x289: {  	[tilespmem:v5+s0+$0x0] =	vst.idx.msk $0xffff, v4  }
0x28a: {  	v4 =	vld.idx.msk [tilespmem:v7+s3+$0x0], $0xffff;
	_ =	sdelay $0x1  }
0x28b: {  	v5 =	vor.u32 $0x460, v0  }
0x28c: {  	v6 =	vperm.xlane v1, v29;
	v5 =	vadd.s32 v5, v3;
	v7 =	vor.u32 $0x238, v11  }
0x28d: {  	v7 =	vadd.s32 v7, v2  }
0x28e: {  	v4 =	vmul.f32 v6, v4  }
0x28f: {  	v6 =	vsel vm0, $0x0, v6  }
0x290: {  	v4 =	vsel vm1, v4, v6  }
0x291: {  	[tilespmem:v5+s0+$0x0] =	vst.idx.msk $0xffff, v4  }
0x292: {  	v4 =	vld.idx.msk [tilespmem:v7+s3+$0x0], $0xffff;
	_ =	sdelay $0x1  }
0x293: {  	v5 =	vor.u32 $0x470, v0  }
0x294: {  	v6 =	vperm.xlane v1, v32;
	v5 =	vadd.s32 v5, v3;
	v7 =	vor.u32 $0x240, v11  }
0x295: {  	v7 =	vadd.s32 v7, v2  }
0x296: {  	v4 =	vmul.f32 v6, v4  }
0x297: {  	v6 =	vsel vm0, $0x0, v6  }
0x298: {  	v4 =	vsel vm1, v4, v6  }
0x299: {  	[tilespmem:v5+s0+$0x0] =	vst.idx.msk $0xffff, v4  }
0x29a: {  	v4 =	vld.idx.msk [tilespmem:v7+s3+$0x0], $0xffff;
	_ =	sdelay $0x1  }
0x29b: {  	v5 =	vor.u32 $0x480, v0  }
0x29c: {  	v6 =	vperm.xlane v1, v35;
	v5 =	vadd.s32 v5, v3;
	v7 =	vor.u32 $0x248, v11  }
0x29d: {  	v7 =	vadd.s32 v7, v2  }
0x29e: {  	v4 =	vmul.f32 v6, v4  }
0x29f: {  	v6 =	vsel vm0, $0x0, v6  }
0x2a0: {  	v4 =	vsel vm1, v4, v6  }
0x2a1: {  	[tilespmem:v5+s0+$0x0] =	vst.idx.msk $0xffff, v4  }
0x2a2: {  	v4 =	vld.idx.msk [tilespmem:v7+s3+$0x0], $0xffff;
	_ =	sdelay $0x1  }
0x2a3: {  	v5 =	vor.u32 $0x490, v0  }
0x2a4: {  	v6 =	vperm.xlane v1, v38;
	v5 =	vadd.s32 v5, v3;
	v7 =	vor.u32 $0x250, v11  }
0x2a5: {  	v7 =	vadd.s32 v7, v2  }
0x2a6: {  	v4 =	vmul.f32 v6, v4  }
0x2a7: {  	v6 =	vsel vm0, $0x0, v6  }
0x2a8: {  	v4 =	vsel vm1, v4, v6  }
0x2a9: {  	[tilespmem:v5+s0+$0x0] =	vst.idx.msk $0xffff, v4  }
0x2aa: {  	v4 =	vld.idx.msk [tilespmem:v7+s3+$0x0], $0xffff;
	_ =	sdelay $0x1  }
0x2ab: {  	v5 =	vor.u32 $0x4A0, v0  }
0x2ac: {  	v6 =	vperm.xlane v1, v41;
	v5 =	vadd.s32 v5, v3;
	v7 =	vor.u32 $0x258, v11  }
0x2ad: {  	v7 =	vadd.s32 v7, v2  }
0x2ae: {  	v4 =	vmul.f32 v6, v4  }
0x2af: {  	v6 =	vsel vm0, $0x0, v6  }
0x2b0: {  	v4 =	vsel vm1, v4, v6  }
0x2b1: {  	[tilespmem:v5+s0+$0x0] =	vst.idx.msk $0xffff, v4  }
0x2b2: {  	v4 =	vld.idx.msk [tilespmem:v7+s3+$0x0], $0xffff;
	_ =	sdelay $0x1  }
0x2b3: {  	v5 =	vor.u32 $0x4B0, v0  }
0x2b4: {  	v6 =	vperm.xlane v1, v44;
	v5 =	vadd.s32 v5, v3;
	v7 =	vor.u32 $0x260, v11  }
0x2b5: {  	v7 =	vadd.s32 v7, v2  }
0x2b6: {  	v4 =	vmul.f32 v6, v4  }
0x2b7: {  	v6 =	vsel vm0, $0x0, v6  }
0x2b8: {  	v4 =	vsel vm1, v4, v6  }
0x2b9: {  	[tilespmem:v5+s0+$0x0] =	vst.idx.msk $0xffff, v4  }
0x2ba: {  	v4 =	vld.idx.msk [tilespmem:v7+s3+$0x0], $0xffff;
	_ =	sdelay $0x1  }
0x2bb: {  	v5 =	vor.u32 $0x4C0, v0  }
0x2bc: {  	v6 =	vperm.xlane v1, v47;
	v5 =	vadd.s32 v5, v3;
	v7 =	vor.u32 $0x268, v11  }
0x2bd: {  	v7 =	vadd.s32 v7, v2  }
0x2be: {  	v4 =	vmul.f32 v6, v4  }
0x2bf: {  	v6 =	vsel vm0, $0x0, v6  }
0x2c0: {  	v4 =	vsel vm1, v4, v6  }
0x2c1: {  	[tilespmem:v5+s0+$0x0] =	vst.idx.msk $0xffff, v4  }
0x2c2: {  	v4 =	vld.idx.msk [tilespmem:v7+s3+$0x0], $0xffff;
	_ =	sdelay $0x1  }
0x2c3: {  	v5 =	vor.u32 $0x4D0, v0  }
0x2c4: {  	v6 =	vperm.xlane v1, v50;
	v5 =	vadd.s32 v5, v3;
	v7 =	vor.u32 $0x270, v11  }
0x2c5: {  	v7 =	vadd.s32 v7, v2  }
0x2c6: {  	v4 =	vmul.f32 v6, v4  }
0x2c7: {  	v6 =	vsel vm0, $0x0, v6  }
0x2c8: {  	v4 =	vsel vm1, v4, v6  }
0x2c9: {  	[tilespmem:v5+s0+$0x0] =	vst.idx.msk $0xffff, v4  }
0x2ca: {  	v4 =	vld.idx.msk [tilespmem:v7+s3+$0x0], $0xffff;
	_ =	sdelay $0x1  }
0x2cb: {  	v5 =	vor.u32 $0x4E0, v0  }
0x2cc: {  	v6 =	vperm.xlane v1, v53;
	v5 =	vadd.s32 v5, v3;
	v7 =	vor.u32 $0x278, v0  }
0x2cd: {  	v2 =	vadd.s32 v7, v2  }
0x2ce: {  	v4 =	vmul.f32 v6, v4  }
0x2cf: {  	v6 =	vsel vm0, $0x0, v6  }
0x2d0: {  	v4 =	vsel vm1, v4, v6  }
0x2d1: {  	[tilespmem:v5+s0+$0x0] =	vst.idx.msk $0xffff, v4  }
0x2d2: {  	v2 =	vld.idx.msk [tilespmem:v2+s3+$0x0], $0xffff;
	_ =	sdelay $0x1  }
0x2d3: {  	v4 =	vor.u32 $0x4F0, v0  }
0x2d4: {  	v1 =	vperm.xlane v1, v56;
	v3 =	vadd.s32 v4, v3  }
0x2d5: {  	s13 =	sand.u32 $0x3, s13;
	s15 =	smul.u32 $0x1400, s12  }
0x2d6: {  	p0 =	sne.s32 s14, $0x80;
	s13 =	smul.u32 $0x140, s13;
	v2 =	vmul.f32 v1, v2  }
.Ltmp3:
0x2d7: {  	v1 =	vsel vm0, $0x0, v1;
	(pc) =	sbr.rel @!p0 .LBB2_5-.Ltmp3, $4  }
0x2d8: {  	s15 =	sshrl.u32 s15, $0x2;
	s13 =	sshrl.u32 s13, $0x2;
	v1 =	vsel vm1, v2, v1  }
0x2d9: {  	s23 =	sadd.s32 $0x7, s12;
	s15 =	sadd.s32 $0x5180, s15;
	s13 =	sadd.s32 $0x4140, s13;
	[tilespmem:v3+s0+$0x0] =	vst.idx.msk $0xffff, v1  }
0x2da: {  	[spmem:s4] =	stream.indirect.scatter.add.f32 [tilespmem:s15], [sflag:s23], $0x10, s13, s29, $0xb8;
	[tilespmem:$0x5B80] =	vst v63  }
0x2db: {  	s13 =	smov.u32 s14  }
.LBB2_2:
0x2dc: {  	s12 =	sand.u32 $0x1, s13  }
0x2dd: {  	s14 =	sadd.s32 $0x5, s12  }
0x2de: {  	_ =	swait.ge [sflag:s14], $0xA0  }
0x2df: {  	[sflag:s14] =	ssyncset.done $0x0  }
0x2e0: {  	[sflag:s14] =	ssyncadd.s32 $0xFFFFFF60  }
0x2e1: {  	_ =	swait.ge [sflag:s14], $0xA0  }
0x2e2: {  	p0 =	slt.u32 s13, $0x2;
	[sflag:s14] =	ssyncset.done $0x0  }
0x2e3: {  	p1 =	seq.s32 @!p0 s13, $0x7F;
	[sflag:s14] =	ssyncadd.s32 $0xFFFFFF60  }
0x2e4: {  	p1 =	por p0, !p1;
	_ =	swait.ge [sflag:s14], $0x280  }
.Ltmp4:
0x2e5: {  	[sflag:s14] =	ssyncset.done $0x0;
	(pc) =	sbr.rel @!p1 .LBB2_4-.Ltmp4, $4  }
0x2e6: {  	[sflag:s14] =	ssyncadd.s32 $0xFFFFFD80;
	s14 =	sadd.s32 @!p0 $0x7, s12  }
0x2e7: {  	_ =	swait.ge @!p0 [sflag:s14], $0x500  }
0x2e8: {  	[sflag:s14] =	ssyncset.done @!p0 $0x0  }
0x2e9: {  	[sflag:s14] =	ssyncadd.s32 @!p0 $0xFFFFFB00;
	s14 =	simm.s32 @!p0 $0x80  }
0x2ea: {  	s14 =	sadd.s32 $0x1, s13  }
0x2eb: {  	s15 =	sand.u32 $0x3, s14  }
0x2ec: {  	s23 =	sadd.s32 $0x1, s15  }
0x2ed: {  	_ =	swait.ge [sflag:s23], $0x50  }
0x2ee: {  	s16 =	sxor.u32 $0x1, s12;
	[sflag:s23] =	ssyncset.done $0x0  }
0x2ef: {  	s17 =	smul.u32 $0x280, s16;
	[sflag:s23] =	ssyncadd.s32 $0xFFFFFFB0  }
0x2f0: {  	s15 =	smul.u32 $0x50, s15;
	_ =	swait.ge [sflag:s23], $0x50  }
0x2f1: {  	s16 =	sadd.s32 $0x5, s16;
	[sflag:s23] =	ssyncset.done $0x0  }
0x2f2: {  	s19 =	sadd.s32 $0x4280, s17;
	s18 =	sor.u32 $0x4000, s15;
	[sflag:s23] =	ssyncadd.s32 $0xFFFFFFB0  }
0x2f3: {  	[tilespmem:s19], [sflag:s16] =	stream.indirect.gather [spmem:s2], $0x2, s18, s29, $0xb8;
	[tilespmem:$0x5B80] =	vst v63  }
0x2f4: {  	p0 =	sgt.u32 s13, $0x7D;
	s15 =	sadd.s32 $0x4140, s15;
	s19 =	sadd.s32 $0x4780, s17  }
0x2f5: {  	[tilespmem:s19], [sflag:s16] =	stream.indirect.gather [spmem:s2], $0x2, s15, s29, $0xb8;
	[tilespmem:$0x5B80] =	vst v63  }
0x2f6: {  	s23 =	sadd.s32 $0x4C80, s17;
	s15 =	sadd.s32 @!p0 $0x2, s13  }
0x2f7: {  	[tilespmem:s23], [sflag:s16] =	stream.indirect.gather [spmem:s1], $0x8, s18, s29, $0xb8;
	[tilespmem:$0x5B80] =	vst v63  }
0x2f8: {  	s16 =	sand.u32 @!p0 $0x3, s15  }
0x2f9: {  	s15 =	sadd.s32 @!p0 s10, s15;
	s17 =	smul.u32 @!p0 $0x50, s16  }
0x2fa: {  	s15 =	smul.u32 @!p0 $0xA, s15  }
.Ltmp5:
0x2fb: {  	s19 =	simm.s32 @!p0 $0x0;
	(pc) =	sbr.rel .LBB2_4-.Ltmp5, $4  }
0x2fc: {  	s16 =	sadd.s32 @!p0 $0x1, s16;
	s18 =	sor.u32 @!p0 $0x4000, s17;
	s23 =	sadd.s32 @!p0 s6, s15  }
0x2fd: {  	[tilespmem:s18], [sflag:s16] =	stream.linear.gather @!p0 [hbm4b:s23+s19], $0x50, $0x38;
	[tilespmem:$0x5B80] =	vst v63  }
0x2fe: {  	s17 =	sadd.s32 @!p0 $0x4140, s17;
	s15 =	sadd.s32 @!p0 s7, s15  }
0x2ff: {  	[tilespmem:s17], [sflag:s16] =	stream.linear.gather @!p0 [hbm4b:s15+s19], $0x50, $0x38;
	[tilespmem:$0x5B80] =	vst v63  }
.LBB2_6:
0x300: {  	_ =	sfence.sel $0x180000  }
0x301: {  	[bflag:$0x0] =	sbarrier.arrive $0xFFFF  }
0x302: {  	_ =	strace $0x9000004A  }
0x303: {  	s0 =	stileid.u32;
	[bflag:$0x2] =	sbarrier.arrive $0xFFFF  }
0x304: {  	p0 =	sne.s32 s0, $0x0;
	s0 =	rddreg [dreg:$0x4]  }
0x305: {  	s0 =	sadd.s32 @!p0 $0x100000, s0  }
0x306: {  	[sflag:s0] =	ssyncadd.tile.s32 @!p0 $0x1;
	_ =	shalt  }
.Lfunc_end2:
_tile_overlayer_lowered:
.L_overlay_start_2:
0x307: {  	(tag) =	ssettag $0x2  }
0x308: {  	s0 =	rddreg [dreg:$0x0];
	s2 =	stileid.u32  }
0x309: {  	s1 =	rddreg [dreg:$0x1];
	p0 =	sne.s32 s2, $0x0  }
0x30a: {  	s3 =	rddreg [dreg:$0x2];
	[bflag:$0x3] =	sbarrier.arrive $0xFFFF;
	s2 =	simm.s32 @!p0 $0x1C09  }
0x30b: {  	[timem:s3], [sflag:s2] =	dma.local @!p0 [hbm:s0], s1  }
0x30c: {  	s0 =	simm.s32 @!p0 $0x9  }
0x30d: {  	_ =	swait.ge @!p0 [sflag:s0], s1  }
0x30e: {  	s1 =	ssub.s32 @!p0 $0x0, s1;
	[sflag:s0] =	ssyncset.done @!p0 $0x0  }
0x30f: {  	[sflag:s0] =	ssyncadd.s32 @!p0 s1  }
0x310: {  	[bflag:$0x3] =	sbarrier.arrive $0xFFFF  }
0x311: {  	_ =	shalt  }

// kernel: kernel.7.cloned.1.call-start
scs
__scs_entry_jumppad:
0x0: {  	(pc) =	sbr.rel $0x88, $3  }
0x1: {  	(tag) =	ssettag $0x0;
	lr =	simm.s32 $0x1  }
0x2: {  	[smem:$0x3F92] =	sst lr;
	_ =	strace $0xD0000000  }
0x3: {  	_ = 	snop  }
0x4: {  	_ = 	snop  }
0x5: {  	_ = 	snop  }
0x6: {  	_ = 	snop  }
0x7: {  	_ = 	snop  }
__scs_overlays_trampoline_lowered:
0x8: {  	[smem:$0x3FA1] =	sst s0  }
0x9: {  	[smem:$0x3FA2] =	sst s1  }
0xa: {  	[smem:$0x3FA3] =	sst s2  }
0xb: {  	[smem:$0x3FA4] =	sst s3  }
0xc: {  	[smem:$0x3FA5] =	sst s4  }
0xd: {  	[smem:$0x3FA6] =	sst s5  }
0xe: {  	[smem:$0x3FA7] =	sst s6  }
0xf: {  	[smem:$0x3FA8] =	sst s7  }
0x10: {  	[smem:$0x3FA9] =	sst s8  }
0x11: {  	[smem:$0x3FAA] =	sst s9;
	s0 =	simm.s32 @!p0 $0x0  }
0x12: {  	s1 =	sld [smem:$0x3F90];
	s0 =	simm.s32 @p0 $0x1  }
0x13: {  	[smem:$0x3FAB] =	sst s0;
	s0 =	simm.s32 @!p1 $0x0  }
0x14: {  	s2 =	sld [smem:$0x3F8F];
	s0 =	simm.s32 @p1 $0x1  }
0x15: {  	[smem:$0x3FAC] =	sst s0;
	s0 =	simm.s32 @!p2 $0x0  }
0x16: {  	s3 =	sld [smem:$0x3FDB];
	s0 =	simm.s32 @p2 $0x1  }
0x17: {  	s4 =	simm.s32 $0x1BF5;
	[smem:$0x3FAE] =	sst s0  }
0x18: {  	s0 =	sld [smem:$0x3F91];
	_ =	swait.ge [sflag:s4], $0x0  }
0x19: {  	s7 =	sld [smem:$0x3F92]  }
0x1a: {  	s8 =	sadd.s32 $0xFFFFE003, lr  }
0x1b: {  	s9 =	sadd.s32 $0xFFFFFEF7, lr;
	s5 =	simm.s32 $0xFFFFFFFF;
	p2 =	slt.u32 s8, $0xFFFFF086  }
0x1c: {  	p1 =	slt.u32 s9, $0xF7A;
	s5 =	simm.s32 @!p2 $0x0  }
0x1d: {  	s5 =	simm.s32 @p1 $0x1;
	p0 =	seq.s32 s7, s2  }
0x1e: {  	s7 =	smul.u32 @!p0 $0xF7A, s2;
	p2 =	seq.s32 @!p0 s5, $0x0  }
0x1f: {  	s9 =	smul.u32 $0xF7A, s1;
	s8 =	simm.s32 @!p0 $0x1BF5;
	p2 =	por !p2, p0  }
0x20: {  	[sflag:s8] =	ssyncset.s32 @!p0 $0xFFFFF086;
	s6 =	sadd.s32 @!p0 s3, s7;
	s7 =	simm.s32 @!p0 $0x108  }
0x21: {  	s3 =	sadd.s32 s3, s9;
	s6 =	sadd.s32 @!p0 $0x88, s6;
	s7 =	simm.s32 @p2 $0x1082  }
0x22: {  	[simem:s7], [sflag:s8] =	dma.local @!p0 [hbm:s6], $0xF7A  }
0x23: {  	s9 =	sor.u32 $0xD0000000, s2;
	s6 =	simm.s32 $0x108;
	_ =	swait.ge @!p0 [sflag:s8], $0x0  }
0x24: {  	s3 =	sadd.s32 $0x88, s3;
	s6 =	simm.s32 @!p1 $0x1082;
	[sflag:s4] =	ssyncset.s32 $0xFFFFF086  }
0x25: {  	[simem:s6], [sflag:s4] =	dma.local [hbm:s3], $0xF7A  }
0x26: {  	[smem:$0x3F92] =	sst s1;
	(tag) =	ssettag s2;
	_ =	strace s9  }
0x27: {  	s1 =	sld [smem:$0x3FA2]  }
0x28: {  	s2 =	sld [smem:$0x3FA3]  }
0x29: {  	s4 =	sld [smem:$0x3FA5]  }
0x2a: {  	p0 =	seq.s32 s5, $0x0;
	s5 =	sld [smem:$0x3FA6]  }
0x2b: {  	s6 =	sld [smem:$0x3FA7]  }
0x2c: {  	s7 =	sld [smem:$0x3FA8]  }
0x2d: {  	s3 =	simm.s32 $0x108;
	s8 =	sld [smem:$0x3FA9]  }
0x2e: {  	s3 =	simm.s32 @!p0 $0x1082;
	s9 =	sld [smem:$0x3FAA]  }
0x2f: {  	lr =	sadd.s32 s0, s3;
	s0 =	sld [smem:$0x3FA1]  }
0x30: {  	s3 =	sld [smem:$0x3FA4]  }
0x31: {  	[smem:$0x3FAD] =	sst s10  }
0x32: {  	s10 =	sld [smem:$0x3FAB];
	_ =	sdelay $0x3  }
0x33: {  	p0 =	seq.s32 s10, $0x1;
	s10 =	sld [smem:$0x3FAD];
	_ =	sdelay $0x3  }
0x34: {  	[smem:$0x3FAD] =	sst s10  }
0x35: {  	s10 =	sld [smem:$0x3FAC];
	_ =	sdelay $0x3  }
0x36: {  	p1 =	seq.s32 s10, $0x1;
	s10 =	sld [smem:$0x3FAD];
	_ =	sdelay $0x3  }
0x37: {  	[smem:$0x3FAD] =	sst s10  }
0x38: {  	s10 =	sld [smem:$0x3FAE]  }
0x39: {  	_ = 	snop;
	(pc) =	sbr.ind lr, $3  }
0x3a: {  	_ = 	snop  }
0x3b: {  	_ = 	snop  }
0x3c: {  	p2 =	seq.s32 s10, $0x1;
	s10 =	sld [smem:$0x3FAD]  }
0x3d: {  	_ =	shalt  }
0x3e: {  	_ =	shalt  }
0x3f: {  	_ =	shalt  }
0x40: {  	_ =	shalt  }
0x41: {  	_ =	shalt  }
0x42: {  	_ =	shalt  }
0x43: {  	_ =	shalt  }
0x44: {  	_ =	shalt  }
0x45: {  	_ =	shalt  }
0x46: {  	_ =	shalt  }
0x47: {  	_ =	shalt  }
0x48: {  	_ =	shalt  }
0x49: {  	_ =	shalt  }
0x4a: {  	_ =	shalt  }
0x4b: {  	_ =	shalt  }
0x4c: {  	_ =	shalt  }
0x4d: {  	_ =	shalt  }
0x4e: {  	_ =	shalt  }
0x4f: {  	_ =	shalt  }
0x50: {  	_ =	shalt  }
0x51: {  	_ =	shalt  }
0x52: {  	_ =	shalt  }
0x53: {  	_ =	shalt  }
0x54: {  	_ =	shalt  }
0x55: {  	_ =	shalt  }
0x56: {  	_ =	shalt  }
0x57: {  	_ =	shalt  }
0x58: {  	_ =	shalt  }
0x59: {  	_ =	shalt  }
0x5a: {  	_ =	shalt  }
0x5b: {  	_ =	shalt  }
0x5c: {  	_ =	shalt  }
0x5d: {  	_ =	shalt  }
0x5e: {  	_ =	shalt  }
0x5f: {  	_ =	shalt  }
0x60: {  	_ =	shalt  }
0x61: {  	_ =	shalt  }
0x62: {  	_ =	shalt  }
0x63: {  	_ =	shalt  }
0x64: {  	_ =	shalt  }
0x65: {  	_ =	shalt  }
0x66: {  	_ =	shalt  }
0x67: {  	_ =	shalt  }
0x68: {  	_ =	shalt  }
0x69: {  	_ =	shalt  }
0x6a: {  	_ =	shalt  }
0x6b: {  	_ =	shalt  }
0x6c: {  	_ =	shalt  }
0x6d: {  	_ =	shalt  }
0x6e: {  	_ =	shalt  }
0x6f: {  	_ =	shalt  }
0x70: {  	_ =	shalt  }
0x71: {  	_ =	shalt  }
0x72: {  	_ =	shalt  }
0x73: {  	_ =	shalt  }
0x74: {  	_ =	shalt  }
0x75: {  	_ =	shalt  }
0x76: {  	_ =	shalt  }
0x77: {  	_ =	shalt  }
0x78: {  	_ =	shalt  }
0x79: {  	_ =	shalt  }
0x7a: {  	_ =	shalt  }
0x7b: {  	_ =	shalt  }
0x7c: {  	_ =	shalt  }
0x7d: {  	_ =	shalt  }
0x7e: {  	_ =	shalt  }
0x7f: {  	_ =	shalt  }
0x80: {  	_ =	shalt  }
0x81: {  	_ =	shalt  }
0x82: {  	_ =	shalt  }
0x83: {  	_ =	shalt  }
0x84: {  	_ =	shalt  }
0x85: {  	_ =	shalt  }
0x86: {  	_ =	shalt  }
0x87: {  	_ =	shalt  }
.Lfunc_end0:
.L_simem_size_0:
called_computation_lowered:
.L_overlay_start_0:
0x88: {  	s2 =	sld [smem:$0x3FD9]  }
0x89: {  	s3 =	sld [smem:$0x3FFE];
	_ =	sdelay $0x1  }
0x8a: {  	s1 =	srdreg.scid  }
0x8b: {  	s0 =	sand.u32 $0x1, s1  }
0x8c: {  	s16 =	sshll.u32 s0, $0xA;
	s2 =	sadd.s32 s3, s2  }
0x8d: {  	s2 =	sadd.s32 s2, s16  }
0x8e: {  	[smem:$0x3FB9] =	sst s2  }
0x8f: {  	_ = 	snop  }
0x90: {  	(tm) =	ssettm $0x1  }
0x91: {  	s17 =	sld [smem:$0x3FFB];
	_ =	sdelay $0x3  }
0x92: {  	_ =	strace s17  }
0x93: {  	s2 =	sld [smem:$0x3FFC];
	_ =	sdelay $0x3  }
0x94: {  	_ =	strace s2  }
0x95: {  	s2 =	sld [smem:$0x3FFD];
	_ =	sdelay $0x3  }
0x96: {  	_ =	strace s2  }
0x97: {  	_ =	strace $0x8FFFFFFF  }
0x98: {  	s18 =	sld [smem:$0x3FDB];
	_ =	sdelay $0x1  }
0x99: {  	s19 =	simm.s32 $_scs_section_size  }
0x9a: {  	s4 =	simm.s32 $_size__tile_overlayer_lowered;
	s5 =	simm.s32 $_tile_overlayer_lowered  }
0x9b: {  	s22 =	simm.s32 $0x1BFF;
	s21 =	sshll.u32 s5, $0x1;
	s2 =	sadd.s32 s19, s18  }
0x9c: {  	s6 =	simm.s32 $0x0;
	s20 =	sshll.u32 s4, $0x1;
	s4 =	sadd.s32 s21, s2  }
0x9d: {  	[timem:s6], [sflag:s22] =	dma.local [hbm:s4], s20  }
0x9e: {  	_ =	swait.ge [sflag:s22], s20  }
0x9f: {  	s3 =	ssub.s32 $0x0, s20;
	[sflag:s22] =	ssyncset.done $0x0  }
0xa0: {  	[sflag:s22] =	ssyncadd.s32 s3;
	_ =	sdelay $0x1  }
0xa1: {  	s23 =	simm.s32 $0x1B8B  }
0xa2: {  	_ =	swait.ge [sflag:s23], $0x1  }
0xa3: {  	[sflag:s23] =	ssyncset.done $0x0  }
0xa4: {  	s25 =	simm.s32 $0x1B8E;
	s24 =	sld [smem:$0x3FFE];
	[sflag:s23] =	ssyncadd.s32 $0xFFFFFFFF  }
0xa5: {  	s26 =	simm.s32 $execute0_lowered;
	[smem:$0x3FD2] =	sst s25  }
0xa6: {  	s4 =	sshll.u32 s26, $0x1;
	_ =	strace $0x80000046;
	[dreg:$0x1] =	wrdreg $0xFFFFFFFF  }
0xa7: {  	s28 =	simm.s32 $_size_execute0_lowered;
	s2 =	sadd.s32 s2, s4;
	[dreg:$0x0] =	wrdreg $0x0  }
0xa8: {  	s4 =	sshll.u32 s28, $0x1;
	[dreg:$0x2] =	wrdreg s2  }
0xa9: {  	[dreg:$0x3] =	wrdreg s4  }
0xaa: {  	[dreg:$0x4] =	wrdreg $0xC0  }
0xab: {  	_ =	task [dreg:s6], $0x5FFFF  }
0xac: {  	[dreg:$0x1] =	wrdreg $0xFFFFFFFF  }
0xad: {  	[dreg:$0x0] =	wrdreg $0x60  }
0xae: {  	[dreg:$0x2] =	wrdreg s24  }
0xaf: {  	[dreg:$0x3] =	wrdreg $0x0  }
0xb0: {  	[dreg:$0x4] =	wrdreg $0x9C400  }
0xb1: {  	[dreg:$0x5] =	wrdreg $0xAFC80  }
0xb2: {  	[dreg:$0x6] =	wrdreg $0xC3500  }
0xb3: {  	[dreg:$0x7] =	wrdreg $0x9  }
0xb4: {  	_ =	task.clear_ibuf [dreg:s6], $0x8FFFF;
	_ =	strace $0x90000046  }
0xb5: {  	s29 =	simm.s32 $0x9;
	_ =	strace $0x80000048  }
0xb6: {  	_ =	swait.ge [sflag:s29], $0x1  }
0xb7: {  	[sflag:s29] =	ssyncadd.s32 $0xFFFFFFFF  }
0xb8: {  	_ =	strace $0x90000048  }
0xb9: {  	_ =	sfence  }
0xba: {  	s30 =	sld [smem:$0x0];
	_ =	sdelay $0x2  }
0xbb: {  	s31 =	sshll.u32 s1, $0xD;
	s1 =	sshrl.u32 s1, $0x2  }
0xbc: {  	s3 =	sand.u32 $0x4000, s31;
	s1 =	sadd.s32 s1, s30  }
0xbd: {  	s0 =	sor.u32 s3, s0;
	s1 =	sshll.u32 s1, $0x11  }
0xbe: {  	s0 =	sor.u32 s1, s0  }
0xbf: {  	s0 =	sadd.s32 $0x8F2B, s0  }
0xc0: {  	[sflag:s0] =	ssyncadd.remote.s32 $0x1  }
0xc1: {  	_ =	sfence.sel $0xFFFF  }
0xc2: {  	[dreg:$0x0] =	wrdreg $0xFFFFFFFF;
	(pc) =	sbr.abs _section_cstart, $3  }
0xc3: {  	[dreg:$0x1] =	wrdreg $0xFFFFFFFF  }
0xc4: {  	_ =	task.clear_ibuf [dreg:s6], $0x2FFFF;
	_ =	strace $0x9FFFFFFF  }
0xc5: {  	(tm) =	ssettm $0x7FFFFFFF  }
tec
execute0_lowered:
.L_overlay_start_1:
0x0: {  	(tag) =	ssettag $0x1  }
0x1: {  	s0 =	rddreg [dreg:$0x0]  }
0x2: {  	s2 =	rddreg [dreg:$0x1]  }
0x3: {  	s3 =	rddreg [dreg:$0x2]  }
0x4: {  	s4 =	rddreg [dreg:$0x3]  }
0x5: {  	s19 =	stileid.u32;
	s5 =	rddreg [dreg:$0x4]  }
0x6: {  	s6 =	simm.s32 $0x0;
	s8 =	srdreg.scid;
	s31 =	simm.s32 $0x1  }
0x7: {  	s29 =	simm.s32 $0x17CD8;
	s30 =	simm.s32 $0x181D8;
	s1 =	smul.u32 $0x278, s19  }
0x8: {  	s7 =	smul.u32 $0x280, s19;
	[smem:$0x7FF] =	sst s6;
	s11 =	sand.u32 $0x1, s8  }
0x9: {  	s8 =	sadd.s32 $0x68A00, s0;
	s24 =	sshll.u32 s19, $0x7;
	s25 =	sshll.u32 s19, $0x6  }
0xa: {  	_ =	strace $0x80000047;
	s15 =	smul.u32 $0x16410, s11;
	s16 =	ssub.s32 $0x2, s11  }
0xb: {  	s11 =	sshll.u32 s11, $0xB;
	s1 =	smin.u32 s1, $0x2498;
	s7 =	smin.u32 s7, $0x2510  }
0xc: {  	s18 =	sshrl.u32 s16, $0x1;
	s9 =	sshll.u32 s1, $0x3;
	s12 =	smul.u32 $0x48, s7  }
0xd: {  	s13 =	sadd.s32 s1, s0;
	s7 =	sadd.s32 $0x72A00, s0;
	s1 =	sshll.u32 s1, $0x6  }
0xe: {  	s10 =	sadd.s32 s9, s0;
	s1 =	sadd.s32 s1, s2;
	s28 =	sadd.s32 $0x66200, s13  }
0xf: {  	s13 =	sadd.s32 $0x63A00, s13;
	s14 =	sshrl.u32 s12, $0x3;
	[dreg:$0x7] =	wrdreg s28  }
0x10: {  	s10 =	sadd.s32 $0x50000, s10;
	[dreg:$0x8] =	wrdreg s13;
	s12 =	sadd.s32 s12, s5  }
0x11: {  	s1 =	sshrl.u32 s1, $0x3;
	s17 =	sadd.s32 s14, s0;
	s0 =	sadd.s32 s15, s0  }
0x12: {  	s15 =	ssub.s32 s16, s18;
	[dreg:$0x6] =	wrdreg s10;
	s10 =	sor.u32 s24, s11  }
0x13: {  	s11 =	sor.u32 $0x1C09, s25;
	s16 =	sadd.s32 s9, s3;
	[dreg:$0x9] =	wrdreg s12  }
0x14: {  	s9 =	sadd.s32 s9, s4;
	[dreg:$0x10] =	wrdreg s1;
	s20 =	sadd.s32 $0x7CA00, s17  }
0x15: {  	s26 =	smul.u32 $0xA, s10;
	s25 =	smax.u32 s15, $0x1;
	[dreg:$0xa] =	wrdreg s20  }
0x16: {  	s0 =	sadd.s32 $0x93000, s0;
	s28 =	sshrl.u32 s9, $0x3;
	[dreg:$0xf] =	wrdreg s25  }
0x17: {  	s13 =	simm.s32 $0x8;
	s0 =	sadd.s32 s14, s0;
	[dreg:$0x13] =	wrdreg s28  }
0x18: {  	v0 =	vlaneseq.u32;
	s1 =	simm.s32 $0x50;
	s22 =	sadd.s32 s7, s26;
	[dreg:$0x11] =	wrdreg s0  }
0x19: {  	v1 =	vand.u32 $0x7, v0;
	s9 =	simm.s32 $0x1A9D8;
	s23 =	sadd.s32 s8, s26;
	[dreg:$0xb] =	wrdreg s22  }
0x1a: {  	v3 =	vshrl.u32 v0, $0x3;
	v4 =	vor.u32 $0x10, v0;
	v6 =	vor.u32 $0x20, v0;
	s21 =	sor.u32 $0xA, s26;
	s26 =	sshrl.u32 s16, $0x3;
	[dreg:$0xc] =	wrdreg s23  }
0x1b: {  	v8 =	vor.u32 $0x30, v0;
	v2 =	vor.u32 $0x40, v1;
	v5 =	vor.u32 $0x2, v3;
	s14 =	simm.s32 $0x0;
	s24 =	sadd.s32 s7, s21;
	[dreg:$0x12] =	wrdreg s26  }
0x1c: {  	v7 =	vor.u32 $0x4, v3;
	v9 =	vor.u32 $0x6, v3;
	v10 =	vor.u32 $0x8, v3;
	s0 =	simm.s32 $0x177D8;
	s12 =	sadd.s32 s8, s21;
	[dreg:$0xd] =	wrdreg s24  }
0x1d: {  	v11 =	vor.u32 $0xA, v3;
	v12 =	vor.u32 $0xC, v3;
	v13 =	vor.u32 $0xE, v3;
	s23 =	simm.s32 $0x9;
	[dreg:$0xe] =	wrdreg s12;
	s12 =	simm.s32 $0x7  }
.LBB2_1:
0x1e: {  	s15 =	rddreg [dreg:$0x6]  }
0x1f: {  	s16 =	rddreg [dreg:$0x10]  }
0x20: {  	[spmem:s16], [sflag:s11] =	dma.local [hbm:s15], $0x13C0  }
0x21: {  	_ =	swait.ge [sflag:s23], $0x13C0  }
0x22: {  	[sflag:s23] =	ssyncset.done $0x0;
	s16 =	rddreg [dreg:$0x7]  }
0x23: {  	s17 =	rddreg [dreg:$0x12];
	[sflag:s23] =	ssyncadd.s32 $0xFFFFEC40  }
0x24: {  	[spmem:s17], [sflag:s11] =	dma.local [hbm:s16], $0x278  }
0x25: {  	_ =	swait.ge [sflag:s23], $0x278  }
0x26: {  	[sflag:s23] =	ssyncset.done $0x0;
	s18 =	rddreg [dreg:$0x8]  }
0x27: {  	s19 =	rddreg [dreg:$0x13];
	[sflag:s23] =	ssyncadd.s32 $0xFFFFFD88  }
0x28: {  	[spmem:s19], [sflag:s11] =	dma.local [hbm:s18], $0x278  }
0x29: {  	_ =	swait.ge [sflag:s23], $0x278  }
0x2a: {  	[sflag:s23] =	ssyncset.done $0x0;
	s20 =	rddreg [dreg:$0x9]  }
0x2b: {  	s21 =	rddreg [dreg:$0xa];
	[sflag:s23] =	ssyncadd.s32 $0xFFFFFD88;
	s15 =	sshrl.u32 s20, $0x3  }
0x2c: {  	[spmem:s15], [sflag:s11] =	dma.local [hbm:s21], $0x1680  }
0x2d: {  	_ =	swait.ge [sflag:s23], $0x1680  }
0x2e: {  	[sflag:s23] =	ssyncset.done $0x0  }
0x2f: {  	[sflag:s23] =	ssyncadd.s32 $0xFFFFE980  }
0x30: {  	[bflag:$0x0] =	sbarrier.arrive $0xFFFF  }
0x31: {  	s17 =	simm.s32 $0x17558;
	s22 =	rddreg [dreg:$0xb]  }
0x32: {  	[tilespmem:s17], [sflag:$0x1] =	stream.linear.gather [hbm4b:s22+s6], $0x50, $0x38;
	[tilespmem:$0x1D6D8] =	vst v63  }
0x33: {  	s18 =	simm.s32 $0x17698;
	s24 =	rddreg [dreg:$0xc]  }
0x34: {  	[tilespmem:s18], [sflag:$0x1] =	stream.linear.gather [hbm4b:s24+s6], $0x50, $0x38;
	[tilespmem:$0x1D6D8] =	vst v63  }
0x35: {  	s19 =	simm.s32 $0x175A8;
	s25 =	rddreg [dreg:$0xd]  }
0x36: {  	[tilespmem:s19], [sflag:$0x2] =	stream.linear.gather [hbm4b:s25+s6], $0x50, $0x38;
	[tilespmem:$0x1D6D8] =	vst v63  }
0x37: {  	s28 =	simm.s32 $0x176E8;
	s26 =	rddreg [dreg:$0xe]  }
0x38: {  	[tilespmem:s28], [sflag:$0x2] =	stream.linear.gather [hbm4b:s26+s6], $0x50, $0x38;
	[tilespmem:$0x1D6D8] =	vst v63  }
0x39: {  	_ =	swait.ge [sflag:s31], $0x50  }
0x3a: {  	[sflag:s31] =	ssyncset.done $0x0  }
0x3b: {  	[sflag:s31] =	ssyncadd.s32 $0xFFFFFFB0  }
0x3c: {  	_ =	swait.ge [sflag:s31], $0x50  }
0x3d: {  	[sflag:s31] =	ssyncset.done $0x0  }
0x3e: {  	[sflag:s31] =	ssyncadd.s32 $0xFFFFFFB0  }
0x3f: {  	[tilespmem:s0], [sflag:$0x5] =	stream.indirect.gather [spmem:s3], $0x8, s17, s1, $0xb8;
	[tilespmem:$0x1D6D8] =	vst v63  }
0x40: {  	_ = 	snop  }
0x41: {  	[tilespmem:s29], [sflag:$0x5] =	stream.indirect.gather [spmem:s4], $0x8, s18, s1, $0xb8;
	[tilespmem:$0x1D6D8] =	vst v63  }
0x42: {  	s16 =	simm.s32 $0x0  }
0x43: {  	[tilespmem:s30], [sflag:$0x5] =	stream.indirect.gather [spmem:s2], $0x40, s17, s1, $0xb8;
	[tilespmem:$0x1D6D8] =	vst v63  }
.LBB2_2:
0x44: {  	s17 =	sand.u32 $0x1, s16  }
0x45: {  	s18 =	sadd.s32 $0x5, s17  }
0x46: {  	_ =	swait.ge [sflag:s18], $0x280  }
0x47: {  	[sflag:s18] =	ssyncset.done $0x0  }
0x48: {  	[sflag:s18] =	ssyncadd.s32 $0xFFFFFD80  }
0x49: {  	_ =	swait.ge [sflag:s18], $0x280  }
0x4a: {  	p0 =	slt.u32 s16, $0x2;
	[sflag:s18] =	ssyncset.done $0x0  }
0x4b: {  	p1 =	seq.s32 @!p0 s16, $0x7F;
	[sflag:s18] =	ssyncadd.s32 $0xFFFFFD80  }
0x4c: {  	p1 =	por p0, !p1;
	_ =	swait.ge [sflag:s18], $0x1400  }
.Ltmp0:
0x4d: {  	[sflag:s18] =	ssyncset.done $0x0;
	(pc) =	sbr.rel @!p1 .LBB2_4-.Ltmp0, $4  }
0x4e: {  	[sflag:s18] =	ssyncadd.s32 $0xFFFFEC00;
	s18 =	sadd.s32 @!p0 $0x7, s17  }
0x4f: {  	_ =	swait.ge @!p0 [sflag:s18], $0x1680  }
0x50: {  	[sflag:s18] =	ssyncset.done @!p0 $0x0  }
0x51: {  	[sflag:s18] =	ssyncadd.s32 @!p0 $0xFFFFE980  }
0x52: {  	s18 =	sadd.s32 $0x1, s16  }
0x53: {  	s18 =	sand.u32 $0x3, s18  }
0x54: {  	s19 =	sadd.s32 $0x1, s18  }
0x55: {  	_ =	swait.ge [sflag:s19], $0x50  }
0x56: {  	s20 =	sxor.u32 $0x1, s17;
	[sflag:s19] =	ssyncset.done $0x0  }
0x57: {  	s21 =	smul.u32 $0x280, s20;
	[sflag:s19] =	ssyncadd.s32 $0xFFFFFFB0  }
0x58: {  	s18 =	smul.u32 $0x50, s18;
	_ =	swait.ge [sflag:s19], $0x50  }
0x59: {  	s24 =	sadd.s32 $0x5, s20;
	s20 =	smul.u32 $0x5000, s20;
	[sflag:s19] =	ssyncset.done $0x0  }
0x5a: {  	s25 =	sadd.s32 $0x177D8, s21;
	s22 =	sadd.s32 $0x17558, s18;
	[sflag:s19] =	ssyncadd.s32 $0xFFFFFFB0  }
0x5b: {  	[tilespmem:s25], [sflag:s24] =	stream.indirect.gather [spmem:s3], $0x8, s22, s1, $0xb8;
	[tilespmem:$0x1D6D8] =	vst v63  }
0x5c: {  	s26 =	sadd.s32 $0x17CD8, s21;
	s28 =	sshrl.u32 s20, $0x2;
	s18 =	sadd.s32 $0x17698, s18  }
0x5d: {  	[tilespmem:s26], [sflag:s24] =	stream.indirect.gather [spmem:s4], $0x8, s18, s1, $0xb8;
	[tilespmem:$0x1D6D8] =	vst v63  }
0x5e: {  	p0 =	sgt.u32 s16, $0x7D;
	s18 =	sor.u32 $0x181D8, s28  }
0x5f: {  	[tilespmem:s18], [sflag:s24] =	stream.indirect.gather [spmem:s2], $0x40, s22, s1, $0xb8;
	[tilespmem:$0x1D6D8] =	vst v63  }
0x60: {  	s18 =	sadd.s32 @!p0 $0x2, s16  }
0x61: {  	s19 =	sand.u32 @!p0 $0x3, s18  }
0x62: {  	s18 =	sadd.s32 @!p0 s10, s18;
	s20 =	smul.u32 @!p0 $0x50, s19  }
0x63: {  	s18 =	smul.u32 @!p0 $0xA, s18  }
0x64: {  	s24 =	simm.s32 @!p0 $0x0  }
0x65: {  	s19 =	sadd.s32 @!p0 $0x1, s19;
	s21 =	sadd.s32 @!p0 $0x17558, s20;
	s22 =	sadd.s32 @!p0 s7, s18  }
0x66: {  	[tilespmem:s21], [sflag:s19] =	stream.linear.gather @!p0 [hbm4b:s22+s24], $0x50, $0x38;
	[tilespmem:$0x1D6D8] =	vst v63  }
0x67: {  	s20 =	sadd.s32 @!p0 $0x17698, s20;
	s18 =	sadd.s32 @!p0 s8, s18  }
0x68: {  	[tilespmem:s20], [sflag:s19] =	stream.linear.gather @!p0 [hbm4b:s18+s24], $0x50, $0x38;
	[tilespmem:$0x1D6D8] =	vst v63  }
.LBB2_4:
0x69: {  	v17 =	vmov s17  }
0x6a: {  	v15 =	vmul.u32 $0x280, v17;
	v14 =	vmul.u32 $0x1680, v17;
	_ =	sdelay $0x1  }
0x6b: {  	s18 =	sand.u32 $0x3, s16;
	s19 =	simm.s32 $0xE;
	v17 =	vmul.u32 $0x1400, v17;
	v15 =	vor.u32 v1, v15;
	v16 =	vor.u32 v2, v14  }
.LBB2_5:
0x6c: {  	s26 =	sadd.s32 $0xFFFFFFF2, s19  }
0x6d: {  	v18 =	vor.u32 s26, v3  }
0x6e: {  	v19 =	vshll.u32 v18, $0x3  }
0x6f: {  	v19 =	vadd.s32 v15, v19;
	_ =	sdelay $0x4  }
0x70: {  	v20 =	vld.idx.msk [tilespmem:v19+s0+$0x0], $0xffff  }
0x71: {  	v19 =	vld.idx.msk [tilespmem:v19+s29+$0x0], $0xffff;
	_ =	sdelay $0x4  }
0x72: {  	v19 =	vadd.f32 v19, v20;
	_ =	sdelay $0x1  }
0x73: {  	v20 =	vmul.f32 $2.000000030e-01, v19;
	_ =	sdelay $0x1  }
0x74: {  	v19 =	vmax.f32 v19, v20  }
0x75: {  	v19 =	vmul.f32 $1.442695020e+00, v19;
	_ =	sdelay $0x1  }
0x76: {  	(erf) = vpow2.f32 v19;
	_ =	sdelay $0x2  }
0x77: {  	s25 =	sadd.s32 $0xFFFFFFF4, s19;
	v18 =	vmul.u32 $0x48, v18  }
0x78: {  	v19 =	vor.u32 s25, v3  }
0x79: {  	v18 =	vadd.s32 v18, v16;
	v49 =	vshll.u32 v19, $0x3  }
0x7a: {  	v20 =	vadd.s32 v15, v49;
	_ =	sdelay $0x2  }
0x7b: {  	v25 =	vpop (erf)  }
0x7c: {  	[tilespmem:v18+s9+$0x0] =	vst.idx.msk $0xffff, v25  }
0x7d: {  	v18 =	vld.idx.msk [tilespmem:v20+s0+$0x0], $0xffff  }
0x7e: {  	v20 =	vld.idx.msk [tilespmem:v20+s29+$0x0], $0xffff;
	_ =	sdelay $0x4  }
0x7f: {  	v18 =	vadd.f32 v20, v18;
	_ =	sdelay $0x1  }
0x80: {  	v20 =	vmul.f32 $2.000000030e-01, v18;
	_ =	sdelay $0x1  }
0x81: {  	v18 =	vmax.f32 v18, v20  }
0x82: {  	v18 =	vmul.f32 $1.442695020e+00, v18;
	_ =	sdelay $0x1  }
0x83: {  	(erf) = vpow2.f32 v18;
	_ =	sdelay $0x2  }
0x84: {  	s24 =	sadd.s32 $0xFFFFFFF6, s19;
	v18 =	vmul.u32 $0x48, v19  }
0x85: {  	v19 =	vor.u32 s24, v3  }
0x86: {  	v50 =	vshll.u32 v19, $0x3;
	v18 =	vadd.s32 v18, v16  }
0x87: {  	v20 =	vadd.s32 v15, v50;
	_ =	sdelay $0x2  }
0x88: {  	v24 =	vpop (erf)  }
0x89: {  	[tilespmem:v18+s9+$0x0] =	vst.idx.msk $0xffff, v24  }
0x8a: {  	v18 =	vld.idx.msk [tilespmem:v20+s0+$0x0], $0xffff  }
0x8b: {  	v20 =	vld.idx.msk [tilespmem:v20+s29+$0x0], $0xffff;
	_ =	sdelay $0x4  }
0x8c: {  	v18 =	vadd.f32 v20, v18;
	_ =	sdelay $0x1  }
0x8d: {  	v20 =	vmul.f32 $2.000000030e-01, v18;
	_ =	sdelay $0x1  }
0x8e: {  	v18 =	vmax.f32 v18, v20  }
0x8f: {  	v18 =	vmul.f32 $1.442695020e+00, v18;
	_ =	sdelay $0x1  }
0x90: {  	(erf) = vpow2.f32 v18;
	_ =	sdelay $0x2  }
0x91: {  	s22 =	sadd.s32 $0xFFFFFFF8, s19;
	v18 =	vmul.u32 $0x48, v19  }
0x92: {  	v19 =	vor.u32 s22, v3  }
0x93: {  	v51 =	vshll.u32 v19, $0x3;
	v18 =	vadd.s32 v18, v16  }
0x94: {  	v20 =	vadd.s32 v15, v51;
	_ =	sdelay $0x2  }
0x95: {  	v23 =	vpop (erf)  }
0x96: {  	[tilespmem:v18+s9+$0x0] =	vst.idx.msk $0xffff, v23  }
0x97: {  	v18 =	vld.idx.msk [tilespmem:v20+s0+$0x0], $0xffff  }
0x98: {  	v20 =	vld.idx.msk [tilespmem:v20+s29+$0x0], $0xffff;
	_ =	sdelay $0x4  }
0x99: {  	v18 =	vadd.f32 v20, v18;
	_ =	sdelay $0x1  }
0x9a: {  	v20 =	vmul.f32 $2.000000030e-01, v18;
	_ =	sdelay $0x1  }
0x9b: {  	v18 =	vmax.f32 v18, v20  }
0x9c: {  	v18 =	vmul.f32 $1.442695020e+00, v18;
	_ =	sdelay $0x1  }
0x9d: {  	(erf) = vpow2.f32 v18;
	_ =	sdelay $0x2  }
0x9e: {  	s21 =	sadd.s32 $0xFFFFFFFA, s19;
	v18 =	vmul.u32 $0x48, v19  }
0x9f: {  	v19 =	vor.u32 s21, v3  }
0xa0: {  	v52 =	vshll.u32 v19, $0x3;
	v18 =	vadd.s32 v18, v16  }
0xa1: {  	v20 =	vadd.s32 v15, v52;
	_ =	sdelay $0x2  }
0xa2: {  	v22 =	vpop (erf)  }
0xa3: {  	[tilespmem:v18+s9+$0x0] =	vst.idx.msk $0xffff, v22  }
0xa4: {  	v18 =	vld.idx.msk [tilespmem:v20+s0+$0x0], $0xffff  }
0xa5: {  	v20 =	vld.idx.msk [tilespmem:v20+s29+$0x0], $0xffff;
	_ =	sdelay $0x4  }
0xa6: {  	v18 =	vadd.f32 v20, v18;
	_ =	sdelay $0x1  }
0xa7: {  	v20 =	vmul.f32 $2.000000030e-01, v18;
	_ =	sdelay $0x1  }
0xa8: {  	v18 =	vmax.f32 v18, v20  }
0xa9: {  	v18 =	vmul.f32 $1.442695020e+00, v18;
	_ =	sdelay $0x1  }
0xaa: {  	(erf) = vpow2.f32 v18;
	_ =	sdelay $0x2  }
0xab: {  	s28 =	sadd.s32 $0xFFFFFFFC, s19;
	v18 =	vmul.u32 $0x48, v19  }
0xac: {  	v19 =	vor.u32 s28, v3  }
0xad: {  	v53 =	vshll.u32 v19, $0x3;
	v18 =	vadd.s32 v18, v16  }
0xae: {  	v20 =	vadd.s32 v15, v53;
	_ =	sdelay $0x2  }
0xaf: {  	v21 =	vpop (erf)  }
0xb0: {  	[tilespmem:v18+s9+$0x0] =	vst.idx.msk $0xffff, v21  }
0xb1: {  	v18 =	vld.idx.msk [tilespmem:v20+s0+$0x0], $0xffff  }
0xb2: {  	v20 =	vld.idx.msk [tilespmem:v20+s29+$0x0], $0xffff;
	_ =	sdelay $0x4  }
0xb3: {  	v18 =	vadd.f32 v20, v18;
	_ =	sdelay $0x1  }
0xb4: {  	v20 =	vmul.f32 $2.000000030e-01, v18;
	_ =	sdelay $0x1  }
0xb5: {  	v18 =	vmax.f32 v18, v20  }
0xb6: {  	v18 =	vmul.f32 $1.442695020e+00, v18;
	_ =	sdelay $0x1  }
0xb7: {  	(erf) = vpow2.f32 v18;
	_ =	sdelay $0x2  }
0xb8: {  	s20 =	sadd.s32 $0xFFFFFFFE, s19;
	v18 =	vmul.u32 $0x48, v19  }
0xb9: {  	v19 =	vor.u32 s20, v3  }
0xba: {  	v54 =	vshll.u32 v19, $0x3;
	v18 =	vadd.s32 v18, v16  }
0xbb: {  	v26 =	vadd.s32 v15, v54;
	_ =	sdelay $0x2  }
0xbc: {  	v20 =	vpop (erf)  }
0xbd: {  	[tilespmem:v18+s9+$0x0] =	vst.idx.msk $0xffff, v20  }
0xbe: {  	v18 =	vld.idx.msk [tilespmem:v26+s0+$0x0], $0xffff  }
0xbf: {  	v26 =	vld.idx.msk [tilespmem:v26+s29+$0x0], $0xffff;
	_ =	sdelay $0x4  }
0xc0: {  	v18 =	vadd.f32 v26, v18;
	_ =	sdelay $0x1  }
0xc1: {  	v26 =	vmul.f32 $2.000000030e-01, v18;
	_ =	sdelay $0x1  }
0xc2: {  	v18 =	vmax.f32 v18, v26  }
0xc3: {  	v18 =	vmul.f32 $1.442695020e+00, v18;
	_ =	sdelay $0x1  }
0xc4: {  	(erf) = vpow2.f32 v18;
	_ =	sdelay $0x2  }
0xc5: {  	v18 =	vmul.u32 $0x48, v19  }
0xc6: {  	v55 =	vor.u32 s19, v3  }
0xc7: {  	v19 =	vshll.u32 v55, $0x3;
	v18 =	vadd.s32 v18, v16  }
0xc8: {  	v27 =	vadd.s32 v15, v19;
	_ =	sdelay $0x2  }
0xc9: {  	v19 =	vpop (erf)  }
0xca: {  	[tilespmem:v18+s9+$0x0] =	vst.idx.msk $0xffff, v19  }
0xcb: {  	v18 =	vld.idx.msk [tilespmem:v27+s0+$0x0], $0xffff  }
0xcc: {  	v27 =	vld.idx.msk [tilespmem:v27+s29+$0x0], $0xffff;
	_ =	sdelay $0x4  }
0xcd: {  	v18 =	vadd.f32 v27, v18;
	_ =	sdelay $0x1  }
0xce: {  	v27 =	vmul.f32 $2.000000030e-01, v18;
	_ =	sdelay $0x1  }
0xcf: {  	v18 =	vmax.f32 v18, v27  }
0xd0: {  	v18 =	vmul.f32 $1.442695020e+00, v18;
	_ =	sdelay $0x1  }
0xd1: {  	(erf) = vpow2.f32 v18;
	_ =	sdelay $0x2  }
0xd2: {  	v56 =	vmov s26;
	v18 =	vmul.u32 $0x48, v55  }
0xd3: {  	v57 =	vshll.u32 v56, $0x6  }
0xd4: {  	v26 =	vadd.s32 v17, v57;
	v28 =	vadd.s32 v18, v16  }
0xd5: {  	v29 =	vor.u32 v0, v26;
	_ =	sdelay $0x2  }
0xd6: {  	v18 =	vpop (erf)  }
0xd7: {  	v58 =	vmul.u32 $0x48, v56;
	[tilespmem:v28+s9+$0x0] =	vst.idx.msk $0xffff, v18  }
0xd8: {  	v29 =	vld.idx.msk [tilespmem:v29+s30+$0x0], $0xffff  }
0xd9: {  	v28 =	vadd.s32 v14, v58  }
0xda: {  	v30 =	vor.u32 v0, v28  }
0xdb: {  	v31 =	vperm.xlane v25, v3;
	v32 =	vor.u32 v4, v26;
	_ =	sdelay $0x1  }
0xdc: {  	v29 =	vmul.f32 v31, v29;
	_ =	sdelay $0x1  }
0xdd: {  	[tilespmem:v30+s9+$0x0] =	vst.idx.msk $0xffff, v29  }
0xde: {  	v29 =	vld.idx.msk [tilespmem:v32+s30+$0x0], $0xffff;
	_ =	sdelay $0x1  }
0xdf: {  	v59 =	vor.u32 v4, v28  }
0xe0: {  	v60 =	vperm.xlane v25, v5;
	v61 =	vor.u32 v6, v26;
	_ =	sdelay $0x1  }
0xe1: {  	v29 =	vmul.f32 v60, v29;
	_ =	sdelay $0x1  }
0xe2: {  	[tilespmem:v59+s9+$0x0] =	vst.idx.msk $0xffff, v29  }
0xe3: {  	v29 =	vld.idx.msk [tilespmem:v61+s30+$0x0], $0xffff;
	_ =	sdelay $0x1  }
0xe4: {  	v62 =	vor.u32 v6, v28  }
0xe5: {  	v63 =	vperm.xlane v25, v7;
	v26 =	vor.u32 v8, v26;
	_ =	sdelay $0x1  }
0xe6: {  	v29 =	vmul.f32 v63, v29;
	_ =	sdelay $0x1  }
0xe7: {  	[tilespmem:v62+s9+$0x0] =	vst.idx.msk $0xffff, v29  }
0xe8: {  	v27 =	vor.u32 $0x1, v56;
	v26 =	vld.idx.msk [tilespmem:v26+s30+$0x0], $0xffff  }
0xe9: {  	v32 =	vshll.u32 v27, $0x6  }
0xea: {  	v28 =	vor.u32 v8, v28;
	v29 =	vadd.s32 v17, v32  }
0xeb: {  	v33 =	vperm.xlane v25, v9;
	v34 =	vor.u32 v0, v29;
	_ =	sdelay $0x1  }
0xec: {  	v26 =	vmul.f32 v33, v26;
	_ =	sdelay $0x1  }
0xed: {  	v35 =	vmul.u32 $0x48, v27;
	[tilespmem:v28+s9+$0x0] =	vst.idx.msk $0xffff, v26  }
0xee: {  	v36 =	vld.idx.msk [tilespmem:v34+s30+$0x0], $0xffff  }
0xef: {  	v26 =	vadd.s32 v14, v35  }
0xf0: {  	v37 =	vadd.s32 v0, v26  }
0xf1: {  	v38 =	vperm.xlane v25, v10;
	v39 =	vor.u32 v4, v29;
	_ =	sdelay $0x1  }
0xf2: {  	v27 =	vmul.f32 v38, v36;
	_ =	sdelay $0x1  }
0xf3: {  	[tilespmem:v37+s9+$0x0] =	vst.idx.msk $0xffff, v27  }
0xf4: {  	v27 =	vld.idx.msk [tilespmem:v39+s30+$0x0], $0xffff;
	_ =	sdelay $0x1  }
0xf5: {  	v40 =	vadd.s32 v4, v26  }
0xf6: {  	v41 =	vperm.xlane v25, v11;
	v42 =	vor.u32 v6, v29;
	_ =	sdelay $0x1  }
0xf7: {  	v27 =	vmul.f32 v41, v27;
	_ =	sdelay $0x1  }
0xf8: {  	[tilespmem:v40+s9+$0x0] =	vst.idx.msk $0xffff, v27  }
0xf9: {  	v27 =	vld.idx.msk [tilespmem:v42+s30+$0x0], $0xffff;
	_ =	sdelay $0x1  }
0xfa: {  	v43 =	vadd.s32 v6, v26  }
0xfb: {  	v44 =	vperm.xlane v25, v12;
	v29 =	vor.u32 v8, v29;
	_ =	sdelay $0x1  }
0xfc: {  	v27 =	vmul.f32 v44, v27;
	_ =	sdelay $0x1  }
0xfd: {  	[tilespmem:v43+s9+$0x0] =	vst.idx.msk $0xffff, v27  }
0xfe: {  	v45 =	vmov s25;
	v28 =	vld.idx.msk [tilespmem:v29+s30+$0x0], $0xffff  }
0xff: {  	v46 =	vshll.u32 v45, $0x6  }
0x100: {  	v26 =	vadd.s32 v8, v26;
	v29 =	vadd.s32 v17, v46  }
0x101: {  	v25 =	vperm.xlane v25, v13;
	v47 =	vor.u32 v0, v29;
	_ =	sdelay $0x1  }
0x102: {  	v25 =	vmul.f32 v25, v28;
	_ =	sdelay $0x1  }
0x103: {  	v48 =	vmul.u32 $0x48, v45;
	[tilespmem:v26+s9+$0x0] =	vst.idx.msk $0xffff, v25  }
0x104: {  	v26 =	vld.idx.msk [tilespmem:v47+s30+$0x0], $0xffff  }
0x105: {  	v25 =	vadd.s32 v14, v48  }
0x106: {  	v49 =	vor.u32 v0, v25  }
0x107: {  	v50 =	vperm.xlane v24, v3;
	v51 =	vor.u32 v4, v29;
	_ =	sdelay $0x1  }
0x108: {  	v26 =	vmul.f32 v50, v26;
	_ =	sdelay $0x1  }
0x109: {  	[tilespmem:v49+s9+$0x0] =	vst.idx.msk $0xffff, v26  }
0x10a: {  	v26 =	vld.idx.msk [tilespmem:v51+s30+$0x0], $0xffff;
	_ =	sdelay $0x1  }
0x10b: {  	v52 =	vadd.s32 v4, v25  }
0x10c: {  	v53 =	vperm.xlane v24, v5;
	v54 =	vor.u32 v6, v29;
	_ =	sdelay $0x1  }
0x10d: {  	v26 =	vmul.f32 v53, v26;
	_ =	sdelay $0x1  }
0x10e: {  	[tilespmem:v52+s9+$0x0] =	vst.idx.msk $0xffff, v26  }
0x10f: {  	v26 =	vld.idx.msk [tilespmem:v54+s30+$0x0], $0xffff;
	_ =	sdelay $0x1  }
0x110: {  	v55 =	vor.u32 v6, v25  }
0x111: {  	v56 =	vperm.xlane v24, v7;
	v29 =	vor.u32 v8, v29;
	_ =	sdelay $0x1  }
0x112: {  	v26 =	vmul.f32 v56, v26;
	_ =	sdelay $0x1  }
0x113: {  	[tilespmem:v55+s9+$0x0] =	vst.idx.msk $0xffff, v26  }
0x114: {  	v57 =	vor.u32 $0x1, v45;
	v58 =	vld.idx.msk [tilespmem:v29+s30+$0x0], $0xffff  }
0x115: {  	v59 =	vshll.u32 v57, $0x6  }
0x116: {  	v28 =	vadd.s32 v17, v59;
	v25 =	vadd.s32 v8, v25  }
0x117: {  	v60 =	vperm.xlane v24, v9;
	v61 =	vor.u32 v0, v28;
	_ =	sdelay $0x1  }
0x118: {  	v27 =	vmul.f32 v60, v58;
	_ =	sdelay $0x1  }
0x119: {  	v62 =	vmul.u32 $0x48, v57;
	[tilespmem:v25+s9+$0x0] =	vst.idx.msk $0xffff, v27  }
0x11a: {  	v63 =	vld.idx.msk [tilespmem:v61+s30+$0x0], $0xffff  }
0x11b: {  	v25 =	vadd.s32 v14, v62  }
0x11c: {  	v33 =	vadd.s32 v0, v25  }
0x11d: {  	v34 =	vperm.xlane v24, v10;
	v35 =	vor.u32 v4, v28;
	_ =	sdelay $0x1  }
0x11e: {  	v26 =	vmul.f32 v34, v63;
	_ =	sdelay $0x1  }
0x11f: {  	[tilespmem:v33+s9+$0x0] =	vst.idx.msk $0xffff, v26  }
0x120: {  	v26 =	vld.idx.msk [tilespmem:v35+s30+$0x0], $0xffff;
	_ =	sdelay $0x1  }
0x121: {  	v36 =	vadd.s32 v4, v25  }
0x122: {  	v37 =	vperm.xlane v24, v11;
	v38 =	vor.u32 v6, v28;
	_ =	sdelay $0x1  }
0x123: {  	v26 =	vmul.f32 v37, v26;
	_ =	sdelay $0x1  }
0x124: {  	[tilespmem:v36+s9+$0x0] =	vst.idx.msk $0xffff, v26  }
0x125: {  	v26 =	vld.idx.msk [tilespmem:v38+s30+$0x0], $0xffff;
	_ =	sdelay $0x1  }
0x126: {  	v39 =	vadd.s32 v6, v25  }
0x127: {  	v40 =	vperm.xlane v24, v12;
	v28 =	vor.u32 v8, v28;
	_ =	sdelay $0x1  }
0x128: {  	v26 =	vmul.f32 v40, v26;
	_ =	sdelay $0x1  }
0x129: {  	[tilespmem:v39+s9+$0x0] =	vst.idx.msk $0xffff, v26  }
0x12a: {  	v41 =	vmov s24;
	v27 =	vld.idx.msk [tilespmem:v28+s30+$0x0], $0xffff  }
0x12b: {  	v42 =	vshll.u32 v41, $0x6  }
0x12c: {  	v25 =	vadd.s32 v8, v25;
	v28 =	vadd.s32 v17, v42  }
0x12d: {  	v24 =	vperm.xlane v24, v13;
	v43 =	vor.u32 v0, v28;
	_ =	sdelay $0x1  }
0x12e: {  	v24 =	vmul.f32 v24, v27;
	_ =	sdelay $0x1  }
0x12f: {  	v44 =	vmul.u32 $0x48, v41;
	[tilespmem:v25+s9+$0x0] =	vst.idx.msk $0xffff, v24  }
0x130: {  	v25 =	vld.idx.msk [tilespmem:v43+s30+$0x0], $0xffff  }
0x131: {  	v24 =	vadd.s32 v14, v44  }
0x132: {  	v45 =	vor.u32 v0, v24  }
0x133: {  	v46 =	vperm.xlane v23, v3;
	v47 =	vor.u32 v4, v28;
	_ =	sdelay $0x1  }
0x134: {  	v25 =	vmul.f32 v46, v25;
	_ =	sdelay $0x1  }
0x135: {  	[tilespmem:v45+s9+$0x0] =	vst.idx.msk $0xffff, v25  }
0x136: {  	v25 =	vld.idx.msk [tilespmem:v47+s30+$0x0], $0xffff;
	_ =	sdelay $0x1  }
0x137: {  	v48 =	vor.u32 v4, v24  }
0x138: {  	v49 =	vperm.xlane v23, v5;
	v50 =	vor.u32 v6, v28;
	_ =	sdelay $0x1  }
0x139: {  	v25 =	vmul.f32 v49, v25;
	_ =	sdelay $0x1  }
0x13a: {  	[tilespmem:v48+s9+$0x0] =	vst.idx.msk $0xffff, v25  }
0x13b: {  	v25 =	vld.idx.msk [tilespmem:v50+s30+$0x0], $0xffff;
	_ =	sdelay $0x1  }
0x13c: {  	v51 =	vadd.s32 v6, v24  }
0x13d: {  	v52 =	vperm.xlane v23, v7;
	v28 =	vor.u32 v8, v28;
	_ =	sdelay $0x1  }
0x13e: {  	v25 =	vmul.f32 v52, v25;
	_ =	sdelay $0x1  }
0x13f: {  	[tilespmem:v51+s9+$0x0] =	vst.idx.msk $0xffff, v25  }
0x140: {  	v53 =	vor.u32 $0x1, v41;
	v54 =	vld.idx.msk [tilespmem:v28+s30+$0x0], $0xffff  }
0x141: {  	v55 =	vshll.u32 v53, $0x6  }
0x142: {  	v27 =	vadd.s32 v17, v55;
	v24 =	vadd.s32 v8, v24  }
0x143: {  	v56 =	vperm.xlane v23, v9;
	v57 =	vor.u32 v0, v27;
	_ =	sdelay $0x1  }
0x144: {  	v26 =	vmul.f32 v56, v54;
	_ =	sdelay $0x1  }
0x145: {  	v58 =	vmul.u32 $0x48, v53;
	[tilespmem:v24+s9+$0x0] =	vst.idx.msk $0xffff, v26  }
0x146: {  	v59 =	vld.idx.msk [tilespmem:v57+s30+$0x0], $0xffff  }
0x147: {  	v24 =	vadd.s32 v14, v58  }
0x148: {  	v60 =	vadd.s32 v0, v24  }
0x149: {  	v61 =	vperm.xlane v23, v10;
	v62 =	vor.u32 v4, v27;
	_ =	sdelay $0x1  }
0x14a: {  	v25 =	vmul.f32 v61, v59;
	_ =	sdelay $0x1  }
0x14b: {  	[tilespmem:v60+s9+$0x0] =	vst.idx.msk $0xffff, v25  }
0x14c: {  	v25 =	vld.idx.msk [tilespmem:v62+s30+$0x0], $0xffff;
	_ =	sdelay $0x1  }
0x14d: {  	v63 =	vadd.s32 v4, v24  }
0x14e: {  	v32 =	vperm.xlane v23, v11;
	v33 =	vor.u32 v6, v27;
	_ =	sdelay $0x1  }
0x14f: {  	v25 =	vmul.f32 v32, v25;
	_ =	sdelay $0x1  }
0x150: {  	[tilespmem:v63+s9+$0x0] =	vst.idx.msk $0xffff, v25  }
0x151: {  	v25 =	vld.idx.msk [tilespmem:v33+s30+$0x0], $0xffff;
	_ =	sdelay $0x1  }
0x152: {  	v34 =	vadd.s32 v6, v24  }
0x153: {  	v35 =	vperm.xlane v23, v12;
	v27 =	vor.u32 v8, v27;
	_ =	sdelay $0x1  }
0x154: {  	v25 =	vmul.f32 v35, v25;
	_ =	sdelay $0x1  }
0x155: {  	[tilespmem:v34+s9+$0x0] =	vst.idx.msk $0xffff, v25  }
0x156: {  	v36 =	vmov s22;
	v26 =	vld.idx.msk [tilespmem:v27+s30+$0x0], $0xffff  }
0x157: {  	v37 =	vshll.u32 v36, $0x6  }
0x158: {  	v24 =	vadd.s32 v8, v24;
	v27 =	vadd.s32 v17, v37  }
0x159: {  	v23 =	vperm.xlane v23, v13;
	v38 =	vor.u32 v0, v27;
	_ =	sdelay $0x1  }
0x15a: {  	v23 =	vmul.f32 v23, v26;
	_ =	sdelay $0x1  }
0x15b: {  	v39 =	vmul.u32 $0x48, v36;
	[tilespmem:v24+s9+$0x0] =	vst.idx.msk $0xffff, v23  }
0x15c: {  	v24 =	vld.idx.msk [tilespmem:v38+s30+$0x0], $0xffff  }
0x15d: {  	v23 =	vadd.s32 v14, v39  }
0x15e: {  	v40 =	vor.u32 v0, v23  }
0x15f: {  	v41 =	vperm.xlane v22, v3;
	v42 =	vor.u32 v4, v27;
	_ =	sdelay $0x1  }
0x160: {  	v24 =	vmul.f32 v41, v24;
	_ =	sdelay $0x1  }
0x161: {  	[tilespmem:v40+s9+$0x0] =	vst.idx.msk $0xffff, v24  }
0x162: {  	v24 =	vld.idx.msk [tilespmem:v42+s30+$0x0], $0xffff;
	_ =	sdelay $0x1  }
0x163: {  	v43 =	vadd.s32 v4, v23  }
0x164: {  	v44 =	vperm.xlane v22, v5;
	v45 =	vor.u32 v6, v27;
	_ =	sdelay $0x1  }
0x165: {  	v24 =	vmul.f32 v44, v24;
	_ =	sdelay $0x1  }
0x166: {  	[tilespmem:v43+s9+$0x0] =	vst.idx.msk $0xffff, v24  }
0x167: {  	v24 =	vld.idx.msk [tilespmem:v45+s30+$0x0], $0xffff;
	_ =	sdelay $0x1  }
0x168: {  	v46 =	vadd.s32 v6, v23  }
0x169: {  	v47 =	vperm.xlane v22, v7;
	v27 =	vor.u32 v8, v27;
	_ =	sdelay $0x1  }
0x16a: {  	v24 =	vmul.f32 v47, v24;
	_ =	sdelay $0x1  }
0x16b: {  	[tilespmem:v46+s9+$0x0] =	vst.idx.msk $0xffff, v24  }
0x16c: {  	v48 =	vor.u32 $0x1, v36;
	v49 =	vld.idx.msk [tilespmem:v27+s30+$0x0], $0xffff  }
0x16d: {  	v50 =	vshll.u32 v48, $0x6  }
0x16e: {  	v26 =	vadd.s32 v17, v50;
	v23 =	vadd.s32 v8, v23  }
0x16f: {  	v51 =	vperm.xlane v22, v9;
	v52 =	vor.u32 v0, v26;
	_ =	sdelay $0x1  }
0x170: {  	v25 =	vmul.f32 v51, v49;
	_ =	sdelay $0x1  }
0x171: {  	v53 =	vmul.u32 $0x48, v48;
	[tilespmem:v23+s9+$0x0] =	vst.idx.msk $0xffff, v25  }
0x172: {  	v54 =	vld.idx.msk [tilespmem:v52+s30+$0x0], $0xffff  }
0x173: {  	v23 =	vadd.s32 v14, v53  }
0x174: {  	v55 =	vadd.s32 v0, v23  }
0x175: {  	v56 =	vperm.xlane v22, v10;
	v57 =	vor.u32 v4, v26;
	_ =	sdelay $0x1  }
0x176: {  	v24 =	vmul.f32 v56, v54;
	_ =	sdelay $0x1  }
0x177: {  	[tilespmem:v55+s9+$0x0] =	vst.idx.msk $0xffff, v24  }
0x178: {  	v24 =	vld.idx.msk [tilespmem:v57+s30+$0x0], $0xffff;
	_ =	sdelay $0x1  }
0x179: {  	v58 =	vadd.s32 v4, v23  }
0x17a: {  	v59 =	vperm.xlane v22, v11;
	v60 =	vor.u32 v6, v26;
	_ =	sdelay $0x1  }
0x17b: {  	v24 =	vmul.f32 v59, v24;
	_ =	sdelay $0x1  }
0x17c: {  	[tilespmem:v58+s9+$0x0] =	vst.idx.msk $0xffff, v24  }
0x17d: {  	v24 =	vld.idx.msk [tilespmem:v60+s30+$0x0], $0xffff;
	_ =	sdelay $0x1  }
0x17e: {  	v61 =	vadd.s32 v6, v23  }
0x17f: {  	v62 =	vperm.xlane v22, v12;
	v26 =	vor.u32 v8, v26;
	_ =	sdelay $0x1  }
0x180: {  	v24 =	vmul.f32 v62, v24;
	_ =	sdelay $0x1  }
0x181: {  	[tilespmem:v61+s9+$0x0] =	vst.idx.msk $0xffff, v24  }
0x182: {  	v63 =	vmov s21;
	v25 =	vld.idx.msk [tilespmem:v26+s30+$0x0], $0xffff  }
0x183: {  	v29 =	vshll.u32 v63, $0x6  }
0x184: {  	v23 =	vadd.s32 v8, v23;
	v26 =	vadd.s32 v17, v29  }
0x185: {  	v22 =	vperm.xlane v22, v13;
	v30 =	vor.u32 v0, v26;
	_ =	sdelay $0x1  }
0x186: {  	v22 =	vmul.f32 v22, v25;
	_ =	sdelay $0x1  }
0x187: {  	v31 =	vmul.u32 $0x48, v63;
	[tilespmem:v23+s9+$0x0] =	vst.idx.msk $0xffff, v22  }
0x188: {  	v23 =	vld.idx.msk [tilespmem:v30+s30+$0x0], $0xffff  }
0x189: {  	v22 =	vadd.s32 v14, v31  }
0x18a: {  	v32 =	vor.u32 v0, v22  }
0x18b: {  	v33 =	vperm.xlane v21, v3;
	v34 =	vor.u32 v4, v26;
	_ =	sdelay $0x1  }
0x18c: {  	v23 =	vmul.f32 v33, v23;
	_ =	sdelay $0x1  }
0x18d: {  	[tilespmem:v32+s9+$0x0] =	vst.idx.msk $0xffff, v23  }
0x18e: {  	v23 =	vld.idx.msk [tilespmem:v34+s30+$0x0], $0xffff;
	_ =	sdelay $0x1  }
0x18f: {  	v35 =	vor.u32 v4, v22  }
0x190: {  	v36 =	vperm.xlane v21, v5;
	v37 =	vor.u32 v6, v26;
	_ =	sdelay $0x1  }
0x191: {  	v23 =	vmul.f32 v36, v23;
	_ =	sdelay $0x1  }
0x192: {  	[tilespmem:v35+s9+$0x0] =	vst.idx.msk $0xffff, v23  }
0x193: {  	v23 =	vld.idx.msk [tilespmem:v37+s30+$0x0], $0xffff;
	_ =	sdelay $0x1  }
0x194: {  	v38 =	vor.u32 v6, v22  }
0x195: {  	v39 =	vperm.xlane v21, v7;
	v26 =	vor.u32 v8, v26;
	_ =	sdelay $0x1  }
0x196: {  	v23 =	vmul.f32 v39, v23;
	_ =	sdelay $0x1  }
0x197: {  	[tilespmem:v38+s9+$0x0] =	vst.idx.msk $0xffff, v23  }
0x198: {  	v40 =	vor.u32 $0x1, v63;
	v41 =	vld.idx.msk [tilespmem:v26+s30+$0x0], $0xffff  }
0x199: {  	v42 =	vshll.u32 v40, $0x6  }
0x19a: {  	v25 =	vadd.s32 v17, v42;
	v22 =	vor.u32 v8, v22  }
0x19b: {  	v43 =	vperm.xlane v21, v9;
	v44 =	vor.u32 v0, v25;
	_ =	sdelay $0x1  }
0x19c: {  	v24 =	vmul.f32 v43, v41;
	_ =	sdelay $0x1  }
0x19d: {  	v45 =	vmul.u32 $0x48, v40;
	[tilespmem:v22+s9+$0x0] =	vst.idx.msk $0xffff, v24  }
0x19e: {  	v46 =	vld.idx.msk [tilespmem:v44+s30+$0x0], $0xffff  }
0x19f: {  	v22 =	vadd.s32 v14, v45  }
0x1a0: {  	v47 =	vadd.s32 v0, v22  }
0x1a1: {  	v48 =	vperm.xlane v21, v10;
	v49 =	vor.u32 v4, v25;
	_ =	sdelay $0x1  }
0x1a2: {  	v23 =	vmul.f32 v48, v46;
	_ =	sdelay $0x1  }
0x1a3: {  	[tilespmem:v47+s9+$0x0] =	vst.idx.msk $0xffff, v23  }
0x1a4: {  	v23 =	vld.idx.msk [tilespmem:v49+s30+$0x0], $0xffff;
	_ =	sdelay $0x1  }
0x1a5: {  	v50 =	vadd.s32 v4, v22  }
0x1a6: {  	v51 =	vperm.xlane v21, v11;
	v52 =	vor.u32 v6, v25;
	_ =	sdelay $0x1  }
0x1a7: {  	v23 =	vmul.f32 v51, v23;
	_ =	sdelay $0x1  }
0x1a8: {  	[tilespmem:v50+s9+$0x0] =	vst.idx.msk $0xffff, v23  }
0x1a9: {  	v23 =	vld.idx.msk [tilespmem:v52+s30+$0x0], $0xffff;
	_ =	sdelay $0x1  }
0x1aa: {  	v53 =	vadd.s32 v6, v22  }
0x1ab: {  	v54 =	vperm.xlane v21, v12;
	v25 =	vor.u32 v8, v25;
	_ =	sdelay $0x1  }
0x1ac: {  	v23 =	vmul.f32 v54, v23;
	_ =	sdelay $0x1  }
0x1ad: {  	[tilespmem:v53+s9+$0x0] =	vst.idx.msk $0xffff, v23  }
0x1ae: {  	v55 =	vmov s28;
	v24 =	vld.idx.msk [tilespmem:v25+s30+$0x0], $0xffff  }
0x1af: {  	v56 =	vshll.u32 v55, $0x6  }
0x1b0: {  	v22 =	vadd.s32 v8, v22;
	v25 =	vadd.s32 v17, v56  }
0x1b1: {  	v21 =	vperm.xlane v21, v13;
	v57 =	vor.u32 v0, v25;
	_ =	sdelay $0x1  }
0x1b2: {  	v21 =	vmul.f32 v21, v24;
	_ =	sdelay $0x1  }
0x1b3: {  	v58 =	vmul.u32 $0x48, v55;
	[tilespmem:v22+s9+$0x0] =	vst.idx.msk $0xffff, v21  }
0x1b4: {  	v22 =	vld.idx.msk [tilespmem:v57+s30+$0x0], $0xffff  }
0x1b5: {  	v21 =	vadd.s32 v14, v58  }
0x1b6: {  	v59 =	vor.u32 v0, v21  }
0x1b7: {  	v60 =	vperm.xlane v20, v3;
	v61 =	vor.u32 v4, v25;
	_ =	sdelay $0x1  }
0x1b8: {  	v22 =	vmul.f32 v60, v22;
	_ =	sdelay $0x1  }
0x1b9: {  	[tilespmem:v59+s9+$0x0] =	vst.idx.msk $0xffff, v22  }
0x1ba: {  	v22 =	vld.idx.msk [tilespmem:v61+s30+$0x0], $0xffff;
	_ =	sdelay $0x1  }
0x1bb: {  	v62 =	vadd.s32 v4, v21  }
0x1bc: {  	v63 =	vperm.xlane v20, v5;
	v30 =	vor.u32 v6, v25;
	_ =	sdelay $0x1  }
0x1bd: {  	v22 =	vmul.f32 v63, v22;
	_ =	sdelay $0x1  }
0x1be: {  	[tilespmem:v62+s9+$0x0] =	vst.idx.msk $0xffff, v22  }
0x1bf: {  	v22 =	vld.idx.msk [tilespmem:v30+s30+$0x0], $0xffff;
	_ =	sdelay $0x1  }
0x1c0: {  	v31 =	vor.u32 v6, v21  }
0x1c1: {  	v32 =	vperm.xlane v20, v7;
	v25 =	vor.u32 v8, v25;
	_ =	sdelay $0x1  }
0x1c2: {  	v22 =	vmul.f32 v32, v22;
	_ =	sdelay $0x1  }
0x1c3: {  	[tilespmem:v31+s9+$0x0] =	vst.idx.msk $0xffff, v22  }
0x1c4: {  	v33 =	vor.u32 $0x1, v55;
	v34 =	vld.idx.msk [tilespmem:v25+s30+$0x0], $0xffff  }
0x1c5: {  	v35 =	vshll.u32 v33, $0x6  }
0x1c6: {  	v24 =	vadd.s32 v17, v35;
	v21 =	vadd.s32 v8, v21  }
0x1c7: {  	v36 =	vperm.xlane v20, v9;
	v37 =	vor.u32 v0, v24;
	_ =	sdelay $0x1  }
0x1c8: {  	v23 =	vmul.f32 v36, v34;
	_ =	sdelay $0x1  }
0x1c9: {  	v38 =	vmul.u32 $0x48, v33;
	[tilespmem:v21+s9+$0x0] =	vst.idx.msk $0xffff, v23  }
0x1ca: {  	v39 =	vld.idx.msk [tilespmem:v37+s30+$0x0], $0xffff  }
0x1cb: {  	v21 =	vadd.s32 v14, v38  }
0x1cc: {  	v40 =	vadd.s32 v0, v21  }
0x1cd: {  	v41 =	vperm.xlane v20, v10;
	v42 =	vor.u32 v4, v24;
	_ =	sdelay $0x1  }
0x1ce: {  	v22 =	vmul.f32 v41, v39;
	_ =	sdelay $0x1  }
0x1cf: {  	[tilespmem:v40+s9+$0x0] =	vst.idx.msk $0xffff, v22  }
0x1d0: {  	v22 =	vld.idx.msk [tilespmem:v42+s30+$0x0], $0xffff;
	_ =	sdelay $0x1  }
0x1d1: {  	v43 =	vadd.s32 v4, v21  }
0x1d2: {  	v44 =	vperm.xlane v20, v11;
	v45 =	vor.u32 v6, v24;
	_ =	sdelay $0x1  }
0x1d3: {  	v22 =	vmul.f32 v44, v22;
	_ =	sdelay $0x1  }
0x1d4: {  	[tilespmem:v43+s9+$0x0] =	vst.idx.msk $0xffff, v22  }
0x1d5: {  	v22 =	vld.idx.msk [tilespmem:v45+s30+$0x0], $0xffff;
	_ =	sdelay $0x1  }
0x1d6: {  	v46 =	vadd.s32 v6, v21  }
0x1d7: {  	v47 =	vperm.xlane v20, v12;
	v24 =	vor.u32 v8, v24;
	_ =	sdelay $0x1  }
0x1d8: {  	v22 =	vmul.f32 v47, v22;
	_ =	sdelay $0x1  }
0x1d9: {  	[tilespmem:v46+s9+$0x0] =	vst.idx.msk $0xffff, v22  }
0x1da: {  	v48 =	vmov s20;
	v23 =	vld.idx.msk [tilespmem:v24+s30+$0x0], $0xffff  }
0x1db: {  	v49 =	vshll.u32 v48, $0x6  }
0x1dc: {  	v21 =	vadd.s32 v8, v21;
	v24 =	vadd.s32 v17, v49  }
0x1dd: {  	v20 =	vperm.xlane v20, v13;
	v50 =	vor.u32 v0, v24;
	_ =	sdelay $0x1  }
0x1de: {  	v20 =	vmul.f32 v20, v23;
	_ =	sdelay $0x1  }
0x1df: {  	v51 =	vmul.u32 $0x48, v48;
	[tilespmem:v21+s9+$0x0] =	vst.idx.msk $0xffff, v20  }
0x1e0: {  	v21 =	vld.idx.msk [tilespmem:v50+s30+$0x0], $0xffff  }
0x1e1: {  	v20 =	vadd.s32 v14, v51  }
0x1e2: {  	v52 =	vor.u32 v0, v20  }
0x1e3: {  	v53 =	vperm.xlane v19, v3;
	v54 =	vor.u32 v4, v24;
	_ =	sdelay $0x1  }
0x1e4: {  	v21 =	vmul.f32 v53, v21;
	_ =	sdelay $0x1  }
0x1e5: {  	[tilespmem:v52+s9+$0x0] =	vst.idx.msk $0xffff, v21  }
0x1e6: {  	v21 =	vld.idx.msk [tilespmem:v54+s30+$0x0], $0xffff;
	_ =	sdelay $0x1  }
0x1e7: {  	v55 =	vor.u32 v4, v20  }
0x1e8: {  	v56 =	vperm.xlane v19, v5;
	v57 =	vor.u32 v6, v24;
	_ =	sdelay $0x1  }
0x1e9: {  	v21 =	vmul.f32 v56, v21;
	_ =	sdelay $0x1  }
0x1ea: {  	[tilespmem:v55+s9+$0x0] =	vst.idx.msk $0xffff, v21  }
0x1eb: {  	v21 =	vld.idx.msk [tilespmem:v57+s30+$0x0], $0xffff;
	_ =	sdelay $0x1  }
0x1ec: {  	v58 =	vadd.s32 v6, v20  }
0x1ed: {  	v59 =	vperm.xlane v19, v7;
	v24 =	vor.u32 v8, v24;
	_ =	sdelay $0x1  }
0x1ee: {  	v21 =	vmul.f32 v59, v21;
	_ =	sdelay $0x1  }
0x1ef: {  	[tilespmem:v58+s9+$0x0] =	vst.idx.msk $0xffff, v21  }
0x1f0: {  	v60 =	vor.u32 $0x1, v48;
	v61 =	vld.idx.msk [tilespmem:v24+s30+$0x0], $0xffff  }
0x1f1: {  	v62 =	vshll.u32 v60, $0x6  }
0x1f2: {  	v23 =	vadd.s32 v17, v62;
	v20 =	vadd.s32 v8, v20  }
0x1f3: {  	v63 =	vperm.xlane v19, v9;
	v28 =	vor.u32 v0, v23;
	_ =	sdelay $0x1  }
0x1f4: {  	v22 =	vmul.f32 v63, v61;
	_ =	sdelay $0x1  }
0x1f5: {  	v29 =	vmul.u32 $0x48, v60;
	[tilespmem:v20+s9+$0x0] =	vst.idx.msk $0xffff, v22  }
0x1f6: {  	v30 =	vld.idx.msk [tilespmem:v28+s30+$0x0], $0xffff  }
0x1f7: {  	v20 =	vadd.s32 v14, v29  }
0x1f8: {  	v31 =	vadd.s32 v0, v20  }
0x1f9: {  	v32 =	vperm.xlane v19, v10;
	v33 =	vor.u32 v4, v23;
	_ =	sdelay $0x1  }
0x1fa: {  	v21 =	vmul.f32 v32, v30;
	_ =	sdelay $0x1  }
0x1fb: {  	[tilespmem:v31+s9+$0x0] =	vst.idx.msk $0xffff, v21  }
0x1fc: {  	v21 =	vld.idx.msk [tilespmem:v33+s30+$0x0], $0xffff;
	_ =	sdelay $0x1  }
0x1fd: {  	v34 =	vadd.s32 v4, v20  }
0x1fe: {  	v35 =	vperm.xlane v19, v11;
	v36 =	vor.u32 v6, v23;
	_ =	sdelay $0x1  }
0x1ff: {  	v21 =	vmul.f32 v35, v21;
	_ =	sdelay $0x1  }
0x200: {  	[tilespmem:v34+s9+$0x0] =	vst.idx.msk $0xffff, v21  }
0x201: {  	v21 =	vld.idx.msk [tilespmem:v36+s30+$0x0], $0xffff;
	_ =	sdelay $0x1  }
0x202: {  	v37 =	vadd.s32 v6, v20  }
0x203: {  	v38 =	vperm.xlane v19, v12;
	v23 =	vor.u32 v8, v23;
	_ =	sdelay $0x1  }
0x204: {  	v21 =	vmul.f32 v38, v21;
	_ =	sdelay $0x1  }
0x205: {  	[tilespmem:v37+s9+$0x0] =	vst.idx.msk $0xffff, v21  }
0x206: {  	v39 =	vmov s19;
	v22 =	vld.idx.msk [tilespmem:v23+s30+$0x0], $0xffff  }
0x207: {  	v40 =	vshll.u32 v39, $0x6  }
0x208: {  	v20 =	vadd.s32 v8, v20;
	v23 =	vadd.s32 v17, v40  }
0x209: {  	v19 =	vperm.xlane v19, v13;
	v41 =	vor.u32 v0, v23;
	_ =	sdelay $0x1  }
0x20a: {  	v19 =	vmul.f32 v19, v22;
	_ =	sdelay $0x1  }
0x20b: {  	[tilespmem:v20+s9+$0x0] =	vst.idx.msk $0xffff, v19;
	v19 =	vmul.u32 $0x48, v39  }
0x20c: {  	v20 =	vld.idx.msk [tilespmem:v41+s30+$0x0], $0xffff  }
0x20d: {  	v19 =	vadd.s32 v14, v19  }
0x20e: {  	v42 =	vor.u32 v0, v19  }
0x20f: {  	v43 =	vperm.xlane v18, v3;
	v44 =	vor.u32 v4, v23;
	_ =	sdelay $0x1  }
0x210: {  	v20 =	vmul.f32 v43, v20;
	_ =	sdelay $0x1  }
0x211: {  	[tilespmem:v42+s9+$0x0] =	vst.idx.msk $0xffff, v20  }
0x212: {  	v20 =	vld.idx.msk [tilespmem:v44+s30+$0x0], $0xffff;
	_ =	sdelay $0x1  }
0x213: {  	v45 =	vadd.s32 v4, v19  }
0x214: {  	v46 =	vperm.xlane v18, v5;
	v47 =	vor.u32 v6, v23;
	_ =	sdelay $0x1  }
0x215: {  	v20 =	vmul.f32 v46, v20;
	_ =	sdelay $0x1  }
0x216: {  	[tilespmem:v45+s9+$0x0] =	vst.idx.msk $0xffff, v20  }
0x217: {  	v20 =	vld.idx.msk [tilespmem:v47+s30+$0x0], $0xffff;
	_ =	sdelay $0x1  }
0x218: {  	v48 =	vadd.s32 v6, v19  }
0x219: {  	v49 =	vperm.xlane v18, v7;
	v23 =	vor.u32 v8, v23;
	_ =	sdelay $0x1  }
0x21a: {  	v20 =	vmul.f32 v49, v20;
	_ =	sdelay $0x1  }
0x21b: {  	[tilespmem:v48+s9+$0x0] =	vst.idx.msk $0xffff, v20  }
0x21c: {  	v50 =	vor.u32 $0x1, v39;
	v51 =	vld.idx.msk [tilespmem:v23+s30+$0x0], $0xffff  }
0x21d: {  	v52 =	vshll.u32 v50, $0x6  }
0x21e: {  	v22 =	vadd.s32 v17, v52;
	v19 =	vadd.s32 v8, v19  }
0x21f: {  	v53 =	vperm.xlane v18, v9;
	v54 =	vor.u32 v0, v22;
	_ =	sdelay $0x1  }
0x220: {  	v21 =	vmul.f32 v53, v51;
	_ =	sdelay $0x1  }
0x221: {  	[tilespmem:v19+s9+$0x0] =	vst.idx.msk $0xffff, v21;
	v19 =	vmul.u32 $0x48, v50  }
0x222: {  	v55 =	vld.idx.msk [tilespmem:v54+s30+$0x0], $0xffff  }
0x223: {  	v19 =	vadd.s32 v14, v19  }
0x224: {  	v56 =	vadd.s32 v0, v19  }
0x225: {  	v57 =	vperm.xlane v18, v10;
	v58 =	vor.u32 v4, v22;
	_ =	sdelay $0x1  }
0x226: {  	v20 =	vmul.f32 v57, v55;
	_ =	sdelay $0x1  }
0x227: {  	[tilespmem:v56+s9+$0x0] =	vst.idx.msk $0xffff, v20  }
0x228: {  	v20 =	vld.idx.msk [tilespmem:v58+s30+$0x0], $0xffff;
	_ =	sdelay $0x1  }
0x229: {  	v59 =	vadd.s32 v4, v19  }
0x22a: {  	v60 =	vperm.xlane v18, v11;
	v61 =	vor.u32 v6, v22;
	_ =	sdelay $0x1  }
0x22b: {  	v20 =	vmul.f32 v60, v20;
	_ =	sdelay $0x1  }
0x22c: {  	[tilespmem:v59+s9+$0x0] =	vst.idx.msk $0xffff, v20  }
0x22d: {  	v20 =	vld.idx.msk [tilespmem:v61+s30+$0x0], $0xffff;
	_ =	sdelay $0x1  }
0x22e: {  	v62 =	vadd.s32 v6, v19  }
0x22f: {  	v63 =	vperm.xlane v18, v12;
	v22 =	vor.u32 v8, v22;
	_ =	sdelay $0x1  }
0x230: {  	v20 =	vmul.f32 v63, v20;
	_ =	sdelay $0x1  }
0x231: {  	[tilespmem:v62+s9+$0x0] =	vst.idx.msk $0xffff, v20  }
0x232: {  	v20 =	vld.idx.msk [tilespmem:v22+s30+$0x0], $0xffff;
	_ =	sdelay $0x1  }
0x233: {  	p0 =	sne.s32 s19, $0x4E;
	v19 =	vadd.s32 v8, v19  }
.Ltmp1:
0x234: {  	v18 =	vperm.xlane v18, v13;
	(pc) =	sbr.rel @p0 .LBB2_5-.Ltmp1, $3  }
0x235: {  	_ = 	snop  }
0x236: {  	v18 =	vmul.f32 v18, v20;
	_ =	sdelay $0x1  }
0x237: {  	s19 =	sadd.s32 $0x10, s19;
	[tilespmem:v19+s9+$0x0] =	vst.idx.msk $0xffff, v18  }
0x238: {  	s19 =	smul.u32 $0x5A00, s17;
	s16 =	sadd.s32 $0x1, s16  }
0x239: {  	s18 =	smul.u32 $0x140, s18;
	p0 =	sne.s32 s16, $0x80  }
.Ltmp2:
0x23a: {  	_ = 	snop;
	(pc) =	sbr.rel @p0 .LBB2_2-.Ltmp2, $4  }
0x23b: {  	_ = 	snop  }
0x23c: {  	s19 =	sshrl.u32 s19, $0x2;
	s18 =	sshrl.u32 s18, $0x2  }
0x23d: {  	s28 =	sadd.s32 $0x7, s17;
	s19 =	sadd.s32 $0x1A9D8, s19;
	s18 =	sadd.s32 $0x17698, s18  }
0x23e: {  	[spmem:s5] =	stream.indirect.scatter.add.f32 [tilespmem:s19], [sflag:s28], $0x48, s18, s1, $0xb8;
	[tilespmem:$0x1D6D8] =	vst v63  }
0x23f: {  	_ =	swait.ge [sflag:s12], $0x1680  }
0x240: {  	[sflag:s12] =	ssyncset.done $0x0  }
0x241: {  	[sflag:s12] =	ssyncadd.s32 $0xFFFFE980  }
0x242: {  	_ =	swait.ge [sflag:s13], $0x1680  }
0x243: {  	[sflag:s13] =	ssyncset.done $0x0  }
0x244: {  	[sflag:s13] =	ssyncadd.s32 $0xFFFFE980  }
0x245: {  	[bflag:$0x0] =	sbarrier.arrive $0xFFFF  }
0x246: {  	s16 =	rddreg [dreg:$0x11]  }
0x247: {  	[hbm:s16], [sflag:s11] =	dma.local [spmem:s15], $0x1680  }
0x248: {  	_ =	swait.ge [sflag:s23], $0x1680  }
0x249: {  	s14 =	sadd.s32 $0x1, s14;
	s28 =	rddreg [dreg:$0xf]  }
0x24a: {  	p0 =	sne.s32 s14, s28  }
.Ltmp3:
0x24b: {  	_ = 	snop;
	(pc) =	sbr.rel @p0 .LBB2_1-.Ltmp3, $3  }
0x24c: {  	_ =	sdelay $0x1  }
0x24d: {  	[sflag:s23] =	ssyncset.done $0x0  }
0x24e: {  	[sflag:s23] =	ssyncadd.s32 $0xFFFFE980  }
0x24f: {  	_ =	sfence.sel $0x180000  }
0x250: {  	[bflag:$0x0] =	sbarrier.arrive $0xFFFF  }
0x251: {  	_ =	strace $0x90000047  }
0x252: {  	s0 =	stileid.u32;
	[bflag:$0x2] =	sbarrier.arrive $0xFFFF  }
0x253: {  	p0 =	sne.s32 s0, $0x0;
	s0 =	rddreg [dreg:$0x5]  }
0x254: {  	s0 =	sadd.s32 @!p0 $0x100000, s0  }
0x255: {  	[sflag:s0] =	ssyncadd.tile.s32 @!p0 $0x1;
	_ =	shalt  }
.Lfunc_end2:
_tile_overlayer_lowered:
.L_overlay_start_2:
0x256: {  	(tag) =	ssettag $0x2  }
0x257: {  	s0 =	rddreg [dreg:$0x0];
	s2 =	stileid.u32  }
0x258: {  	s1 =	rddreg [dreg:$0x1];
	p0 =	sne.s32 s2, $0x0  }
0x259: {  	s3 =	rddreg [dreg:$0x2];
	[bflag:$0x3] =	sbarrier.arrive $0xFFFF;
	s2 =	simm.s32 @!p0 $0x1C09  }
0x25a: {  	[timem:s3], [sflag:s2] =	dma.local @!p0 [hbm:s0], s1  }
0x25b: {  	s0 =	simm.s32 @!p0 $0x9  }
0x25c: {  	_ =	swait.ge @!p0 [sflag:s0], s1  }
0x25d: {  	s1 =	ssub.s32 @!p0 $0x0, s1;
	[sflag:s0] =	ssyncset.done @!p0 $0x0  }
0x25e: {  	[sflag:s0] =	ssyncadd.s32 @!p0 s1  }
0x25f: {  	[bflag:$0x3] =	sbarrier.arrive $0xFFFF  }
0x260: {  	_ =	shalt  }

</sc_bundles>
